<compile_context>
chip_gen: v7x
topology: tpu7x:2x2x1
jax: 0.10.2.dev20260603
libtpu: 0.0.44.dev20260713+nightly
codegen_flags: <defaults>
</compile_context>

<pallas_src>
import functools

import jax
import jax.numpy as jnp
from jax import lax
from jax.experimental import pallas as pl
from jax.experimental.pallas import tpu as pltpu
from jax.experimental.pallas import tpu_sc as plsc

N = 2048
ROWS = 256
NC, NS, L = 2, 16, 16
NW = NC * NS
RPW = ROWS // NW
EPS = 1e-8
DT = 1e-3
GROUPS = N // L
BS_STEPS = 12


def _prep_body(x_ref, y_ref, xt_ref, yt_ref):
    m = jnp.minimum(jnp.min(x_ref[...]), jnp.min(y_ref[...]))
    xt_ref[...] = jnp.transpose(x_ref[...], (0, 2, 1)) - m + EPS
    yt_ref[...] = jnp.transpose(y_ref[...], (0, 2, 1)) - m + EPS


_DNUMS = lax.GatherDimensionNumbers(
    offset_dims=(), collapsed_slice_dims=(0,), start_index_map=(0,)
)


def _vgather(v, idx):
    return lax.gather(
        v, idx[:, None], _DNUMS, slice_sizes=(1,),
        mode=lax.GatherScatterMode.PROMISE_IN_BOUNDS,
    )


def _bcast_last(v):
    return _vgather(v, jnp.full((L,), L - 1, jnp.int32))


def _cumsum_inplace(ref):
    def chunk2(i, carry):
        c0 = ref[pl.ds((2 * i) * L, L)]
        c1 = ref[pl.ds((2 * i + 1) * L, L)]
        s0 = plsc.cumsum(c0)
        s1 = plsc.cumsum(c1)
        cs0 = s0 + carry
        cs1 = s1 + _bcast_last(cs0)
        ref[pl.ds((2 * i) * L, L)] = cs0
        ref[pl.ds((2 * i + 1) * L, L)] = cs1
        return _bcast_last(cs1)
    return lax.fori_loop(0, GROUPS // 2, chunk2, jnp.zeros((L,), jnp.float32))


_SHIFT_IDX = None


def _direction(q_ref, t_ref, r_qt, r_tq, right):
    lanes = lax.iota(jnp.int32, L)
    shift_idx = jnp.maximum(lanes - 1, 0)

    def one_group(g, carry_q):
        q = q_ref[pl.ds(g * L, L)]
        qs = q * r_qt
        lo = jnp.zeros((L,), jnp.int32)
        hi = jnp.full((L,), N, jnp.int32)

        def step(_, lohi):
            lo, hi = lohi
            mid = lax.shift_right_logical(lo + hi, 1)
            tv = plsc.load_gather(t_ref, [mid])
            pred = (tv <= qs) if right else (tv < qs)
            return jnp.where(pred, mid + 1, lo), jnp.where(pred, hi, mid)

        c, _ = lax.fori_loop(0, BS_STEPS, step, (lo, hi))
        tprev = plsc.load_gather(t_ref, [jnp.maximum(c - 1, 0)])
        tprev = jnp.where(c > 0, tprev * r_tq, 0.0)
        qprev = _vgather(q, shift_idx)
        qprev = jnp.where(lanes == 0, carry_q, qprev)
        ivec = g * L + lanes
        delta = q - jnp.maximum(qprev, tprev)
        di = (ivec - jnp.minimum(c, N - 1)).astype(jnp.float32)
        return delta * di * di, _bcast_last(q)

    def group2(i, state):
        acc0, acc1, carry_q = state
        w0, carry_q = one_group(2 * i, carry_q)
        w1, carry_q = one_group(2 * i + 1, carry_q)
        return acc0 + w0, acc1 + w1, carry_q

    z = jnp.zeros((L,), jnp.float32)
    acc0, acc1, _ = lax.fori_loop(0, GROUPS // 2, group2, (z, z, z))
    return acc0 + acc1


def _sc_body(xt_hbm, yt_hbm, out_hbm, a0_v, b0_v, a1_v, b1_v, w_v, sem0, sem1):
    wid = lax.axis_index("s") * NC + lax.axis_index("c")
    lanes = lax.iota(jnp.int32, L)
    base = wid * RPW

    def start(r, a_v, b_v, sem):
        pltpu.async_copy(
            xt_hbm.at[pl.ds((base + r) * N, N)], a_v.at[pl.ds(0, N)], sem)
        pltpu.async_copy(
            yt_hbm.at[pl.ds((base + r) * N, N)], b_v.at[pl.ds(0, N)], sem)

    def wait(r, a_v, b_v, sem):
        pltpu.make_async_copy(
            xt_hbm.at[pl.ds((base + r) * N, N)], a_v.at[pl.ds(0, N)], sem
        ).wait()
        pltpu.make_async_copy(
            yt_hbm.at[pl.ds((base + r) * N, N)], b_v.at[pl.ds(0, N)], sem
        ).wait()

    def compute(r, a_v, b_v, wvec):
        ta_v = _cumsum_inplace(a_v)
        tb_v = _cumsum_inplace(b_v)
        inf = jnp.full((L,), jnp.inf, jnp.float32)
        a_v[pl.ds(N, L)] = inf
        b_v[pl.ds(N, L)] = inf
        r_ab = tb_v / ta_v
        r_ba = ta_v / tb_v
        acc = (_direction(a_v, b_v, r_ab, r_ba, right=False) / ta_v
               + _direction(b_v, a_v, r_ba, r_ab, right=True) / tb_v)
        w = jnp.sum(acc) * (DT * DT)
        return jnp.where(lanes == r, w, wvec)

    start(0, a0_v, b0_v, sem0)

    def row_pair(i, wvec):
        r0 = 2 * i
        r1 = 2 * i + 1
        start(r1, a1_v, b1_v, sem1)
        wait(r0, a0_v, b0_v, sem0)
        wvec = compute(r0, a0_v, b0_v, wvec)

        @pl.when(i < RPW // 2 - 1)
        def _():
            start(r0 + 2, a0_v, b0_v, sem0)

        wait(r1, a1_v, b1_v, sem1)
        return compute(r1, a1_v, b1_v, wvec)

    wvec = lax.fori_loop(0, RPW // 2, row_pair, jnp.zeros((L,), jnp.float32))
    w_v[...] = wvec
    pltpu.sync_copy(w_v, out_hbm.at[wid])


def _sum_body(p_ref, o_ref):
    o_ref[...] = jnp.full((1, 1), jnp.sum(p_ref[...]), jnp.float32)


@jax.jit
def kernel(x, y):
    nb, nt, nr, nc = x.shape
    x2 = x.reshape(nb, nt, nr * nc)
    y2 = y.reshape(nb, nt, nr * nc)

    xt, yt = pl.pallas_call(
        _prep_body,
        out_shape=[
            jax.ShapeDtypeStruct((nb, nr * nc, nt), jnp.float32),
            jax.ShapeDtypeStruct((nb, nr * nc, nt), jnp.float32),
        ],
    )(x2, y2)

    mesh = plsc.VectorSubcoreMesh(
        core_axis_name="c", subcore_axis_name="s", num_cores=NC, num_subcores=NS
    )
    partials = pl.kernel(
        _sc_body,
        out_type=jax.ShapeDtypeStruct((NW, L), jnp.float32),
        mesh=mesh,
        compiler_params=pltpu.CompilerParams(needs_layout_passes=False),
        scratch_types=[
            pltpu.VMEM((N + L,), jnp.float32),
            pltpu.VMEM((N + L,), jnp.float32),
            pltpu.VMEM((N + L,), jnp.float32),
            pltpu.VMEM((N + L,), jnp.float32),
            pltpu.VMEM((L,), jnp.float32),
            pltpu.SemaphoreType.DMA,
            pltpu.SemaphoreType.DMA,
        ],
    )(xt.reshape(ROWS * N), yt.reshape(ROWS * N))

    loss = pl.pallas_call(
        _sum_body,
        out_shape=jax.ShapeDtypeStruct((1, 1), jnp.float32),
    )(partials.reshape(4, 128))
    return loss[0, 0]

# --- scband reference (transcript-rebuilt; emitter-appended) ---
"""Pipeline reference for scband-wasserstein1d-40303973105804 (READ-ONLY COPY).

The authoritative reference and input builder live on the scoring server;
editing this copy changes nothing except your own understanding.
"""

import jax, jax.numpy as jnp
import numpy as np


def _wasserstein_1d_p2(t, u_w, v_w):
    # Faithful translation of Wasserstein1d.wasserstein_1d with p=2.
    n = t.shape[0]
    u_cw = jnp.cumsum(u_w, axis=0)
    v_cw = jnp.cumsum(v_w, axis=0)
    qs = jnp.sort(jnp.concatenate([u_cw, v_cw], axis=0), axis=0)
    # quantile_function: searchsorted(cws, qs, side='left'), gather t at clipped idx
    u_idx = jnp.clip(jnp.searchsorted(u_cw, qs, side='left'), 0, n - 1)
    v_idx = jnp.clip(jnp.searchsorted(v_cw, qs, side='left'), 0, n - 1)
    u_q = jnp.take(t, u_idx, axis=0)
    v_q = jnp.take(t, v_idx, axis=0)
    # zero_pad qs with one zero in front
    qs_pad = jnp.concatenate([jnp.zeros((1,), dtype=qs.dtype), qs], axis=0)
    delta = qs_pad[1:] - qs_pad[:-1]
    dq = jnp.abs(u_q - v_q)
    return jnp.sum(delta * dq * dq, axis=0)


def setup_inputs(seed: int = 0) -> dict:
    key = jax.random.key(seed)
    k1, k2 = jax.random.split(key)
    x = jax.random.normal(k1, (4, 2048, 64, 1), dtype=jnp.float32)
    y = jax.random.normal(k2, (4, 2048, 64, 1), dtype=jnp.float32)
    return {"x": x, "y": y}


def reference(x, y):
    nb, nt, nr, nc = x.shape
    eps = 1e-8
    # both_nonnegative(x, y, type='linear'): shift both by the joint minimum
    min_value = jnp.minimum(jnp.min(x), jnp.min(y))
    x = x - min_value + eps
    y = y - min_value + eps
    # norm(., dim=1, ntype='sumis1'): normalize so each trace sums to 1 along time
    x = x / jnp.sum(x, axis=1, keepdims=True)
    y = y / jnp.sum(y, axis=1, keepdims=True)
    dt = 0.001
    t = jnp.linspace(0.0, nt - 1, nt, dtype=x.dtype) * dt
    # per-batch: permute (nt, nr, nc) -> (nr, nc, nt) then flatten to (nr*nc, nt)
    xr = jnp.transpose(x, (0, 2, 3, 1)).reshape(-1, nt)
    yr = jnp.transpose(y, (0, 2, 3, 1)).reshape(-1, nt)
    per_row = jax.vmap(lambda u, v: _wasserstein_1d_p2(t, u, v))(xr, yr)
    mask = jnp.logical_and(jnp.sum(xr, axis=1) != 0, jnp.sum(yr, axis=1) != 0)
    loss = jnp.sum(jnp.where(mask, per_row, jnp.zeros_like(per_row)))
    return loss

if __name__ == "__main__":
    import jax
    _d = setup_inputs()
    print(jax.jit(kernel)(*tuple(_d.values())))

</pallas_src>

<mosaic_0001>
#map = affine_map<(d0, d1) -> (0)>
#map1 = affine_map<(d0, d1) -> (0, 0)>
module attributes {stable_mosaic.version = 14 : i64} {
  func.func @_sc_body(%arg0: i32, %arg1: i32, %arg2: memref<524288xf32, #tpu.memory_space<hbm>>, %arg3: memref<524288xf32, #tpu.memory_space<hbm>>, %arg4: memref<32x16xf32, #tpu.memory_space<hbm>>, %arg5: memref<2064xf32, #tpu.memory_space<vmem>>, %arg6: memref<2064xf32, #tpu.memory_space<vmem>>, %arg7: memref<2064xf32, #tpu.memory_space<vmem>>, %arg8: memref<2064xf32, #tpu.memory_space<vmem>>, %arg9: memref<16xf32, #tpu.memory_space<vmem>>, %arg10: memref<!tpu.dma_semaphore, #tpu.memory_space<semaphore_mem>>, %arg11: memref<!tpu.dma_semaphore, #tpu.memory_space<semaphore_mem>>) attributes {dimension_semantics = [#tpu.dimension_semantics<core_parallel>, #tpu.dimension_semantics<subcore_parallel>], iteration_bounds = array<i64: 2, 16>, scalar_prefetch = 0 : i64, scratch_operands = 7 : i64, tpu.core_type = #tpu.core_type<sc_vector_subcore>, window_params = [{transform_indices = #map}, {transform_indices = #map}, {transform_indices = #map1}]} {
    %mul3A = arith.constant 2 : i32
    %mul3A_0 = arith.muli %arg1, %mul3A : i32
    %add3A = arith.addi %mul3A_0, %arg0 : i32
    %iota3A = tpu.iota {dimensions = array<i32: 0>} : vector<16xi32>
    %mul3A_1 = arith.constant 8 : i32
    %mul3A_2 = arith.muli %add3A, %mul3A_1 : i32
    %add3A_3 = arith.constant 0 : i32
    %add3A_4 = arith.addi %mul3A_2, %add3A_3 : i32
    %mul3A_5 = arith.constant 2048 : i32
    %mul3A_6 = arith.muli %add3A_4, %mul3A_5 : i32
    %dma_start3A = arith.constant 0 : i32
    %dma_start3A_7 = tpu.memref_slice %arg5[%dma_start3A] : memref<2064xf32, #tpu.memory_space<vmem>> -> memref<2048xf32, #tpu.memory_space<vmem>>
    %dma_start3A_8 = tpu.memref_slice %arg2[%mul3A_6] : memref<524288xf32, #tpu.memory_space<hbm>> -> memref<2048xf32, #tpu.memory_space<hbm>>
    %dma_start3A_9 = arith.constant 0 : i32
    %dma_start3A_10 = tpu.memref_slice %arg5[%dma_start3A_9] : memref<2064xf32, #tpu.memory_space<vmem>> -> memref<2048xf32, #tpu.memory_space<vmem>>
    %dma_start3A_11 = tpu.memref_slice %arg2[%mul3A_6] : memref<524288xf32, #tpu.memory_space<hbm>> -> memref<2048xf32, #tpu.memory_space<hbm>>
    tpu.enqueue_dma source(%dma_start3A_11 : memref<2048xf32, #tpu.memory_space<hbm>>) target(%dma_start3A_10 : memref<2048xf32, #tpu.memory_space<vmem>>) target_semaphore(%arg10 : memref<!tpu.dma_semaphore, #tpu.memory_space<semaphore_mem>>)
    %add3A_12 = arith.constant 0 : i32
    %add3A_13 = arith.addi %mul3A_2, %add3A_12 : i32
    %mul3A_14 = arith.constant 2048 : i32
    %mul3A_15 = arith.muli %add3A_13, %mul3A_14 : i32
    %dma_start3A_16 = arith.constant 0 : i32
    %dma_start3A_17 = tpu.memref_slice %arg6[%dma_start3A_16] : memref<2064xf32, #tpu.memory_space<vmem>> -> memref<2048xf32, #tpu.memory_space<vmem>>
    %dma_start3A_18 = tpu.memref_slice %arg3[%mul3A_15] : memref<524288xf32, #tpu.memory_space<hbm>> -> memref<2048xf32, #tpu.memory_space<hbm>>
    %dma_start3A_19 = arith.constant 0 : i32
    %dma_start3A_20 = tpu.memref_slice %arg6[%dma_start3A_19] : memref<2064xf32, #tpu.memory_space<vmem>> -> memref<2048xf32, #tpu.memory_space<vmem>>
    %dma_start3A_21 = tpu.memref_slice %arg3[%mul3A_15] : memref<524288xf32, #tpu.memory_space<hbm>> -> memref<2048xf32, #tpu.memory_space<hbm>>
    tpu.enqueue_dma source(%dma_start3A_21 : memref<2048xf32, #tpu.memory_space<hbm>>) target(%dma_start3A_20 : memref<2048xf32, #tpu.memory_space<vmem>>) target_semaphore(%arg10 : memref<!tpu.dma_semaphore, #tpu.memory_space<semaphore_mem>>)
    %broadcast_in_dim3A = arith.constant 0.000000e+00 : f32
    %broadcast_in_dim3A_22 = vector.broadcast %broadcast_in_dim3A : f32 to vector<16xf32>
    %scan3A = arith.constant 0 : i32
    %scan3A_23 = arith.constant 4 : i32
    %scan3A_24 = arith.addi %scan3A, %scan3A_23 : i32
    %scan3A_25 = arith.constant 1 : i32
    %scan3A_26 = scf.for %scan3A_29 = %scan3A to %scan3A_24 step %scan3A_25 iter_args(%scan3A_30 = %broadcast_in_dim3A_22) -> (vector<16xf32>)  : i32 {
      %mul3A_31 = arith.constant 2 : i32
      %mul3A_32 = arith.muli %mul3A_31, %scan3A_29 : i32
      %mul3A_33 = arith.constant 2 : i32
      %mul3A_34 = arith.muli %mul3A_33, %scan3A_29 : i32
      %add3A_35 = arith.constant 1 : i32
      %add3A_36 = arith.addi %mul3A_34, %add3A_35 : i32
      %add3A_37 = arith.addi %mul3A_2, %add3A_36 : i32
      %mul3A_38 = arith.constant 2048 : i32
      %mul3A_39 = arith.muli %add3A_37, %mul3A_38 : i32
      %dma_start3A_40 = arith.constant 0 : i32
      %dma_start3A_41 = tpu.memref_slice %arg7[%dma_start3A_40] : memref<2064xf32, #tpu.memory_space<vmem>> -> memref<2048xf32, #tpu.memory_space<vmem>>
      %dma_start3A_42 = tpu.memref_slice %arg2[%mul3A_39] : memref<524288xf32, #tpu.memory_space<hbm>> -> memref<2048xf32, #tpu.memory_space<hbm>>
      %dma_start3A_43 = arith.constant 0 : i32
      %dma_start3A_44 = tpu.memref_slice %arg7[%dma_start3A_43] : memref<2064xf32, #tpu.memory_space<vmem>> -> memref<2048xf32, #tpu.memory_space<vmem>>
      %dma_start3A_45 = tpu.memref_slice %arg2[%mul3A_39] : memref<524288xf32, #tpu.memory_space<hbm>> -> memref<2048xf32, #tpu.memory_space<hbm>>
      tpu.enqueue_dma source(%dma_start3A_45 : memref<2048xf32, #tpu.memory_space<hbm>>) target(%dma_start3A_44 : memref<2048xf32, #tpu.memory_space<vmem>>) target_semaphore(%arg11 : memref<!tpu.dma_semaphore, #tpu.memory_space<semaphore_mem>>)
      %add3A_46 = arith.addi %mul3A_2, %add3A_36 : i32
      %mul3A_47 = arith.constant 2048 : i32
      %mul3A_48 = arith.muli %add3A_46, %mul3A_47 : i32
      %dma_start3A_49 = arith.constant 0 : i32
      %dma_start3A_50 = tpu.memref_slice %arg8[%dma_start3A_49] : memref<2064xf32, #tpu.memory_space<vmem>> -> memref<2048xf32, #tpu.memory_space<vmem>>
      %dma_start3A_51 = tpu.memref_slice %arg3[%mul3A_48] : memref<524288xf32, #tpu.memory_space<hbm>> -> memref<2048xf32, #tpu.memory_space<hbm>>
      %dma_start3A_52 = arith.constant 0 : i32
      %dma_start3A_53 = tpu.memref_slice %arg8[%dma_start3A_52] : memref<2064xf32, #tpu.memory_space<vmem>> -> memref<2048xf32, #tpu.memory_space<vmem>>
      %dma_start3A_54 = tpu.memref_slice %arg3[%mul3A_48] : memref<524288xf32, #tpu.memory_space<hbm>> -> memref<2048xf32, #tpu.memory_space<hbm>>
      tpu.enqueue_dma source(%dma_start3A_54 : memref<2048xf32, #tpu.memory_space<hbm>>) target(%dma_start3A_53 : memref<2048xf32, #tpu.memory_space<vmem>>) target_semaphore(%arg11 : memref<!tpu.dma_semaphore, #tpu.memory_space<semaphore_mem>>)
      %add3A_55 = arith.addi %mul3A_2, %mul3A_32 : i32
      %mul3A_56 = arith.constant 2048 : i32
      %mul3A_57 = arith.muli %add3A_55, %mul3A_56 : i32
      %dma_wait3A = arith.constant 0 : i32
      %dma_wait3A_58 = tpu.memref_slice %arg5[%dma_wait3A] : memref<2064xf32, #tpu.memory_space<vmem>> -> memref<2048xf32, #tpu.memory_space<vmem>>
      %dma_wait3A_59 = tpu.memref_slice %arg2[%mul3A_57] : memref<524288xf32, #tpu.memory_space<hbm>> -> memref<2048xf32, #tpu.memory_space<hbm>>
      %dma_wait3A_60 = arith.constant 0 : i32
      %dma_wait3A_61 = tpu.memref_slice %arg5[%dma_wait3A_60] : memref<2064xf32, #tpu.memory_space<vmem>> -> memref<2048xf32, #tpu.memory_space<vmem>>
      %dma_wait3A_62 = tpu.memref_slice %arg2[%mul3A_57] : memref<524288xf32, #tpu.memory_space<hbm>> -> memref<2048xf32, #tpu.memory_space<hbm>>
      tpu.wait_dma2 semaphore(%arg10 : memref<!tpu.dma_semaphore, #tpu.memory_space<semaphore_mem>>) src(%dma_wait3A_62 : memref<2048xf32, #tpu.memory_space<hbm>>) dst(%dma_wait3A_61 : memref<2048xf32, #tpu.memory_space<vmem>>)
      %add3A_63 = arith.addi %mul3A_2, %mul3A_32 : i32
      %mul3A_64 = arith.constant 2048 : i32
      %mul3A_65 = arith.muli %add3A_63, %mul3A_64 : i32
      %dma_wait3A_66 = arith.constant 0 : i32
      %dma_wait3A_67 = tpu.memref_slice %arg6[%dma_wait3A_66] : memref<2064xf32, #tpu.memory_space<vmem>> -> memref<2048xf32, #tpu.memory_space<vmem>>
      %dma_wait3A_68 = tpu.memref_slice %arg3[%mul3A_65] : memref<524288xf32, #tpu.memory_space<hbm>> -> memref<2048xf32, #tpu.memory_space<hbm>>
      %dma_wait3A_69 = arith.constant 0 : i32
      %dma_wait3A_70 = tpu.memref_slice %arg6[%dma_wait3A_69] : memref<2064xf32, #tpu.memory_space<vmem>> -> memref<2048xf32, #tpu.memory_space<vmem>>
      %dma_wait3A_71 = tpu.memref_slice %arg3[%mul3A_65] : memref<524288xf32, #tpu.memory_space<hbm>> -> memref<2048xf32, #tpu.memory_space<hbm>>
      tpu.wait_dma2 semaphore(%arg10 : memref<!tpu.dma_semaphore, #tpu.memory_space<semaphore_mem>>) src(%dma_wait3A_71 : memref<2048xf32, #tpu.memory_space<hbm>>) dst(%dma_wait3A_70 : memref<2048xf32, #tpu.memory_space<vmem>>)
      %broadcast_in_dim3A_72 = arith.constant 0.000000e+00 : f32
      %broadcast_in_dim3A_73 = vector.broadcast %broadcast_in_dim3A_72 : f32 to vector<16xf32>
      %scan3A_74 = arith.constant 0 : i32
      %scan3A_75 = arith.constant 64 : i32
      %scan3A_76 = arith.addi %scan3A_74, %scan3A_75 : i32
      %scan3A_77 = arith.constant 1 : i32
      %scan3A_78 = scf.for %scan3A_224 = %scan3A_74 to %scan3A_76 step %scan3A_77 iter_args(%scan3A_225 = %broadcast_in_dim3A_73) -> (vector<16xf32>)  : i32 {
        %mul3A_226 = arith.constant 2 : i32
        %mul3A_227 = arith.muli %mul3A_226, %scan3A_224 : i32
        %mul3A_228 = arith.constant 16 : i32
        %mul3A_229 = arith.muli %mul3A_227, %mul3A_228 : i32
        %get3A = arith.index_cast %mul3A_229 : i32 to index
        %get3A_230 = tpu.vector_load %arg5[%get3A] {strides = array<i32>} : memref<2064xf32, #tpu.memory_space<vmem>>, vector<16xf32>,
        %mul3A_231 = arith.constant 2 : i32
        %mul3A_232 = arith.muli %mul3A_231, %scan3A_224 : i32
        %add3A_233 = arith.constant 1 : i32
        %add3A_234 = arith.addi %mul3A_232, %add3A_233 : i32
        %mul3A_235 = arith.constant 16 : i32
        %mul3A_236 = arith.muli %add3A_234, %mul3A_235 : i32
        %get3A_237 = arith.index_cast %mul3A_236 : i32 to index
        %get3A_238 = tpu.vector_load %arg5[%get3A_237] {strides = array<i32>} : memref<2064xf32, #tpu.memory_space<vmem>>, vector<16xf32>,
        %broadcast_in_dim3A_239 = arith.constant true
        %broadcast_in_dim3A_240 = vector.broadcast %broadcast_in_dim3A_239 : i1 to vector<16xi1>
        %masked_cumsum3A = tpu.scan <sum>, %get3A_230 masked %broadcast_in_dim3A_240 : vector<16xf32>, vector<16xi1> -> vector<16xf32>
        %broadcast_in_dim3A_241 = arith.constant true
        %broadcast_in_dim3A_242 = vector.broadcast %broadcast_in_dim3A_241 : i1 to vector<16xi1>
        %masked_cumsum3A_243 = tpu.scan <sum>, %get3A_238 masked %broadcast_in_dim3A_242 : vector<16xf32>, vector<16xi1> -> vector<16xf32>
        %add3A_244 = arith.addf %masked_cumsum3A, %scan3A_225 : vector<16xf32>
        %broadcast_in_dim3A_245 = arith.constant 15 : i32
        %broadcast_in_dim3A_246 = vector.broadcast %broadcast_in_dim3A_245 : i32 to vector<16xi32>
        %broadcast_in_dim3A_247 = vector.shape_cast %broadcast_in_dim3A_246 : vector<16xi32> to vector<16x1xi32>
        %gather3A = vector.shape_cast %broadcast_in_dim3A_247 : vector<16x1xi32> to vector<16xi32>
        %gather3A_248 = tpu.dynamic_gather %add3A_244[%gather3A] in [0] : vector<16xf32>, vector<16xi32> -> vector<16xf32>
        %add3A_249 = arith.addf %masked_cumsum3A_243, %gather3A_248 : vector<16xf32>
        %mul3A_250 = arith.constant 2 : i32
        %mul3A_251 = arith.muli %mul3A_250, %scan3A_224 : i32
        %mul3A_252 = arith.constant 16 : i32
        %mul3A_253 = arith.muli %mul3A_251, %mul3A_252 : i32
        %swap3A_254 = arith.index_cast %mul3A_253 : i32 to index
        %swap3A_255 = tpu.vector_load %arg5[%swap3A_254] {strides = array<i32>} : memref<2064xf32, #tpu.memory_space<vmem>>, vector<16xf32>,
        tpu.vector_store %arg5[%swap3A_254], %add3A_244 {strides = array<i32>} : memref<2064xf32, #tpu.memory_space<vmem>>, vector<16xf32>,
        %mul3A_256 = arith.constant 2 : i32
        %mul3A_257 = arith.muli %mul3A_256, %scan3A_224 : i32
        %add3A_258 = arith.constant 1 : i32
        %add3A_259 = arith.addi %mul3A_257, %add3A_258 : i32
        %mul3A_260 = arith.constant 16 : i32
        %mul3A_261 = arith.muli %add3A_259, %mul3A_260 : i32
        %swap3A_262 = arith.index_cast %mul3A_261 : i32 to index
        %swap3A_263 = tpu.vector_load %arg5[%swap3A_262] {strides = array<i32>} : memref<2064xf32, #tpu.memory_space<vmem>>, vector<16xf32>,
        tpu.vector_store %arg5[%swap3A_262], %add3A_249 {strides = array<i32>} : memref<2064xf32, #tpu.memory_space<vmem>>, vector<16xf32>,
        %broadcast_in_dim3A_264 = arith.constant 15 : i32
        %broadcast_in_dim3A_265 = vector.broadcast %broadcast_in_dim3A_264 : i32 to vector<16xi32>
        %broadcast_in_dim3A_266 = vector.shape_cast %broadcast_in_dim3A_265 : vector<16xi32> to vector<16x1xi32>
        %gather3A_267 = vector.shape_cast %broadcast_in_dim3A_266 : vector<16x1xi32> to vector<16xi32>
        %gather3A_268 = tpu.dynamic_gather %add3A_249[%gather3A_267] in [0] : vector<16xf32>, vector<16xi32> -> vector<16xf32>
        scf.yield %gather3A_268 : vector<16xf32>
      }
      %scan3A_79 = arith.constant 64 : i32
      %broadcast_in_dim3A_80 = arith.constant 0.000000e+00 : f32
      %broadcast_in_dim3A_81 = vector.broadcast %broadcast_in_dim3A_80 : f32 to vector<16xf32>
      %scan3A_82 = arith.constant 0 : i32
      %scan3A_83 = arith.constant 64 : i32
      %scan3A_84 = arith.addi %scan3A_82, %scan3A_83 : i32
      %scan3A_85 = arith.constant 1 : i32
      %scan3A_86 = scf.for %scan3A_224 = %scan3A_82 to %scan3A_84 step %scan3A_85 iter_args(%scan3A_225 = %broadcast_in_dim3A_81) -> (vector<16xf32>)  : i32 {
        %mul3A_226 = arith.constant 2 : i32
        %mul3A_227 = arith.muli %mul3A_226, %scan3A_224 : i32
        %mul3A_228 = arith.constant 16 : i32
        %mul3A_229 = arith.muli %mul3A_227, %mul3A_228 : i32
        %get3A = arith.index_cast %mul3A_229 : i32 to index
        %get3A_230 = tpu.vector_load %arg6[%get3A] {strides = array<i32>} : memref<2064xf32, #tpu.memory_space<vmem>>, vector<16xf32>,
        %mul3A_231 = arith.constant 2 : i32
        %mul3A_232 = arith.muli %mul3A_231, %scan3A_224 : i32
        %add3A_233 = arith.constant 1 : i32
        %add3A_234 = arith.addi %mul3A_232, %add3A_233 : i32
        %mul3A_235 = arith.constant 16 : i32
        %mul3A_236 = arith.muli %add3A_234, %mul3A_235 : i32
        %get3A_237 = arith.index_cast %mul3A_236 : i32 to index
        %get3A_238 = tpu.vector_load %arg6[%get3A_237] {strides = array<i32>} : memref<2064xf32, #tpu.memory_space<vmem>>, vector<16xf32>,
        %broadcast_in_dim3A_239 = arith.constant true
        %broadcast_in_dim3A_240 = vector.broadcast %broadcast_in_dim3A_239 : i1 to vector<16xi1>
        %masked_cumsum3A = tpu.scan <sum>, %get3A_230 masked %broadcast_in_dim3A_240 : vector<16xf32>, vector<16xi1> -> vector<16xf32>
        %broadcast_in_dim3A_241 = arith.constant true
        %broadcast_in_dim3A_242 = vector.broadcast %broadcast_in_dim3A_241 : i1 to vector<16xi1>
        %masked_cumsum3A_243 = tpu.scan <sum>, %get3A_238 masked %broadcast_in_dim3A_242 : vector<16xf32>, vector<16xi1> -> vector<16xf32>
        %add3A_244 = arith.addf %masked_cumsum3A, %scan3A_225 : vector<16xf32>
        %broadcast_in_dim3A_245 = arith.constant 15 : i32
        %broadcast_in_dim3A_246 = vector.broadcast %broadcast_in_dim3A_245 : i32 to vector<16xi32>
        %broadcast_in_dim3A_247 = vector.shape_cast %broadcast_in_dim3A_246 : vector<16xi32> to vector<16x1xi32>
        %gather3A = vector.shape_cast %broadcast_in_dim3A_247 : vector<16x1xi32> to vector<16xi32>
        %gather3A_248 = tpu.dynamic_gather %add3A_244[%gather3A] in [0] : vector<16xf32>, vector<16xi32> -> vector<16xf32>
        %add3A_249 = arith.addf %masked_cumsum3A_243, %gather3A_248 : vector<16xf32>
        %mul3A_250 = arith.constant 2 : i32
        %mul3A_251 = arith.muli %mul3A_250, %scan3A_224 : i32
        %mul3A_252 = arith.constant 16 : i32
        %mul3A_253 = arith.muli %mul3A_251, %mul3A_252 : i32
        %swap3A_254 = arith.index_cast %mul3A_253 : i32 to index
        %swap3A_255 = tpu.vector_load %arg6[%swap3A_254] {strides = array<i32>} : memref<2064xf32, #tpu.memory_space<vmem>>, vector<16xf32>,
        tpu.vector_store %arg6[%swap3A_254], %add3A_244 {strides = array<i32>} : memref<2064xf32, #tpu.memory_space<vmem>>, vector<16xf32>,
        %mul3A_256 = arith.constant 2 : i32
        %mul3A_257 = arith.muli %mul3A_256, %scan3A_224 : i32
        %add3A_258 = arith.constant 1 : i32
        %add3A_259 = arith.addi %mul3A_257, %add3A_258 : i32
        %mul3A_260 = arith.constant 16 : i32
        %mul3A_261 = arith.muli %add3A_259, %mul3A_260 : i32
        %swap3A_262 = arith.index_cast %mul3A_261 : i32 to index
        %swap3A_263 = tpu.vector_load %arg6[%swap3A_262] {strides = array<i32>} : memref<2064xf32, #tpu.memory_space<vmem>>, vector<16xf32>,
        tpu.vector_store %arg6[%swap3A_262], %add3A_249 {strides = array<i32>} : memref<2064xf32, #tpu.memory_space<vmem>>, vector<16xf32>,
        %broadcast_in_dim3A_264 = arith.constant 15 : i32
        %broadcast_in_dim3A_265 = vector.broadcast %broadcast_in_dim3A_264 : i32 to vector<16xi32>
        %broadcast_in_dim3A_266 = vector.shape_cast %broadcast_in_dim3A_265 : vector<16xi32> to vector<16x1xi32>
        %gather3A_267 = vector.shape_cast %broadcast_in_dim3A_266 : vector<16x1xi32> to vector<16xi32>
        %gather3A_268 = tpu.dynamic_gather %add3A_249[%gather3A_267] in [0] : vector<16xf32>, vector<16xi32> -> vector<16xf32>
        scf.yield %gather3A_268 : vector<16xf32>
      }
      %scan3A_87 = arith.constant 64 : i32
      %broadcast_in_dim3A_88 = arith.constant 0x7F800000 : f32
      %broadcast_in_dim3A_89 = vector.broadcast %broadcast_in_dim3A_88 : f32 to vector<16xf32>
      %swap3A_90 = arith.constant 2048 : index
      %swap3A_91 = tpu.vector_load %arg5[%swap3A_90] {strides = array<i32>} : memref<2064xf32, #tpu.memory_space<vmem>>, vector<16xf32>,
      tpu.vector_store %arg5[%swap3A_90], %broadcast_in_dim3A_89 {strides = array<i32>} : memref<2064xf32, #tpu.memory_space<vmem>>, vector<16xf32>,
      %swap3A_92 = arith.constant 2048 : index
      %swap3A_93 = tpu.vector_load %arg6[%swap3A_92] {strides = array<i32>} : memref<2064xf32, #tpu.memory_space<vmem>>, vector<16xf32>,
      tpu.vector_store %arg6[%swap3A_92], %broadcast_in_dim3A_89 {strides = array<i32>} : memref<2064xf32, #tpu.memory_space<vmem>>, vector<16xf32>,
      %div3A = arith.divf %scan3A_86, %scan3A_78 : vector<16xf32>
      %div3A_94 = arith.divf %scan3A_78, %scan3A_86 : vector<16xf32>
      %iota3A_95 = tpu.iota {dimensions = array<i32: 0>} : vector<16xi32>
      %sub3A = arith.constant 1 : i32
      %sub3A_96 = vector.broadcast %sub3A : i32 to vector<16xi32>
      %sub3A_97 = arith.subi %iota3A_95, %sub3A_96 : vector<16xi32>
      %max3A = arith.constant 0 : i32
      %max3A_98 = vector.broadcast %max3A : i32 to vector<16xi32>
      %max3A_99 = arith.maxsi %sub3A_97, %max3A_98 : vector<16xi32>
      %broadcast_in_dim3A_100 = arith.constant 0.000000e+00 : f32
      %broadcast_in_dim3A_101 = vector.broadcast %broadcast_in_dim3A_100 : f32 to vector<16xf32>
      %scan3A_102 = arith.constant 0 : i32
      %scan3A_103 = arith.constant 64 : i32
      %scan3A_104 = arith.addi %scan3A_102, %scan3A_103 : i32
      %scan3A_105 = arith.constant 1 : i32
      %scan3A_106:3 = scf.for %scan3A_224 = %scan3A_102 to %scan3A_104 step %scan3A_105 iter_args(%scan3A_225 = %broadcast_in_dim3A_101, %scan3A_226 = %broadcast_in_dim3A_101, %scan3A_227 = %broadcast_in_dim3A_101) -> (vector<16xf32>, vector<16xf32>, vector<16xf32>)  : i32 {
        %mul3A_228 = arith.constant 2 : i32
        %mul3A_229 = arith.muli %mul3A_228, %scan3A_224 : i32
        %mul3A_230 = arith.constant 16 : i32
        %mul3A_231 = arith.muli %mul3A_229, %mul3A_230 : i32
        %get3A = arith.index_cast %mul3A_231 : i32 to index
        %get3A_232 = tpu.vector_load %arg5[%get3A] {strides = array<i32>} : memref<2064xf32, #tpu.memory_space<vmem>>, vector<16xf32>,
        %mul3A_233 = arith.mulf %get3A_232, %div3A : vector<16xf32>
        %broadcast_in_dim3A_234 = arith.constant 0 : i32
        %broadcast_in_dim3A_235 = vector.broadcast %broadcast_in_dim3A_234 : i32 to vector<16xi32>
        %broadcast_in_dim3A_236 = arith.constant 2048 : i32
        %broadcast_in_dim3A_237 = vector.broadcast %broadcast_in_dim3A_236 : i32 to vector<16xi32>
        %scan3A_238 = arith.constant 0 : i32
        %scan3A_239 = arith.constant 12 : i32
        %scan3A_240 = arith.addi %scan3A_238, %scan3A_239 : i32
        %scan3A_241 = arith.constant 1 : i32
        %scan3A_242:2 = scf.for %scan3A_339 = %scan3A_238 to %scan3A_240 step %scan3A_241 iter_args(%scan3A_340 = %broadcast_in_dim3A_235, %scan3A_341 = %broadcast_in_dim3A_237) -> (vector<16xi32>, vector<16xi32>)  : i32 {
          %add3A_342 = arith.addi %scan3A_340, %scan3A_341 : vector<16xi32>
          %shift_right_logical3A = arith.constant 1 : i32
          %shift_right_logical3A_343 = vector.broadcast %shift_right_logical3A : i32 to vector<16xi32>
          %shift_right_logical3A_344 = arith.shrui %add3A_342, %shift_right_logical3A_343 : vector<16xi32>
          %gather3A_345 = tpu.vector_load_idx %arg6[%shift_right_logical3A_344] : memref<2064xf32, #tpu.memory_space<vmem>>[vector<16xi32>], vector<16xf32>,
          %lt3A_346 = arith.cmpf olt, %gather3A_345, %mul3A_233 : vector<16xf32>
          %add3A_347 = arith.constant 1 : i32
          %add3A_348 = vector.broadcast %add3A_347 : i32 to vector<16xi32>
          %add3A_349 = arith.addi %shift_right_logical3A_344, %add3A_348 : vector<16xi32>
          %select_n3A_350 = arith.select %lt3A_346, %add3A_349, %scan3A_340 : vector<16xi1>, vector<16xi32>
          %select_n3A_351 = arith.select %lt3A_346, %scan3A_341, %shift_right_logical3A_344 : vector<16xi1>, vector<16xi32>
          scf.yield %select_n3A_350, %select_n3A_351 : vector<16xi32>, vector<16xi32>
        }
        %scan3A_243 = arith.constant 12 : i32
        %sub3A_244 = arith.constant 1 : i32
        %sub3A_245 = vector.broadcast %sub3A_244 : i32 to vector<16xi32>
        %sub3A_246 = arith.subi %scan3A_242#0, %sub3A_245 : vector<16xi32>
        %max3A_247 = arith.constant 0 : i32
        %max3A_248 = vector.broadcast %max3A_247 : i32 to vector<16xi32>
        %max3A_249 = arith.maxsi %sub3A_246, %max3A_248 : vector<16xi32>
        %gather3A = tpu.vector_load_idx %arg6[%max3A_249] : memref<2064xf32, #tpu.memory_space<vmem>>[vector<16xi32>], vector<16xf32>,
        %gt3A = arith.constant 0 : i32
        %gt3A_250 = vector.broadcast %gt3A : i32 to vector<16xi32>
        %gt3A_251 = arith.cmpi sgt, %scan3A_242#0, %gt3A_250 : vector<16xi32>
        %mul3A_252 = arith.mulf %gather3A, %div3A_94 : vector<16xf32>
        %jit3A = arith.constant 0.000000e+00 : f32
        %broadcast_in_dim3A_253 = vector.broadcast %jit3A : f32 to vector<16xf32>
        %select_n3A_254 = arith.select %gt3A_251, %mul3A_252, %broadcast_in_dim3A_253 : vector<16xi1>, vector<16xf32>
        %broadcast_in_dim3A_255 = vector.shape_cast %max3A_99 : vector<16xi32> to vector<16x1xi32>
        %gather3A_256 = vector.shape_cast %broadcast_in_dim3A_255 : vector<16x1xi32> to vector<16xi32>
        %gather3A_257 = tpu.dynamic_gather %get3A_232[%gather3A_256] in [0] : vector<16xf32>, vector<16xi32> -> vector<16xf32>
        %eq3A_258 = arith.constant 0 : i32
        %eq3A_259 = vector.broadcast %eq3A_258 : i32 to vector<16xi32>
        %eq3A_260 = arith.cmpi eq, %iota3A_95, %eq3A_259 : vector<16xi32>
        %select_n3A_261 = arith.select %eq3A_260, %scan3A_227, %gather3A_257 : vector<16xi1>, vector<16xf32>
        %mul3A_262 = arith.constant 16 : i32
        %mul3A_263 = arith.muli %mul3A_229, %mul3A_262 : i32
        %add3A_264 = vector.broadcast %mul3A_263 : i32 to vector<16xi32>
        %add3A_265 = arith.addi %add3A_264, %iota3A_95 : vector<16xi32>
        %max3A_266 = arith.maximumf %select_n3A_261, %select_n3A_254 : vector<16xf32>
        %sub3A_267 = arith.subf %get3A_232, %max3A_266 : vector<16xf32>
        %min3A = arith.constant 2047 : i32
        %min3A_268 = vector.broadcast %min3A : i32 to vector<16xi32>
        %min3A_269 = arith.minsi %scan3A_242#0, %min3A_268 : vector<16xi32>
        %sub3A_270 = arith.subi %add3A_265, %min3A_269 : vector<16xi32>
        %convert_element_type3A_271 = arith.sitofp %sub3A_270 : vector<16xi32> to vector<16xf32>
        %mul3A_272 = arith.mulf %sub3A_267, %convert_element_type3A_271 : vector<16xf32>
        %mul3A_273 = arith.mulf %mul3A_272, %convert_element_type3A_271 : vector<16xf32>
        %broadcast_in_dim3A_274 = arith.constant 15 : i32
        %broadcast_in_dim3A_275 = vector.broadcast %broadcast_in_dim3A_274 : i32 to vector<16xi32>
        %broadcast_in_dim3A_276 = vector.shape_cast %broadcast_in_dim3A_275 : vector<16xi32> to vector<16x1xi32>
        %gather3A_277 = vector.shape_cast %broadcast_in_dim3A_276 : vector<16x1xi32> to vector<16xi32>
        %gather3A_278 = tpu.dynamic_gather %get3A_232[%gather3A_277] in [0] : vector<16xf32>, vector<16xi32> -> vector<16xf32>
        %mul3A_279 = arith.constant 2 : i32
        %mul3A_280 = arith.muli %mul3A_279, %scan3A_224 : i32
        %add3A_281 = arith.constant 1 : i32
        %add3A_282 = arith.addi %mul3A_280, %add3A_281 : i32
        %mul3A_283 = arith.constant 16 : i32
        %mul3A_284 = arith.muli %add3A_282, %mul3A_283 : i32
        %get3A_285 = arith.index_cast %mul3A_284 : i32 to index
        %get3A_286 = tpu.vector_load %arg5[%get3A_285] {strides = array<i32>} : memref<2064xf32, #tpu.memory_space<vmem>>, vector<16xf32>,
        %mul3A_287 = arith.mulf %get3A_286, %div3A : vector<16xf32>
        %broadcast_in_dim3A_288 = arith.constant 0 : i32
        %broadcast_in_dim3A_289 = vector.broadcast %broadcast_in_dim3A_288 : i32 to vector<16xi32>
        %broadcast_in_dim3A_290 = arith.constant 2048 : i32
        %broadcast_in_dim3A_291 = vector.broadcast %broadcast_in_dim3A_290 : i32 to vector<16xi32>
        %scan3A_292 = arith.constant 0 : i32
        %scan3A_293 = arith.constant 12 : i32
        %scan3A_294 = arith.addi %scan3A_292, %scan3A_293 : i32
        %scan3A_295 = arith.constant 1 : i32
        %scan3A_296:2 = scf.for %scan3A_339 = %scan3A_292 to %scan3A_294 step %scan3A_295 iter_args(%scan3A_340 = %broadcast_in_dim3A_289, %scan3A_341 = %broadcast_in_dim3A_291) -> (vector<16xi32>, vector<16xi32>)  : i32 {
          %add3A_342 = arith.addi %scan3A_340, %scan3A_341 : vector<16xi32>
          %shift_right_logical3A = arith.constant 1 : i32
          %shift_right_logical3A_343 = vector.broadcast %shift_right_logical3A : i32 to vector<16xi32>
          %shift_right_logical3A_344 = arith.shrui %add3A_342, %shift_right_logical3A_343 : vector<16xi32>
          %gather3A_345 = tpu.vector_load_idx %arg6[%shift_right_logical3A_344] : memref<2064xf32, #tpu.memory_space<vmem>>[vector<16xi32>], vector<16xf32>,
          %lt3A_346 = arith.cmpf olt, %gather3A_345, %mul3A_287 : vector<16xf32>
          %add3A_347 = arith.constant 1 : i32
          %add3A_348 = vector.broadcast %add3A_347 : i32 to vector<16xi32>
          %add3A_349 = arith.addi %shift_right_logical3A_344, %add3A_348 : vector<16xi32>
          %select_n3A_350 = arith.select %lt3A_346, %add3A_349, %scan3A_340 : vector<16xi1>, vector<16xi32>
          %select_n3A_351 = arith.select %lt3A_346, %scan3A_341, %shift_right_logical3A_344 : vector<16xi1>, vector<16xi32>
          scf.yield %select_n3A_350, %select_n3A_351 : vector<16xi32>, vector<16xi32>
        }
        %scan3A_297 = arith.constant 12 : i32
        %sub3A_298 = arith.constant 1 : i32
        %sub3A_299 = vector.broadcast %sub3A_298 : i32 to vector<16xi32>
        %sub3A_300 = arith.subi %scan3A_296#0, %sub3A_299 : vector<16xi32>
        %max3A_301 = arith.constant 0 : i32
        %max3A_302 = vector.broadcast %max3A_301 : i32 to vector<16xi32>
        %max3A_303 = arith.maxsi %sub3A_300, %max3A_302 : vector<16xi32>
        %gather3A_304 = tpu.vector_load_idx %arg6[%max3A_303] : memref<2064xf32, #tpu.memory_space<vmem>>[vector<16xi32>], vector<16xf32>,
        %gt3A_305 = arith.constant 0 : i32
        %gt3A_306 = vector.broadcast %gt3A_305 : i32 to vector<16xi32>
        %gt3A_307 = arith.cmpi sgt, %scan3A_296#0, %gt3A_306 : vector<16xi32>
        %mul3A_308 = arith.mulf %gather3A_304, %div3A_94 : vector<16xf32>
        %jit3A_309 = arith.constant 0.000000e+00 : f32
        %broadcast_in_dim3A_310 = vector.broadcast %jit3A_309 : f32 to vector<16xf32>
        %select_n3A_311 = arith.select %gt3A_307, %mul3A_308, %broadcast_in_dim3A_310 : vector<16xi1>, vector<16xf32>
        %broadcast_in_dim3A_312 = vector.shape_cast %max3A_99 : vector<16xi32> to vector<16x1xi32>
        %gather3A_313 = vector.shape_cast %broadcast_in_dim3A_312 : vector<16x1xi32> to vector<16xi32>
        %gather3A_314 = tpu.dynamic_gather %get3A_286[%gather3A_313] in [0] : vector<16xf32>, vector<16xi32> -> vector<16xf32>
        %eq3A_315 = arith.constant 0 : i32
        %eq3A_316 = vector.broadcast %eq3A_315 : i32 to vector<16xi32>
        %eq3A_317 = arith.cmpi eq, %iota3A_95, %eq3A_316 : vector<16xi32>
        %select_n3A_318 = arith.select %eq3A_317, %gather3A_278, %gather3A_314 : vector<16xi1>, vector<16xf32>
        %mul3A_319 = arith.constant 16 : i32
        %mul3A_320 = arith.muli %add3A_282, %mul3A_319 : i32
        %add3A_321 = vector.broadcast %mul3A_320 : i32 to vector<16xi32>
        %add3A_322 = arith.addi %add3A_321, %iota3A_95 : vector<16xi32>
        %max3A_323 = arith.maximumf %select_n3A_318, %select_n3A_311 : vector<16xf32>
        %sub3A_324 = arith.subf %get3A_286, %max3A_323 : vector<16xf32>
        %min3A_325 = arith.constant 2047 : i32
        %min3A_326 = vector.broadcast %min3A_325 : i32 to vector<16xi32>
        %min3A_327 = arith.minsi %scan3A_296#0, %min3A_326 : vector<16xi32>
        %sub3A_328 = arith.subi %add3A_322, %min3A_327 : vector<16xi32>
        %convert_element_type3A_329 = arith.sitofp %sub3A_328 : vector<16xi32> to vector<16xf32>
        %mul3A_330 = arith.mulf %sub3A_324, %convert_element_type3A_329 : vector<16xf32>
        %mul3A_331 = arith.mulf %mul3A_330, %convert_element_type3A_329 : vector<16xf32>
        %broadcast_in_dim3A_332 = arith.constant 15 : i32
        %broadcast_in_dim3A_333 = vector.broadcast %broadcast_in_dim3A_332 : i32 to vector<16xi32>
        %broadcast_in_dim3A_334 = vector.shape_cast %broadcast_in_dim3A_333 : vector<16xi32> to vector<16x1xi32>
        %gather3A_335 = vector.shape_cast %broadcast_in_dim3A_334 : vector<16x1xi32> to vector<16xi32>
        %gather3A_336 = tpu.dynamic_gather %get3A_286[%gather3A_335] in [0] : vector<16xf32>, vector<16xi32> -> vector<16xf32>
        %add3A_337 = arith.addf %scan3A_225, %mul3A_273 : vector<16xf32>
        %add3A_338 = arith.addf %scan3A_226, %mul3A_331 : vector<16xf32>
        scf.yield %add3A_337, %add3A_338, %gather3A_336 : vector<16xf32>, vector<16xf32>, vector<16xf32>
      }
      %scan3A_107 = arith.constant 64 : i32
      %add3A_108 = arith.addf %scan3A_106#0, %scan3A_106#1 : vector<16xf32>
      %div3A_109 = arith.divf %add3A_108, %scan3A_78 : vector<16xf32>
      %iota3A_110 = tpu.iota {dimensions = array<i32: 0>} : vector<16xi32>
      %sub3A_111 = arith.constant 1 : i32
      %sub3A_112 = vector.broadcast %sub3A_111 : i32 to vector<16xi32>
      %sub3A_113 = arith.subi %iota3A_110, %sub3A_112 : vector<16xi32>
      %max3A_114 = arith.constant 0 : i32
      %max3A_115 = vector.broadcast %max3A_114 : i32 to vector<16xi32>
      %max3A_116 = arith.maxsi %sub3A_113, %max3A_115 : vector<16xi32>
      %broadcast_in_dim3A_117 = arith.constant 0.000000e+00 : f32
      %broadcast_in_dim3A_118 = vector.broadcast %broadcast_in_dim3A_117 : f32 to vector<16xf32>
      %scan3A_119 = arith.constant 0 : i32
      %scan3A_120 = arith.constant 64 : i32
      %scan3A_121 = arith.addi %scan3A_119, %scan3A_120 : i32
      %scan3A_122 = arith.constant 1 : i32
      %scan3A_123:3 = scf.for %scan3A_224 = %scan3A_119 to %scan3A_121 step %scan3A_122 iter_args(%scan3A_225 = %broadcast_in_dim3A_118, %scan3A_226 = %broadcast_in_dim3A_118, %scan3A_227 = %broadcast_in_dim3A_118) -> (vector<16xf32>, vector<16xf32>, vector<16xf32>)  : i32 {
        %mul3A_228 = arith.constant 2 : i32
        %mul3A_229 = arith.muli %mul3A_228, %scan3A_224 : i32
        %mul3A_230 = arith.constant 16 : i32
        %mul3A_231 = arith.muli %mul3A_229, %mul3A_230 : i32
        %get3A = arith.index_cast %mul3A_231 : i32 to index
        %get3A_232 = tpu.vector_load %arg6[%get3A] {strides = array<i32>} : memref<2064xf32, #tpu.memory_space<vmem>>, vector<16xf32>,
        %mul3A_233 = arith.mulf %get3A_232, %div3A_94 : vector<16xf32>
        %broadcast_in_dim3A_234 = arith.constant 0 : i32
        %broadcast_in_dim3A_235 = vector.broadcast %broadcast_in_dim3A_234 : i32 to vector<16xi32>
        %broadcast_in_dim3A_236 = arith.constant 2048 : i32
        %broadcast_in_dim3A_237 = vector.broadcast %broadcast_in_dim3A_236 : i32 to vector<16xi32>
        %scan3A_238 = arith.constant 0 : i32
        %scan3A_239 = arith.constant 12 : i32
        %scan3A_240 = arith.addi %scan3A_238, %scan3A_239 : i32
        %scan3A_241 = arith.constant 1 : i32
        %scan3A_242:2 = scf.for %scan3A_339 = %scan3A_238 to %scan3A_240 step %scan3A_241 iter_args(%scan3A_340 = %broadcast_in_dim3A_235, %scan3A_341 = %broadcast_in_dim3A_237) -> (vector<16xi32>, vector<16xi32>)  : i32 {
          %add3A_342 = arith.addi %scan3A_340, %scan3A_341 : vector<16xi32>
          %shift_right_logical3A = arith.constant 1 : i32
          %shift_right_logical3A_343 = vector.broadcast %shift_right_logical3A : i32 to vector<16xi32>
          %shift_right_logical3A_344 = arith.shrui %add3A_342, %shift_right_logical3A_343 : vector<16xi32>
          %gather3A_345 = tpu.vector_load_idx %arg5[%shift_right_logical3A_344] : memref<2064xf32, #tpu.memory_space<vmem>>[vector<16xi32>], vector<16xf32>,
          %le3A = arith.cmpf ole, %gather3A_345, %mul3A_233 : vector<16xf32>
          %add3A_346 = arith.constant 1 : i32
          %add3A_347 = vector.broadcast %add3A_346 : i32 to vector<16xi32>
          %add3A_348 = arith.addi %shift_right_logical3A_344, %add3A_347 : vector<16xi32>
          %select_n3A_349 = arith.select %le3A, %add3A_348, %scan3A_340 : vector<16xi1>, vector<16xi32>
          %select_n3A_350 = arith.select %le3A, %scan3A_341, %shift_right_logical3A_344 : vector<16xi1>, vector<16xi32>
          scf.yield %select_n3A_349, %select_n3A_350 : vector<16xi32>, vector<16xi32>
        }
        %scan3A_243 = arith.constant 12 : i32
        %sub3A_244 = arith.constant 1 : i32
        %sub3A_245 = vector.broadcast %sub3A_244 : i32 to vector<16xi32>
        %sub3A_246 = arith.subi %scan3A_242#0, %sub3A_245 : vector<16xi32>
        %max3A_247 = arith.constant 0 : i32
        %max3A_248 = vector.broadcast %max3A_247 : i32 to vector<16xi32>
        %max3A_249 = arith.maxsi %sub3A_246, %max3A_248 : vector<16xi32>
        %gather3A = tpu.vector_load_idx %arg5[%max3A_249] : memref<2064xf32, #tpu.memory_space<vmem>>[vector<16xi32>], vector<16xf32>,
        %gt3A = arith.constant 0 : i32
        %gt3A_250 = vector.broadcast %gt3A : i32 to vector<16xi32>
        %gt3A_251 = arith.cmpi sgt, %scan3A_242#0, %gt3A_250 : vector<16xi32>
        %mul3A_252 = arith.mulf %gather3A, %div3A : vector<16xf32>
        %jit3A = arith.constant 0.000000e+00 : f32
        %broadcast_in_dim3A_253 = vector.broadcast %jit3A : f32 to vector<16xf32>
        %select_n3A_254 = arith.select %gt3A_251, %mul3A_252, %broadcast_in_dim3A_253 : vector<16xi1>, vector<16xf32>
        %broadcast_in_dim3A_255 = vector.shape_cast %max3A_116 : vector<16xi32> to vector<16x1xi32>
        %gather3A_256 = vector.shape_cast %broadcast_in_dim3A_255 : vector<16x1xi32> to vector<16xi32>
        %gather3A_257 = tpu.dynamic_gather %get3A_232[%gather3A_256] in [0] : vector<16xf32>, vector<16xi32> -> vector<16xf32>
        %eq3A_258 = arith.constant 0 : i32
        %eq3A_259 = vector.broadcast %eq3A_258 : i32 to vector<16xi32>
        %eq3A_260 = arith.cmpi eq, %iota3A_110, %eq3A_259 : vector<16xi32>
        %select_n3A_261 = arith.select %eq3A_260, %scan3A_227, %gather3A_257 : vector<16xi1>, vector<16xf32>
        %mul3A_262 = arith.constant 16 : i32
        %mul3A_263 = arith.muli %mul3A_229, %mul3A_262 : i32
        %add3A_264 = vector.broadcast %mul3A_263 : i32 to vector<16xi32>
        %add3A_265 = arith.addi %add3A_264, %iota3A_110 : vector<16xi32>
        %max3A_266 = arith.maximumf %select_n3A_261, %select_n3A_254 : vector<16xf32>
        %sub3A_267 = arith.subf %get3A_232, %max3A_266 : vector<16xf32>
        %min3A = arith.constant 2047 : i32
        %min3A_268 = vector.broadcast %min3A : i32 to vector<16xi32>
        %min3A_269 = arith.minsi %scan3A_242#0, %min3A_268 : vector<16xi32>
        %sub3A_270 = arith.subi %add3A_265, %min3A_269 : vector<16xi32>
        %convert_element_type3A_271 = arith.sitofp %sub3A_270 : vector<16xi32> to vector<16xf32>
        %mul3A_272 = arith.mulf %sub3A_267, %convert_element_type3A_271 : vector<16xf32>
        %mul3A_273 = arith.mulf %mul3A_272, %convert_element_type3A_271 : vector<16xf32>
        %broadcast_in_dim3A_274 = arith.constant 15 : i32
        %broadcast_in_dim3A_275 = vector.broadcast %broadcast_in_dim3A_274 : i32 to vector<16xi32>
        %broadcast_in_dim3A_276 = vector.shape_cast %broadcast_in_dim3A_275 : vector<16xi32> to vector<16x1xi32>
        %gather3A_277 = vector.shape_cast %broadcast_in_dim3A_276 : vector<16x1xi32> to vector<16xi32>
        %gather3A_278 = tpu.dynamic_gather %get3A_232[%gather3A_277] in [0] : vector<16xf32>, vector<16xi32> -> vector<16xf32>
        %mul3A_279 = arith.constant 2 : i32
        %mul3A_280 = arith.muli %mul3A_279, %scan3A_224 : i32
        %add3A_281 = arith.constant 1 : i32
        %add3A_282 = arith.addi %mul3A_280, %add3A_281 : i32
        %mul3A_283 = arith.constant 16 : i32
        %mul3A_284 = arith.muli %add3A_282, %mul3A_283 : i32
        %get3A_285 = arith.index_cast %mul3A_284 : i32 to index
        %get3A_286 = tpu.vector_load %arg6[%get3A_285] {strides = array<i32>} : memref<2064xf32, #tpu.memory_space<vmem>>, vector<16xf32>,
        %mul3A_287 = arith.mulf %get3A_286, %div3A_94 : vector<16xf32>
        %broadcast_in_dim3A_288 = arith.constant 0 : i32
        %broadcast_in_dim3A_289 = vector.broadcast %broadcast_in_dim3A_288 : i32 to vector<16xi32>
        %broadcast_in_dim3A_290 = arith.constant 2048 : i32
        %broadcast_in_dim3A_291 = vector.broadcast %broadcast_in_dim3A_290 : i32 to vector<16xi32>
        %scan3A_292 = arith.constant 0 : i32
        %scan3A_293 = arith.constant 12 : i32
        %scan3A_294 = arith.addi %scan3A_292, %scan3A_293 : i32
        %scan3A_295 = arith.constant 1 : i32
        %scan3A_296:2 = scf.for %scan3A_339 = %scan3A_292 to %scan3A_294 step %scan3A_295 iter_args(%scan3A_340 = %broadcast_in_dim3A_289, %scan3A_341 = %broadcast_in_dim3A_291) -> (vector<16xi32>, vector<16xi32>)  : i32 {
          %add3A_342 = arith.addi %scan3A_340, %scan3A_341 : vector<16xi32>
          %shift_right_logical3A = arith.constant 1 : i32
          %shift_right_logical3A_343 = vector.broadcast %shift_right_logical3A : i32 to vector<16xi32>
          %shift_right_logical3A_344 = arith.shrui %add3A_342, %shift_right_logical3A_343 : vector<16xi32>
          %gather3A_345 = tpu.vector_load_idx %arg5[%shift_right_logical3A_344] : memref<2064xf32, #tpu.memory_space<vmem>>[vector<16xi32>], vector<16xf32>,
          %le3A = arith.cmpf ole, %gather3A_345, %mul3A_287 : vector<16xf32>
          %add3A_346 = arith.constant 1 : i32
          %add3A_347 = vector.broadcast %add3A_346 : i32 to vector<16xi32>
          %add3A_348 = arith.addi %shift_right_logical3A_344, %add3A_347 : vector<16xi32>
          %select_n3A_349 = arith.select %le3A, %add3A_348, %scan3A_340 : vector<16xi1>, vector<16xi32>
          %select_n3A_350 = arith.select %le3A, %scan3A_341, %shift_right_logical3A_344 : vector<16xi1>, vector<16xi32>
          scf.yield %select_n3A_349, %select_n3A_350 : vector<16xi32>, vector<16xi32>
        }
        %scan3A_297 = arith.constant 12 : i32
        %sub3A_298 = arith.constant 1 : i32
        %sub3A_299 = vector.broadcast %sub3A_298 : i32 to vector<16xi32>
        %sub3A_300 = arith.subi %scan3A_296#0, %sub3A_299 : vector<16xi32>
        %max3A_301 = arith.constant 0 : i32
        %max3A_302 = vector.broadcast %max3A_301 : i32 to vector<16xi32>
        %max3A_303 = arith.maxsi %sub3A_300, %max3A_302 : vector<16xi32>
        %gather3A_304 = tpu.vector_load_idx %arg5[%max3A_303] : memref<2064xf32, #tpu.memory_space<vmem>>[vector<16xi32>], vector<16xf32>,
        %gt3A_305 = arith.constant 0 : i32
        %gt3A_306 = vector.broadcast %gt3A_305 : i32 to vector<16xi32>
        %gt3A_307 = arith.cmpi sgt, %scan3A_296#0, %gt3A_306 : vector<16xi32>
        %mul3A_308 = arith.mulf %gather3A_304, %div3A : vector<16xf32>
        %jit3A_309 = arith.constant 0.000000e+00 : f32
        %broadcast_in_dim3A_310 = vector.broadcast %jit3A_309 : f32 to vector<16xf32>
        %select_n3A_311 = arith.select %gt3A_307, %mul3A_308, %broadcast_in_dim3A_310 : vector<16xi1>, vector<16xf32>
        %broadcast_in_dim3A_312 = vector.shape_cast %max3A_116 : vector<16xi32> to vector<16x1xi32>
        %gather3A_313 = vector.shape_cast %broadcast_in_dim3A_312 : vector<16x1xi32> to vector<16xi32>
        %gather3A_314 = tpu.dynamic_gather %get3A_286[%gather3A_313] in [0] : vector<16xf32>, vector<16xi32> -> vector<16xf32>
        %eq3A_315 = arith.constant 0 : i32
        %eq3A_316 = vector.broadcast %eq3A_315 : i32 to vector<16xi32>
        %eq3A_317 = arith.cmpi eq, %iota3A_110, %eq3A_316 : vector<16xi32>
        %select_n3A_318 = arith.select %eq3A_317, %gather3A_278, %gather3A_314 : vector<16xi1>, vector<16xf32>
        %mul3A_319 = arith.constant 16 : i32
        %mul3A_320 = arith.muli %add3A_282, %mul3A_319 : i32
        %add3A_321 = vector.broadcast %mul3A_320 : i32 to vector<16xi32>
        %add3A_322 = arith.addi %add3A_321, %iota3A_110 : vector<16xi32>
        %max3A_323 = arith.maximumf %select_n3A_318, %select_n3A_311 : vector<16xf32>
        %sub3A_324 = arith.subf %get3A_286, %max3A_323 : vector<16xf32>
        %min3A_325 = arith.constant 2047 : i32
        %min3A_326 = vector.broadcast %min3A_325 : i32 to vector<16xi32>
        %min3A_327 = arith.minsi %scan3A_296#0, %min3A_326 : vector<16xi32>
        %sub3A_328 = arith.subi %add3A_322, %min3A_327 : vector<16xi32>
        %convert_element_type3A_329 = arith.sitofp %sub3A_328 : vector<16xi32> to vector<16xf32>
        %mul3A_330 = arith.mulf %sub3A_324, %convert_element_type3A_329 : vector<16xf32>
        %mul3A_331 = arith.mulf %mul3A_330, %convert_element_type3A_329 : vector<16xf32>
        %broadcast_in_dim3A_332 = arith.constant 15 : i32
        %broadcast_in_dim3A_333 = vector.broadcast %broadcast_in_dim3A_332 : i32 to vector<16xi32>
        %broadcast_in_dim3A_334 = vector.shape_cast %broadcast_in_dim3A_333 : vector<16xi32> to vector<16x1xi32>
        %gather3A_335 = vector.shape_cast %broadcast_in_dim3A_334 : vector<16x1xi32> to vector<16xi32>
        %gather3A_336 = tpu.dynamic_gather %get3A_286[%gather3A_335] in [0] : vector<16xf32>, vector<16xi32> -> vector<16xf32>
        %add3A_337 = arith.addf %scan3A_225, %mul3A_273 : vector<16xf32>
        %add3A_338 = arith.addf %scan3A_226, %mul3A_331 : vector<16xf32>
        scf.yield %add3A_337, %add3A_338, %gather3A_336 : vector<16xf32>, vector<16xf32>, vector<16xf32>
      }
      %scan3A_124 = arith.constant 64 : i32
      %add3A_125 = arith.addf %scan3A_123#0, %scan3A_123#1 : vector<16xf32>
      %div3A_126 = arith.divf %add3A_125, %scan3A_86 : vector<16xf32>
      %add3A_127 = arith.addf %div3A_109, %div3A_126 : vector<16xf32>
      %reduce_sum3A = arith.constant true
      %reduce_sum3A_128 = vector.broadcast %reduce_sum3A : i1 to vector<16xi1>
      %reduce_sum3A_129 = tpu.scan <sum>, %add3A_127 masked %reduce_sum3A_128 : vector<16xf32>, vector<16xi1> -> vector<16xf32>
      %reduce_sum3A_130 = vector.extract %reduce_sum3A_129[15] : f32 from vector<16xf32>
      %mul3A_131 = arith.constant 9.99999997E-7 : f32
      %mul3A_132 = arith.mulf %reduce_sum3A_130, %mul3A_131 : f32
      %eq3A = vector.broadcast %mul3A_32 : i32 to vector<16xi32>
      %eq3A_133 = arith.cmpi eq, %iota3A, %eq3A : vector<16xi32>
      %broadcast_in_dim3A_134 = vector.broadcast %mul3A_132 : f32 to vector<16xf32>
      %select_n3A = arith.select %eq3A_133, %broadcast_in_dim3A_134, %scan3A_30 : vector<16xi1>, vector<16xf32>
      %lt3A = arith.constant 3 : i32
      %lt3A_135 = arith.cmpi slt, %scan3A_29, %lt3A : i32
      %convert_element_type3A = arith.extui %lt3A_135 : i1 to i32
      %cond3A = arith.constant 0 : i32
      %cond3A_136 = arith.cmpi ne, %convert_element_type3A, %cond3A : i32
      scf.if %cond3A_136 {
        %add3A_224 = arith.constant 2 : i32
        %add3A_225 = arith.addi %mul3A_32, %add3A_224 : i32
        %add3A_226 = arith.addi %mul3A_2, %add3A_225 : i32
        %mul3A_227 = arith.constant 2048 : i32
        %mul3A_228 = arith.muli %add3A_226, %mul3A_227 : i32
        %dma_start3A_229 = arith.constant 0 : i32
        %dma_start3A_230 = tpu.memref_slice %arg5[%dma_start3A_229] : memref<2064xf32, #tpu.memory_space<vmem>> -> memref<2048xf32, #tpu.memory_space<vmem>>
        %dma_start3A_231 = tpu.memref_slice %arg2[%mul3A_228] : memref<524288xf32, #tpu.memory_space<hbm>> -> memref<2048xf32, #tpu.memory_space<hbm>>
        %dma_start3A_232 = arith.constant 0 : i32
        %dma_start3A_233 = tpu.memref_slice %arg5[%dma_start3A_232] : memref<2064xf32, #tpu.memory_space<vmem>> -> memref<2048xf32, #tpu.memory_space<vmem>>
        %dma_start3A_234 = tpu.memref_slice %arg2[%mul3A_228] : memref<524288xf32, #tpu.memory_space<hbm>> -> memref<2048xf32, #tpu.memory_space<hbm>>
        tpu.enqueue_dma source(%dma_start3A_234 : memref<2048xf32, #tpu.memory_space<hbm>>) target(%dma_start3A_233 : memref<2048xf32, #tpu.memory_space<vmem>>) target_semaphore(%arg10 : memref<!tpu.dma_semaphore, #tpu.memory_space<semaphore_mem>>)
        %add3A_235 = arith.addi %mul3A_2, %add3A_225 : i32
        %mul3A_236 = arith.constant 2048 : i32
        %mul3A_237 = arith.muli %add3A_235, %mul3A_236 : i32
        %dma_start3A_238 = arith.constant 0 : i32
        %dma_start3A_239 = tpu.memref_slice %arg6[%dma_start3A_238] : memref<2064xf32, #tpu.memory_space<vmem>> -> memref<2048xf32, #tpu.memory_space<vmem>>
        %dma_start3A_240 = tpu.memref_slice %arg3[%mul3A_237] : memref<524288xf32, #tpu.memory_space<hbm>> -> memref<2048xf32, #tpu.memory_space<hbm>>
        %dma_start3A_241 = arith.constant 0 : i32
        %dma_start3A_242 = tpu.memref_slice %arg6[%dma_start3A_241] : memref<2064xf32, #tpu.memory_space<vmem>> -> memref<2048xf32, #tpu.memory_space<vmem>>
        %dma_start3A_243 = tpu.memref_slice %arg3[%mul3A_237] : memref<524288xf32, #tpu.memory_space<hbm>> -> memref<2048xf32, #tpu.memory_space<hbm>>
        tpu.enqueue_dma source(%dma_start3A_243 : memref<2048xf32, #tpu.memory_space<hbm>>) target(%dma_start3A_242 : memref<2048xf32, #tpu.memory_space<vmem>>) target_semaphore(%arg10 : memref<!tpu.dma_semaphore, #tpu.memory_space<semaphore_mem>>)
      } else {
      }
      %add3A_137 = arith.addi %mul3A_2, %add3A_36 : i32
      %mul3A_138 = arith.constant 2048 : i32
      %mul3A_139 = arith.muli %add3A_137, %mul3A_138 : i32
      %dma_wait3A_140 = arith.constant 0 : i32
      %dma_wait3A_141 = tpu.memref_slice %arg7[%dma_wait3A_140] : memref<2064xf32, #tpu.memory_space<vmem>> -> memref<2048xf32, #tpu.memory_space<vmem>>
      %dma_wait3A_142 = tpu.memref_slice %arg2[%mul3A_139] : memref<524288xf32, #tpu.memory_space<hbm>> -> memref<2048xf32, #tpu.memory_space<hbm>>
      %dma_wait3A_143 = arith.constant 0 : i32
      %dma_wait3A_144 = tpu.memref_slice %arg7[%dma_wait3A_143] : memref<2064xf32, #tpu.memory_space<vmem>> -> memref<2048xf32, #tpu.memory_space<vmem>>
      %dma_wait3A_145 = tpu.memref_slice %arg2[%mul3A_139] : memref<524288xf32, #tpu.memory_space<hbm>> -> memref<2048xf32, #tpu.memory_space<hbm>>
      tpu.wait_dma2 semaphore(%arg11 : memref<!tpu.dma_semaphore, #tpu.memory_space<semaphore_mem>>) src(%dma_wait3A_145 : memref<2048xf32, #tpu.memory_space<hbm>>) dst(%dma_wait3A_144 : memref<2048xf32, #tpu.memory_space<vmem>>)
      %add3A_146 = arith.addi %mul3A_2, %add3A_36 : i32
      %mul3A_147 = arith.constant 2048 : i32
      %mul3A_148 = arith.muli %add3A_146, %mul3A_147 : i32
      %dma_wait3A_149 = arith.constant 0 : i32
      %dma_wait3A_150 = tpu.memref_slice %arg8[%dma_wait3A_149] : memref<2064xf32, #tpu.memory_space<vmem>> -> memref<2048xf32, #tpu.memory_space<vmem>>
      %dma_wait3A_151 = tpu.memref_slice %arg3[%mul3A_148] : memref<524288xf32, #tpu.memory_space<hbm>> -> memref<2048xf32, #tpu.memory_space<hbm>>
      %dma_wait3A_152 = arith.constant 0 : i32
      %dma_wait3A_153 = tpu.memref_slice %arg8[%dma_wait3A_152] : memref<2064xf32, #tpu.memory_space<vmem>> -> memref<2048xf32, #tpu.memory_space<vmem>>
      %dma_wait3A_154 = tpu.memref_slice %arg3[%mul3A_148] : memref<524288xf32, #tpu.memory_space<hbm>> -> memref<2048xf32, #tpu.memory_space<hbm>>
      tpu.wait_dma2 semaphore(%arg11 : memref<!tpu.dma_semaphore, #tpu.memory_space<semaphore_mem>>) src(%dma_wait3A_154 : memref<2048xf32, #tpu.memory_space<hbm>>) dst(%dma_wait3A_153 : memref<2048xf32, #tpu.memory_space<vmem>>)
      %broadcast_in_dim3A_155 = arith.constant 0.000000e+00 : f32
      %broadcast_in_dim3A_156 = vector.broadcast %broadcast_in_dim3A_155 : f32 to vector<16xf32>
      %scan3A_157 = arith.constant 0 : i32
      %scan3A_158 = arith.constant 64 : i32
      %scan3A_159 = arith.addi %scan3A_157, %scan3A_158 : i32
      %scan3A_160 = arith.constant 1 : i32
      %scan3A_161 = scf.for %scan3A_224 = %scan3A_157 to %scan3A_159 step %scan3A_160 iter_args(%scan3A_225 = %broadcast_in_dim3A_156) -> (vector<16xf32>)  : i32 {
        %mul3A_226 = arith.constant 2 : i32
        %mul3A_227 = arith.muli %mul3A_226, %scan3A_224 : i32
        %mul3A_228 = arith.constant 16 : i32
        %mul3A_229 = arith.muli %mul3A_227, %mul3A_228 : i32
        %get3A = arith.index_cast %mul3A_229 : i32 to index
        %get3A_230 = tpu.vector_load %arg7[%get3A] {strides = array<i32>} : memref<2064xf32, #tpu.memory_space<vmem>>, vector<16xf32>,
        %mul3A_231 = arith.constant 2 : i32
        %mul3A_232 = arith.muli %mul3A_231, %scan3A_224 : i32
        %add3A_233 = arith.constant 1 : i32
        %add3A_234 = arith.addi %mul3A_232, %add3A_233 : i32
        %mul3A_235 = arith.constant 16 : i32
        %mul3A_236 = arith.muli %add3A_234, %mul3A_235 : i32
        %get3A_237 = arith.index_cast %mul3A_236 : i32 to index
        %get3A_238 = tpu.vector_load %arg7[%get3A_237] {strides = array<i32>} : memref<2064xf32, #tpu.memory_space<vmem>>, vector<16xf32>,
        %broadcast_in_dim3A_239 = arith.constant true
        %broadcast_in_dim3A_240 = vector.broadcast %broadcast_in_dim3A_239 : i1 to vector<16xi1>
        %masked_cumsum3A = tpu.scan <sum>, %get3A_230 masked %broadcast_in_dim3A_240 : vector<16xf32>, vector<16xi1> -> vector<16xf32>
        %broadcast_in_dim3A_241 = arith.constant true
        %broadcast_in_dim3A_242 = vector.broadcast %broadcast_in_dim3A_241 : i1 to vector<16xi1>
        %masked_cumsum3A_243 = tpu.scan <sum>, %get3A_238 masked %broadcast_in_dim3A_242 : vector<16xf32>, vector<16xi1> -> vector<16xf32>
        %add3A_244 = arith.addf %masked_cumsum3A, %scan3A_225 : vector<16xf32>
        %broadcast_in_dim3A_245 = arith.constant 15 : i32
        %broadcast_in_dim3A_246 = vector.broadcast %broadcast_in_dim3A_245 : i32 to vector<16xi32>
        %broadcast_in_dim3A_247 = vector.shape_cast %broadcast_in_dim3A_246 : vector<16xi32> to vector<16x1xi32>
        %gather3A = vector.shape_cast %broadcast_in_dim3A_247 : vector<16x1xi32> to vector<16xi32>
        %gather3A_248 = tpu.dynamic_gather %add3A_244[%gather3A] in [0] : vector<16xf32>, vector<16xi32> -> vector<16xf32>
        %add3A_249 = arith.addf %masked_cumsum3A_243, %gather3A_248 : vector<16xf32>
        %mul3A_250 = arith.constant 2 : i32
        %mul3A_251 = arith.muli %mul3A_250, %scan3A_224 : i32
        %mul3A_252 = arith.constant 16 : i32
        %mul3A_253 = arith.muli %mul3A_251, %mul3A_252 : i32
        %swap3A_254 = arith.index_cast %mul3A_253 : i32 to index
        %swap3A_255 = tpu.vector_load %arg7[%swap3A_254] {strides = array<i32>} : memref<2064xf32, #tpu.memory_space<vmem>>, vector<16xf32>,
        tpu.vector_store %arg7[%swap3A_254], %add3A_244 {strides = array<i32>} : memref<2064xf32, #tpu.memory_space<vmem>>, vector<16xf32>,
        %mul3A_256 = arith.constant 2 : i32
        %mul3A_257 = arith.muli %mul3A_256, %scan3A_224 : i32
        %add3A_258 = arith.constant 1 : i32
        %add3A_259 = arith.addi %mul3A_257, %add3A_258 : i32
        %mul3A_260 = arith.constant 16 : i32
        %mul3A_261 = arith.muli %add3A_259, %mul3A_260 : i32
        %swap3A_262 = arith.index_cast %mul3A_261 : i32 to index
        %swap3A_263 = tpu.vector_load %arg7[%swap3A_262] {strides = array<i32>} : memref<2064xf32, #tpu.memory_space<vmem>>, vector<16xf32>,
        tpu.vector_store %arg7[%swap3A_262], %add3A_249 {strides = array<i32>} : memref<2064xf32, #tpu.memory_space<vmem>>, vector<16xf32>,
        %broadcast_in_dim3A_264 = arith.constant 15 : i32
        %broadcast_in_dim3A_265 = vector.broadcast %broadcast_in_dim3A_264 : i32 to vector<16xi32>
        %broadcast_in_dim3A_266 = vector.shape_cast %broadcast_in_dim3A_265 : vector<16xi32> to vector<16x1xi32>
        %gather3A_267 = vector.shape_cast %broadcast_in_dim3A_266 : vector<16x1xi32> to vector<16xi32>
        %gather3A_268 = tpu.dynamic_gather %add3A_249[%gather3A_267] in [0] : vector<16xf32>, vector<16xi32> -> vector<16xf32>
        scf.yield %gather3A_268 : vector<16xf32>
      }
      %scan3A_162 = arith.constant 64 : i32
      %broadcast_in_dim3A_163 = arith.constant 0.000000e+00 : f32
      %broadcast_in_dim3A_164 = vector.broadcast %broadcast_in_dim3A_163 : f32 to vector<16xf32>
      %scan3A_165 = arith.constant 0 : i32
      %scan3A_166 = arith.constant 64 : i32
      %scan3A_167 = arith.addi %scan3A_165, %scan3A_166 : i32
      %scan3A_168 = arith.constant 1 : i32
      %scan3A_169 = scf.for %scan3A_224 = %scan3A_165 to %scan3A_167 step %scan3A_168 iter_args(%scan3A_225 = %broadcast_in_dim3A_164) -> (vector<16xf32>)  : i32 {
        %mul3A_226 = arith.constant 2 : i32
        %mul3A_227 = arith.muli %mul3A_226, %scan3A_224 : i32
        %mul3A_228 = arith.constant 16 : i32
        %mul3A_229 = arith.muli %mul3A_227, %mul3A_228 : i32
        %get3A = arith.index_cast %mul3A_229 : i32 to index
        %get3A_230 = tpu.vector_load %arg8[%get3A] {strides = array<i32>} : memref<2064xf32, #tpu.memory_space<vmem>>, vector<16xf32>,
        %mul3A_231 = arith.constant 2 : i32
        %mul3A_232 = arith.muli %mul3A_231, %scan3A_224 : i32
        %add3A_233 = arith.constant 1 : i32
        %add3A_234 = arith.addi %mul3A_232, %add3A_233 : i32
        %mul3A_235 = arith.constant 16 : i32
        %mul3A_236 = arith.muli %add3A_234, %mul3A_235 : i32
        %get3A_237 = arith.index_cast %mul3A_236 : i32 to index
        %get3A_238 = tpu.vector_load %arg8[%get3A_237] {strides = array<i32>} : memref<2064xf32, #tpu.memory_space<vmem>>, vector<16xf32>,
        %broadcast_in_dim3A_239 = arith.constant true
        %broadcast_in_dim3A_240 = vector.broadcast %broadcast_in_dim3A_239 : i1 to vector<16xi1>
        %masked_cumsum3A = tpu.scan <sum>, %get3A_230 masked %broadcast_in_dim3A_240 : vector<16xf32>, vector<16xi1> -> vector<16xf32>
        %broadcast_in_dim3A_241 = arith.constant true
        %broadcast_in_dim3A_242 = vector.broadcast %broadcast_in_dim3A_241 : i1 to vector<16xi1>
        %masked_cumsum3A_243 = tpu.scan <sum>, %get3A_238 masked %broadcast_in_dim3A_242 : vector<16xf32>, vector<16xi1> -> vector<16xf32>
        %add3A_244 = arith.addf %masked_cumsum3A, %scan3A_225 : vector<16xf32>
        %broadcast_in_dim3A_245 = arith.constant 15 : i32
        %broadcast_in_dim3A_246 = vector.broadcast %broadcast_in_dim3A_245 : i32 to vector<16xi32>
        %broadcast_in_dim3A_247 = vector.shape_cast %broadcast_in_dim3A_246 : vector<16xi32> to vector<16x1xi32>
        %gather3A = vector.shape_cast %broadcast_in_dim3A_247 : vector<16x1xi32> to vector<16xi32>
        %gather3A_248 = tpu.dynamic_gather %add3A_244[%gather3A] in [0] : vector<16xf32>, vector<16xi32> -> vector<16xf32>
        %add3A_249 = arith.addf %masked_cumsum3A_243, %gather3A_248 : vector<16xf32>
        %mul3A_250 = arith.constant 2 : i32
        %mul3A_251 = arith.muli %mul3A_250, %scan3A_224 : i32
        %mul3A_252 = arith.constant 16 : i32
        %mul3A_253 = arith.muli %mul3A_251, %mul3A_252 : i32
        %swap3A_254 = arith.index_cast %mul3A_253 : i32 to index
        %swap3A_255 = tpu.vector_load %arg8[%swap3A_254] {strides = array<i32>} : memref<2064xf32, #tpu.memory_space<vmem>>, vector<16xf32>,
        tpu.vector_store %arg8[%swap3A_254], %add3A_244 {strides = array<i32>} : memref<2064xf32, #tpu.memory_space<vmem>>, vector<16xf32>,
        %mul3A_256 = arith.constant 2 : i32
        %mul3A_257 = arith.muli %mul3A_256, %scan3A_224 : i32
        %add3A_258 = arith.constant 1 : i32
        %add3A_259 = arith.addi %mul3A_257, %add3A_258 : i32
        %mul3A_260 = arith.constant 16 : i32
        %mul3A_261 = arith.muli %add3A_259, %mul3A_260 : i32
        %swap3A_262 = arith.index_cast %mul3A_261 : i32 to index
        %swap3A_263 = tpu.vector_load %arg8[%swap3A_262] {strides = array<i32>} : memref<2064xf32, #tpu.memory_space<vmem>>, vector<16xf32>,
        tpu.vector_store %arg8[%swap3A_262], %add3A_249 {strides = array<i32>} : memref<2064xf32, #tpu.memory_space<vmem>>, vector<16xf32>,
        %broadcast_in_dim3A_264 = arith.constant 15 : i32
        %broadcast_in_dim3A_265 = vector.broadcast %broadcast_in_dim3A_264 : i32 to vector<16xi32>
        %broadcast_in_dim3A_266 = vector.shape_cast %broadcast_in_dim3A_265 : vector<16xi32> to vector<16x1xi32>
        %gather3A_267 = vector.shape_cast %broadcast_in_dim3A_266 : vector<16x1xi32> to vector<16xi32>
        %gather3A_268 = tpu.dynamic_gather %add3A_249[%gather3A_267] in [0] : vector<16xf32>, vector<16xi32> -> vector<16xf32>
        scf.yield %gather3A_268 : vector<16xf32>
      }
      %scan3A_170 = arith.constant 64 : i32
      %broadcast_in_dim3A_171 = arith.constant 0x7F800000 : f32
      %broadcast_in_dim3A_172 = vector.broadcast %broadcast_in_dim3A_171 : f32 to vector<16xf32>
      %swap3A_173 = arith.constant 2048 : index
      %swap3A_174 = tpu.vector_load %arg7[%swap3A_173] {strides = array<i32>} : memref<2064xf32, #tpu.memory_space<vmem>>, vector<16xf32>,
      tpu.vector_store %arg7[%swap3A_173], %broadcast_in_dim3A_172 {strides = array<i32>} : memref<2064xf32, #tpu.memory_space<vmem>>, vector<16xf32>,
      %swap3A_175 = arith.constant 2048 : index
      %swap3A_176 = tpu.vector_load %arg8[%swap3A_175] {strides = array<i32>} : memref<2064xf32, #tpu.memory_space<vmem>>, vector<16xf32>,
      tpu.vector_store %arg8[%swap3A_175], %broadcast_in_dim3A_172 {strides = array<i32>} : memref<2064xf32, #tpu.memory_space<vmem>>, vector<16xf32>,
      %div3A_177 = arith.divf %scan3A_169, %scan3A_161 : vector<16xf32>
      %div3A_178 = arith.divf %scan3A_161, %scan3A_169 : vector<16xf32>
      %iota3A_179 = tpu.iota {dimensions = array<i32: 0>} : vector<16xi32>
      %sub3A_180 = arith.constant 1 : i32
      %sub3A_181 = vector.broadcast %sub3A_180 : i32 to vector<16xi32>
      %sub3A_182 = arith.subi %iota3A_179, %sub3A_181 : vector<16xi32>
      %max3A_183 = arith.constant 0 : i32
      %max3A_184 = vector.broadcast %max3A_183 : i32 to vector<16xi32>
      %max3A_185 = arith.maxsi %sub3A_182, %max3A_184 : vector<16xi32>
      %broadcast_in_dim3A_186 = arith.constant 0.000000e+00 : f32
      %broadcast_in_dim3A_187 = vector.broadcast %broadcast_in_dim3A_186 : f32 to vector<16xf32>
      %scan3A_188 = arith.constant 0 : i32
      %scan3A_189 = arith.constant 64 : i32
      %scan3A_190 = arith.addi %scan3A_188, %scan3A_189 : i32
      %scan3A_191 = arith.constant 1 : i32
      %scan3A_192:3 = scf.for %scan3A_224 = %scan3A_188 to %scan3A_190 step %scan3A_191 iter_args(%scan3A_225 = %broadcast_in_dim3A_187, %scan3A_226 = %broadcast_in_dim3A_187, %scan3A_227 = %broadcast_in_dim3A_187) -> (vector<16xf32>, vector<16xf32>, vector<16xf32>)  : i32 {
        %mul3A_228 = arith.constant 2 : i32
        %mul3A_229 = arith.muli %mul3A_228, %scan3A_224 : i32
        %mul3A_230 = arith.constant 16 : i32
        %mul3A_231 = arith.muli %mul3A_229, %mul3A_230 : i32
        %get3A = arith.index_cast %mul3A_231 : i32 to index
        %get3A_232 = tpu.vector_load %arg7[%get3A] {strides = array<i32>} : memref<2064xf32, #tpu.memory_space<vmem>>, vector<16xf32>,
        %mul3A_233 = arith.mulf %get3A_232, %div3A_177 : vector<16xf32>
        %broadcast_in_dim3A_234 = arith.constant 0 : i32
        %broadcast_in_dim3A_235 = vector.broadcast %broadcast_in_dim3A_234 : i32 to vector<16xi32>
        %broadcast_in_dim3A_236 = arith.constant 2048 : i32
        %broadcast_in_dim3A_237 = vector.broadcast %broadcast_in_dim3A_236 : i32 to vector<16xi32>
        %scan3A_238 = arith.constant 0 : i32
        %scan3A_239 = arith.constant 12 : i32
        %scan3A_240 = arith.addi %scan3A_238, %scan3A_239 : i32
        %scan3A_241 = arith.constant 1 : i32
        %scan3A_242:2 = scf.for %scan3A_339 = %scan3A_238 to %scan3A_240 step %scan3A_241 iter_args(%scan3A_340 = %broadcast_in_dim3A_235, %scan3A_341 = %broadcast_in_dim3A_237) -> (vector<16xi32>, vector<16xi32>)  : i32 {
          %add3A_342 = arith.addi %scan3A_340, %scan3A_341 : vector<16xi32>
          %shift_right_logical3A = arith.constant 1 : i32
          %shift_right_logical3A_343 = vector.broadcast %shift_right_logical3A : i32 to vector<16xi32>
          %shift_right_logical3A_344 = arith.shrui %add3A_342, %shift_right_logical3A_343 : vector<16xi32>
          %gather3A_345 = tpu.vector_load_idx %arg8[%shift_right_logical3A_344] : memref<2064xf32, #tpu.memory_space<vmem>>[vector<16xi32>], vector<16xf32>,
          %lt3A_346 = arith.cmpf olt, %gather3A_345, %mul3A_233 : vector<16xf32>
          %add3A_347 = arith.constant 1 : i32
          %add3A_348 = vector.broadcast %add3A_347 : i32 to vector<16xi32>
          %add3A_349 = arith.addi %shift_right_logical3A_344, %add3A_348 : vector<16xi32>
          %select_n3A_350 = arith.select %lt3A_346, %add3A_349, %scan3A_340 : vector<16xi1>, vector<16xi32>
          %select_n3A_351 = arith.select %lt3A_346, %scan3A_341, %shift_right_logical3A_344 : vector<16xi1>, vector<16xi32>
          scf.yield %select_n3A_350, %select_n3A_351 : vector<16xi32>, vector<16xi32>
        }
        %scan3A_243 = arith.constant 12 : i32
        %sub3A_244 = arith.constant 1 : i32
        %sub3A_245 = vector.broadcast %sub3A_244 : i32 to vector<16xi32>
        %sub3A_246 = arith.subi %scan3A_242#0, %sub3A_245 : vector<16xi32>
        %max3A_247 = arith.constant 0 : i32
        %max3A_248 = vector.broadcast %max3A_247 : i32 to vector<16xi32>
        %max3A_249 = arith.maxsi %sub3A_246, %max3A_248 : vector<16xi32>
        %gather3A = tpu.vector_load_idx %arg8[%max3A_249] : memref<2064xf32, #tpu.memory_space<vmem>>[vector<16xi32>], vector<16xf32>,
        %gt3A = arith.constant 0 : i32
        %gt3A_250 = vector.broadcast %gt3A : i32 to vector<16xi32>
        %gt3A_251 = arith.cmpi sgt, %scan3A_242#0, %gt3A_250 : vector<16xi32>
        %mul3A_252 = arith.mulf %gather3A, %div3A_178 : vector<16xf32>
        %jit3A = arith.constant 0.000000e+00 : f32
        %broadcast_in_dim3A_253 = vector.broadcast %jit3A : f32 to vector<16xf32>
        %select_n3A_254 = arith.select %gt3A_251, %mul3A_252, %broadcast_in_dim3A_253 : vector<16xi1>, vector<16xf32>
        %broadcast_in_dim3A_255 = vector.shape_cast %max3A_185 : vector<16xi32> to vector<16x1xi32>
        %gather3A_256 = vector.shape_cast %broadcast_in_dim3A_255 : vector<16x1xi32> to vector<16xi32>
        %gather3A_257 = tpu.dynamic_gather %get3A_232[%gather3A_256] in [0] : vector<16xf32>, vector<16xi32> -> vector<16xf32>
        %eq3A_258 = arith.constant 0 : i32
        %eq3A_259 = vector.broadcast %eq3A_258 : i32 to vector<16xi32>
        %eq3A_260 = arith.cmpi eq, %iota3A_179, %eq3A_259 : vector<16xi32>
        %select_n3A_261 = arith.select %eq3A_260, %scan3A_227, %gather3A_257 : vector<16xi1>, vector<16xf32>
        %mul3A_262 = arith.constant 16 : i32
        %mul3A_263 = arith.muli %mul3A_229, %mul3A_262 : i32
        %add3A_264 = vector.broadcast %mul3A_263 : i32 to vector<16xi32>
        %add3A_265 = arith.addi %add3A_264, %iota3A_179 : vector<16xi32>
        %max3A_266 = arith.maximumf %select_n3A_261, %select_n3A_254 : vector<16xf32>
        %sub3A_267 = arith.subf %get3A_232, %max3A_266 : vector<16xf32>
        %min3A = arith.constant 2047 : i32
        %min3A_268 = vector.broadcast %min3A : i32 to vector<16xi32>
        %min3A_269 = arith.minsi %scan3A_242#0, %min3A_268 : vector<16xi32>
        %sub3A_270 = arith.subi %add3A_265, %min3A_269 : vector<16xi32>
        %convert_element_type3A_271 = arith.sitofp %sub3A_270 : vector<16xi32> to vector<16xf32>
        %mul3A_272 = arith.mulf %sub3A_267, %convert_element_type3A_271 : vector<16xf32>
        %mul3A_273 = arith.mulf %mul3A_272, %convert_element_type3A_271 : vector<16xf32>
        %broadcast_in_dim3A_274 = arith.constant 15 : i32
        %broadcast_in_dim3A_275 = vector.broadcast %broadcast_in_dim3A_274 : i32 to vector<16xi32>
        %broadcast_in_dim3A_276 = vector.shape_cast %broadcast_in_dim3A_275 : vector<16xi32> to vector<16x1xi32>
        %gather3A_277 = vector.shape_cast %broadcast_in_dim3A_276 : vector<16x1xi32> to vector<16xi32>
        %gather3A_278 = tpu.dynamic_gather %get3A_232[%gather3A_277] in [0] : vector<16xf32>, vector<16xi32> -> vector<16xf32>
        %mul3A_279 = arith.constant 2 : i32
        %mul3A_280 = arith.muli %mul3A_279, %scan3A_224 : i32
        %add3A_281 = arith.constant 1 : i32
        %add3A_282 = arith.addi %mul3A_280, %add3A_281 : i32
        %mul3A_283 = arith.constant 16 : i32
        %mul3A_284 = arith.muli %add3A_282, %mul3A_283 : i32
        %get3A_285 = arith.index_cast %mul3A_284 : i32 to index
        %get3A_286 = tpu.vector_load %arg7[%get3A_285] {strides = array<i32>} : memref<2064xf32, #tpu.memory_space<vmem>>, vector<16xf32>,
        %mul3A_287 = arith.mulf %get3A_286, %div3A_177 : vector<16xf32>
        %broadcast_in_dim3A_288 = arith.constant 0 : i32
        %broadcast_in_dim3A_289 = vector.broadcast %broadcast_in_dim3A_288 : i32 to vector<16xi32>
        %broadcast_in_dim3A_290 = arith.constant 2048 : i32
        %broadcast_in_dim3A_291 = vector.broadcast %broadcast_in_dim3A_290 : i32 to vector<16xi32>
        %scan3A_292 = arith.constant 0 : i32
        %scan3A_293 = arith.constant 12 : i32
        %scan3A_294 = arith.addi %scan3A_292, %scan3A_293 : i32
        %scan3A_295 = arith.constant 1 : i32
        %scan3A_296:2 = scf.for %scan3A_339 = %scan3A_292 to %scan3A_294 step %scan3A_295 iter_args(%scan3A_340 = %broadcast_in_dim3A_289, %scan3A_341 = %broadcast_in_dim3A_291) -> (vector<16xi32>, vector<16xi32>)  : i32 {
          %add3A_342 = arith.addi %scan3A_340, %scan3A_341 : vector<16xi32>
          %shift_right_logical3A = arith.constant 1 : i32
          %shift_right_logical3A_343 = vector.broadcast %shift_right_logical3A : i32 to vector<16xi32>
          %shift_right_logical3A_344 = arith.shrui %add3A_342, %shift_right_logical3A_343 : vector<16xi32>
          %gather3A_345 = tpu.vector_load_idx %arg8[%shift_right_logical3A_344] : memref<2064xf32, #tpu.memory_space<vmem>>[vector<16xi32>], vector<16xf32>,
          %lt3A_346 = arith.cmpf olt, %gather3A_345, %mul3A_287 : vector<16xf32>
          %add3A_347 = arith.constant 1 : i32
          %add3A_348 = vector.broadcast %add3A_347 : i32 to vector<16xi32>
          %add3A_349 = arith.addi %shift_right_logical3A_344, %add3A_348 : vector<16xi32>
          %select_n3A_350 = arith.select %lt3A_346, %add3A_349, %scan3A_340 : vector<16xi1>, vector<16xi32>
          %select_n3A_351 = arith.select %lt3A_346, %scan3A_341, %shift_right_logical3A_344 : vector<16xi1>, vector<16xi32>
          scf.yield %select_n3A_350, %select_n3A_351 : vector<16xi32>, vector<16xi32>
        }
        %scan3A_297 = arith.constant 12 : i32
        %sub3A_298 = arith.constant 1 : i32
        %sub3A_299 = vector.broadcast %sub3A_298 : i32 to vector<16xi32>
        %sub3A_300 = arith.subi %scan3A_296#0, %sub3A_299 : vector<16xi32>
        %max3A_301 = arith.constant 0 : i32
        %max3A_302 = vector.broadcast %max3A_301 : i32 to vector<16xi32>
        %max3A_303 = arith.maxsi %sub3A_300, %max3A_302 : vector<16xi32>
        %gather3A_304 = tpu.vector_load_idx %arg8[%max3A_303] : memref<2064xf32, #tpu.memory_space<vmem>>[vector<16xi32>], vector<16xf32>,
        %gt3A_305 = arith.constant 0 : i32
        %gt3A_306 = vector.broadcast %gt3A_305 : i32 to vector<16xi32>
        %gt3A_307 = arith.cmpi sgt, %scan3A_296#0, %gt3A_306 : vector<16xi32>
        %mul3A_308 = arith.mulf %gather3A_304, %div3A_178 : vector<16xf32>
        %jit3A_309 = arith.constant 0.000000e+00 : f32
        %broadcast_in_dim3A_310 = vector.broadcast %jit3A_309 : f32 to vector<16xf32>
        %select_n3A_311 = arith.select %gt3A_307, %mul3A_308, %broadcast_in_dim3A_310 : vector<16xi1>, vector<16xf32>
        %broadcast_in_dim3A_312 = vector.shape_cast %max3A_185 : vector<16xi32> to vector<16x1xi32>
        %gather3A_313 = vector.shape_cast %broadcast_in_dim3A_312 : vector<16x1xi32> to vector<16xi32>
        %gather3A_314 = tpu.dynamic_gather %get3A_286[%gather3A_313] in [0] : vector<16xf32>, vector<16xi32> -> vector<16xf32>
        %eq3A_315 = arith.constant 0 : i32
        %eq3A_316 = vector.broadcast %eq3A_315 : i32 to vector<16xi32>
        %eq3A_317 = arith.cmpi eq, %iota3A_179, %eq3A_316 : vector<16xi32>
        %select_n3A_318 = arith.select %eq3A_317, %gather3A_278, %gather3A_314 : vector<16xi1>, vector<16xf32>
        %mul3A_319 = arith.constant 16 : i32
        %mul3A_320 = arith.muli %add3A_282, %mul3A_319 : i32
        %add3A_321 = vector.broadcast %mul3A_320 : i32 to vector<16xi32>
        %add3A_322 = arith.addi %add3A_321, %iota3A_179 : vector<16xi32>
        %max3A_323 = arith.maximumf %select_n3A_318, %select_n3A_311 : vector<16xf32>
        %sub3A_324 = arith.subf %get3A_286, %max3A_323 : vector<16xf32>
        %min3A_325 = arith.constant 2047 : i32
        %min3A_326 = vector.broadcast %min3A_325 : i32 to vector<16xi32>
        %min3A_327 = arith.minsi %scan3A_296#0, %min3A_326 : vector<16xi32>
        %sub3A_328 = arith.subi %add3A_322, %min3A_327 : vector<16xi32>
        %convert_element_type3A_329 = arith.sitofp %sub3A_328 : vector<16xi32> to vector<16xf32>
        %mul3A_330 = arith.mulf %sub3A_324, %convert_element_type3A_329 : vector<16xf32>
        %mul3A_331 = arith.mulf %mul3A_330, %convert_element_type3A_329 : vector<16xf32>
        %broadcast_in_dim3A_332 = arith.constant 15 : i32
        %broadcast_in_dim3A_333 = vector.broadcast %broadcast_in_dim3A_332 : i32 to vector<16xi32>
        %broadcast_in_dim3A_334 = vector.shape_cast %broadcast_in_dim3A_333 : vector<16xi32> to vector<16x1xi32>
        %gather3A_335 = vector.shape_cast %broadcast_in_dim3A_334 : vector<16x1xi32> to vector<16xi32>
        %gather3A_336 = tpu.dynamic_gather %get3A_286[%gather3A_335] in [0] : vector<16xf32>, vector<16xi32> -> vector<16xf32>
        %add3A_337 = arith.addf %scan3A_225, %mul3A_273 : vector<16xf32>
        %add3A_338 = arith.addf %scan3A_226, %mul3A_331 : vector<16xf32>
        scf.yield %add3A_337, %add3A_338, %gather3A_336 : vector<16xf32>, vector<16xf32>, vector<16xf32>
      }
      %scan3A_193 = arith.constant 64 : i32
      %add3A_194 = arith.addf %scan3A_192#0, %scan3A_192#1 : vector<16xf32>
      %div3A_195 = arith.divf %add3A_194, %scan3A_161 : vector<16xf32>
      %iota3A_196 = tpu.iota {dimensions = array<i32: 0>} : vector<16xi32>
      %sub3A_197 = arith.constant 1 : i32
      %sub3A_198 = vector.broadcast %sub3A_197 : i32 to vector<16xi32>
      %sub3A_199 = arith.subi %iota3A_196, %sub3A_198 : vector<16xi32>
      %max3A_200 = arith.constant 0 : i32
      %max3A_201 = vector.broadcast %max3A_200 : i32 to vector<16xi32>
      %max3A_202 = arith.maxsi %sub3A_199, %max3A_201 : vector<16xi32>
      %broadcast_in_dim3A_203 = arith.constant 0.000000e+00 : f32
      %broadcast_in_dim3A_204 = vector.broadcast %broadcast_in_dim3A_203 : f32 to vector<16xf32>
      %scan3A_205 = arith.constant 0 : i32
      %scan3A_206 = arith.constant 64 : i32
      %scan3A_207 = arith.addi %scan3A_205, %scan3A_206 : i32
      %scan3A_208 = arith.constant 1 : i32
      %scan3A_209:3 = scf.for %scan3A_224 = %scan3A_205 to %scan3A_207 step %scan3A_208 iter_args(%scan3A_225 = %broadcast_in_dim3A_204, %scan3A_226 = %broadcast_in_dim3A_204, %scan3A_227 = %broadcast_in_dim3A_204) -> (vector<16xf32>, vector<16xf32>, vector<16xf32>)  : i32 {
        %mul3A_228 = arith.constant 2 : i32
        %mul3A_229 = arith.muli %mul3A_228, %scan3A_224 : i32
        %mul3A_230 = arith.constant 16 : i32
        %mul3A_231 = arith.muli %mul3A_229, %mul3A_230 : i32
        %get3A = arith.index_cast %mul3A_231 : i32 to index
        %get3A_232 = tpu.vector_load %arg8[%get3A] {strides = array<i32>} : memref<2064xf32, #tpu.memory_space<vmem>>, vector<16xf32>,
        %mul3A_233 = arith.mulf %get3A_232, %div3A_178 : vector<16xf32>
        %broadcast_in_dim3A_234 = arith.constant 0 : i32
        %broadcast_in_dim3A_235 = vector.broadcast %broadcast_in_dim3A_234 : i32 to vector<16xi32>
        %broadcast_in_dim3A_236 = arith.constant 2048 : i32
        %broadcast_in_dim3A_237 = vector.broadcast %broadcast_in_dim3A_236 : i32 to vector<16xi32>
        %scan3A_238 = arith.constant 0 : i32
        %scan3A_239 = arith.constant 12 : i32
        %scan3A_240 = arith.addi %scan3A_238, %scan3A_239 : i32
        %scan3A_241 = arith.constant 1 : i32
        %scan3A_242:2 = scf.for %scan3A_339 = %scan3A_238 to %scan3A_240 step %scan3A_241 iter_args(%scan3A_340 = %broadcast_in_dim3A_235, %scan3A_341 = %broadcast_in_dim3A_237) -> (vector<16xi32>, vector<16xi32>)  : i32 {
          %add3A_342 = arith.addi %scan3A_340, %scan3A_341 : vector<16xi32>
          %shift_right_logical3A = arith.constant 1 : i32
          %shift_right_logical3A_343 = vector.broadcast %shift_right_logical3A : i32 to vector<16xi32>
          %shift_right_logical3A_344 = arith.shrui %add3A_342, %shift_right_logical3A_343 : vector<16xi32>
          %gather3A_345 = tpu.vector_load_idx %arg7[%shift_right_logical3A_344] : memref<2064xf32, #tpu.memory_space<vmem>>[vector<16xi32>], vector<16xf32>,
          %le3A = arith.cmpf ole, %gather3A_345, %mul3A_233 : vector<16xf32>
          %add3A_346 = arith.constant 1 : i32
          %add3A_347 = vector.broadcast %add3A_346 : i32 to vector<16xi32>
          %add3A_348 = arith.addi %shift_right_logical3A_344, %add3A_347 : vector<16xi32>
          %select_n3A_349 = arith.select %le3A, %add3A_348, %scan3A_340 : vector<16xi1>, vector<16xi32>
          %select_n3A_350 = arith.select %le3A, %scan3A_341, %shift_right_logical3A_344 : vector<16xi1>, vector<16xi32>
          scf.yield %select_n3A_349, %select_n3A_350 : vector<16xi32>, vector<16xi32>
        }
        %scan3A_243 = arith.constant 12 : i32
        %sub3A_244 = arith.constant 1 : i32
        %sub3A_245 = vector.broadcast %sub3A_244 : i32 to vector<16xi32>
        %sub3A_246 = arith.subi %scan3A_242#0, %sub3A_245 : vector<16xi32>
        %max3A_247 = arith.constant 0 : i32
        %max3A_248 = vector.broadcast %max3A_247 : i32 to vector<16xi32>
        %max3A_249 = arith.maxsi %sub3A_246, %max3A_248 : vector<16xi32>
        %gather3A = tpu.vector_load_idx %arg7[%max3A_249] : memref<2064xf32, #tpu.memory_space<vmem>>[vector<16xi32>], vector<16xf32>,
        %gt3A = arith.constant 0 : i32
        %gt3A_250 = vector.broadcast %gt3A : i32 to vector<16xi32>
        %gt3A_251 = arith.cmpi sgt, %scan3A_242#0, %gt3A_250 : vector<16xi32>
        %mul3A_252 = arith.mulf %gather3A, %div3A_177 : vector<16xf32>
        %jit3A = arith.constant 0.000000e+00 : f32
        %broadcast_in_dim3A_253 = vector.broadcast %jit3A : f32 to vector<16xf32>
        %select_n3A_254 = arith.select %gt3A_251, %mul3A_252, %broadcast_in_dim3A_253 : vector<16xi1>, vector<16xf32>
        %broadcast_in_dim3A_255 = vector.shape_cast %max3A_202 : vector<16xi32> to vector<16x1xi32>
        %gather3A_256 = vector.shape_cast %broadcast_in_dim3A_255 : vector<16x1xi32> to vector<16xi32>
        %gather3A_257 = tpu.dynamic_gather %get3A_232[%gather3A_256] in [0] : vector<16xf32>, vector<16xi32> -> vector<16xf32>
        %eq3A_258 = arith.constant 0 : i32
        %eq3A_259 = vector.broadcast %eq3A_258 : i32 to vector<16xi32>
        %eq3A_260 = arith.cmpi eq, %iota3A_196, %eq3A_259 : vector<16xi32>
        %select_n3A_261 = arith.select %eq3A_260, %scan3A_227, %gather3A_257 : vector<16xi1>, vector<16xf32>
        %mul3A_262 = arith.constant 16 : i32
        %mul3A_263 = arith.muli %mul3A_229, %mul3A_262 : i32
        %add3A_264 = vector.broadcast %mul3A_263 : i32 to vector<16xi32>
        %add3A_265 = arith.addi %add3A_264, %iota3A_196 : vector<16xi32>
        %max3A_266 = arith.maximumf %select_n3A_261, %select_n3A_254 : vector<16xf32>
        %sub3A_267 = arith.subf %get3A_232, %max3A_266 : vector<16xf32>
        %min3A = arith.constant 2047 : i32
        %min3A_268 = vector.broadcast %min3A : i32 to vector<16xi32>
        %min3A_269 = arith.minsi %scan3A_242#0, %min3A_268 : vector<16xi32>
        %sub3A_270 = arith.subi %add3A_265, %min3A_269 : vector<16xi32>
        %convert_element_type3A_271 = arith.sitofp %sub3A_270 : vector<16xi32> to vector<16xf32>
        %mul3A_272 = arith.mulf %sub3A_267, %convert_element_type3A_271 : vector<16xf32>
        %mul3A_273 = arith.mulf %mul3A_272, %convert_element_type3A_271 : vector<16xf32>
        %broadcast_in_dim3A_274 = arith.constant 15 : i32
        %broadcast_in_dim3A_275 = vector.broadcast %broadcast_in_dim3A_274 : i32 to vector<16xi32>
        %broadcast_in_dim3A_276 = vector.shape_cast %broadcast_in_dim3A_275 : vector<16xi32> to vector<16x1xi32>
        %gather3A_277 = vector.shape_cast %broadcast_in_dim3A_276 : vector<16x1xi32> to vector<16xi32>
        %gather3A_278 = tpu.dynamic_gather %get3A_232[%gather3A_277] in [0] : vector<16xf32>, vector<16xi32> -> vector<16xf32>
        %mul3A_279 = arith.constant 2 : i32
        %mul3A_280 = arith.muli %mul3A_279, %scan3A_224 : i32
        %add3A_281 = arith.constant 1 : i32
        %add3A_282 = arith.addi %mul3A_280, %add3A_281 : i32
        %mul3A_283 = arith.constant 16 : i32
        %mul3A_284 = arith.muli %add3A_282, %mul3A_283 : i32
        %get3A_285 = arith.index_cast %mul3A_284 : i32 to index
        %get3A_286 = tpu.vector_load %arg8[%get3A_285] {strides = array<i32>} : memref<2064xf32, #tpu.memory_space<vmem>>, vector<16xf32>,
        %mul3A_287 = arith.mulf %get3A_286, %div3A_178 : vector<16xf32>
        %broadcast_in_dim3A_288 = arith.constant 0 : i32
        %broadcast_in_dim3A_289 = vector.broadcast %broadcast_in_dim3A_288 : i32 to vector<16xi32>
        %broadcast_in_dim3A_290 = arith.constant 2048 : i32
        %broadcast_in_dim3A_291 = vector.broadcast %broadcast_in_dim3A_290 : i32 to vector<16xi32>
        %scan3A_292 = arith.constant 0 : i32
        %scan3A_293 = arith.constant 12 : i32
        %scan3A_294 = arith.addi %scan3A_292, %scan3A_293 : i32
        %scan3A_295 = arith.constant 1 : i32
        %scan3A_296:2 = scf.for %scan3A_339 = %scan3A_292 to %scan3A_294 step %scan3A_295 iter_args(%scan3A_340 = %broadcast_in_dim3A_289, %scan3A_341 = %broadcast_in_dim3A_291) -> (vector<16xi32>, vector<16xi32>)  : i32 {
          %add3A_342 = arith.addi %scan3A_340, %scan3A_341 : vector<16xi32>
          %shift_right_logical3A = arith.constant 1 : i32
          %shift_right_logical3A_343 = vector.broadcast %shift_right_logical3A : i32 to vector<16xi32>
          %shift_right_logical3A_344 = arith.shrui %add3A_342, %shift_right_logical3A_343 : vector<16xi32>
          %gather3A_345 = tpu.vector_load_idx %arg7[%shift_right_logical3A_344] : memref<2064xf32, #tpu.memory_space<vmem>>[vector<16xi32>], vector<16xf32>,
          %le3A = arith.cmpf ole, %gather3A_345, %mul3A_287 : vector<16xf32>
          %add3A_346 = arith.constant 1 : i32
          %add3A_347 = vector.broadcast %add3A_346 : i32 to vector<16xi32>
          %add3A_348 = arith.addi %shift_right_logical3A_344, %add3A_347 : vector<16xi32>
          %select_n3A_349 = arith.select %le3A, %add3A_348, %scan3A_340 : vector<16xi1>, vector<16xi32>
          %select_n3A_350 = arith.select %le3A, %scan3A_341, %shift_right_logical3A_344 : vector<16xi1>, vector<16xi32>
          scf.yield %select_n3A_349, %select_n3A_350 : vector<16xi32>, vector<16xi32>
        }
        %scan3A_297 = arith.constant 12 : i32
        %sub3A_298 = arith.constant 1 : i32
        %sub3A_299 = vector.broadcast %sub3A_298 : i32 to vector<16xi32>
        %sub3A_300 = arith.subi %scan3A_296#0, %sub3A_299 : vector<16xi32>
        %max3A_301 = arith.constant 0 : i32
        %max3A_302 = vector.broadcast %max3A_301 : i32 to vector<16xi32>
        %max3A_303 = arith.maxsi %sub3A_300, %max3A_302 : vector<16xi32>
        %gather3A_304 = tpu.vector_load_idx %arg7[%max3A_303] : memref<2064xf32, #tpu.memory_space<vmem>>[vector<16xi32>], vector<16xf32>,
        %gt3A_305 = arith.constant 0 : i32
        %gt3A_306 = vector.broadcast %gt3A_305 : i32 to vector<16xi32>
        %gt3A_307 = arith.cmpi sgt, %scan3A_296#0, %gt3A_306 : vector<16xi32>
        %mul3A_308 = arith.mulf %gather3A_304, %div3A_177 : vector<16xf32>
        %jit3A_309 = arith.constant 0.000000e+00 : f32
        %broadcast_in_dim3A_310 = vector.broadcast %jit3A_309 : f32 to vector<16xf32>
        %select_n3A_311 = arith.select %gt3A_307, %mul3A_308, %broadcast_in_dim3A_310 : vector<16xi1>, vector<16xf32>
        %broadcast_in_dim3A_312 = vector.shape_cast %max3A_202 : vector<16xi32> to vector<16x1xi32>
        %gather3A_313 = vector.shape_cast %broadcast_in_dim3A_312 : vector<16x1xi32> to vector<16xi32>
        %gather3A_314 = tpu.dynamic_gather %get3A_286[%gather3A_313] in [0] : vector<16xf32>, vector<16xi32> -> vector<16xf32>
        %eq3A_315 = arith.constant 0 : i32
        %eq3A_316 = vector.broadcast %eq3A_315 : i32 to vector<16xi32>
        %eq3A_317 = arith.cmpi eq, %iota3A_196, %eq3A_316 : vector<16xi32>
        %select_n3A_318 = arith.select %eq3A_317, %gather3A_278, %gather3A_314 : vector<16xi1>, vector<16xf32>
        %mul3A_319 = arith.constant 16 : i32
        %mul3A_320 = arith.muli %add3A_282, %mul3A_319 : i32
        %add3A_321 = vector.broadcast %mul3A_320 : i32 to vector<16xi32>
        %add3A_322 = arith.addi %add3A_321, %iota3A_196 : vector<16xi32>
        %max3A_323 = arith.maximumf %select_n3A_318, %select_n3A_311 : vector<16xf32>
        %sub3A_324 = arith.subf %get3A_286, %max3A_323 : vector<16xf32>
        %min3A_325 = arith.constant 2047 : i32
        %min3A_326 = vector.broadcast %min3A_325 : i32 to vector<16xi32>
        %min3A_327 = arith.minsi %scan3A_296#0, %min3A_326 : vector<16xi32>
        %sub3A_328 = arith.subi %add3A_322, %min3A_327 : vector<16xi32>
        %convert_element_type3A_329 = arith.sitofp %sub3A_328 : vector<16xi32> to vector<16xf32>
        %mul3A_330 = arith.mulf %sub3A_324, %convert_element_type3A_329 : vector<16xf32>
        %mul3A_331 = arith.mulf %mul3A_330, %convert_element_type3A_329 : vector<16xf32>
        %broadcast_in_dim3A_332 = arith.constant 15 : i32
        %broadcast_in_dim3A_333 = vector.broadcast %broadcast_in_dim3A_332 : i32 to vector<16xi32>
        %broadcast_in_dim3A_334 = vector.shape_cast %broadcast_in_dim3A_333 : vector<16xi32> to vector<16x1xi32>
        %gather3A_335 = vector.shape_cast %broadcast_in_dim3A_334 : vector<16x1xi32> to vector<16xi32>
        %gather3A_336 = tpu.dynamic_gather %get3A_286[%gather3A_335] in [0] : vector<16xf32>, vector<16xi32> -> vector<16xf32>
        %add3A_337 = arith.addf %scan3A_225, %mul3A_273 : vector<16xf32>
        %add3A_338 = arith.addf %scan3A_226, %mul3A_331 : vector<16xf32>
        scf.yield %add3A_337, %add3A_338, %gather3A_336 : vector<16xf32>, vector<16xf32>, vector<16xf32>
      }
      %scan3A_210 = arith.constant 64 : i32
      %add3A_211 = arith.addf %scan3A_209#0, %scan3A_209#1 : vector<16xf32>
      %div3A_212 = arith.divf %add3A_211, %scan3A_169 : vector<16xf32>
      %add3A_213 = arith.addf %div3A_195, %div3A_212 : vector<16xf32>
      %reduce_sum3A_214 = arith.constant true
      %reduce_sum3A_215 = vector.broadcast %reduce_sum3A_214 : i1 to vector<16xi1>
      %reduce_sum3A_216 = tpu.scan <sum>, %add3A_213 masked %reduce_sum3A_215 : vector<16xf32>, vector<16xi1> -> vector<16xf32>
      %reduce_sum3A_217 = vector.extract %reduce_sum3A_216[15] : f32 from vector<16xf32>
      %mul3A_218 = arith.constant 9.99999997E-7 : f32
      %mul3A_219 = arith.mulf %reduce_sum3A_217, %mul3A_218 : f32
      %eq3A_220 = vector.broadcast %add3A_36 : i32 to vector<16xi32>
      %eq3A_221 = arith.cmpi eq, %iota3A, %eq3A_220 : vector<16xi32>
      %broadcast_in_dim3A_222 = vector.broadcast %mul3A_219 : f32 to vector<16xf32>
      %select_n3A_223 = arith.select %eq3A_221, %broadcast_in_dim3A_222, %select_n3A : vector<16xi1>, vector<16xf32>
      scf.yield %select_n3A_223 : vector<16xf32>
    }
    %scan3A_27 = arith.constant 4 : i32
    %swap3A = arith.constant 0 : index
    %swap3A_28 = tpu.vector_load %arg9[%swap3A] {strides = array<i32>} : memref<16xf32, #tpu.memory_space<vmem>>, vector<16xf32>,
    tpu.vector_store %arg9[%swap3A], %scan3A_26 {strides = array<i32>} : memref<16xf32, #tpu.memory_space<vmem>>, vector<16xf32>,
    "tpu.region"() ({
      %run_scoped3A = tpu.sem_alloc : memref<!tpu.dma_semaphore, #tpu.memory_space<semaphore_mem>>
      %dma_start3A_29 = arith.constant 0 : i32
      %dma_start3A_30 = tpu.memref_slice %arg4[%add3A, %dma_start3A_29] : memref<32x16xf32, #tpu.memory_space<hbm>> -> memref<1x16xf32, #tpu.memory_space<hbm>>
      %dma_start3A_31 = tpu.memref_squeeze %dma_start3A_30 : memref<1x16xf32, #tpu.memory_space<hbm>> -> memref<16xf32, #tpu.memory_space<hbm>>
      %dma_start3A_32 = arith.constant 0 : i32
      %dma_start3A_33 = tpu.memref_slice %arg4[%add3A, %dma_start3A_32] : memref<32x16xf32, #tpu.memory_space<hbm>> -> memref<1x16xf32, #tpu.memory_space<hbm>>
      %dma_start3A_34 = tpu.memref_squeeze %dma_start3A_33 : memref<1x16xf32, #tpu.memory_space<hbm>> -> memref<16xf32, #tpu.memory_space<hbm>>
      tpu.enqueue_dma source(%arg9 : memref<16xf32, #tpu.memory_space<vmem>>) target(%dma_start3A_34 : memref<16xf32, #tpu.memory_space<hbm>>) target_semaphore(%run_scoped3A : memref<!tpu.dma_semaphore, #tpu.memory_space<semaphore_mem>>)
      %dma_wait3A = arith.constant 0 : i32
      %dma_wait3A_35 = tpu.memref_slice %arg4[%add3A, %dma_wait3A] : memref<32x16xf32, #tpu.memory_space<hbm>> -> memref<1x16xf32, #tpu.memory_space<hbm>>
      %dma_wait3A_36 = tpu.memref_squeeze %dma_wait3A_35 : memref<1x16xf32, #tpu.memory_space<hbm>> -> memref<16xf32, #tpu.memory_space<hbm>>
      %dma_wait3A_37 = arith.constant 0 : i32
      %dma_wait3A_38 = tpu.memref_slice %arg4[%add3A, %dma_wait3A_37] : memref<32x16xf32, #tpu.memory_space<hbm>> -> memref<1x16xf32, #tpu.memory_space<hbm>>
      %dma_wait3A_39 = tpu.memref_squeeze %dma_wait3A_38 : memref<1x16xf32, #tpu.memory_space<hbm>> -> memref<16xf32, #tpu.memory_space<hbm>>
      tpu.wait_dma2 semaphore(%run_scoped3A : memref<!tpu.dma_semaphore, #tpu.memory_space<semaphore_mem>>) src(%arg9 : memref<16xf32, #tpu.memory_space<vmem>>) dst(%dma_wait3A_39 : memref<16xf32, #tpu.memory_space<hbm>>)
      tpu.yield
    }) : () -> ()
    return
  }
}

module attributes {stable_mosaic.version = 14 : i64} {
  func.func @_prep_body(%arg0: memref<4x2048x64xf32, #tpu.memory_space<vmem>>, %arg1: memref<4x2048x64xf32, #tpu.memory_space<vmem>>, %arg2: memref<4x64x2048xf32, #tpu.memory_space<vmem>>, %arg3: memref<4x64x2048xf32, #tpu.memory_space<vmem>>) attributes {dimension_semantics = [], scalar_prefetch = 0 : i64, scratch_operands = 0 : i64, tpu.core_type = #tpu.core_type<tc>} {
    %get3A = arith.constant 0 : index
    %get3A_0 = arith.constant 0 : index
    %get3A_1 = arith.constant 0 : index
    %get3A_2 = vector.load %arg0[%get3A, %get3A_0, %get3A_1] : memref<4x2048x64xf32, #tpu.memory_space<vmem>>, vector<4x2048x64xf32>
    %reduce_min3A = vector.shape_cast %get3A_2 : vector<4x2048x64xf32> to vector<1x4x2048x64xf32>
    %reduce_min3A_3 = arith.constant dense<0x7F800000> : vector<1xf32>
    %reduce_min3A_4 = vector.multi_reduction <minimumf>, %reduce_min3A, %reduce_min3A_3 [1, 2, 3] : vector<1x4x2048x64xf32> to vector<1xf32>
    %reduce_min3A_5 = vector.shape_cast %reduce_min3A_4 : vector<1xf32> to vector<1x1x1x1xf32>
    %reduce_min3A_6 = vector.extract %reduce_min3A_5[0, 0, 0, 0] : f32 from vector<1x1x1x1xf32>
    %get3A_7 = arith.constant 0 : index
    %get3A_8 = arith.constant 0 : index
    %get3A_9 = arith.constant 0 : index
    %get3A_10 = vector.load %arg1[%get3A_7, %get3A_8, %get3A_9] : memref<4x2048x64xf32, #tpu.memory_space<vmem>>, vector<4x2048x64xf32>
    %reduce_min3A_11 = vector.shape_cast %get3A_10 : vector<4x2048x64xf32> to vector<1x4x2048x64xf32>
    %reduce_min3A_12 = arith.constant dense<0x7F800000> : vector<1xf32>
    %reduce_min3A_13 = vector.multi_reduction <minimumf>, %reduce_min3A_11, %reduce_min3A_12 [1, 2, 3] : vector<1x4x2048x64xf32> to vector<1xf32>
    %reduce_min3A_14 = vector.shape_cast %reduce_min3A_13 : vector<1xf32> to vector<1x1x1x1xf32>
    %reduce_min3A_15 = vector.extract %reduce_min3A_14[0, 0, 0, 0] : f32 from vector<1x1x1x1xf32>
    %min3A = arith.minimumf %reduce_min3A_6, %reduce_min3A_15 : f32
    %get3A_16 = arith.constant 0 : index
    %get3A_17 = arith.constant 0 : index
    %get3A_18 = arith.constant 0 : index
    %get3A_19 = vector.load %arg0[%get3A_16, %get3A_17, %get3A_18] : memref<4x2048x64xf32, #tpu.memory_space<vmem>>, vector<4x2048x64xf32>
    %transpose3A = tpu.transpose %get3A_19, [0, 2, 1] : vector<4x2048x64xf32> -> vector<4x64x2048xf32>
    %sub3A = vector.broadcast %min3A : f32 to vector<4x64x2048xf32>
    %sub3A_20 = arith.subf %transpose3A, %sub3A : vector<4x64x2048xf32>
    %add3A = arith.constant 9.99999993E-9 : f32
    %add3A_21 = vector.broadcast %add3A : f32 to vector<4x64x2048xf32>
    %add3A_22 = arith.addf %sub3A_20, %add3A_21 : vector<4x64x2048xf32>
    %swap3A = arith.constant 0 : index
    %swap3A_23 = arith.constant 0 : index
    %swap3A_24 = arith.constant 0 : index
    %swap3A_25 = vector.load %arg2[%swap3A, %swap3A_23, %swap3A_24] : memref<4x64x2048xf32, #tpu.memory_space<vmem>>, vector<4x64x2048xf32>
    tpu.vector_store %arg2[%swap3A, %swap3A_23, %swap3A_24], %add3A_22 {strides = array<i32>} : memref<4x64x2048xf32, #tpu.memory_space<vmem>>, vector<4x64x2048xf32>,
    %get3A_26 = arith.constant 0 : index
    %get3A_27 = arith.constant 0 : index
    %get3A_28 = arith.constant 0 : index
    %get3A_29 = vector.load %arg1[%get3A_26, %get3A_27, %get3A_28] : memref<4x2048x64xf32, #tpu.memory_space<vmem>>, vector<4x2048x64xf32>
    %transpose3A_30 = tpu.transpose %get3A_29, [0, 2, 1] : vector<4x2048x64xf32> -> vector<4x64x2048xf32>
    %sub3A_31 = vector.broadcast %min3A : f32 to vector<4x64x2048xf32>
    %sub3A_32 = arith.subf %transpose3A_30, %sub3A_31 : vector<4x64x2048xf32>
    %add3A_33 = arith.constant 9.99999993E-9 : f32
    %add3A_34 = vector.broadcast %add3A_33 : f32 to vector<4x64x2048xf32>
    %add3A_35 = arith.addf %sub3A_32, %add3A_34 : vector<4x64x2048xf32>
    %swap3A_36 = arith.constant 0 : index
    %swap3A_37 = arith.constant 0 : index
    %swap3A_38 = arith.constant 0 : index
    %swap3A_39 = vector.load %arg3[%swap3A_36, %swap3A_37, %swap3A_38] : memref<4x64x2048xf32, #tpu.memory_space<vmem>>, vector<4x64x2048xf32>
    tpu.vector_store %arg3[%swap3A_36, %swap3A_37, %swap3A_38], %add3A_35 {strides = array<i32>} : memref<4x64x2048xf32, #tpu.memory_space<vmem>>, vector<4x64x2048xf32>,
    return
  }
}

module attributes {stable_mosaic.version = 14 : i64} {
  func.func @_sum_body(%arg0: memref<4x128xf32, #tpu.memory_space<vmem>>, %arg1: memref<1x1xf32, #tpu.memory_space<vmem>>) attributes {dimension_semantics = [], scalar_prefetch = 0 : i64, scratch_operands = 0 : i64, tpu.core_type = #tpu.core_type<tc>} {
    %get3A = arith.constant 0 : index
    %get3A_0 = arith.constant 0 : index
    %get3A_1 = vector.load %arg0[%get3A, %get3A_0] : memref<4x128xf32, #tpu.memory_space<vmem>>, vector<4x128xf32>
    %reduce_sum3A = vector.shape_cast %get3A_1 : vector<4x128xf32> to vector<1x4x128xf32>
    %reduce_sum3A_2 = arith.constant dense<0.000000e+00> : vector<1xf32>
    %reduce_sum3A_3 = vector.multi_reduction <add>, %reduce_sum3A, %reduce_sum3A_2 [1, 2] : vector<1x4x128xf32> to vector<1xf32>
    %reduce_sum3A_4 = vector.shape_cast %reduce_sum3A_3 : vector<1xf32> to vector<1x1x1xf32>
    %reduce_sum3A_5 = vector.extract %reduce_sum3A_4[0, 0, 0] : f32 from vector<1x1x1xf32>
    %broadcast_in_dim3A = vector.broadcast %reduce_sum3A_5 : f32 to vector<1x1xf32>
    %swap3A = arith.constant 0 : index
    %swap3A_6 = arith.constant 0 : index
    %swap3A_7 = vector.load %arg1[%swap3A, %swap3A_6] : memref<1x1xf32, #tpu.memory_space<vmem>>, vector<1x1xf32>
    tpu.vector_store %arg1[%swap3A, %swap3A_6], %broadcast_in_dim3A {strides = array<i32>} : memref<1x1xf32, #tpu.memory_space<vmem>>, vector<1x1xf32>,
    return
  }
}

</mosaic_0001>

<sc_bundles>
// kernel: kernel.5.cloned.1.call-start
scs
__scs_entry_jumppad:
0x0: {  	(pc) =	sbr.rel $0x88, $3  }
0x1: {  	(tag) =	ssettag $0x0;
	lr =	simm.s32 $0x1  }
0x2: {  	[smem:$0x3F9F] =	sst lr;
	_ =	strace $0xD0000000  }
0x3: {  	_ = 	snop  }
0x4: {  	_ = 	snop  }
0x5: {  	_ = 	snop  }
0x6: {  	_ = 	snop  }
0x7: {  	_ = 	snop  }
__scs_overlays_trampoline_lowered:
0x8: {  	[smem:$0x3FAE] =	sst s0  }
0x9: {  	[smem:$0x3FAF] =	sst s1  }
0xa: {  	[smem:$0x3FB0] =	sst s2  }
0xb: {  	[smem:$0x3FB1] =	sst s3  }
0xc: {  	[smem:$0x3FB2] =	sst s4  }
0xd: {  	[smem:$0x3FB3] =	sst s5  }
0xe: {  	[smem:$0x3FB4] =	sst s6  }
0xf: {  	[smem:$0x3FB5] =	sst s7  }
0x10: {  	[smem:$0x3FB6] =	sst s8  }
0x11: {  	[smem:$0x3FB7] =	sst s9;
	s0 =	simm.s32 @!p0 $0x0  }
0x12: {  	s1 =	sld [smem:$0x3F9D];
	s0 =	simm.s32 @p0 $0x1  }
0x13: {  	[smem:$0x3FB8] =	sst s0;
	s0 =	simm.s32 @!p1 $0x0  }
0x14: {  	s2 =	sld [smem:$0x3F9C];
	s0 =	simm.s32 @p1 $0x1  }
0x15: {  	[smem:$0x3FB9] =	sst s0;
	s0 =	simm.s32 @!p2 $0x0  }
0x16: {  	s3 =	sld [smem:$0x3FDB];
	s0 =	simm.s32 @p2 $0x1  }
0x17: {  	s4 =	simm.s32 $0x1BF5;
	[smem:$0x3FBB] =	sst s0  }
0x18: {  	s0 =	sld [smem:$0x3F9E];
	_ =	swait.ge [sflag:s4], $0x0  }
0x19: {  	s7 =	sld [smem:$0x3F9F]  }
0x1a: {  	s8 =	sadd.s32 $0xFFFFE003, lr  }
0x1b: {  	s9 =	sadd.s32 $0xFFFFFEF7, lr;
	s5 =	simm.s32 $0xFFFFFFFF;
	p2 =	slt.u32 s8, $0xFFFFF086  }
0x1c: {  	p1 =	slt.u32 s9, $0xF7A;
	s5 =	simm.s32 @!p2 $0x0  }
0x1d: {  	s5 =	simm.s32 @p1 $0x1;
	p0 =	seq.s32 s7, s2  }
0x1e: {  	s7 =	smul.u32 @!p0 $0xF7A, s2;
	p2 =	seq.s32 @!p0 s5, $0x0  }
0x1f: {  	s9 =	smul.u32 $0xF7A, s1;
	s8 =	simm.s32 @!p0 $0x1BF5;
	p2 =	por !p2, p0  }
0x20: {  	[sflag:s8] =	ssyncset.s32 @!p0 $0xFFFFF086;
	s6 =	sadd.s32 @!p0 s3, s7;
	s7 =	simm.s32 @!p0 $0x108  }
0x21: {  	s3 =	sadd.s32 s3, s9;
	s6 =	sadd.s32 @!p0 $0x88, s6;
	s7 =	simm.s32 @p2 $0x1082  }
0x22: {  	[simem:s7], [sflag:s8] =	dma.local @!p0 [hbm:s6], $0xF7A  }
0x23: {  	s9 =	sor.u32 $0xD0000000, s2;
	s6 =	simm.s32 $0x108;
	_ =	swait.ge @!p0 [sflag:s8], $0x0  }
0x24: {  	s3 =	sadd.s32 $0x88, s3;
	s6 =	simm.s32 @!p1 $0x1082;
	[sflag:s4] =	ssyncset.s32 $0xFFFFF086  }
0x25: {  	[simem:s6], [sflag:s4] =	dma.local [hbm:s3], $0xF7A  }
0x26: {  	[smem:$0x3F9F] =	sst s1;
	(tag) =	ssettag s2;
	_ =	strace s9  }
0x27: {  	s1 =	sld [smem:$0x3FAF]  }
0x28: {  	s2 =	sld [smem:$0x3FB0]  }
0x29: {  	s4 =	sld [smem:$0x3FB2]  }
0x2a: {  	p0 =	seq.s32 s5, $0x0;
	s5 =	sld [smem:$0x3FB3]  }
0x2b: {  	s6 =	sld [smem:$0x3FB4]  }
0x2c: {  	s7 =	sld [smem:$0x3FB5]  }
0x2d: {  	s3 =	simm.s32 $0x108;
	s8 =	sld [smem:$0x3FB6]  }
0x2e: {  	s3 =	simm.s32 @!p0 $0x1082;
	s9 =	sld [smem:$0x3FB7]  }
0x2f: {  	lr =	sadd.s32 s0, s3;
	s0 =	sld [smem:$0x3FAE]  }
0x30: {  	s3 =	sld [smem:$0x3FB1]  }
0x31: {  	[smem:$0x3FBA] =	sst s10  }
0x32: {  	s10 =	sld [smem:$0x3FB8];
	_ =	sdelay $0x3  }
0x33: {  	p0 =	seq.s32 s10, $0x1;
	s10 =	sld [smem:$0x3FBA];
	_ =	sdelay $0x3  }
0x34: {  	[smem:$0x3FBA] =	sst s10  }
0x35: {  	s10 =	sld [smem:$0x3FB9];
	_ =	sdelay $0x3  }
0x36: {  	p1 =	seq.s32 s10, $0x1;
	s10 =	sld [smem:$0x3FBA];
	_ =	sdelay $0x3  }
0x37: {  	[smem:$0x3FBA] =	sst s10  }
0x38: {  	s10 =	sld [smem:$0x3FBB]  }
0x39: {  	_ = 	snop;
	(pc) =	sbr.ind lr, $3  }
0x3a: {  	_ = 	snop  }
0x3b: {  	_ = 	snop  }
0x3c: {  	p2 =	seq.s32 s10, $0x1;
	s10 =	sld [smem:$0x3FBA]  }
0x3d: {  	_ =	shalt  }
0x3e: {  	_ =	shalt  }
0x3f: {  	_ =	shalt  }
0x40: {  	_ =	shalt  }
0x41: {  	_ =	shalt  }
0x42: {  	_ =	shalt  }
0x43: {  	_ =	shalt  }
0x44: {  	_ =	shalt  }
0x45: {  	_ =	shalt  }
0x46: {  	_ =	shalt  }
0x47: {  	_ =	shalt  }
0x48: {  	_ =	shalt  }
0x49: {  	_ =	shalt  }
0x4a: {  	_ =	shalt  }
0x4b: {  	_ =	shalt  }
0x4c: {  	_ =	shalt  }
0x4d: {  	_ =	shalt  }
0x4e: {  	_ =	shalt  }
0x4f: {  	_ =	shalt  }
0x50: {  	_ =	shalt  }
0x51: {  	_ =	shalt  }
0x52: {  	_ =	shalt  }
0x53: {  	_ =	shalt  }
0x54: {  	_ =	shalt  }
0x55: {  	_ =	shalt  }
0x56: {  	_ =	shalt  }
0x57: {  	_ =	shalt  }
0x58: {  	_ =	shalt  }
0x59: {  	_ =	shalt  }
0x5a: {  	_ =	shalt  }
0x5b: {  	_ =	shalt  }
0x5c: {  	_ =	shalt  }
0x5d: {  	_ =	shalt  }
0x5e: {  	_ =	shalt  }
0x5f: {  	_ =	shalt  }
0x60: {  	_ =	shalt  }
0x61: {  	_ =	shalt  }
0x62: {  	_ =	shalt  }
0x63: {  	_ =	shalt  }
0x64: {  	_ =	shalt  }
0x65: {  	_ =	shalt  }
0x66: {  	_ =	shalt  }
0x67: {  	_ =	shalt  }
0x68: {  	_ =	shalt  }
0x69: {  	_ =	shalt  }
0x6a: {  	_ =	shalt  }
0x6b: {  	_ =	shalt  }
0x6c: {  	_ =	shalt  }
0x6d: {  	_ =	shalt  }
0x6e: {  	_ =	shalt  }
0x6f: {  	_ =	shalt  }
0x70: {  	_ =	shalt  }
0x71: {  	_ =	shalt  }
0x72: {  	_ =	shalt  }
0x73: {  	_ =	shalt  }
0x74: {  	_ =	shalt  }
0x75: {  	_ =	shalt  }
0x76: {  	_ =	shalt  }
0x77: {  	_ =	shalt  }
0x78: {  	_ =	shalt  }
0x79: {  	_ =	shalt  }
0x7a: {  	_ =	shalt  }
0x7b: {  	_ =	shalt  }
0x7c: {  	_ =	shalt  }
0x7d: {  	_ =	shalt  }
0x7e: {  	_ =	shalt  }
0x7f: {  	_ =	shalt  }
0x80: {  	_ =	shalt  }
0x81: {  	_ =	shalt  }
0x82: {  	_ =	shalt  }
0x83: {  	_ =	shalt  }
0x84: {  	_ =	shalt  }
0x85: {  	_ =	shalt  }
0x86: {  	_ =	shalt  }
0x87: {  	_ =	shalt  }
.Lfunc_end0:
.L_simem_size_0:
called_computation_lowered:
.L_overlay_start_0:
0x88: {  	s2 =	sld [smem:$0x3FD9]  }
0x89: {  	s3 =	sld [smem:$0x3FFE];
	_ =	sdelay $0x1  }
0x8a: {  	s1 =	srdreg.scid  }
0x8b: {  	s0 =	sand.u32 $0x1, s1  }
0x8c: {  	s16 =	sshll.u32 s0, $0xA;
	s2 =	sadd.s32 s3, s2  }
0x8d: {  	s2 =	sadd.s32 s2, s16  }
0x8e: {  	[smem:$0x3FC6] =	sst s2  }
0x8f: {  	_ = 	snop  }
0x90: {  	(tm) =	ssettm $0x1  }
0x91: {  	s17 =	sld [smem:$0x3FFB];
	_ =	sdelay $0x3  }
0x92: {  	_ =	strace s17  }
0x93: {  	s2 =	sld [smem:$0x3FFC];
	_ =	sdelay $0x3  }
0x94: {  	_ =	strace s2  }
0x95: {  	s2 =	sld [smem:$0x3FFD];
	_ =	sdelay $0x3  }
0x96: {  	_ =	strace s2  }
0x97: {  	_ =	strace $0x8FFFFFFF  }
0x98: {  	s18 =	sld [smem:$0x3FDB];
	_ =	sdelay $0x1  }
0x99: {  	s19 =	simm.s32 $_scs_section_size  }
0x9a: {  	s4 =	simm.s32 $_size__tile_overlayer_lowered;
	s5 =	simm.s32 $_tile_overlayer_lowered  }
0x9b: {  	s22 =	simm.s32 $0x1BFF;
	s21 =	sshll.u32 s5, $0x1;
	s2 =	sadd.s32 s19, s18  }
0x9c: {  	s6 =	simm.s32 $0x0;
	s20 =	sshll.u32 s4, $0x1;
	s4 =	sadd.s32 s21, s2  }
0x9d: {  	[timem:s6], [sflag:s22] =	dma.local [hbm:s4], s20  }
0x9e: {  	_ =	swait.ge [sflag:s22], s20  }
0x9f: {  	s3 =	ssub.s32 $0x0, s20;
	[sflag:s22] =	ssyncset.done $0x0  }
0xa0: {  	[sflag:s22] =	ssyncadd.s32 s3;
	_ =	sdelay $0x1  }
0xa1: {  	s23 =	simm.s32 $0x1B8B  }
0xa2: {  	_ =	swait.ge [sflag:s23], $0x1  }
0xa3: {  	[sflag:s23] =	ssyncset.done $0x0  }
0xa4: {  	s25 =	simm.s32 $0x1B8E;
	s24 =	sld [smem:$0x3FFE];
	[sflag:s23] =	ssyncadd.s32 $0xFFFFFFFF  }
0xa5: {  	s26 =	simm.s32 $execute0_lowered;
	[smem:$0x3FD2] =	sst s25  }
0xa6: {  	s4 =	sshll.u32 s26, $0x1;
	_ =	strace $0x80000046;
	[dreg:$0x1] =	wrdreg $0xFFFFFFFF  }
0xa7: {  	s28 =	simm.s32 $_size_execute0_lowered;
	s2 =	sadd.s32 s2, s4;
	[dreg:$0x0] =	wrdreg $0x0  }
0xa8: {  	s4 =	sshll.u32 s28, $0x1;
	[dreg:$0x2] =	wrdreg s2  }
0xa9: {  	[dreg:$0x3] =	wrdreg s4  }
0xaa: {  	[dreg:$0x4] =	wrdreg $0xC0  }
0xab: {  	_ =	task [dreg:s6], $0x5FFFF  }
0xac: {  	[dreg:$0x1] =	wrdreg $0xFFFFFFFF  }
0xad: {  	[dreg:$0x0] =	wrdreg $0x60  }
0xae: {  	[dreg:$0x2] =	wrdreg s24  }
0xaf: {  	[dreg:$0x3] =	wrdreg $0x9  }
0xb0: {  	_ =	task.clear_ibuf [dreg:s6], $0x4FFFF;
	_ =	strace $0x90000046  }
0xb1: {  	s29 =	simm.s32 $0x9;
	_ =	strace $0x80000048  }
0xb2: {  	_ =	swait.ge [sflag:s29], $0x1  }
0xb3: {  	[sflag:s29] =	ssyncadd.s32 $0xFFFFFFFF  }
0xb4: {  	_ =	strace $0x90000048  }
0xb5: {  	_ =	sfence  }
0xb6: {  	s30 =	sld [smem:$0x0];
	_ =	sdelay $0x2  }
0xb7: {  	s31 =	sshll.u32 s1, $0xD;
	s1 =	sshrl.u32 s1, $0x2  }
0xb8: {  	s3 =	sand.u32 $0x4000, s31;
	s1 =	sadd.s32 s1, s30  }
0xb9: {  	s0 =	sor.u32 s3, s0;
	s1 =	sshll.u32 s1, $0x11  }
0xba: {  	s0 =	sor.u32 s1, s0  }
0xbb: {  	s0 =	sadd.s32 $0x8F2B, s0  }
0xbc: {  	[sflag:s0] =	ssyncadd.remote.s32 $0x1  }
0xbd: {  	_ =	sfence.sel $0xFFFF  }
0xbe: {  	[dreg:$0x0] =	wrdreg $0xFFFFFFFF;
	(pc) =	sbr.abs _section_cstart, $3  }
0xbf: {  	[dreg:$0x1] =	wrdreg $0xFFFFFFFF  }
0xc0: {  	_ =	task.clear_ibuf [dreg:s6], $0x2FFFF;
	_ =	strace $0x9FFFFFFF  }
0xc1: {  	(tm) =	ssettm $0x7FFFFFFF  }
tec
execute0_lowered:
.L_overlay_start_1:
0x0: {  	(tag) =	ssettag $0x1  }
0x1: {  	s0 =	rddreg [dreg:$0x0]  }
0x2: {  	s2 =	simm.s32 $0x0;
	s3 =	srdreg.scid;
	s1 =	stileid.u32  }
0x3: {  	s11 =	simm.s32 $0x880;
	s12 =	simm.s32 $0x1100;
	s13 =	simm.s32 $0x1980  }
0x4: {  	v0 =	vimm.s32 $0xEDCBA987;
	s14 =	simm.s32 $0x1;
	s15 =	simm.s32 $0x2;
	s16 =	simm.s32 $0x2200  }
0x5: {  	s17 =	simm.s32 $0x3;
	s18 =	simm.s32 $0x0;
	[smem:$0x7FF] =	sst s2;
	v2 =	vunpack.c.l.s4.s8 v0  }
0x6: {  	v1 =	vimm.s32 $0x65432100;
	s5 =	sand.u32 $0x1, s3;
	s4 =	sshll.u32 s1, $0x1;
	s3 =	sadd.s32 $0x800, s0  }
0x7: {  	v4 =	vunpack.c.l.s4.s8 v1;
	_ =	strace $0x80000047;
	s6 =	sor.u32 s5, s4;
	s5 =	ssub.s32 $0x2, s5;
	v6 =	vunpack.c.0.s8.s32 v2;
	v2 =	vimm.s32 $0x400  }
0x8: {  	s4 =	sadd.s32 $0x10800, s0;
	s7 =	sshll.u32 s6, $0x4;
	s31 =	sshrl.u32 s5, $0x1  }
0x9: {  	v3 =	vimm.s32 $0x0;
	v5 =	vimm.s32 $0x1;
	s8 =	sshll.u32 s6, $0xB;
	v7 =	vunpack.c.0.s8.s32 v4;
	s0 =	sadd.s32 s7, s0;
	s10 =	ssub.s32 s5, s31  }
0xa: {  	vm0 =	vmmov $0x1;
	v0 =	vimm.s32 $0xF;
	s5 =	sshll.u32 s6, $0x3;
	s6 =	sadd.s32 s3, s8;
	s7 =	sadd.s32 s4, s8;
	v6 =	vand.u32 $0xF, v6  }
0xb: {  	v4 =	vimm.s32 $0x200;
	s8 =	sor.u32 $0x2, s5;
	s9 =	sadd.s32 $0x20800, s0;
	s10 =	smax.u32 s10, $0x1;
	v6 =	vcombine.low v7, v6;
	v7 =	vlaneseq.u32  }
.LBB2_1:
0xc: {  	[tilespmem:s2], [sflag:$0x1] =	stream.linear.gather [hbm4b:s6+s2], $0x800, $0x38;
	[tilespmem:$0x2280] =	vst v63  }
0xd: {  	s19 =	simm.s32 $0x0  }
0xe: {  	v1 =	vimm.f32 $0.0e+00;
	[tilespmem:s11], [sflag:$0x1] =	stream.linear.gather [hbm4b:s7+s2], $0x800, $0x38;
	[tilespmem:$0x2280] =	vst v63  }
.LBB2_2:
0xf: {  	s20 =	sshllo.u32 s19, $0x1  }
0x10: {  	s0 =	sadd.s32 s5, s20  }
0x11: {  	s0 =	sshll.u32 s0, $0x8  }
0x12: {  	s0 =	sand.u32 $0x1FFFFF00, s0  }
0x13: {  	s22 =	simm.s32 $0x0;
	s21 =	sadd.s32 s3, s0  }
0x14: {  	[tilespmem:s12], [sflag:$0x2] =	stream.linear.gather [hbm4b:s21+s22], $0x800, $0x38;
	[tilespmem:$0x2280] =	vst v63  }
0x15: {  	s0 =	sadd.s32 s4, s0  }
0x16: {  	[tilespmem:s13], [sflag:$0x2] =	stream.linear.gather [hbm4b:s0+s22], $0x800, $0x38;
	[tilespmem:$0x2280] =	vst v63  }
0x17: {  	_ =	swait.ge [sflag:s14], $0x800  }
0x18: {  	[sflag:s14] =	ssyncset.done $0x0  }
0x19: {  	[sflag:s14] =	ssyncadd.s32 $0xFFFFF800  }
0x1a: {  	_ =	swait.ge [sflag:s14], $0x800  }
0x1b: {  	[sflag:s14] =	ssyncset.done $0x0  }
0x1c: {  	s0 =	simm.s32 $0x0;
	[sflag:s14] =	ssyncadd.s32 $0xFFFFF800  }
0x1d: {  	v9 =	vld [tilespmem:s0+$0x0];
	_ =	sdelay $0x3  }
0x1e: {  	v10 =	vld [tilespmem:s0+$0x10]  }
0x1f: {  	(xrf2) =	vadd.scan.msk.f32 $0xffff, v9;
	_ =	sdelay $0x3  }
0x20: {  	(xrf2) =	vadd.scan.msk.f32 $0xffff, v10;
	_ =	sdelay $0x3  }
0x21: {  	s24 =	simm.s32 $0x100;
	s25 =	simm.s32 $0x80  }
0x22: {  	s23 =	simm.s32 $0x0;
	s21 =	sshll.u32 s19, $0x1;
	s22 =	simm.s32 $0x80;
	v9 =	vimm.f32 $0.0e+00  }
.LBB2_3:
0x23: {  	p0 =	sne.s32 s24, $0x1F80;
	v10, _, _ =	vpop (xrf2)  }
0x24: {  	v8 =	vadd.f32 v10, v9;
	_ =	sdelay $0x1  }
0x25: {  	s26 =	sshra.s32 s25, $0x2;
	s25 =	smov.u32 s24;
	v10 =	vperm.xlane v8, v0;
	[tilespmem:s23+$0x0] =	vst v8  }
0x26: {  	v11 =	vld [tilespmem:s26+$0x0];
	v9, _, _ =	vpop (xrf2)  }
0x27: {  	v9 =	vadd.f32 v9, v10;
	_ =	sdelay $0x1  }
0x28: {  	[tilespmem:s23+$0x10] =	vst v9;
	v9 =	vperm.xlane v9, v0;
	s23 =	smov.u32 s26  }
0x29: {  	v10 =	vld [tilespmem:s23+$0x10]  }
0x2a: {  	(xrf2) =	vadd.scan.msk.f32 $0xffff, v11;
	_ =	sdelay $0x3  }
0x2b: {  	(xrf2) =	vadd.scan.msk.f32 $0xffff, v10  }
.Ltmp0:
0x2c: {  	(pc) =	sbr.rel @p0 .LBB2_3-.Ltmp0, $2  }
0x2d: {  	_ =	sdelay $0x2  }
0x2e: {  	s24 =	sadd.s32 $0x80, s24  }
0x2f: {  	v10, _, _ =	vpop (xrf2)  }
0x30: {  	v9 =	vadd.f32 v10, v9;
	_ =	sdelay $0x1  }
0x31: {  	s24 =	sshra.s32 s25, $0x2;
	v10 =	vperm.xlane v9, v0;
	[tilespmem:s23+$0x0] =	vst v9  }
0x32: {  	v9 =	vld [tilespmem:s24+$0x0];
	v11, _, _ =	vpop (xrf2)  }
0x33: {  	v10 =	vadd.f32 v11, v10;
	_ =	sdelay $0x1  }
0x34: {  	[tilespmem:s23+$0x10] =	vst v10  }
0x35: {  	v11 =	vld [tilespmem:s24+$0x10]  }
0x36: {  	(xrf2) =	vadd.scan.msk.f32 $0xffff, v9;
	_ =	sdelay $0x3  }
0x37: {  	(xrf2) =	vadd.scan.msk.f32 $0xffff, v11;
	_ =	sdelay $0x4  }
0x38: {  	v9 =	vperm.xlane v10, v0  }
0x39: {  	v10, _, _ =	vpop (xrf2)  }
0x3a: {  	v9 =	vadd.f32 v10, v9;
	_ =	sdelay $0x1  }
0x3b: {  	v10 =	vperm.xlane v9, v0  }
0x3c: {  	v11, _, _ =	vpop (xrf2)  }
0x3d: {  	v10 =	vadd.f32 v11, v10  }
0x3e: {  	[tilespmem:s24+$0x0] =	vst v9  }
0x3f: {  	[tilespmem:s24+$0x10] =	vst v10  }
0x40: {  	v9 =	vld [tilespmem:s0+$0x880];
	_ =	sdelay $0x3  }
0x41: {  	v11 =	vld [tilespmem:s0+$0x890]  }
0x42: {  	(xrf2) =	vadd.scan.msk.f32 $0xffff, v9;
	_ =	sdelay $0x3  }
0x43: {  	(xrf2) =	vadd.scan.msk.f32 $0xffff, v11;
	_ =	sdelay $0x4  }
0x44: {  	[tilespmem:$0x1FFF0] =	vst v1;
	s23 =	simm.s32 $0x100;
	v12 =	vperm.xlane v10, v0;
	v9 =	vimm.f32 $0.0e+00  }
.LBB2_5:
0x45: {  	p0 =	sne.s32 s23, $0x1F80;
	v10, _, _ =	vpop (xrf2)  }
0x46: {  	v1 =	vadd.f32 v10, v9;
	_ =	sdelay $0x1  }
0x47: {  	s24 =	sshra.s32 s22, $0x2;
	s22 =	smov.u32 s23;
	v10 =	vperm.xlane v1, v0;
	[tilespmem:s0+$0x880] =	vst v1  }
0x48: {  	v11 =	vld [tilespmem:s24+$0x880];
	v9, _, _ =	vpop (xrf2)  }
0x49: {  	v9 =	vadd.f32 v9, v10;
	_ =	sdelay $0x1  }
0x4a: {  	[tilespmem:s0+$0x890] =	vst v9;
	v9 =	vperm.xlane v9, v0;
	s0 =	smov.u32 s24  }
0x4b: {  	v10 =	vld [tilespmem:s0+$0x890]  }
0x4c: {  	(xrf2) =	vadd.scan.msk.f32 $0xffff, v11;
	_ =	sdelay $0x3  }
0x4d: {  	(xrf2) =	vadd.scan.msk.f32 $0xffff, v10  }
.Ltmp1:
0x4e: {  	(pc) =	sbr.rel @p0 .LBB2_5-.Ltmp1, $2  }
0x4f: {  	_ =	sdelay $0x2  }
0x50: {  	s23 =	sadd.s32 $0x80, s23  }
0x51: {  	v10, _, _ =	vpop (xrf2)  }
0x52: {  	v9 =	vadd.f32 v10, v9;
	_ =	sdelay $0x1  }
0x53: {  	s22 =	sshra.s32 s22, $0x2;
	v10 =	vperm.xlane v9, v0;
	[tilespmem:s0+$0x880] =	vst v9  }
0x54: {  	v9 =	vld [tilespmem:s22+$0x880];
	v11, _, _ =	vpop (xrf2)  }
0x55: {  	v10 =	vadd.f32 v11, v10;
	_ =	sdelay $0x1  }
0x56: {  	[tilespmem:s0+$0x890] =	vst v10  }
0x57: {  	v11 =	vld [tilespmem:s22+$0x890]  }
0x58: {  	(xrf2) =	vadd.scan.msk.f32 $0xffff, v9;
	_ =	sdelay $0x3  }
0x59: {  	(xrf2) =	vadd.scan.msk.f32 $0xffff, v11;
	_ =	sdelay $0x4  }
0x5a: {  	v9 =	vperm.xlane v10, v0  }
0x5b: {  	v10, _, _ =	vpop (xrf2)  }
0x5c: {  	v9 =	vadd.f32 v10, v9;
	_ =	sdelay $0x1  }
0x5d: {  	(erf) = vrcp.f32 v12;
	v10 =	vperm.xlane v9, v0  }
0x5e: {  	v11, _, _ =	vpop (xrf2)  }
0x5f: {  	v10 =	vadd.f32 v11, v10  }
0x60: {  	[tilespmem:s22+$0x880] =	vst v9  }
0x61: {  	v1 =	vimm.f32 $+Inf;
	[tilespmem:s22+$0x890] =	vst v10  }
0x62: {  	[tilespmem:$0x800] =	vst v1  }
0x63: {  	s0 =	simm.s32 $0x10;
	[tilespmem:$0x1080] =	vst v1  }
0x64: {  	v24 =	vld [tilespmem:s0+$0x0]  }
0x65: {  	v20 =	vperm.xlane v10, v0  }
0x66: {  	v1 =	vpop (erf);
	v15 =	vld.idx.msk [tilespmem:v2+s11+$0x0], $0xffff  }
0x67: {  	v10 =	vmul.f32 v20, v1;
	_ =	sdelay $0x1  }
0x68: {  	v11 =	vmul.f32 v24, v10;
	_ =	sdelay $0x1  }
0x69: {  	vm1 =	vlt.f32 v15, v11  }
0x6a: {  	v13 =	vsel vm1, $0x600, v4;
	_ =	sdelay $0x4  }
0x6b: {  	v14 =	vld.idx.msk [tilespmem:v13+s11+$0x0], $0xffff;
	_ =	sdelay $0x4  }
0x6c: {  	v16 =	vsel vm1, $0x800, v2;
	vm2 =	vlt.f32 v14, v11  }
0x6d: {  	v17 =	vor.u32 $0x1, v13;
	v14 =	vsel vm1, $0x401, v3;
	v13 =	vsel vm2, v16, v13  }
0x6e: {  	s1 =	simm.s32 $0x30;
	v14 =	vsel vm2, v17, v14;
	v16 =	vadd.s32 $0xFFFFFFFF, v13  }
0x6f: {  	v19 =	vld [tilespmem:s1+$0x0];
	v17 =	vxor.u32 v16, v14  }
0x70: {  	v16 =	vor.u32 v16, v14;
	v17 =	vshrl.u32 v17, $0x1  }
0x71: {  	v16 =	vsub.s32 v16, v17;
	_ =	sdelay $0x2  }
0x72: {  	v23 =	vmul.f32 v19, v10;
	_ =	sdelay $0x1  }
0x73: {  	vm1 =	vlt.f32 v15, v23;
	v17 =	vld.idx.msk [tilespmem:v16+s11+$0x0], $0xffff  }
0x74: {  	v18 =	vsel vm1, $0x600, v4;
	_ =	sdelay $0x3  }
0x75: {  	vm2 =	vlt.f32 v17, v11;
	v17 =	vor.u32 $0x1, v16  }
0x76: {  	v14 =	vsel vm2, v17, v14;
	v13 =	vsel vm2, v13, v16;
	v16 =	vld.idx.msk [tilespmem:v18+s11+$0x0], $0xffff  }
0x77: {  	v17 =	vxor.u32 v14, v13  }
0x78: {  	v21 =	vand.u32 v14, v13;
	v17 =	vshrl.u32 v17, $0x1  }
0x79: {  	v17 =	vadd.s32 v17, v21;
	_ =	sdelay $0x1  }
0x7a: {  	v21 =	vsel vm1, $0x800, v2;
	vm2 =	vlt.f32 v16, v23  }
0x7b: {  	v22 =	vor.u32 $0x1, v18;
	v16 =	vsel vm1, $0x401, v3;
	v18 =	vsel vm2, v21, v18  }
0x7c: {  	v16 =	vsel vm2, v22, v16;
	v21 =	vadd.s32 $0xFFFFFFFF, v18  }
0x7d: {  	v22 =	vld.idx.msk [tilespmem:v17+s11+$0x0], $0xffff;
	v25 =	vxor.u32 v21, v16  }
0x7e: {  	v21 =	vor.u32 v21, v16;
	v25 =	vshrl.u32 v25, $0x1  }
0x7f: {  	v21 =	vsub.s32 v21, v25;
	_ =	sdelay $0x2  }
0x80: {  	vm1 =	vlt.f32 v22, v11;
	v22 =	vadd.s32 $0x1, v17  }
0x81: {  	v14 =	vsel vm1, v22, v14;
	v13 =	vsel vm1, v13, v17  }
0x82: {  	v17 =	vadd.s32 v14, v13;
	v22 =	vld.idx.msk [tilespmem:v21+s11+$0x0], $0xffff  }
0x83: {  	v17 =	vshrl.u32 v17, $0x1;
	_ =	sdelay $0x3  }
0x84: {  	vm1 =	vlt.f32 v22, v23;
	v22 =	vor.u32 $0x1, v21  }
0x85: {  	v25 =	vld.idx.msk [tilespmem:v17+s11+$0x0], $0xffff;
	v16 =	vsel vm1, v22, v16;
	v21 =	vsel vm1, v18, v21  }
0x86: {  	v18 =	vxor.u32 v16, v21  }
0x87: {  	v22 =	vand.u32 v16, v21;
	v18 =	vshrl.u32 v18, $0x1  }
0x88: {  	v22 =	vadd.s32 v18, v22;
	_ =	sdelay $0x1  }
0x89: {  	v18 =	vadd.s32 $0x1, v17;
	vm1 =	vlt.f32 v25, v11  }
0x8a: {  	v14 =	vsel vm1, v18, v14;
	v13 =	vsel vm1, v13, v17  }
0x8b: {  	v17 =	vadd.s32 v14, v13  }
0x8c: {  	v17 =	vshrl.u32 v17, $0x1;
	v25 =	vld.idx.msk [tilespmem:v22+s11+$0x0], $0xffff  }
0x8d: {  	s24 =	simm.s32 $0x50  }
0x8e: {  	v18 =	vld [tilespmem:s24+$0x0];
	_ =	sdelay $0x2  }
0x8f: {  	v26 =	vld.idx.msk [tilespmem:v17+s11+$0x0], $0xffff;
	vm1 =	vlt.f32 v25, v23;
	v25 =	vadd.s32 $0x1, v22  }
0x90: {  	v16 =	vsel vm1, v25, v16;
	v21 =	vsel vm1, v21, v22  }
0x91: {  	v22 =	vmul.f32 v18, v10;
	v25 =	vadd.s32 v16, v21  }
0x92: {  	v25 =	vshrl.u32 v25, $0x1  }
0x93: {  	vm1 =	vlt.f32 v15, v22  }
0x94: {  	v27 =	vsel vm1, $0x600, v4;
	vm2 =	vlt.f32 v26, v11;
	v26 =	vadd.s32 $0x1, v17  }
0x95: {  	v14 =	vsel vm2, v26, v14;
	v13 =	vsel vm2, v13, v17  }
0x96: {  	v17 =	vadd.s32 v14, v13  }
0x97: {  	v17 =	vshrl.u32 v17, $0x1;
	v26 =	vld.idx.msk [tilespmem:v25+s11+$0x0], $0xffff;
	_ =	sdelay $0x1  }
0x98: {  	v28 =	vld.idx.msk [tilespmem:v27+s11+$0x0], $0xffff;
	_ =	sdelay $0x2  }
0x99: {  	v29 =	vld.idx.msk [tilespmem:v17+s11+$0x0], $0xffff;
	vm2 =	vlt.f32 v26, v23;
	v26 =	vadd.s32 $0x1, v25  }
0x9a: {  	v30 =	vor.u32 $0x1, v27;
	v16 =	vsel vm2, v26, v16  }
0x9b: {  	v21 =	vsel vm2, v21, v25;
	v26 =	vsel vm1, $0x800, v2;
	vm2 =	vlt.f32 v28, v22  }
0x9c: {  	v28 =	vsel vm1, $0x401, v3;
	v25 =	vadd.s32 v16, v21;
	v26 =	vsel vm2, v26, v27  }
0x9d: {  	v27 =	vsel vm2, v30, v28;
	v25 =	vshrl.u32 v25, $0x1;
	v28 =	vadd.s32 $0xFFFFFFFF, v26  }
0x9e: {  	vm1 =	vlt.f32 v29, v11;
	v29 =	vxor.u32 v28, v27  }
0x9f: {  	v30 =	vadd.s32 $0x1, v17;
	v28 =	vor.u32 v28, v27;
	v29 =	vshrl.u32 v29, $0x1  }
0xa0: {  	v14 =	vsel vm1, v30, v14;
	v13 =	vsel vm1, v13, v17;
	v17 =	vsub.s32 v28, v29  }
0xa1: {  	v28 =	vadd.s32 v14, v13  }
0xa2: {  	v28 =	vshrl.u32 v28, $0x1;
	v29 =	vld.idx.msk [tilespmem:v25+s11+$0x0], $0xffff;
	_ =	sdelay $0x2  }
0xa3: {  	v30 =	vld.idx.msk [tilespmem:v17+s11+$0x0], $0xffff;
	_ =	sdelay $0x1  }
0xa4: {  	v31 =	vld.idx.msk [tilespmem:v28+s11+$0x0], $0xffff;
	vm1 =	vlt.f32 v29, v23;
	v29 =	vadd.s32 $0x1, v25  }
0xa5: {  	v16 =	vsel vm1, v29, v16;
	v21 =	vsel vm1, v21, v25  }
0xa6: {  	v25 =	vadd.s32 v16, v21  }
0xa7: {  	v29 =	vor.u32 $0x1, v17;
	v25 =	vshrl.u32 v25, $0x1;
	vm1 =	vlt.f32 v30, v22  }
0xa8: {  	v27 =	vsel vm1, v29, v27;
	v17 =	vsel vm1, v26, v17  }
0xa9: {  	vm1 =	vlt.f32 v31, v11;
	v26 =	vxor.u32 v27, v17  }
0xaa: {  	v29 =	vadd.s32 $0x1, v28;
	v30 =	vand.u32 v27, v17;
	v26 =	vshrl.u32 v26, $0x1  }
0xab: {  	v14 =	vsel vm1, v29, v14;
	v28 =	vsel vm1, v13, v28;
	v13 =	vadd.s32 v26, v30  }
0xac: {  	v26 =	vadd.s32 v14, v28;
	v29 =	vld.idx.msk [tilespmem:v25+s11+$0x0], $0xffff  }
0xad: {  	v26 =	vshrl.u32 v26, $0x1;
	_ =	sdelay $0x2  }
0xae: {  	v30 =	vld.idx.msk [tilespmem:v13+s11+$0x0], $0xffff  }
0xaf: {  	vm1 =	vlt.f32 v29, v23;
	v29 =	vadd.s32 $0x1, v25  }
0xb0: {  	v31 =	vld.idx.msk [tilespmem:v26+s11+$0x0], $0xffff;
	v29 =	vsel vm1, v29, v16;
	v21 =	vsel vm1, v21, v25  }
0xb1: {  	v16 =	vadd.s32 v29, v21  }
0xb2: {  	v32 =	vshrl.u32 v16, $0x1  }
0xb3: {  	v16 =	vadd.s32 $0x1, v13;
	vm1 =	vlt.f32 v30, v22  }
0xb4: {  	v27 =	vsel vm1, v16, v27;
	v30 =	vsel vm1, v17, v13  }
0xb5: {  	vm1 =	vlt.f32 v31, v11;
	v25 =	vadd.s32 v27, v30  }
0xb6: {  	v17 =	vadd.s32 $0x1, v26;
	v16 =	vld [tilespmem:s0+$0xFFFFFFF0];
	v26 =	vsel vm1, v28, v26;
	v28 =	vshrl.u32 v25, $0x1  }
0xb7: {  	v31 =	vsel vm1, v17, v14;
	v17 =	vld.idx.msk [tilespmem:v32+s11+$0x0], $0xffff  }
0xb8: {  	v13 =	vld.idx.msk [tilespmem:v2+s11+$0x0], $0xffff;
	_ =	sdelay $0x1  }
0xb9: {  	v14 =	vadd.s32 v31, v26  }
0xba: {  	s23 =	simm.s32 $0x70;
	v33 =	vshrl.u32 v14, $0x1;
	v14 =	vmul.f32 v16, v10;
	v34 =	vld.idx.msk [tilespmem:v28+s11+$0x0], $0xffff  }
0xbb: {  	v25 =	vld [tilespmem:s23+$0x0];
	vm1 =	vlt.f32 v17, v23;
	v17 =	vadd.s32 $0x1, v32  }
0xbc: {  	vm2 =	vlt.f32 v13, v14;
	v29 =	vsel vm1, v17, v29;
	v21 =	vsel vm1, v21, v32  }
0xbd: {  	v46 =	vsel vm2, $0x600, v4;
	v17 =	vadd.s32 v29, v21  }
0xbe: {  	v36 =	vshrl.u32 v17, $0x1  }
0xbf: {  	v47 =	vadd.s32 $0x1, v28;
	v35 =	vld.idx.msk [tilespmem:v33+s11+$0x0], $0xffff;
	vm1 =	vlt.f32 v34, v22  }
0xc0: {  	v17 =	vmul.f32 v25, v10;
	v27 =	vsel vm1, v47, v27;
	v28 =	vsel vm1, v30, v28  }
0xc1: {  	v34 =	vadd.s32 v27, v28  }
0xc2: {  	vm3 =	vlt.f32 v15, v17;
	v30 =	vld.idx.msk [tilespmem:v46+s11+$0x0], $0xffff;
	v34 =	vshrl.u32 v34, $0x1  }
0xc3: {  	v50 =	vsel vm3, $0x600, v4;
	v49 =	vld.idx.msk [tilespmem:v36+s11+$0x0], $0xffff  }
0xc4: {  	v48 =	vadd.s32 $0x1, v33;
	v39 =	vsel vm2, $0x800, v2;
	vm1 =	vlt.f32 v35, v11  }
0xc5: {  	v40 =	vsel vm2, $0x401, v3;
	v31 =	vsel vm1, v48, v31;
	v26 =	vsel vm1, v26, v33  }
0xc6: {  	v38 =	vadd.s32 $0x1, v36;
	v55 =	vsel vm3, $0x401, v3;
	v37 =	vadd.s32 v31, v26  }
0xc7: {  	v41 =	vsel vm3, $0x800, v2;
	v58 =	vor.u32 $0x1, v50;
	v37 =	vshrl.u32 v37, $0x1;
	v51 =	vld.idx.msk [tilespmem:v34+s11+$0x0], $0xffff  }
0xc8: {  	vm1 =	vlt.f32 v30, v14;
	v30 =	vor.u32 $0x1, v46;
	v53 =	vld.idx.msk [tilespmem:v50+s11+$0x0], $0xffff;
	vm2 =	vlt.f32 v49, v23  }
0xc9: {  	v32 =	vsel vm1, v39, v46;
	v29 =	vsel vm2, v38, v29;
	v21 =	vsel vm2, v21, v36  }
0xca: {  	v30 =	vsel vm1, v30, v40;
	v52 =	vadd.s32 $0xFFFFFFFF, v32;
	v38 =	vadd.s32 v29, v21  }
0xcb: {  	v56 =	vadd.s32 $0x1, v34;
	v54 =	vxor.u32 v52, v30;
	v38 =	vshrl.u32 v38, $0x1  }
0xcc: {  	v33 =	vor.u32 v52, v30;
	v36 =	vshrl.u32 v54, $0x1;
	vm1 =	vlt.f32 v51, v22  }
0xcd: {  	vm2 =	vlt.f32 v53, v17;
	v27 =	vsel vm1, v56, v27;
	v28 =	vsel vm1, v28, v34  }
0xce: {  	v57 =	vld.idx.msk [tilespmem:v37+s11+$0x0], $0xffff;
	v33 =	vsub.s32 v33, v36;
	v35 =	vsel vm2, v41, v50;
	v59 =	vadd.s32 v27, v28  }
0xcf: {  	v36 =	vsel vm2, v58, v55;
	v60 =	vadd.s32 $0xFFFFFFFF, v35;
	v40 =	vshrl.u32 v59, $0x1  }
0xd0: {  	v42 =	vxor.u32 v60, v36;
	v61 =	vld.idx.msk [tilespmem:v38+s11+$0x0], $0xffff  }
0xd1: {  	v39 =	vor.u32 v60, v36;
	v42 =	vshrl.u32 v42, $0x1  }
0xd2: {  	v39 =	vsub.s32 v39, v42  }
0xd3: {  	v62 =	vadd.s32 $0x1, v37;
	vm1 =	vlt.f32 v57, v11;
	v63 =	vld.idx.msk [tilespmem:v33+s11+$0x0], $0xffff  }
0xd4: {  	v31 =	vsel vm1, v62, v31;
	v26 =	vsel vm1, v26, v37;
	v44 =	vld.idx.msk [tilespmem:v40+s11+$0x0], $0xffff  }
0xd5: {  	v45 =	vadd.s32 $0x1, v38;
	v26 =	vadd.s32 v31, v26;
	vm1 =	vlt.f32 v61, v23  }
0xd6: {  	v26 =	vshrl.u32 v26, $0x1;
	v29 =	vsel vm1, v45, v29;
	v21 =	vsel vm1, v21, v38  }
0xd7: {  	(erf) = vrcp.f32 v20;
	v47 =	vor.u32 $0x1, v33;
	v46 =	vld.idx.msk [tilespmem:v39+s11+$0x0], $0xffff;
	v20 =	vadd.s32 v29, v21  }
0xd8: {  	v48 =	vadd.s32 $0x1, v40;
	vm1 =	vlt.f32 v63, v14;
	v20 =	vshrl.u32 v20, $0x1  }
0xd9: {  	v51 =	vor.u32 $0x1, v39;
	v30 =	vsel vm1, v47, v30;
	vm2 =	vlt.f32 v44, v22  }
0xda: {  	v32 =	vsel vm1, v32, v33;
	v27 =	vsel vm2, v48, v27;
	v28 =	vsel vm2, v28, v40  }
0xdb: {  	v49 =	vld.idx.msk [tilespmem:v26+s11+$0x0], $0xffff;
	v50 =	vand.u32 v30, v32;
	v38 =	vxor.u32 v30, v32;
	v40 =	vadd.s32 v27, v28  }
0xdc: {  	v38 =	vshrl.u32 v38, $0x1;
	vm1 =	vlt.f32 v46, v17;
	v40 =	vshrl.u32 v40, $0x1  }
0xdd: {  	v34 =	vadd.s32 v38, v50;
	v36 =	vsel vm1, v51, v36;
	v35 =	vsel vm1, v35, v39;
	v52 =	vld.idx.msk [tilespmem:v20+s11+$0x0], $0xffff  }
0xde: {  	v37 =	vxor.u32 v36, v35  }
0xdf: {  	v39 =	vand.u32 v36, v35;
	v37 =	vshrl.u32 v37, $0x1  }
0xe0: {  	vm1 =	vlt.f32 v49, v11;
	v11 =	vadd.s32 $0x1, v26;
	v26 =	vadd.s32 v37, v39  }
0xe1: {  	v31 =	vsel vm1, v11, v31;
	v53 =	vld.idx.msk [tilespmem:v40+s11+$0x0], $0xffff  }
0xe2: {  	v56 =	vadd.s32 $0x1, v20;
	v11 =	vmax.u32 v31, $0x1;
	v55 =	vld.idx.msk [tilespmem:v34+s11+$0x0], $0xffff;
	vm1 =	vlt.f32 v52, v23  }
0xe3: {  	v54 =	vsub.s32 v11, v5;
	v29 =	vsel vm1, v56, v29;
	v20 =	vsel vm1, v21, v20  }
0xe4: {  	v20 =	vadd.s32 v29, v20  }
0xe5: {  	v57 =	vld.idx.msk [tilespmem:v26+s11+$0x0], $0xffff;
	v58 =	vshrl.u32 v20, $0x1  }
0xe6: {  	v21 =	vadd.s32 $0x1, v40;
	v20 =	vadd.s32 $0x1, v34;
	vm1 =	vlt.f32 v53, v22  }
0xe7: {  	v59 =	vsel vm1, v21, v27;
	v40 =	vsel vm1, v28, v40;
	vm1 =	vlt.f32 v55, v14  }
0xe8: {  	v27 =	vld.idx.msk [tilespmem:v54+s11+$0x0], $0xffff;
	v21 =	vadd.s32 v59, v40;
	v30 =	vsel vm1, v20, v30;
	v32 =	vsel vm1, v32, v34  }
0xe9: {  	v43 =	vperm.xlane v24, v6;
	v60 =	vshrl.u32 v21, $0x1;
	v21 =	vld [tilespmem:s1+$0xFFFFFFF0];
	v20 =	vadd.s32 v30, v32  }
0xea: {  	v28 =	vadd.s32 $0x1, v26;
	vm1 =	vlt.f32 v57, v17;
	v62 =	vld.idx.msk [tilespmem:v58+s11+$0x0], $0xffff;
	v61 =	vshrl.u32 v20, $0x1  }
0xeb: {  	[tilespmem:$0x1FFD0] =	vst v1;
	v1 =	vpop (erf);
	v63 =	vperm.xlane v16, v0;
	v36 =	vsel vm1, v28, v36;
	v26 =	vsel vm1, v35, v26  }
0xec: {  	s22 =	simm.s32 $0x10;
	v12 =	vmul.f32 v1, v12;
	v28 =	vadd.s32 v36, v26  }
0xed: {  	v45 =	vor.u32 s22, v7;
	v38 =	vsel vm0, v63, v43;
	v49 =	vshrl.u32 v28, $0x1  }
0xee: {  	vm1 =	veq.s32 v31, $0x0;
	v31 =	vmin.u32 v31, $0x7FF;
	v48 =	vmul.f32 v27, v12;
	v44 =	vld.idx.msk [tilespmem:v60+s11+$0x0], $0xffff  }
0xef: {  	s22 =	simm.s32 $0x90;
	v27 =	vmul.f32 v21, v10;
	vm2 =	vlt.f32 v62, v23;
	v23 =	vadd.s32 $0x1, v58;
	v50 =	vld.idx.msk [tilespmem:v61+s11+$0x0], $0xffff  }
0xf0: {  	v31 =	vsub.s32 v45, v31;
	v54 =	vadd.s32 $0x1, v60;
	v29 =	vsel vm2, v23, v29;
	v23 =	vld [tilespmem:s22+$0x0]  }
0xf1: {  	v28 =	vperm.xlane v24, v0;
	v39 =	vsel vm1, $0x0, v48;
	vm1 =	vlt.f32 v13, v27  }
0xf2: {  	v53 =	vadd.s32 $0x1, v61;
	v31 =	vcvt.s32.f32 v31;
	v52 =	vld.idx.msk [tilespmem:v49+s11+$0x0], $0xffff;
	v51 =	vsel vm1, $0x600, v4  }
0xf3: {  	v38 =	vmax.f32 v38, v39;
	v55 =	vmax.u32 v29, $0x1;
	vm2 =	vlt.f32 v44, v22  }
0xf4: {  	v38 =	vsub.f32 v24, v38;
	v56 =	vsub.s32 v55, v5;
	v41 =	vsel vm2, v54, v59  }
0xf5: {  	v34 =	vsel vm2, v40, v60;
	vm2 =	vlt.f32 v50, v14;
	v35 =	vmul.f32 v23, v10  }
0xf6: {  	v57 =	vadd.s32 v41, v34;
	v30 =	vsel vm2, v53, v30;
	v32 =	vsel vm2, v32, v61  }
0xf7: {  	vm2 =	vlt.f32 v52, v17;
	v61 =	vadd.s32 $0x1, v49;
	v58 =	vld.idx.msk [tilespmem:v51+s11+$0x0], $0xffff;
	v59 =	vshrl.u32 v57, $0x1  }
0xf8: {  	v60 =	vadd.s32 v30, v32;
	v36 =	vsel vm2, v61, v36;
	v26 =	vsel vm2, v26, v49  }
0xf9: {  	v46 =	vsel vm1, $0x401, v3;
	v42 =	vshrl.u32 v60, $0x1;
	v24 =	vadd.s32 v36, v26  }
0xfa: {  	v47 =	vmul.f32 v31, v38;
	v40 =	vld.idx.msk [tilespmem:v56+s11+$0x0], $0xffff;
	vm2 =	vlt.f32 v15, v35;
	v62 =	vshrl.u32 v24, $0x1  }
0xfb: {  	v55 =	vor.u32 $0x1, v51;
	v38 =	vperm.xlane v21, v0;
	v63 =	vsel vm2, $0x600, v4  }
0xfc: {  	v31 =	vmul.f32 v31, v47;
	v24 =	vsel vm1, $0x800, v2;
	v54 =	vld.idx.msk [tilespmem:v59+s11+$0x0], $0xffff;
	vm3 =	vlt.f32 v58, v27  }
0xfd: {  	v57 =	vadd.s32 $0x1, v59;
	v52 =	vsel vm2, $0x800, v2;
	v33 =	vsel vm3, v24, v51  }
0xfe: {  	v61 =	vor.u32 $0x1, v63;
	v37 =	vsel vm3, v55, v46;
	v48 =	vld.idx.msk [tilespmem:v42+s11+$0x0], $0xffff;
	v56 =	vadd.s32 $0xFFFFFFFF, v33  }
0xff: {  	v60 =	vadd.s32 $0x1, v62;
	v40 =	vmul.f32 v40, v12;
	v50 =	vld.idx.msk [tilespmem:v62+s11+$0x0], $0xffff;
	v49 =	vxor.u32 v56, v37  }
0x100: {  	v58 =	vadd.s32 $0x1, v42;
	v51 =	vld.idx.msk [tilespmem:v63+s11+$0x0], $0xffff;
	v46 =	vor.u32 v56, v37;
	v49 =	vshrl.u32 v49, $0x1  }
0x101: {  	v24 =	vperm.xlane v19, v0;
	v46 =	vsub.s32 v46, v49;
	vm1 =	vlt.f32 v54, v22  }
0x102: {  	v49 =	vperm.xlane v19, v6;
	v41 =	vsel vm1, v57, v41;
	v34 =	vsel vm1, v34, v59  }
0x103: {  	vm3 =	vlt.f32 v48, v14;
	v59 =	vsel vm2, $0x401, v3;
	v45 =	vadd.s32 v41, v34  }
0x104: {  	vm2 =	vlt.f32 v50, v17;
	v30 =	vsel vm3, v58, v30;
	v45 =	vshrl.u32 v45, $0x1  }
0x105: {  	v36 =	vsel vm2, v60, v36;
	v26 =	vsel vm2, v26, v62;
	vm2 =	vlt.f32 v51, v35  }
0x106: {  	v32 =	vsel vm3, v32, v42;
	v44 =	vsel vm2, v52, v63;
	v50 =	vadd.s32 v36, v26  }
0x107: {  	v43 =	vsel vm2, v61, v59;
	v53 =	vld.idx.msk [tilespmem:v46+s11+$0x0], $0xffff;
	v62 =	vadd.s32 $0xFFFFFFFF, v44;
	v50 =	vshrl.u32 v50, $0x1  }
0x108: {  	vm1 =	veq.s32 v29, $0x0;
	v58 =	vadd.s32 v30, v32;
	v56 =	vxor.u32 v62, v43  }
0x109: {  	v42 =	vshrl.u32 v58, $0x1;
	v57 =	vor.u32 v62, v43;
	v39 =	vshrl.u32 v56, $0x1  }
0x10a: {  	s25 =	simm.s32 $0x30;
	v40 =	vsel vm1, $0x0, v40;
	v38 =	vsel vm0, v38, v49;
	v59 =	vld.idx.msk [tilespmem:v45+s11+$0x0], $0xffff;
	v39 =	vsub.s32 v57, v39  }
0x10b: {  	v29 =	vmin.u32 v29, $0x7FF;
	v60 =	vor.u32 s25, v7;
	v38 =	vmax.f32 v38, v40  }
0x10c: {  	v63 =	vor.u32 $0x1, v46;
	v29 =	vsub.s32 v60, v29;
	vm2 =	vlt.f32 v53, v27;
	v61 =	vld.idx.msk [tilespmem:v50+s11+$0x0], $0xffff  }
0x10d: {  	v19 =	vsub.f32 v19, v38;
	v37 =	vsel vm2, v63, v37;
	v33 =	vsel vm2, v33, v46  }
0x10e: {  	v55 =	vadd.s32 $0x1, v42;
	v53 =	vld.idx.msk [tilespmem:v42+s11+$0x0], $0xffff;
	v63 =	vadd.s32 $0x1, v45;
	v51 =	vxor.u32 v37, v33  }
0x10f: {  	v62 =	vand.u32 v37, v33;
	v51 =	vshrl.u32 v51, $0x1;
	vm1 =	vlt.f32 v59, v22;
	v52 =	vld.idx.msk [tilespmem:v39+s11+$0x0], $0xffff  }
0x110: {  	v40 =	vadd.s32 v51, v62;
	v41 =	vsel vm1, v63, v41;
	v34 =	vsel vm1, v34, v45  }
0x111: {  	v54 =	vadd.s32 $0x1, v50;
	v34 =	vadd.s32 v41, v34;
	vm1 =	vlt.f32 v61, v17  }
0x112: {  	v34 =	vshrl.u32 v34, $0x1;
	v36 =	vsel vm1, v54, v36;
	v26 =	vsel vm1, v26, v50  }
0x113: {  	v58 =	vor.u32 $0x1, v39;
	vm2 =	vlt.f32 v53, v14;
	v57 =	vadd.s32 v36, v26  }
0x114: {  	v30 =	vsel vm2, v55, v30;
	vm1 =	vlt.f32 v52, v35;
	v48 =	vshrl.u32 v57, $0x1  }
0x115: {  	v42 =	vsel vm2, v32, v42;
	v56 =	vld.idx.msk [tilespmem:v40+s11+$0x0], $0xffff;
	v43 =	vsel vm1, v58, v43;
	v39 =	vsel vm1, v44, v39  }
0x116: {  	v29 =	vcvt.s32.f32 v29;
	v62 =	vadd.s32 v30, v42;
	v44 =	vxor.u32 v43, v39  }
0x117: {  	v63 =	vshrl.u32 v62, $0x1;
	v61 =	vand.u32 v43, v39;
	v60 =	vld.idx.msk [tilespmem:v34+s11+$0x0], $0xffff;
	v44 =	vshrl.u32 v44, $0x1  }
0x118: {  	v20 =	vimm.f32 $0.0e+00;
	v19 =	vmul.f32 v29, v19;
	v44 =	vadd.s32 v44, v61  }
0x119: {  	v31 =	vadd.f32 v31, v20;
	v38 =	vperm.xlane v18, v0;
	v53 =	vld.idx.msk [tilespmem:v48+s11+$0x0], $0xffff  }
0x11a: {  	v19 =	vmul.f32 v29, v19;
	v59 =	vadd.s32 $0x1, v40;
	vm1 =	vlt.f32 v56, v27  }
0x11b: {  	v54 =	vperm.xlane v16, v6;
	v37 =	vsel vm1, v59, v37;
	v33 =	vsel vm1, v33, v40  }
0x11c: {  	v49 =	vld.idx.msk [tilespmem:v63+s11+$0x0], $0xffff;
	v40 =	vadd.s32 v37, v33;
	vm1 =	vlt.f32 v60, v22;
	v22 =	vadd.s32 $0x1, v34  }
0x11d: {  	v32 =	vperm.xlane v25, v0;
	v40 =	vshrl.u32 v40, $0x1;
	v34 =	vsel vm1, v22, v41;
	v55 =	vld.idx.msk [tilespmem:v44+s11+$0x0], $0xffff  }
0x11e: {  	v29 =	vadd.s32 $0x1, v48;
	v22 =	vmax.u32 v34, $0x1;
	vm1 =	vlt.f32 v53, v17  }
0x11f: {  	v56 =	vsub.s32 v22, v5;
	v50 =	vsel vm1, v29, v36;
	v48 =	vsel vm1, v26, v48  }
0x120: {  	v57 =	vperm.xlane v21, v6;
	v59 =	vadd.s32 $0x1, v44;
	v58 =	vadd.s32 v50, v48  }
0x121: {  	vm2 =	vlt.f32 v49, v14;
	v29 =	vadd.f32 v19, v31;
	v19 =	vld [tilespmem:s24+$0xFFFFFFF0];
	v51 =	vshrl.u32 v58, $0x1  }
0x122: {  	v60 =	vadd.s32 $0x1, v40;
	v36 =	vsel vm0, v20, v54;
	v26 =	vld.idx.msk [tilespmem:v40+s11+$0x0], $0xffff;
	vm1 =	vlt.f32 v55, v35  }
0x123: {  	v31 =	vadd.s32 $0x1, v63;
	v41 =	vsel vm1, v59, v43;
	v39 =	vsel vm1, v39, v44  }
0x124: {  	v42 =	vsel vm2, v42, v63;
	v43 =	vsel vm2, v31, v30;
	v30 =	vld.idx.msk [tilespmem:v56+s11+$0x0], $0xffff;
	v31 =	vadd.s32 v41, v39  }
0x125: {  	v63 =	vperm.xlane v18, v6;
	vm2 =	veq.s32 v34, $0x0;
	v46 =	vshrl.u32 v31, $0x1  }
0x126: {  	v34 =	vmin.u32 v34, $0x7FF;
	v45 =	vadd.s32 v43, v42;
	v62 =	vperm.xlane v19, v0;
	v61 =	vld.idx.msk [tilespmem:v51+s11+$0x0], $0xffff  }
0x127: {  	v56 =	vadd.s32 $0x1, v51;
	vm1 =	vlt.f32 v26, v27;
	v26 =	vmul.f32 v19, v10  }
0x128: {  	v45 =	vshrl.u32 v45, $0x1;
	v31 =	vsel vm0, v28, v57;
	v37 =	vsel vm1, v60, v37  }
0x129: {  	s26 =	simm.s32 $0x50;
	v33 =	vsel vm1, v33, v40;
	vm1 =	vlt.f32 v13, v26;
	v30 =	vmul.f32 v30, v12  }
0x12a: {  	v28 =	vadd.s32 $0x1, v45;
	v60 =	vor.u32 s26, v7;
	s26 =	simm.s32 $0xB0;
	v47 =	vsel vm1, $0x600, v4;
	v54 =	vld.idx.msk [tilespmem:v46+s11+$0x0], $0xffff  }
0x12b: {  	v57 =	vadd.s32 $0x1, v46;
	v55 =	vsel vm2, $0x0, v30;
	v30 =	vld [tilespmem:s26+$0x0];
	vm2 =	vlt.f32 v61, v17  }
0x12c: {  	v40 =	vsel vm0, v62, v63;
	v49 =	vsel vm2, v56, v50;
	v48 =	vsel vm2, v48, v51  }
0x12d: {  	v44 =	vadd.s32 v37, v33;
	v62 =	vsub.s32 v60, v34;
	v51 =	vadd.s32 v49, v48  }
0x12e: {  	v44 =	vshrl.u32 v44, $0x1;
	v58 =	vsel vm1, $0x800, v2;
	v61 =	vld.idx.msk [tilespmem:v45+s11+$0x0], $0xffff;
	v51 =	vshrl.u32 v51, $0x1  }
0x12f: {  	v59 =	vsel vm1, $0x401, v3;
	v60 =	vor.u32 $0x1, v47;
	v63 =	vld.idx.msk [tilespmem:v47+s11+$0x0], $0xffff;
	vm2 =	vlt.f32 v54, v35  }
0x130: {  	v34 =	vmul.f32 v30, v10;
	v41 =	vsel vm2, v57, v41;
	v39 =	vsel vm2, v39, v46  }
0x131: {  	v52 =	vadd.s32 $0x1, v44;
	v40 =	vmax.f32 v40, v55;
	v53 =	vadd.s32 v41, v39  }
0x132: {  	v18 =	vsub.f32 v18, v40;
	vm1 =	vlt.f32 v15, v34;
	v53 =	vshrl.u32 v53, $0x1  }
0x133: {  	v46 =	vcvt.s32.f32 v62;
	vm2 =	vlt.f32 v61, v14;
	v50 =	vsel vm1, $0x600, v4;
	v55 =	vld.idx.msk [tilespmem:v51+s11+$0x0], $0xffff  }
0x134: {  	v28 =	vsel vm2, v28, v43;
	v42 =	vsel vm2, v42, v45;
	vm3 =	vlt.f32 v63, v26  }
0x135: {  	v62 =	vadd.s32 v28, v42;
	v18 =	vmul.f32 v46, v18;
	v43 =	vsel vm3, v58, v47;
	v47 =	vld.idx.msk [tilespmem:v44+s11+$0x0], $0xffff  }
0x136: {  	v54 =	vshrl.u32 v62, $0x1;
	v40 =	vsel vm3, v60, v59;
	v61 =	vadd.s32 $0xFFFFFFFF, v43  }
0x137: {  	v62 =	vsel vm1, $0x800, v2;
	v60 =	vadd.s32 $0x1, v51;
	v63 =	vxor.u32 v61, v40;
	v57 =	vld.idx.msk [tilespmem:v53+s11+$0x0], $0xffff  }
0x138: {  	v45 =	vor.u32 v61, v40;
	v56 =	vshrl.u32 v63, $0x1;
	v58 =	vld.idx.msk [tilespmem:v50+s11+$0x0], $0xffff;
	vm2 =	vlt.f32 v55, v17  }
0x139: {  	v63 =	vadd.s32 $0x1, v53;
	v45 =	vsub.s32 v45, v56;
	v49 =	vsel vm2, v60, v49  }
0x13a: {  	v48 =	vsel vm2, v48, v51;
	v60 =	vor.u32 $0x1, v50;
	vm2 =	vlt.f32 v47, v27  }
0x13b: {  	v61 =	vadd.s32 v49, v48;
	v37 =	vsel vm2, v52, v37;
	v33 =	vsel vm2, v33, v44  }
0x13c: {  	v44 =	vsel vm1, $0x401, v3;
	v47 =	vshrl.u32 v61, $0x1;
	vm1 =	vlt.f32 v57, v35  }
0x13d: {  	vm2 =	vlt.f32 v58, v34;
	v41 =	vsel vm1, v63, v41;
	v39 =	vsel vm1, v39, v53;
	v53 =	vld.idx.msk [tilespmem:v54+s11+$0x0], $0xffff  }
0x13e: {  	v51 =	vadd.s32 v37, v33;
	v56 =	vld.idx.msk [tilespmem:v45+s11+$0x0], $0xffff;
	v50 =	vsel vm2, v62, v50;
	v61 =	vadd.s32 v41, v39  }
0x13f: {  	v44 =	vsel vm2, v60, v44;
	v62 =	vadd.s32 $0xFFFFFFFF, v50;
	v52 =	vshrl.u32 v61, $0x1  }
0x140: {  	v22 =	vperm.xlane v23, v0;
	v51 =	vshrl.u32 v51, $0x1;
	v63 =	vxor.u32 v62, v44  }
0x141: {  	v18 =	vmul.f32 v46, v18;
	v59 =	vld.idx.msk [tilespmem:v47+s11+$0x0], $0xffff;
	v55 =	vor.u32 v62, v44;
	v57 =	vshrl.u32 v63, $0x1  }
0x142: {  	v58 =	vadd.s32 $0x1, v54;
	v60 =	vor.u32 $0x1, v45;
	v55 =	vsub.s32 v55, v57  }
0x143: {  	v62 =	vadd.s32 $0x1, v47;
	vm2 =	vlt.f32 v53, v14;
	vm1 =	vlt.f32 v56, v26  }
0x144: {  	v40 =	vsel vm1, v60, v40;
	v43 =	vsel vm1, v43, v45;
	v45 =	vsel vm2, v58, v28;
	v28 =	vld.idx.msk [tilespmem:v52+s11+$0x0], $0xffff  }
0x145: {  	v61 =	vld.idx.msk [tilespmem:v51+s11+$0x0], $0xffff;
	v42 =	vsel vm2, v42, v54;
	v58 =	vxor.u32 v40, v43;
	v60 =	vand.u32 v40, v43  }
0x146: {  	vm1 =	vlt.f32 v59, v17;
	v63 =	vadd.s32 v45, v42;
	v46 =	vshrl.u32 v58, $0x1  }
0x147: {  	v49 =	vsel vm1, v62, v49;
	v47 =	vsel vm1, v48, v47;
	v46 =	vadd.s32 v46, v60;
	v57 =	vld.idx.msk [tilespmem:v55+s11+$0x0], $0xffff  }
0x148: {  	v59 =	vadd.s32 $0x1, v51;
	v53 =	vshrl.u32 v63, $0x1;
	v47 =	vadd.s32 v49, v47  }
0x149: {  	v47 =	vshrl.u32 v47, $0x1;
	vm1 =	vlt.f32 v28, v35;
	v28 =	vadd.s32 $0x1, v52  }
0x14a: {  	v41 =	vsel vm1, v28, v41;
	v39 =	vsel vm1, v39, v52;
	vm1 =	vlt.f32 v61, v27  }
0x14b: {  	v60 =	vor.u32 $0x1, v55;
	v52 =	vadd.s32 v41, v39;
	v37 =	vsel vm1, v59, v37  }
0x14c: {  	v33 =	vsel vm1, v33, v51;
	v28 =	vld.idx.msk [tilespmem:v46+s11+$0x0], $0xffff;
	vm1 =	vlt.f32 v57, v34;
	v51 =	vshrl.u32 v52, $0x1  }
0x14d: {  	v56 =	vadd.f32 v18, v29;
	v44 =	vsel vm1, v60, v44;
	v48 =	vsel vm1, v50, v55  }
0x14e: {  	v58 =	vperm.xlane v25, v6;
	v61 =	vadd.s32 v37, v33;
	v62 =	vld.idx.msk [tilespmem:v47+s11+$0x0], $0xffff;
	v55 =	vxor.u32 v44, v48  }
0x14f: {  	v29 =	vld.idx.msk [tilespmem:v53+s11+$0x0], $0xffff;
	v50 =	vshrl.u32 v61, $0x1;
	v18 =	vand.u32 v44, v48;
	v55 =	vshrl.u32 v55, $0x1  }
0x150: {  	v63 =	vadd.s32 $0x1, v46;
	v52 =	vperm.xlane v19, v6;
	v55 =	vadd.s32 v55, v18  }
0x151: {  	v61 =	vadd.s32 $0x1, v53;
	v59 =	vadd.s32 $0x1, v51;
	vm1 =	vlt.f32 v28, v26;
	v60 =	vld.idx.msk [tilespmem:v51+s11+$0x0], $0xffff  }
0x152: {  	v28 =	vsel vm0, v24, v52;
	v40 =	vsel vm1, v63, v40;
	v43 =	vsel vm1, v43, v46  }
0x153: {  	vm1 =	vlt.f32 v62, v17;
	v17 =	vadd.s32 $0x1, v47;
	v24 =	vadd.s32 v40, v43  }
0x154: {  	vm2 =	vlt.f32 v29, v14;
	v29 =	vsel vm1, v17, v49;
	v47 =	vshrl.u32 v24, $0x1;
	v24 =	vld.idx.msk [tilespmem:v50+s11+$0x0], $0xffff  }
0x155: {  	v18 =	vperm.xlane v30, v0;
	v45 =	vsel vm2, v61, v45;
	v57 =	vmax.u32 v29, $0x1;
	v63 =	vld.idx.msk [tilespmem:v55+s11+$0x0], $0xffff  }
0x156: {  	v17 =	vsel vm2, v42, v53;
	v46 =	vsub.s32 v57, v5;
	vm1 =	vlt.f32 v60, v35  }
0x157: {  	v17 =	vadd.s32 v45, v17;
	v41 =	vsel vm1, v59, v41;
	v49 =	vsel vm1, v39, v51  }
0x158: {  	v62 =	vadd.s32 $0x1, v50;
	v54 =	vshrl.u32 v17, $0x1;
	v17 =	vld [tilespmem:s23+$0xFFFFFFF0];
	v51 =	vadd.s32 v41, v49  }
0x159: {  	vm1 =	vlt.f32 v24, v27;
	v51 =	vshrl.u32 v51, $0x1;
	v24 =	vadd.s32 $0x1, v55  }
0x15a: {  	v61 =	vld.idx.msk [tilespmem:v47+s11+$0x0], $0xffff;
	v52 =	vsel vm1, v62, v37;
	v50 =	vsel vm1, v33, v50;
	vm1 =	vlt.f32 v63, v34  }
0x15b: {  	vm2 =	veq.s32 v29, $0x0;
	v62 =	vld.idx.msk [tilespmem:v46+s11+$0x0], $0xffff;
	v42 =	vsel vm1, v24, v44;
	v44 =	vsel vm1, v48, v55  }
0x15c: {  	v29 =	vmin.u32 v29, $0x7FF;
	v37 =	vadd.s32 v52, v50;
	v24 =	vadd.s32 v42, v44  }
0x15d: {  	s1 =	simm.s32 $0x0;
	v57 =	vperm.xlane v17, v0;
	v48 =	vshrl.u32 v37, $0x1;
	v37 =	vshrl.u32 v24, $0x1  }
0x15e: {  	v60 =	vadd.s32 $0x1, v47;
	v39 =	vor.u32 s1, v7;
	v46 =	vadd.s32 $0x1, v54  }
0x15f: {  	v63 =	vadd.s32 $0x1, v51;
	v57 =	vsel vm0, v57, v58;
	v24 =	vmul.f32 v17, v10;
	v53 =	vld.idx.msk [tilespmem:v51+s11+$0x0], $0xffff  }
0x160: {  	v55 =	vadd.s32 $0x1, v48;
	vm1 =	vlt.f32 v61, v26;
	v33 =	vmul.f32 v62, v12  }
0x161: {  	s23 =	simm.s32 $0x70;
	v40 =	vsel vm1, v60, v40;
	v43 =	vsel vm1, v43, v47;
	vm1 =	vlt.f32 v13, v24  }
0x162: {  	s28 =	simm.s32 $0xD0;
	v60 =	vor.u32 s23, v7;
	v59 =	vsel vm1, $0x600, v4;
	v33 =	vsel vm2, $0x0, v33;
	v61 =	vld.idx.msk [tilespmem:v37+s11+$0x0], $0xffff  }
0x163: {  	v47 =	vperm.xlane v17, v6;
	v60 =	vsub.s32 v60, v29;
	v29 =	vld [tilespmem:s28+$0x0];
	v33 =	vmax.f32 v57, v33  }
0x164: {  	vm2 =	vlt.f32 v53, v35;
	v25 =	vsub.f32 v25, v33;
	v53 =	vcvt.s32.f32 v60  }
0x165: {  	v58 =	vsel vm1, $0x800, v2;
	v41 =	vsel vm2, v63, v41;
	v49 =	vsel vm2, v49, v51  }
0x166: {  	v57 =	vadd.s32 v40, v43;
	v51 =	vld.idx.msk [tilespmem:v48+s11+$0x0], $0xffff;
	v33 =	vadd.s32 v41, v49;
	v25 =	vmul.f32 v53, v25  }
0x167: {  	v60 =	vld.idx.msk [tilespmem:v59+s11+$0x0], $0xffff;
	v62 =	vshrl.u32 v33, $0x1;
	vm2 =	vlt.f32 v61, v34;
	v61 =	vadd.s32 $0x1, v37  }
0x168: {  	v33 =	vmul.f32 v29, v10;
	v42 =	vsel vm2, v61, v42;
	v44 =	vsel vm2, v44, v37  }
0x169: {  	v57 =	vshrl.u32 v57, $0x1;
	v25 =	vmul.f32 v53, v25;
	v37 =	vadd.s32 v42, v44  }
0x16a: {  	v63 =	vsel vm1, $0x401, v3;
	v53 =	vld.idx.msk [tilespmem:v54+s11+$0x0], $0xffff;
	vm2 =	vlt.f32 v15, v33;
	v61 =	vshrl.u32 v37, $0x1  }
0x16b: {  	vm3 =	vlt.f32 v51, v27;
	v37 =	vadd.f32 v25, v56;
	v25 =	vsel vm2, $0x600, v4  }
0x16c: {  	v54 =	vor.u32 $0x1, v59;
	vm1 =	vlt.f32 v60, v24;
	v52 =	vsel vm3, v55, v52;
	v56 =	vld.idx.msk [tilespmem:v62+s11+$0x0], $0xffff  }
0x16d: {  	v55 =	vadd.s32 $0x1, v57;
	v48 =	vsel vm3, v50, v48;
	v58 =	vsel vm1, v58, v59  }
0x16e: {  	v51 =	vld.idx.msk [tilespmem:v57+s11+$0x0], $0xffff;
	v50 =	vsel vm1, v54, v63;
	v63 =	vadd.s32 v52, v48;
	v60 =	vadd.s32 $0xFFFFFFFF, v58  }
0x16f: {  	vm1 =	vlt.f32 v53, v14;
	v14 =	vor.u32 v60, v50;
	v60 =	vxor.u32 v60, v50;
	v54 =	vld.idx.msk [tilespmem:v61+s11+$0x0], $0xffff  }
0x170: {  	v59 =	vshrl.u32 v63, $0x1;
	v45 =	vsel vm1, v46, v45;
	v53 =	vshrl.u32 v60, $0x1;
	v46 =	vld.idx.msk [tilespmem:v25+s11+$0x0], $0xffff  }
0x171: {  	v53 =	vsub.s32 v14, v53;
	v14 =	vadd.s32 $0x1, v62;
	vm1 =	vlt.f32 v56, v35  }
0x172: {  	v60 =	vsel vm2, $0x800, v2;
	v41 =	vsel vm1, v14, v41;
	v49 =	vsel vm1, v49, v62  }
0x173: {  	vm1 =	vlt.f32 v51, v26;
	v51 =	vsel vm2, $0x401, v3;
	v14 =	vadd.s32 v41, v49  }
0x174: {  	v40 =	vsel vm1, v55, v40;
	v43 =	vsel vm1, v43, v57;
	v62 =	vshrl.u32 v14, $0x1  }
0x175: {  	vm2 =	vlt.f32 v54, v34;
	v54 =	vadd.s32 $0x1, v61;
	vm3 =	vlt.f32 v46, v33;
	v46 =	vld.idx.msk [tilespmem:v59+s11+$0x0], $0xffff  }
0x176: {  	v56 =	vadd.s32 $0x1, v59;
	v57 =	vadd.s32 v40, v43;
	v14 =	vld.idx.msk [tilespmem:v53+s11+$0x0], $0xffff;
	v42 =	vsel vm2, v54, v42  }
0x177: {  	v44 =	vsel vm2, v44, v61;
	v54 =	vor.u32 $0x1, v25;
	v60 =	vsel vm3, v60, v25  }
0x178: {  	v25 =	vadd.s32 v42, v44;
	v51 =	vsel vm3, v54, v51;
	v63 =	vadd.s32 $0xFFFFFFFF, v60  }
0x179: {  	v57 =	vshrl.u32 v57, $0x1;
	v55 =	vshrl.u32 v25, $0x1;
	v25 =	vxor.u32 v63, v51  }
0x17a: {  	v54 =	vor.u32 v63, v51;
	v25 =	vshrl.u32 v25, $0x1;
	v61 =	vld.idx.msk [tilespmem:v62+s11+$0x0], $0xffff;
	vm1 =	vlt.f32 v46, v27  }
0x17b: {  	v54 =	vsub.s32 v54, v25;
	v25 =	vor.u32 $0x1, v53;
	vm2 =	vlt.f32 v14, v24  }
0x17c: {  	v14 =	vperm.xlane v29, v0;
	v50 =	vsel vm2, v25, v50;
	v53 =	vsel vm2, v58, v53  }
0x17d: {  	v58 =	vmax.u32 v45, $0x1;
	v52 =	vsel vm1, v56, v52;
	v25 =	vxor.u32 v50, v53  }
0x17e: {  	v48 =	vsel vm1, v48, v59;
	v63 =	vand.u32 v50, v53;
	v25 =	vshrl.u32 v25, $0x1  }
0x17f: {  	v56 =	vld.idx.msk [tilespmem:v55+s11+$0x0], $0xffff;
	vm1 =	vlt.f32 v61, v35;
	v61 =	vadd.s32 $0x1, v62;
	v59 =	vadd.s32 v25, v63  }
0x180: {  	v25 =	vadd.s32 v52, v48;
	v63 =	vadd.s32 $0x1, v55;
	v46 =	vsel vm1, v61, v41;
	v41 =	vld.idx.msk [tilespmem:v57+s11+$0x0], $0xffff  }
0x181: {  	v49 =	vsel vm1, v49, v62;
	v62 =	vshrl.u32 v25, $0x1;
	v25 =	vsel vm0, v38, v47;
	v38 =	vld.idx.msk [tilespmem:v54+s11+$0x0], $0xffff  }
0x182: {  	v61 =	vadd.s32 $0x1, v57;
	v47 =	vsub.s32 v58, v5;
	v49 =	vadd.s32 v46, v49  }
0x183: {  	vm1 =	veq.s32 v45, $0x0;
	v45 =	vmin.u32 v45, $0x7FF;
	v49 =	vshrl.u32 v49, $0x1  }
0x184: {  	v58 =	vor.u32 $0x1, v54;
	v39 =	vsub.s32 v39, v45;
	vm2 =	vlt.f32 v56, v34  }
0x185: {  	v45 =	vsel vm2, v63, v42;
	v44 =	vsel vm2, v44, v55;
	vm2 =	vlt.f32 v41, v26;
	v41 =	vld.idx.msk [tilespmem:v59+s11+$0x0], $0xffff  }
0x186: {  	v39 =	vcvt.s32.f32 v39;
	v42 =	vadd.s32 v45, v44;
	vm3 =	vlt.f32 v38, v33;
	v55 =	vld.idx.msk [tilespmem:v62+s11+$0x0], $0xffff  }
0x187: {  	v40 =	vsel vm2, v61, v40;
	v38 =	vsel vm3, v58, v51;
	v54 =	vsel vm3, v60, v54  }
0x188: {  	v43 =	vsel vm2, v43, v57;
	v51 =	vshrl.u32 v42, $0x1;
	v42 =	vxor.u32 v38, v54;
	v57 =	vld.idx.msk [tilespmem:v49+s11+$0x0], $0xffff  }
0x189: {  	v47 =	vld.idx.msk [tilespmem:v47+s11+$0x0], $0xffff;
	v58 =	vadd.s32 v40, v43;
	v60 =	vand.u32 v38, v54;
	v42 =	vshrl.u32 v42, $0x1  }
0x18a: {  	v56 =	vadd.s32 $0x1, v59;
	v58 =	vshrl.u32 v58, $0x1;
	v60 =	vadd.s32 v42, v60  }
0x18b: {  	v42 =	vadd.s32 $0x1, v62;
	vm2 =	vlt.f32 v41, v24;
	vm3 =	vlt.f32 v55, v27  }
0x18c: {  	v55 =	vsel vm2, v56, v50;
	v56 =	vsel vm2, v53, v59;
	v41 =	vsel vm3, v42, v52  }
0x18d: {  	v50 =	vld.idx.msk [tilespmem:v51+s11+$0x0], $0xffff;
	v52 =	vadd.s32 $0x1, v49;
	v63 =	vadd.s32 v55, v56;
	vm2 =	vlt.f32 v57, v35  }
0x18e: {  	v47 =	vmul.f32 v47, v12;
	v57 =	vshrl.u32 v63, $0x1;
	v59 =	vsel vm2, v52, v46  }
0x18f: {  	v61 =	vadd.s32 $0x1, v58;
	v53 =	vsel vm3, v48, v62;
	v48 =	vld.idx.msk [tilespmem:v58+s11+$0x0], $0xffff;
	v49 =	vmax.u32 v59, $0x1  }
0x190: {  	v63 =	vadd.s32 v41, v53;
	v52 =	vsel vm1, $0x0, v47;
	v35 =	vsub.s32 v49, v5  }
0x191: {  	v53 =	vadd.s32 $0x1, v51;
	v62 =	vadd.s32 $0x1, v57;
	v47 =	vld.idx.msk [tilespmem:v60+s11+$0x0], $0xffff;
	v36 =	vmax.f32 v36, v52  }
0x192: {  	v63 =	vshrl.u32 v63, $0x1;
	v16 =	vsub.f32 v16, v36;
	vm1 =	vlt.f32 v50, v34  }
0x193: {  	vm2 =	veq.s32 v59, $0x0;
	v36 =	vsel vm1, v53, v45;
	v50 =	vsel vm1, v44, v51;
	v44 =	vld.idx.msk [tilespmem:v57+s11+$0x0], $0xffff  }
0x194: {  	v45 =	vadd.s32 v36, v50;
	vm1 =	vlt.f32 v48, v26;
	v48 =	vmul.f32 v39, v16;
	v16 =	vld [tilespmem:s22+$0xFFFFFFF0]  }
0x195: {  	v59 =	vmin.u32 v59, $0x7FF;
	v53 =	vshrl.u32 v45, $0x1;
	v45 =	vsel vm1, v43, v58;
	v58 =	vld.idx.msk [tilespmem:v35+s11+$0x0], $0xffff  }
0x196: {  	v46 =	vsel vm1, v61, v40;
	vm1 =	vlt.f32 v47, v33;
	v61 =	vadd.s32 $0x1, v60  }
0x197: {  	v47 =	vadd.s32 v46, v45;
	v51 =	vsel vm1, v61, v38;
	v52 =	vsel vm1, v54, v60  }
0x198: {  	v47 =	vshrl.u32 v47, $0x1;
	v61 =	vadd.s32 v51, v52;
	vm1 =	vlt.f32 v44, v24  }
0x199: {  	v35 =	vmul.f32 v16, v10;
	v43 =	vsel vm1, v62, v55;
	v55 =	vperm.xlane v16, v0  }
0x19a: {  	v54 =	vshrl.u32 v61, $0x1;
	v62 =	vmul.f32 v58, v12;
	v58 =	vperm.xlane v23, v6  }
0x19b: {  	v42 =	vadd.s32 $0x1, v63;
	v38 =	vmul.f32 v39, v48;
	v60 =	vld.idx.msk [tilespmem:v53+s11+$0x0], $0xffff;
	v44 =	vsel vm1, v56, v57  }
0x19c: {  	s24 =	simm.s32 $0x20;
	vm1 =	vlt.f32 v13, v35;
	v61 =	vsel vm2, $0x0, v62;
	v55 =	vsel vm0, v55, v58  }
0x19d: {  	s25 =	simm.s32 $0x90;
	v39 =	vor.u32 s24, v7;
	v48 =	vld.idx.msk [tilespmem:v63+s11+$0x0], $0xffff;
	v62 =	vmax.f32 v55, v61;
	v55 =	vsel vm1, $0x600, v4  }
0x19e: {  	s31 =	simm.s32 $0x40;
	s29 =	simm.s32 $0x60;
	v49 =	vadd.s32 $0x1, v47;
	v40 =	vperm.xlane v16, v6;
	v56 =	vld.idx.msk [tilespmem:v47+s11+$0x0], $0xffff;
	v58 =	vor.u32 s25, v7  }
0x19f: {  	s30 =	simm.s32 $0xF0;
	s0 =	simm.s32 $0x100;
	s23 =	simm.s32 $0xC0;
	v57 =	vadd.s32 v43, v44;
	v59 =	vsub.s32 v58, v59;
	v58 =	vld.idx.msk [tilespmem:v54+s11+$0x0], $0xffff;
	v61 =	vadd.s32 $0x1, v53  }
0x1a0: {  	[tilespmem:$0x1FFE0] =	vst v1;
	s22 =	simm.s32 $0xE0;
	s24 =	simm.s32 $0xA0;
	s25 =	simm.s32 $0x80;
	vm2 =	vlt.f32 v60, v34;
	v60 =	vsub.f32 v23, v62;
	v23 =	vld [tilespmem:s30+$0x0];
	v59 =	vcvt.s32.f32 v59  }
.LBB2_7:
0x1a1: {  	p0 =	sne.s32 s0, $0x7E0;
	v61 =	vsel vm2, v61, v36;
	v50 =	vsel vm2, v50, v53;
	v53 =	vsel vm1, $0x800, v2  }
0x1a2: {  	v63 =	vor.u32 $0x1, v55;
	v36 =	vadd.s32 v61, v50;
	v62 =	vld.idx.msk [tilespmem:v55+s11+$0x0], $0xffff;
	v60 =	vmul.f32 v59, v60  }
0x1a3: {  	v9 =	vsel vm1, $0x401, v3;
	v57 =	vshrl.u32 v57, $0x1;
	v1 =	vshrl.u32 v36, $0x1  }
0x1a4: {  	vm1 =	vlt.f32 v58, v33;
	v58 =	vadd.s32 $0x1, v54;
	v59 =	vmul.f32 v59, v60  }
0x1a5: {  	v51 =	vsel vm1, v58, v51;
	v52 =	vsel vm1, v52, v54;
	v36 =	vmul.f32 v23, v10  }
0x1a6: {  	v58 =	vadd.s32 $0x1, v57;
	v54 =	vadd.s32 v51, v52;
	v37 =	vadd.f32 v59, v37  }
0x1a7: {  	vm2 =	vlt.f32 v56, v26;
	v54 =	vshrl.u32 v54, $0x1;
	vm1 =	vlt.f32 v15, v36  }
0x1a8: {  	v46 =	vsel vm2, v49, v46;
	vm3 =	vlt.f32 v62, v35;
	v56 =	vsel vm1, $0x600, v4;
	v59 =	vld.idx.msk [tilespmem:v1+s11+$0x0], $0xffff  }
0x1a9: {  	v45 =	vsel vm2, v45, v47;
	v9 =	vsel vm3, v63, v9;
	v49 =	vsel vm3, v53, v55;
	v53 =	vld.idx.msk [tilespmem:v57+s11+$0x0], $0xffff  }
0x1aa: {  	vm2 =	vlt.f32 v48, v27;
	v27 =	vmovc v26;
	v26 =	vmovc v24;
	v55 =	vadd.s32 v46, v45;
	v47 =	vadd.s32 $0xFFFFFFFF, v49  }
0x1ab: {  	v24 =	vmovc v35;
	v55 =	vshrl.u32 v55, $0x1;
	v48 =	vor.u32 v47, v9;
	v47 =	vxor.u32 v47, v9  }
0x1ac: {  	v41 =	vsel vm2, v42, v41;
	v60 =	vadd.s32 $0x1, v55;
	v47 =	vshrl.u32 v47, $0x1;
	v35 =	vld.idx.msk [tilespmem:v54+s11+$0x0], $0xffff  }
0x1ad: {  	v62 =	vperm.xlane v23, v0;
	v47 =	vsub.s32 v48, v47;
	v48 =	vmax.u32 v41, $0x1;
	v42 =	vld.idx.msk [tilespmem:v56+s11+$0x0], $0xffff  }
0x1ae: {  	vm2 =	vlt.f32 v59, v34;
	v59 =	vadd.s32 $0x1, v1;
	v63 =	vor.u32 $0x1, v47  }
0x1af: {  	v59 =	vsel vm2, v59, v61;
	v1 =	vsel vm2, v50, v1;
	vm2 =	vlt.f32 v53, v26  }
0x1b0: {  	v50 =	vadd.s32 v59, v1;
	v43 =	vsel vm2, v58, v43;
	v44 =	vsel vm2, v44, v57;
	v53 =	vld.idx.msk [tilespmem:v55+s11+$0x0], $0xffff  }
0x1b1: {  	v57 =	vsel vm1, $0x401, v3;
	v50 =	vshrl.u32 v50, $0x1;
	v58 =	vadd.s32 v43, v44  }
0x1b2: {  	v61 =	vsel vm1, $0x800, v2;
	vm1 =	vlt.f32 v35, v33;
	v35 =	vadd.s32 $0x1, v54;
	v11 =	vld.idx.msk [tilespmem:v47+s11+$0x0], $0xffff  }
0x1b3: {  	vm2 =	vlt.f32 v42, v36;
	v35 =	vsel vm1, v35, v51;
	v42 =	vsel vm1, v52, v54  }
0x1b4: {  	v51 =	vor.u32 $0x1, v56;
	v52 =	vsel vm2, v61, v56;
	v54 =	vadd.s32 v35, v42  }
0x1b5: {  	v51 =	vsel vm2, v51, v57;
	v56 =	vadd.s32 $0xFFFFFFFF, v52;
	v54 =	vshrl.u32 v54, $0x1  }
0x1b6: {  	v58 =	vshrl.u32 v58, $0x1;
	v57 =	vxor.u32 v56, v51;
	vm1 =	vlt.f32 v53, v27;
	v61 =	vld.idx.msk [tilespmem:v50+s11+$0x0], $0xffff  }
0x1b7: {  	v53 =	vor.u32 v56, v51;
	v56 =	vshrl.u32 v57, $0x1;
	v57 =	vadd.s32 $0x1, v58  }
0x1b8: {  	v53 =	vsub.s32 v53, v56;
	vm2 =	vlt.f32 v11, v24;
	v11 =	vsel vm1, v60, v46  }
0x1b9: {  	v45 =	vsel vm1, v45, v55;
	v9 =	vsel vm2, v63, v9;
	v46 =	vsel vm2, v49, v47  }
0x1ba: {  	v56 =	vadd.s32 v11, v45;
	v49 =	vand.u32 v9, v46;
	v55 =	vxor.u32 v9, v46;
	v47 =	vld.idx.msk [tilespmem:v54+s11+$0x0], $0xffff  }
0x1bb: {  	v48 =	vsub.s32 v48, v5;
	v56 =	vshrl.u32 v56, $0x1;
	v55 =	vshrl.u32 v55, $0x1;
	v60 =	vld.idx.msk [tilespmem:v58+s11+$0x0], $0xffff  }
0x1bc: {  	vm1 =	vlt.f32 v61, v34;
	v61 =	vadd.s32 $0x1, v50;
	v49 =	vadd.s32 v55, v49  }
0x1bd: {  	v59 =	vsel vm1, v61, v59;
	v1 =	vsel vm1, v1, v50;
	v50 =	vadd.s32 $0x1, v49;
	v55 =	vld.idx.msk [tilespmem:v53+s11+$0x0], $0xffff  }
0x1be: {  	v61 =	vadd.s32 $0x1, v56;
	vm1 =	veq.s32 v41, $0x0;
	v1 =	vadd.s32 v59, v1  }
0x1bf: {  	v40 =	vsel vm0, v32, v40;
	v32 =	vmovc v22;
	v22 =	vmovc v18;
	v41 =	vmin.u32 v41, $0x7FF;
	v1 =	vshrl.u32 v1, $0x1  }
0x1c0: {  	v18 =	vmovc v14;
	v39 =	vsub.s32 v39, v41;
	vm2 =	vlt.f32 v47, v33;
	v47 =	vadd.s32 $0x1, v54;
	v63 =	vld.idx.msk [tilespmem:v56+s11+$0x0], $0xffff  }
0x1c1: {  	v35 =	vsel vm2, v47, v35;
	v47 =	vsel vm2, v42, v54;
	vm2 =	vlt.f32 v60, v26;
	v41 =	vld.idx.msk [tilespmem:v49+s11+$0x0], $0xffff  }
0x1c2: {  	v8 =	vadd.s32 v35, v47;
	v43 =	vsel vm2, v57, v43;
	v44 =	vsel vm2, v44, v58;
	v42 =	vld.idx.msk [tilespmem:v48+s11+$0x0], $0xffff  }
0x1c3: {  	v14 =	vmovc v62;
	vm2 =	vlt.f32 v55, v36;
	v48 =	vor.u32 $0x1, v53;
	v54 =	vshrl.u32 v8, $0x1  }
0x1c4: {  	v48 =	vsel vm2, v48, v51;
	v52 =	vsel vm2, v52, v53;
	v53 =	vadd.s32 v43, v44;
	v51 =	vld.idx.msk [tilespmem:v1+s11+$0x0], $0xffff  }
0x1c5: {  	v39 =	vcvt.s32.f32 v39;
	v55 =	vxor.u32 v48, v52;
	v57 =	vshrl.u32 v53, $0x1  }
0x1c6: {  	v53 =	vand.u32 v48, v52;
	v55 =	vshrl.u32 v55, $0x1;
	v58 =	vadd.s32 $0x1, v57  }
0x1c7: {  	vm3 =	vlt.f32 v63, v27;
	v55 =	vadd.s32 v55, v53;
	vm2 =	vlt.f32 v41, v24  }
0x1c8: {  	v41 =	vsel vm3, v61, v11;
	v9 =	vsel vm2, v50, v9;
	v60 =	vsel vm2, v46, v49;
	v53 =	vld.idx.msk [tilespmem:v54+s11+$0x0], $0xffff  }
0x1c9: {  	v45 =	vsel vm3, v45, v56;
	v42 =	vmul.f32 v42, v12;
	v11 =	vadd.s32 v9, v60  }
0x1ca: {  	v1 =	vadd.s32 $0x1, v1;
	vm2 =	vlt.f32 v51, v34;
	v11 =	vshrl.u32 v11, $0x1;
	v34 =	vmovc v33;
	v33 =	vmovc v36;
	v46 =	vld.idx.msk [tilespmem:v57+s11+$0x0], $0xffff  }
0x1cb: {  	v36 =	vadd.s32 v41, v45;
	v1 =	vsel vm2, v1, v59;
	v56 =	vadd.s32 $0x1, v11  }
0x1cc: {  	v59 =	vshrl.u32 v36, $0x1;
	v36 =	vsel vm1, $0x0, v42;
	v45 =	vmax.u32 v1, $0x1;
	v49 =	vld.idx.msk [tilespmem:v55+s11+$0x0], $0xffff  }
0x1cd: {  	v42 =	vadd.s32 $0x1, v59;
	v36 =	vmax.f32 v31, v36;
	v31 =	vmovc v28;
	v28 =	vmovc v25;
	v51 =	vsub.s32 v45, v5  }
0x1ce: {  	v25 =	vmovc v40;
	v45 =	vadd.s32 $0x1, v54;
	vm1 =	vlt.f32 v53, v34;
	v53 =	vsub.f32 v21, v36;
	v21 =	vmovc v19  }
0x1cf: {  	v20 =	vadd.f32 v38, v20;
	v36 =	vsel vm1, v45, v35;
	v50 =	vsel vm1, v47, v54;
	v35 =	vld.idx.msk [tilespmem:v11+s11+$0x0], $0xffff  }
0x1d0: {  	v19 =	vmovc v17;
	v38 =	vadd.s32 v36, v50;
	vm1 =	vlt.f32 v46, v26;
	v40 =	vmul.f32 v39, v53  }
0x1d1: {  	v17 =	vmovc v16;
	v53 =	vshrl.u32 v38, $0x1;
	v46 =	vsel vm1, v58, v43;
	v45 =	vsel vm1, v44, v57;
	v16 =	vld [tilespmem:s26+$0xFFFFFFF0];
	s26 =	smov.u32 s28;
	s28 =	smov.u32 s30  }
0x1d2: {  	v38 =	vadd.s32 $0x1, v55;
	vm1 =	vlt.f32 v49, v33;
	v43 =	vadd.s32 v46, v45;
	v58 =	vld.idx.msk [tilespmem:v51+s11+$0x0], $0xffff  }
0x1d3: {  	v51 =	vsel vm1, v38, v48;
	v52 =	vsel vm1, v52, v55;
	v47 =	vshrl.u32 v43, $0x1;
	v48 =	vld.idx.msk [tilespmem:v59+s11+$0x0], $0xffff  }
0x1d4: {  	v38 =	vmul.f32 v39, v40;
	v43 =	vadd.s32 v51, v52;
	v49 =	vadd.s32 $0x1, v47  }
0x1d5: {  	v39 =	vor.u32 s31, v7;
	s31 =	smov.u32 s29;
	s29 =	smov.u32 s25;
	s25 =	smov.u32 s24;
	v54 =	vshrl.u32 v43, $0x1;
	vm1 =	vlt.f32 v35, v24  }
0x1d6: {  	s24 =	smov.u32 s23;
	s23 =	smov.u32 s22;
	s22 =	smov.u32 s0;
	v43 =	vsel vm1, v56, v9;
	v44 =	vsel vm1, v60, v11;
	v59 =	vld.idx.msk [tilespmem:v53+s11+$0x0], $0xffff;
	v35 =	vmul.f32 v16, v10  }
0x1d7: {  	v40 =	vperm.xlane v16, v6;
	v9 =	vperm.xlane v16, v0;
	v57 =	vadd.s32 v43, v44  }
.Ltmp2:
0x1d8: {  	s1 =	sadd.s32 $0x10, s25;
	v60 =	vperm.xlane v30, v6;
	v11 =	vmul.f32 v58, v12;
	vm1 =	vlt.f32 v13, v35;
	v56 =	vld.idx.msk [tilespmem:v47+s11+$0x0], $0xffff;
	(pc) =	sbr.rel @p0 .LBB2_7-.Ltmp2, $4  }
0x1d9: {  	vm2 =	veq.s32 v1, $0x0;
	v62 =	vor.u32 s1, v7;
	v55 =	vsel vm1, $0x600, v4  }
0x1da: {  	v1 =	vmin.u32 v1, $0x7FF;
	v9 =	vsel vm0, v9, v60;
	v11 =	vsel vm2, $0x0, v11;
	v58 =	vld.idx.msk [tilespmem:v54+s11+$0x0], $0xffff  }
0x1db: {  	s30 =	sadd.s32 $0x20, s30;
	v61 =	vadd.s32 $0x1, v53;
	v1 =	vsub.s32 v62, v1;
	v9 =	vmax.f32 v9, v11  }
0x1dc: {  	s0 =	sadd.s32 $0x20, s0;
	vm2 =	vlt.f32 v59, v34;
	v60 =	vsub.f32 v30, v9;
	v59 =	vcvt.s32.f32 v1;
	v30 =	vmovc v29;
	v29 =	vmovc v23;
	v23 =	vld [tilespmem:s30+$0x0]  }
0x1dd: {  	v1 =	vsel vm2, v61, v36  }
0x1de: {  	v9 =	vsel vm2, v50, v53;
	v11 =	vsel vm1, $0x800, v2;
	v50 =	vor.u32 $0x1, v55  }
0x1df: {  	v62 =	vsel vm1, $0x401, v3;
	v57 =	vshrl.u32 v57, $0x1;
	v63 =	vadd.s32 $0x1, v54  }
0x1e0: {  	vm2 =	vlt.f32 v56, v26;
	v36 =	vadd.s32 v1, v9;
	v53 =	vmul.f32 v59, v60  }
0x1e1: {  	v60 =	vld.idx.msk [tilespmem:v55+s11+$0x0], $0xffff;
	v46 =	vsel vm2, v49, v46;
	v61 =	vshrl.u32 v36, $0x1;
	vm1 =	vlt.f32 v58, v33  }
0x1e2: {  	v51 =	vsel vm1, v63, v51;
	v52 =	vsel vm1, v52, v54;
	v36 =	vmul.f32 v23, v10  }
0x1e3: {  	v45 =	vsel vm2, v45, v47;
	vm2 =	vlt.f32 v48, v27;
	v54 =	vadd.s32 v51, v52  }
0x1e4: {  	v53 =	vmul.f32 v59, v53;
	vm1 =	vlt.f32 v15, v36;
	v15 =	vshrl.u32 v54, $0x1  }
0x1e5: {  	v38 =	vadd.f32 v38, v20;
	v41 =	vsel vm2, v42, v41;
	v54 =	vsel vm1, $0x600, v4  }
0x1e6: {  	v37 =	vadd.f32 v53, v37;
	v53 =	vadd.s32 $0x1, v57;
	vm3 =	vlt.f32 v60, v35;
	v56 =	vld.idx.msk [tilespmem:v61+s11+$0x0], $0xffff  }
0x1e7: {  	v47 =	vld.idx.msk [tilespmem:v57+s11+$0x0], $0xffff;
	v60 =	vadd.s32 v46, v45;
	v49 =	vsel vm3, v50, v62;
	v11 =	vsel vm3, v11, v55  }
0x1e8: {  	v50 =	vshrl.u32 v60, $0x1;
	v60 =	vadd.s32 $0x1, v61;
	v59 =	vadd.s32 $0xFFFFFFFF, v11  }
0x1e9: {  	v55 =	vadd.s32 $0x1, v15;
	v58 =	vadd.s32 $0x1, v50;
	v62 =	vxor.u32 v59, v49;
	v63 =	vld.idx.msk [tilespmem:v15+s11+$0x0], $0xffff  }
0x1ea: {  	v27 =	vor.u32 v59, v49;
	v59 =	vsel vm1, $0x800, v2;
	v48 =	vshrl.u32 v62, $0x1;
	v42 =	vld.idx.msk [tilespmem:v54+s11+$0x0], $0xffff  }
0x1eb: {  	v27 =	vsub.s32 v27, v48;
	vm2 =	vlt.f32 v56, v34;
	v56 =	vmax.u32 v41, $0x1  }
0x1ec: {  	v1 =	vsel vm2, v60, v1;
	v9 =	vsel vm2, v9, v61;
	vm2 =	vlt.f32 v47, v24  }
0x1ed: {  	v48 =	vor.u32 $0x1, v27;
	v62 =	vadd.s32 v1, v9;
	v43 =	vsel vm2, v53, v43  }
0x1ee: {  	v44 =	vsel vm2, v44, v57;
	v53 =	vsel vm1, $0x401, v3;
	v57 =	vld.idx.msk [tilespmem:v50+s11+$0x0], $0xffff;
	v47 =	vshrl.u32 v62, $0x1  }
0x1ef: {  	vm2 =	vlt.f32 v63, v33;
	v63 =	vor.u32 $0x1, v54;
	vm1 =	vlt.f32 v42, v36  }
0x1f0: {  	v60 =	vld.idx.msk [tilespmem:v27+s11+$0x0], $0xffff;
	v42 =	vsel vm2, v55, v51;
	v15 =	vsel vm2, v52, v15;
	v55 =	vadd.s32 v43, v44  }
0x1f1: {  	v52 =	vsel vm1, v59, v54;
	v61 =	vadd.s32 v42, v15;
	v51 =	vsel vm1, v63, v53  }
0x1f2: {  	v55 =	vshrl.u32 v55, $0x1;
	v53 =	vadd.s32 $0xFFFFFFFF, v52;
	v54 =	vshrl.u32 v61, $0x1  }
0x1f3: {  	vm1 =	vlt.f32 v57, v26;
	v59 =	vxor.u32 v53, v51;
	v53 =	vor.u32 v53, v51  }
0x1f4: {  	v46 =	vsel vm1, v58, v46;
	v45 =	vsel vm1, v45, v50;
	v62 =	vshrl.u32 v59, $0x1  }
0x1f5: {  	v61 =	vld.idx.msk [tilespmem:v47+s11+$0x0], $0xffff;
	v59 =	vadd.s32 $0x1, v55;
	vm2 =	vlt.f32 v60, v35;
	v63 =	vadd.s32 v46, v45  }
0x1f6: {  	v53 =	vsub.s32 v53, v62;
	v48 =	vsel vm2, v48, v49;
	v11 =	vsel vm2, v11, v27  }
0x1f7: {  	v60 =	vadd.s32 $0x1, v47;
	v57 =	vshrl.u32 v63, $0x1;
	v27 =	vxor.u32 v48, v11;
	v49 =	vld.idx.msk [tilespmem:v54+s11+$0x0], $0xffff  }
0x1f8: {  	v62 =	vmin.u32 v41, $0x7FF;
	v50 =	vand.u32 v48, v11;
	v27 =	vshrl.u32 v27, $0x1  }
0x1f9: {  	v63 =	vor.u32 $0x1, v53;
	v39 =	vsub.s32 v39, v62;
	v50 =	vadd.s32 v27, v50  }
0x1fa: {  	v58 =	vld.idx.msk [tilespmem:v55+s11+$0x0], $0xffff;
	v39 =	vcvt.s32.f32 v39;
	vm1 =	vlt.f32 v61, v34;
	v27 =	vsel vm0, v32, v40  }
0x1fb: {  	v1 =	vsel vm1, v60, v1;
	v9 =	vsel vm1, v9, v47;
	v47 =	vsub.s32 v56, v5;
	v56 =	vld.idx.msk [tilespmem:v53+s11+$0x0], $0xffff  }
0x1fc: {  	v9 =	vadd.s32 v1, v9;
	vm2 =	vlt.f32 v49, v33;
	v49 =	vadd.s32 $0x1, v54  }
0x1fd: {  	v9 =	vshrl.u32 v9, $0x1;
	v32 =	vsel vm2, v49, v42;
	v15 =	vsel vm2, v15, v54  }
0x1fe: {  	v61 =	vadd.s32 $0x1, v57;
	vm1 =	veq.s32 v41, $0x0;
	v41 =	vld.idx.msk [tilespmem:v50+s11+$0x0], $0xffff;
	v42 =	vadd.s32 v32, v15  }
0x1ff: {  	v60 =	vadd.s32 $0x1, v50;
	vm2 =	vlt.f32 v58, v24;
	v49 =	vld.idx.msk [tilespmem:v57+s11+$0x0], $0xffff;
	v42 =	vshrl.u32 v42, $0x1  }
0x200: {  	v43 =	vsel vm2, v59, v43;
	v44 =	vsel vm2, v44, v55;
	v47 =	vld.idx.msk [tilespmem:v47+s11+$0x0], $0xffff;
	vm3 =	vlt.f32 v56, v36  }
0x201: {  	v59 =	vadd.s32 v43, v44;
	v51 =	vsel vm3, v63, v51;
	v52 =	vsel vm3, v52, v53  }
0x202: {  	v58 =	vld.idx.msk [tilespmem:v9+s11+$0x0], $0xffff;
	v53 =	vshrl.u32 v59, $0x1;
	v9 =	vadd.s32 $0x1, v9;
	v54 =	vxor.u32 v51, v52  }
0x203: {  	v62 =	vand.u32 v51, v52;
	v54 =	vshrl.u32 v54, $0x1;
	vm2 =	vlt.f32 v41, v35  }
0x204: {  	vm3 =	vlt.f32 v49, v26;
	v49 =	vadd.s32 $0x1, v53;
	v54 =	vadd.s32 v54, v62;
	v63 =	vld.idx.msk [tilespmem:v42+s11+$0x0], $0xffff  }
0x205: {  	v48 =	vsel vm2, v60, v48;
	v11 =	vsel vm2, v11, v50;
	v47 =	vmul.f32 v47, v12  }
0x206: {  	v46 =	vsel vm3, v61, v46;
	v61 =	vadd.s32 $0x1, v42;
	v50 =	vadd.s32 v48, v11  }
0x207: {  	vm2 =	vlt.f32 v58, v34;
	v58 =	vsel vm3, v45, v57;
	v47 =	vsel vm1, $0x0, v47  }
0x208: {  	v40 =	vshrl.u32 v50, $0x1;
	v59 =	vld.idx.msk [tilespmem:v53+s11+$0x0], $0xffff;
	v1 =	vsel vm2, v9, v1;
	v31 =	vmax.f32 v31, v47  }
0x209: {  	v60 =	vmax.u32 v1, $0x1;
	v31 =	vsub.f32 v21, v31;
	v55 =	vld.idx.msk [tilespmem:v54+s11+$0x0], $0xffff;
	vm1 =	vlt.f32 v63, v33  }
0x20a: {  	v50 =	vsub.s32 v60, v5;
	v32 =	vsel vm1, v61, v32;
	v15 =	vsel vm1, v15, v42  }
0x20b: {  	v9 =	vadd.s32 $0x1, v40;
	v34 =	vadd.s32 v46, v58;
	v21 =	vld [tilespmem:s26+$0xFFFFFFF0];
	v41 =	vadd.s32 v32, v15  }
0x20c: {  	v34 =	vshrl.u32 v34, $0x1;
	v63 =	vmul.f32 v39, v31;
	v41 =	vshrl.u32 v41, $0x1  }
0x20d: {  	v31 =	vadd.s32 $0x1, v54;
	vm1 =	vlt.f32 v59, v24;
	v42 =	vadd.s32 $0x1, v34;
	v62 =	vld.idx.msk [tilespmem:v40+s11+$0x0], $0xffff  }
0x20e: {  	v43 =	vsel vm1, v49, v43;
	v44 =	vsel vm1, v44, v53;
	vm1 =	vlt.f32 v55, v36  }
0x20f: {  	v61 =	vperm.xlane v30, v6;
	v57 =	vld.idx.msk [tilespmem:v50+s11+$0x0], $0xffff;
	v51 =	vsel vm1, v31, v51;
	v52 =	vsel vm1, v52, v54  }
0x210: {  	v39 =	vmul.f32 v39, v63;
	v31 =	vmul.f32 v21, v10;
	v59 =	vadd.s32 v51, v52  }
0x211: {  	v58 =	vadd.s32 v43, v44;
	v45 =	vperm.xlane v21, v0;
	v53 =	vshrl.u32 v59, $0x1;
	v54 =	vld.idx.msk [tilespmem:v41+s11+$0x0], $0xffff  }
0x212: {  	v50 =	vshrl.u32 v58, $0x1;
	vm1 =	vlt.f32 v62, v35;
	vm2 =	vlt.f32 v13, v31  }
0x213: {  	v63 =	vadd.s32 $0x1, v41;
	v11 =	vsel vm1, v11, v40;
	v40 =	vsel vm2, $0x600, v4  }
0x214: {  	v55 =	vor.u32 s31, v7;
	v20 =	vadd.s32 $0x1, v50;
	v60 =	vmul.f32 v57, v12  }
0x215: {  	s0 =	sadd.s32 $0x10, s24;
	v45 =	vsel vm0, v45, v61;
	v9 =	vsel vm1, v9, v48;
	vm1 =	veq.s32 v1, $0x0  }
0x216: {  	v62 =	vor.u32 s0, v7;
	v48 =	vsel vm1, $0x0, v60;
	v56 =	vld.idx.msk [tilespmem:v53+s11+$0x0], $0xffff;
	vm1 =	vlt.f32 v54, v33  }
0x217: {  	v1 =	vmin.u32 v1, $0x7FF;
	v54 =	vld.idx.msk [tilespmem:v50+s11+$0x0], $0xffff;
	v32 =	vsel vm1, v63, v32;
	v41 =	vsel vm1, v15, v41  }
0x218: {  	v47 =	vadd.s32 v9, v11;
	v15 =	vmax.f32 v45, v48;
	v48 =	vld.idx.msk [tilespmem:v40+s11+$0x0], $0xffff;
	v59 =	vadd.s32 v32, v41  }
0x219: {  	v1 =	vsub.s32 v62, v1;
	v15 =	vsub.f32 v30, v15;
	v30 =	vshrl.u32 v59, $0x1  }
0x21a: {  	v62 =	vsel vm2, $0x401, v3;
	v1 =	vcvt.s32.f32 v1;
	v61 =	vor.u32 $0x1, v40  }
0x21b: {  	v47 =	vshrl.u32 v47, $0x1;
	v63 =	vadd.s32 $0x1, v53;
	vm1 =	vlt.f32 v56, v36  }
0x21c: {  	v60 =	vsel vm2, $0x800, v2;
	v51 =	vsel vm1, v63, v51;
	v52 =	vsel vm1, v52, v53  }
0x21d: {  	vm1 =	vlt.f32 v54, v24;
	v53 =	vadd.s32 v51, v52;
	vm2 =	vlt.f32 v48, v31  }
0x21e: {  	v20 =	vsel vm1, v20, v43;
	v44 =	vsel vm1, v44, v50;
	v48 =	vshrl.u32 v53, $0x1;
	v53 =	vld.idx.msk [tilespmem:v30+s11+$0x0], $0xffff  }
0x21f: {  	v34 =	vld.idx.msk [tilespmem:v34+s11+$0x0], $0xffff;
	v40 =	vsel vm2, v60, v40;
	v60 =	vmul.f32 v1, v15;
	v15 =	vadd.s32 v20, v44  }
0x220: {  	v43 =	vsel vm2, v61, v62;
	v62 =	vld.idx.msk [tilespmem:v47+s11+$0x0], $0xffff;
	v45 =	vadd.s32 $0xFFFFFFFF, v40;
	v54 =	vshrl.u32 v15, $0x1  }
0x221: {  	v15 =	vld [tilespmem:s28+$0xFFFFFFF0];
	v61 =	vxor.u32 v45, v43;
	v45 =	vor.u32 v45, v43;
	v1 =	vmul.f32 v1, v60  }
0x222: {  	v60 =	vadd.s32 $0x1, v30;
	v50 =	vshrl.u32 v61, $0x1;
	v61 =	vadd.s32 $0x1, v47  }
0x223: {  	v45 =	vsub.s32 v45, v50;
	v50 =	vperm.xlane v21, v6;
	v63 =	vld.idx.msk [tilespmem:v48+s11+$0x0], $0xffff;
	vm1 =	vlt.f32 v53, v33  }
0x224: {  	v37 =	vadd.f32 v1, v37;
	v1 =	vsel vm1, v60, v32;
	v30 =	vsel vm1, v41, v30  }
0x225: {  	vm2 =	vlt.f32 v62, v35;
	vm1 =	vlt.f32 v34, v26;
	v26 =	vadd.s32 v1, v30  }
0x226: {  	v41 =	vsel vm1, v42, v46;
	v42 =	vshrl.u32 v26, $0x1;
	v26 =	vmul.f32 v15, v10  }
0x227: {  	v62 =	vadd.s32 $0x1, v48;
	v9 =	vsel vm2, v61, v9;
	v11 =	vsel vm2, v11, v47;
	v34 =	vld.idx.msk [tilespmem:v54+s11+$0x0], $0xffff  }
0x228: {  	v60 =	vor.u32 $0x1, v45;
	v49 =	vld.idx.msk [tilespmem:v45+s11+$0x0], $0xffff;
	vm3 =	vlt.f32 v63, v36;
	vm1 =	vlt.f32 v13, v26  }
0x229: {  	v61 =	vadd.s32 v9, v11;
	v48 =	vsel vm3, v52, v48;
	v52 =	vsel vm1, $0x600, v4  }
0x22a: {  	v46 =	vadd.s32 $0x1, v54;
	v56 =	vshrl.u32 v61, $0x1;
	v51 =	vsel vm3, v62, v51  }
0x22b: {  	v53 =	vmax.u32 v41, $0x1;
	v59 =	vadd.s32 $0x1, v42;
	v63 =	vadd.s32 v51, v48  }
0x22c: {  	vm2 =	vlt.f32 v34, v24;
	v34 =	vsel vm0, v22, v50;
	v57 =	vshrl.u32 v63, $0x1;
	v62 =	vld.idx.msk [tilespmem:v42+s11+$0x0], $0xffff  }
0x22d: {  	v44 =	vsel vm2, v44, v54;
	v61 =	vor.u32 $0x1, v52;
	vm3 =	vlt.f32 v49, v31  }
0x22e: {  	v49 =	vadd.s32 $0x1, v56;
	v40 =	vsel vm3, v40, v45;
	v45 =	vsel vm2, v46, v20;
	v63 =	vld.idx.msk [tilespmem:v52+s11+$0x0], $0xffff  }
0x22f: {  	v50 =	vadd.s32 $0x1, v57;
	v43 =	vsel vm3, v60, v43;
	v58 =	vadd.s32 v45, v44  }
0x230: {  	v60 =	vsel vm1, $0x800, v2;
	v20 =	vxor.u32 v43, v40;
	v47 =	vshrl.u32 v58, $0x1;
	v58 =	vld.idx.msk [tilespmem:v56+s11+$0x0], $0xffff  }
0x231: {  	v54 =	vand.u32 v43, v40;
	v20 =	vshrl.u32 v20, $0x1;
	vm2 =	vlt.f32 v62, v33  }
0x232: {  	v46 =	vadd.s32 v20, v54;
	v1 =	vsel vm2, v59, v1;
	v20 =	vsel vm2, v30, v42;
	v30 =	vld.idx.msk [tilespmem:v57+s11+$0x0], $0xffff  }
0x233: {  	v42 =	vsub.s32 v53, v5;
	v32 =	vadd.s32 v1, v20;
	v20 =	vld [tilespmem:s30+$0xFFFFFFF0];
	vm2 =	vlt.f32 v63, v26  }
0x234: {  	v54 =	vadd.s32 $0x1, v47;
	v62 =	vsel vm1, $0x401, v3;
	v52 =	vsel vm2, v60, v52  }
0x235: {  	vm3 =	vlt.f32 v58, v35;
	v59 =	vsel vm2, v61, v62;
	v60 =	vadd.s32 $0xFFFFFFFF, v52  }
0x236: {  	v61 =	vshrl.u32 v32, $0x1;
	v9 =	vsel vm3, v49, v9;
	v22 =	vxor.u32 v60, v59  }
0x237: {  	vm2 =	vlt.f32 v30, v36;
	v30 =	vor.u32 v60, v59;
	v60 =	vld.idx.msk [tilespmem:v46+s11+$0x0], $0xffff;
	v22 =	vshrl.u32 v22, $0x1  }
0x238: {  	v11 =	vsel vm3, v11, v56;
	v42 =	vld.idx.msk [tilespmem:v42+s11+$0x0], $0xffff;
	v32 =	vmul.f32 v20, v10;
	v22 =	vsub.s32 v30, v22  }
0x239: {  	vm1 =	veq.s32 v41, $0x0;
	v53 =	vadd.s32 $0x1, v46;
	v63 =	vld.idx.msk [tilespmem:v47+s11+$0x0], $0xffff;
	v58 =	vadd.s32 v9, v11  }
0x23a: {  	v50 =	vsel vm2, v50, v51;
	v48 =	vsel vm2, v48, v57;
	vm2 =	vlt.f32 v13, v32  }
0x23b: {  	v30 =	vmin.u32 v41, $0x7FF;
	v51 =	vadd.s32 v50, v48;
	v13 =	vld.idx.msk [tilespmem:v61+s11+$0x0], $0xffff;
	v49 =	vsel vm2, $0x600, v4  }
0x23c: {  	v30 =	vsub.s32 v55, v30;
	v51 =	vshrl.u32 v51, $0x1;
	v55 =	vshrl.u32 v58, $0x1  }
0x23d: {  	v30 =	vcvt.s32.f32 v30;
	vm3 =	vlt.f32 v60, v31;
	v42 =	vmul.f32 v42, v12;
	v60 =	vld.idx.msk [tilespmem:v22+s11+$0x0], $0xffff  }
0x23e: {  	v43 =	vsel vm3, v53, v43;
	v46 =	vsel vm3, v40, v46;
	vm3 =	vlt.f32 v63, v24  }
0x23f: {  	v40 =	vsel vm3, v54, v45;
	v62 =	vadd.s32 v43, v46;
	v44 =	vsel vm3, v44, v47  }
0x240: {  	v42 =	vsel vm1, $0x0, v42;
	vm3 =	vlt.f32 v13, v33;
	v13 =	vadd.s32 $0x1, v61;
	v63 =	vld.idx.msk [tilespmem:v49+s11+$0x0], $0xffff  }
0x241: {  	v45 =	vshrl.u32 v62, $0x1;
	v62 =	vsel vm2, $0x800, v2;
	v28 =	vmax.f32 v28, v42  }
0x242: {  	v1 =	vsel vm3, v13, v1;
	v13 =	vor.u32 $0x1, v22;
	vm3 =	vlt.f32 v60, v26  }
0x243: {  	v19 =	vsub.f32 v19, v28;
	v60 =	vmax.u32 v1, $0x1;
	v13 =	vsel vm3, v13, v59  }
0x244: {  	v52 =	vsel vm3, v52, v22;
	v22 =	vadd.s32 v40, v44;
	v44 =	vsub.s32 v60, v5  }
0x245: {  	v54 =	vld.idx.msk [tilespmem:v51+s11+$0x0], $0xffff;
	v60 =	vsel vm2, $0x401, v3;
	v53 =	vand.u32 v13, v52;
	vm3 =	vlt.f32 v63, v32  }
0x246: {  	v33 =	vld.idx.msk [tilespmem:v55+s11+$0x0], $0xffff;
	v61 =	vxor.u32 v13, v52;
	v63 =	vor.u32 $0x1, v49;
	v49 =	vsel vm3, v62, v49  }
0x247: {  	v56 =	vshrl.u32 v61, $0x1;
	v57 =	vsel vm3, v63, v60;
	v61 =	vadd.s32 $0xFFFFFFFF, v49  }
0x248: {  	v59 =	vshrl.u32 v22, $0x1;
	v53 =	vadd.s32 v56, v53;
	v22 =	vxor.u32 v61, v57  }
0x249: {  	v41 =	vadd.s32 $0x1, v55;
	v62 =	vor.u32 v61, v57;
	v22 =	vshrl.u32 v22, $0x1  }
0x24a: {  	v47 =	vadd.s32 $0x1, v45;
	v19 =	vmul.f32 v30, v19;
	v42 =	vsub.s32 v62, v22  }
0x24b: {  	v28 =	vadd.f32 v39, v38;
	vm1 =	vlt.f32 v54, v36;
	vm2 =	vlt.f32 v33, v35;
	v63 =	vld.idx.msk [tilespmem:v45+s11+$0x0], $0xffff  }
0x24c: {  	v30 =	vmul.f32 v30, v19;
	v19 =	vperm.xlane v15, v0;
	v9 =	vsel vm2, v41, v9;
	v60 =	vld.idx.msk [tilespmem:v44+s11+$0x0], $0xffff  }
0x24d: {  	s1 =	sadd.s32 $0x10, s23;
	v11 =	vsel vm2, v11, v55;
	vm2 =	veq.s32 v1, $0x0;
	v22 =	vadd.s32 $0x1, v51;
	v61 =	vld.idx.msk [tilespmem:v53+s11+$0x0], $0xffff  }
0x24e: {  	v55 =	vor.u32 s1, v7;
	v44 =	vsel vm1, v48, v51;
	v41 =	vsel vm1, v22, v50  }
0x24f: {  	v1 =	vmin.u32 v1, $0x7FF;
	v58 =	vadd.s32 $0x1, v59;
	v50 =	vadd.s32 v41, v44;
	v62 =	vld.idx.msk [tilespmem:v42+s11+$0x0], $0xffff  }
0x250: {  	v1 =	vsub.s32 v55, v1;
	v22 =	vadd.s32 v9, v11;
	v38 =	vshrl.u32 v50, $0x1  }
0x251: {  	s30 =	simm.s32 $0x890;
	vm1 =	vlt.f32 v63, v31;
	v63 =	vperm.xlane v29, v6;
	v33 =	vmul.f32 v60, v12  }
0x252: {  	v51 =	vshrl.u32 v22, $0x1;
	v22 =	vld [tilespmem:s30+$0x0];
	v60 =	vadd.s32 $0x1, v53;
	vm3 =	vlt.f32 v61, v26  }
0x253: {  	v19 =	vsel vm0, v19, v63;
	v33 =	vsel vm2, $0x0, v33;
	v48 =	vsel vm3, v60, v13  }
0x254: {  	v50 =	vld.idx.msk [tilespmem:v2+s2+$0x0], $0xffff;
	v52 =	vsel vm3, v52, v53;
	v13 =	vor.u32 $0x1, v42;
	vm2 =	vlt.f32 v62, v32  }
0x255: {  	v53 =	vld.idx.msk [tilespmem:v38+s11+$0x0], $0xffff;
	v61 =	vadd.s32 v48, v52;
	v56 =	vsel vm2, v13, v57;
	v42 =	vsel vm2, v49, v42  }
0x256: {  	v19 =	vmax.f32 v19, v33;
	v49 =	vshrl.u32 v61, $0x1;
	v13 =	vxor.u32 v56, v42  }
0x257: {  	v62 =	vand.u32 v56, v42;
	v63 =	vshrl.u32 v13, $0x1;
	v13 =	vmul.f32 v22, v12  }
0x258: {  	v1 =	vcvt.s32.f32 v1;
	v19 =	vsub.f32 v29, v19;
	v57 =	vadd.s32 v63, v62  }
0x259: {  	v43 =	vsel vm1, v47, v43;
	v60 =	vld.idx.msk [tilespmem:v51+s11+$0x0], $0xffff;
	v29 =	vadd.s32 $0x1, v38;
	vm2 =	vle.f32 v50, v13  }
0x25a: {  	v19 =	vmul.f32 v1, v19;
	vm3 =	vlt.f32 v53, v36;
	v50 =	vsel vm2, $0x600, v4  }
0x25b: {  	v45 =	vsel vm1, v46, v45;
	v29 =	vsel vm3, v29, v41;
	v38 =	vsel vm3, v44, v38;
	v61 =	vld.idx.msk [tilespmem:v49+s11+$0x0], $0xffff  }
0x25c: {  	v39 =	vadd.s32 $0x1, v51;
	v1 =	vmul.f32 v1, v19;
	v62 =	vadd.s32 v29, v38  }
0x25d: {  	v19 =	vadd.s32 v43, v45;
	v53 =	vperm.xlane v15, v6;
	v46 =	vshrl.u32 v62, $0x1;
	v63 =	vld.idx.msk [tilespmem:v57+s11+$0x0], $0xffff  }
0x25e: {  	vm1 =	vlt.f32 v60, v35;
	v54 =	vshrl.u32 v19, $0x1;
	v44 =	vor.u32 s29, v7  }
0x25f: {  	v19 =	vadd.f32 v1, v37;
	v1 =	vsel vm1, v39, v9;
	v11 =	vsel vm1, v11, v51;
	v9 =	vld.idx.msk [tilespmem:v50+s2+$0x0], $0xffff  }
0x260: {  	v51 =	vadd.s32 $0x1, v49;
	v39 =	vadd.s32 v1, v11;
	vm1 =	vlt.f32 v61, v26  }
0x261: {  	v55 =	vadd.s32 $0x1, v57;
	v37 =	vsel vm1, v51, v48;
	v41 =	vsel vm1, v52, v49  }
0x262: {  	v39 =	vshrl.u32 v39, $0x1;
	v48 =	vld.idx.msk [tilespmem:v46+s11+$0x0], $0xffff;
	v49 =	vadd.s32 v37, v41;
	vm1 =	vlt.f32 v63, v32  }
0x263: {  	v60 =	vsel vm2, $0x401, v3;
	v47 =	vshrl.u32 v49, $0x1;
	v49 =	vsel vm1, v55, v56  }
0x264: {  	v33 =	vsel vm1, v42, v57;
	v57 =	vsel vm2, $0x800, v2;
	vm1 =	vle.f32 v9, v13  }
0x265: {  	v61 =	vor.u32 $0x1, v50;
	v9 =	vld.idx.msk [tilespmem:v59+s11+$0x0], $0xffff;
	v62 =	vadd.s32 v49, v33;
	v42 =	vsel vm1, v57, v50  }
0x266: {  	v59 =	vadd.s32 $0x1, v39;
	v50 =	vld.idx.msk [tilespmem:v54+s11+$0x0], $0xffff;
	v51 =	vsel vm1, v61, v60;
	v63 =	vadd.s32 $0xFFFFFFFF, v42  }
0x267: {  	vm1 =	vlt.f32 v48, v36;
	v48 =	vshrl.u32 v62, $0x1;
	v62 =	vld.idx.msk [tilespmem:v39+s11+$0x0], $0xffff;
	v60 =	vxor.u32 v63, v51  }
0x268: {  	v61 =	vadd.s32 $0x1, v46;
	v52 =	vor.u32 v63, v51;
	v55 =	vshrl.u32 v60, $0x1  }
0x269: {  	v29 =	vsel vm1, v61, v29;
	v38 =	vsel vm1, v38, v46;
	v46 =	vsub.s32 v52, v55  }
0x26a: {  	v63 =	vadd.s32 $0x1, v54;
	vm1 =	vlt.f32 v9, v24;
	v9 =	vadd.s32 v29, v38;
	v24 =	vld.idx.msk [tilespmem:v47+s11+$0x0], $0xffff  }
0x26b: {  	vm2 =	vlt.f32 v50, v31;
	v9 =	vshrl.u32 v9, $0x1;
	v40 =	vsel vm1, v58, v40  }
0x26c: {  	v60 =	vld.idx.msk [tilespmem:v48+s11+$0x0], $0xffff;
	vm1 =	vlt.f32 v62, v35;
	v62 =	vadd.s32 $0x1, v47;
	v43 =	vsel vm2, v63, v43  }
0x26d: {  	v45 =	vsel vm2, v45, v54;
	v52 =	vmax.u32 v40, $0x1;
	v1 =	vsel vm1, v59, v1  }
0x26e: {  	v11 =	vsel vm1, v11, v39;
	v59 =	vadd.s32 $0x1, v48;
	v54 =	vadd.s32 v43, v45;
	v61 =	vld.idx.msk [tilespmem:v46+s2+$0x0], $0xffff  }
0x26f: {  	v55 =	vadd.s32 v1, v11;
	v54 =	vshrl.u32 v54, $0x1;
	vm1 =	vlt.f32 v24, v26  }
0x270: {  	v52 =	vsub.s32 v52, v5;
	v55 =	vshrl.u32 v55, $0x1;
	v63 =	vld.idx.msk [tilespmem:v9+s11+$0x0], $0xffff;
	v56 =	vsel vm1, v62, v37  }
0x271: {  	v41 =	vsel vm1, v41, v47;
	vm1 =	vlt.f32 v60, v32;
	v47 =	vadd.s32 $0x1, v54  }
0x272: {  	s28 =	simm.s32 $0x8B0;
	v60 =	vor.u32 $0x1, v46;
	v24 =	vadd.s32 v56, v41;
	v49 =	vsel vm1, v59, v49  }
0x273: {  	v48 =	vsel vm1, v33, v48;
	v50 =	vshrl.u32 v24, $0x1;
	v24 =	vld [tilespmem:s28+$0x0];
	vm1 =	vle.f32 v61, v13  }
0x274: {  	v62 =	vadd.s32 $0x1, v9;
	v37 =	vld.idx.msk [tilespmem:v54+s11+$0x0], $0xffff;
	v61 =	vadd.s32 v49, v48;
	v51 =	vsel vm1, v60, v51  }
0x275: {  	v58 =	vld.idx.msk [tilespmem:v55+s11+$0x0], $0xffff;
	v42 =	vsel vm1, v42, v46;
	vm1 =	vlt.f32 v63, v36;
	v39 =	vshrl.u32 v61, $0x1  }
0x276: {  	v46 =	vld.idx.msk [tilespmem:v2+s2+$0x0], $0xffff;
	v60 =	vadd.s32 $0x1, v55;
	v33 =	vxor.u32 v51, v42;
	v63 =	vand.u32 v51, v42  }
0x277: {  	v57 =	vsel vm1, v62, v29;
	v9 =	vsel vm1, v38, v9;
	vm1 =	veq.s32 v40, $0x0  }
0x278: {  	v33 =	vshrl.u32 v33, $0x1;
	v9 =	vadd.s32 v57, v9;
	v29 =	vmul.f32 v24, v12  }
0x279: {  	v38 =	vadd.s32 v33, v63;
	v9 =	vshrl.u32 v9, $0x1;
	vm3 =	vlt.f32 v37, v31  }
0x27a: {  	v59 =	vld.idx.msk [tilespmem:v50+s11+$0x0], $0xffff;
	v33 =	vsel vm0, v18, v53;
	v18 =	vmin.u32 v40, $0x7FF;
	v43 =	vsel vm3, v47, v43  }
0x27b: {  	v45 =	vsel vm3, v45, v54;
	vm3 =	vlt.f32 v58, v35;
	v58 =	vld.idx.msk [tilespmem:v52+s11+$0x0], $0xffff;
	vm2 =	vle.f32 v46, v29  }
0x27c: {  	v63 =	vadd.s32 $0x1, v39;
	v18 =	vsub.s32 v44, v18;
	v47 =	vld.idx.msk [tilespmem:v39+s11+$0x0], $0xffff;
	v46 =	vsel vm2, $0x600, v4  }
0x27d: {  	v37 =	vsel vm3, v60, v1;
	v11 =	vsel vm3, v11, v55;
	v60 =	vadd.s32 $0x1, v50  }
0x27e: {  	v62 =	vadd.s32 v43, v45;
	v53 =	vcvt.s32.f32 v18;
	v11 =	vadd.s32 v37, v11;
	v1 =	vld.idx.msk [tilespmem:v38+s2+$0x0], $0xffff  }
0x27f: {  	vm3 =	vlt.f32 v59, v26;
	v59 =	vsel vm2, $0x800, v2;
	v11 =	vshrl.u32 v11, $0x1  }
0x280: {  	v61 =	vld.idx.msk [tilespmem:v9+s11+$0x0], $0xffff;
	v52 =	vsel vm3, v60, v56;
	v41 =	vsel vm3, v41, v50;
	v9 =	vadd.s32 $0x1, v9  }
0x281: {  	v40 =	vmul.f32 v58, v12;
	v55 =	vadd.s32 v52, v41;
	vm3 =	vlt.f32 v47, v32;
	v18 =	vld.idx.msk [tilespmem:v46+s2+$0x0], $0xffff  }
0x282: {  	v58 =	vsel vm2, $0x401, v3;
	v47 =	vshrl.u32 v62, $0x1;
	v49 =	vsel vm3, v63, v49  }
0x283: {  	v39 =	vsel vm3, v48, v39;
	vm3 =	vle.f32 v1, v13;
	v1 =	vadd.s32 $0x1, v38  }
0x284: {  	v48 =	vadd.s32 $0x1, v47;
	v56 =	vadd.s32 v49, v39;
	v1 =	vsel vm3, v1, v51  }
0x285: {  	v38 =	vsel vm3, v42, v38;
	vm3 =	vlt.f32 v61, v36;
	v36 =	vshrl.u32 v55, $0x1  }
0x286: {  	v40 =	vsel vm1, $0x0, v40;
	v42 =	vshrl.u32 v56, $0x1;
	vm2 =	vle.f32 v18, v29  }
0x287: {  	v60 =	vld.idx.msk [tilespmem:v47+s11+$0x0], $0xffff;
	v51 =	vadd.s32 v1, v38;
	v18 =	vor.u32 $0x1, v46;
	v46 =	vsel vm2, v59, v46  }
0x288: {  	s26 =	sadd.s32 $0x10, s22;
	v9 =	vsel vm3, v9, v57;
	v44 =	vsel vm2, v18, v58;
	v18 =	vadd.s32 $0xFFFFFFFF, v46  }
0x289: {  	v57 =	vor.u32 s26, v7;
	v51 =	vshrl.u32 v51, $0x1;
	v61 =	vxor.u32 v18, v44  }
0x28a: {  	v63 =	vmax.u32 v9, $0x1;
	v62 =	vld.idx.msk [tilespmem:v36+s11+$0x0], $0xffff;
	v18 =	vor.u32 v18, v44;
	v54 =	vshrl.u32 v61, $0x1  }
0x28b: {  	v56 =	vsub.s32 v63, v5;
	v54 =	vsub.s32 v18, v54;
	v18 =	vmax.f32 v25, v40;
	v25 =	vld.idx.msk [tilespmem:v42+s11+$0x0], $0xffff  }
0x28c: {  	v58 =	vadd.s32 $0x1, v36;
	vm1 =	vlt.f32 v60, v31;
	v40 =	vadd.s32 $0x1, v11;
	v11 =	vld.idx.msk [tilespmem:v11+s11+$0x0], $0xffff  }
0x28d: {  	v59 =	vadd.s32 $0x1, v42;
	v43 =	vsel vm1, v48, v43;
	v45 =	vsel vm1, v45, v47  }
0x28e: {  	v17 =	vsub.f32 v17, v18;
	v18 =	vadd.f32 v30, v28;
	v28 =	vld.idx.msk [tilespmem:v51+s2+$0x0], $0xffff;
	v30 =	vadd.s32 v43, v45  }
0x28f: {  	v63 =	vperm.xlane v20, v0;
	v48 =	vshrl.u32 v30, $0x1;
	vm1 =	vlt.f32 v62, v26  }
0x290: {  	v17 =	vmul.f32 v53, v17;
	v47 =	vsel vm1, v58, v52;
	v36 =	vsel vm1, v41, v36;
	v30 =	vld.idx.msk [tilespmem:v54+s2+$0x0], $0xffff  }
0x291: {  	v41 =	vadd.s32 v47, v36;
	vm1 =	vlt.f32 v25, v32;
	vm2 =	vlt.f32 v11, v35  }
0x292: {  	v60 =	vld.idx.msk [tilespmem:v56+s11+$0x0], $0xffff;
	v25 =	vshrl.u32 v41, $0x1;
	v41 =	vsel vm1, v59, v49;
	v39 =	vsel vm1, v39, v42  }
0x293: {  	vm1 =	vle.f32 v28, v13;
	v28 =	vadd.s32 $0x1, v51;
	v42 =	vadd.s32 v41, v39  }
0x294: {  	v1 =	vsel vm1, v28, v1;
	v38 =	vsel vm1, v38, v51;
	v28 =	vor.u32 $0x1, v54  }
0x295: {  	v42 =	vshrl.u32 v42, $0x1;
	vm1 =	vle.f32 v30, v29;
	v30 =	vadd.s32 v1, v38  }
0x296: {  	v50 =	vld.idx.msk [tilespmem:v48+s11+$0x0], $0xffff;
	v44 =	vsel vm1, v28, v44;
	v46 =	vsel vm1, v46, v54;
	v52 =	vshrl.u32 v30, $0x1  }
0x297: {  	v49 =	vmul.f32 v60, v12;
	v28 =	vmul.f32 v53, v17;
	v17 =	vld.idx.msk [tilespmem:v25+s11+$0x0], $0xffff;
	v30 =	vxor.u32 v44, v46  }
0x298: {  	v60 =	vperm.xlane v23, v6;
	v61 =	vand.u32 v44, v46;
	v62 =	vshrl.u32 v30, $0x1  }
0x299: {  	v37 =	vsel vm2, v40, v37;
	vm1 =	veq.s32 v9, $0x0;
	v53 =	vadd.s32 v62, v61  }
0x29a: {  	v51 =	vadd.s32 $0x1, v48;
	v58 =	vadd.s32 $0x1, v42;
	v49 =	vsel vm1, $0x0, v49;
	v61 =	vld.idx.msk [tilespmem:v42+s11+$0x0], $0xffff  }
0x29b: {  	vm1 =	vlt.f32 v50, v31;
	v50 =	vsel vm0, v63, v60;
	v63 =	vadd.s32 $0x1, v25;
	v62 =	vld.idx.msk [tilespmem:v52+s2+$0x0], $0xffff  }
0x29c: {  	v43 =	vsel vm1, v51, v43;
	v45 =	vsel vm1, v45, v48;
	vm1 =	vlt.f32 v17, v26  }
0x29d: {  	v51 =	vadd.s32 v43, v45;
	v47 =	vsel vm1, v63, v47;
	v36 =	vsel vm1, v36, v25  }
0x29e: {  	s1 =	simm.s32 $0x8D0;
	v9 =	vmin.u32 v9, $0x7FF;
	v51 =	vshrl.u32 v51, $0x1;
	v25 =	vadd.s32 v47, v36;
	v17 =	vld.idx.msk [tilespmem:v53+s2+$0x0], $0xffff  }
0x29f: {  	v59 =	vadd.s32 $0x1, v52;
	vm1 =	vlt.f32 v61, v32;
	v55 =	vshrl.u32 v25, $0x1;
	v25 =	vld [tilespmem:s1+$0x0]  }
0x2a0: {  	v41 =	vsel vm1, v58, v41;
	v39 =	vsel vm1, v39, v42;
	vm1 =	vle.f32 v62, v13  }
0x2a1: {  	v48 =	vld.idx.msk [tilespmem:v2+s2+$0x0], $0xffff;
	v42 =	vadd.s32 v41, v39;
	v1 =	vsel vm1, v59, v1;
	v38 =	vsel vm1, v38, v52  }
0x2a2: {  	v9 =	vsub.s32 v57, v9;
	v42 =	vshrl.u32 v42, $0x1;
	v60 =	vadd.s32 v1, v38  }
0x2a3: {  	v52 =	vld.idx.msk [tilespmem:v51+s11+$0x0], $0xffff;
	vm1 =	vle.f32 v17, v29;
	v17 =	vadd.s32 $0x1, v53;
	v54 =	vshrl.u32 v60, $0x1  }
0x2a4: {  	v44 =	vsel vm1, v17, v44;
	v46 =	vsel vm1, v46, v53;
	v17 =	vmul.f32 v25, v12  }
0x2a5: {  	v57 =	vmax.u32 v37, $0x1;
	v30 =	vor.u32 s25, v7;
	v61 =	vld.idx.msk [tilespmem:v55+s11+$0x0], $0xffff;
	v62 =	vadd.s32 v44, v46  }
0x2a6: {  	v49 =	vmax.f32 v50, v49;
	v50 =	vshrl.u32 v62, $0x1;
	vm1 =	vle.f32 v48, v17  }
0x2a7: {  	v35 =	vsub.s32 v57, v5;
	v9 =	vcvt.s32.f32 v9;
	v63 =	vld.idx.msk [tilespmem:v42+s11+$0x0], $0xffff;
	v40 =	vsel vm1, $0x600, v4  }
0x2a8: {  	v11 =	vadd.s32 $0x1, v51;
	v59 =	vadd.s32 $0x1, v55;
	vm2 =	vlt.f32 v52, v31  }
0x2a9: {  	v56 =	vadd.s32 $0x1, v54;
	v11 =	vsel vm2, v11, v43;
	v43 =	vsel vm2, v45, v51;
	v58 =	vld.idx.msk [tilespmem:v54+s2+$0x0], $0xffff  }
0x2aa: {  	v62 =	vadd.s32 $0x1, v42;
	v51 =	vadd.s32 v11, v43;
	vm2 =	vlt.f32 v61, v26  }
0x2ab: {  	v51 =	vshrl.u32 v51, $0x1;
	v47 =	vsel vm2, v59, v47;
	v36 =	vsel vm2, v36, v55;
	v60 =	vld.idx.msk [tilespmem:v50+s2+$0x0], $0xffff  }
0x2ac: {  	v59 =	vsel vm1, $0x800, v2;
	v61 =	vadd.s32 v47, v36;
	vm2 =	vlt.f32 v63, v32;
	v63 =	vld.idx.msk [tilespmem:v40+s2+$0x0], $0xffff  }
0x2ad: {  	v48 =	vshrl.u32 v61, $0x1;
	v41 =	vsel vm2, v62, v41;
	v39 =	vsel vm2, v39, v42  }
0x2ae: {  	v61 =	vor.u32 $0x1, v40;
	vm2 =	vle.f32 v58, v13;
	v57 =	vadd.s32 v41, v39  }
0x2af: {  	v58 =	vadd.s32 $0x1, v50;
	v1 =	vsel vm2, v56, v1;
	v38 =	vsel vm2, v38, v54  }
0x2b0: {  	v45 =	vshrl.u32 v57, $0x1;
	v42 =	vadd.s32 v1, v38;
	vm2 =	vle.f32 v60, v29  }
0x2b1: {  	v52 =	vld.idx.msk [tilespmem:v51+s11+$0x0], $0xffff;
	v44 =	vsel vm2, v58, v44;
	v46 =	vsel vm2, v46, v50;
	vm2 =	vle.f32 v63, v17  }
0x2b2: {  	v35 =	vld.idx.msk [tilespmem:v35+s11+$0x0], $0xffff;
	v42 =	vshrl.u32 v42, $0x1;
	v60 =	vsel vm1, $0x401, v3;
	v40 =	vsel vm2, v59, v40  }
0x2b3: {  	v62 =	vadd.s32 v44, v46;
	v53 =	vsel vm2, v61, v60;
	v63 =	vadd.s32 $0xFFFFFFFF, v40  }
0x2b4: {  	v23 =	vsub.f32 v23, v49;
	v50 =	vshrl.u32 v62, $0x1;
	v61 =	vxor.u32 v63, v53  }
0x2b5: {  	v28 =	vadd.f32 v28, v18;
	v60 =	vld.idx.msk [tilespmem:v48+s11+$0x0], $0xffff;
	v54 =	vor.u32 v63, v53;
	v55 =	vshrl.u32 v61, $0x1  }
0x2b6: {  	v23 =	vmul.f32 v9, v23;
	v62 =	vld.idx.msk [tilespmem:v45+s11+$0x0], $0xffff;
	vm1 =	vlt.f32 v52, v31;
	v52 =	vsub.s32 v54, v55  }
0x2b7: {  	v35 =	vmul.f32 v35, v12;
	v58 =	vadd.s32 $0x1, v48;
	v63 =	vadd.s32 $0x1, v51  }
0x2b8: {  	v43 =	vsel vm1, v43, v51;
	v11 =	vsel vm1, v63, v11;
	vm1 =	veq.s32 v37, $0x0;
	v57 =	vld.idx.msk [tilespmem:v42+s2+$0x0], $0xffff  }
0x2b9: {  	v37 =	vmin.u32 v37, $0x7FF;
	v63 =	vadd.s32 $0x1, v50;
	v43 =	vadd.s32 v11, v43;
	v59 =	vld.idx.msk [tilespmem:v50+s2+$0x0], $0xffff  }
0x2ba: {  	v54 =	vperm.xlane v20, v6;
	v43 =	vshrl.u32 v43, $0x1;
	vm2 =	vlt.f32 v60, v26  }
0x2bb: {  	v60 =	vadd.s32 $0x1, v45;
	v47 =	vsel vm2, v58, v47;
	vm3 =	vlt.f32 v62, v32;
	v61 =	vld.idx.msk [tilespmem:v52+s2+$0x0], $0xffff  }
0x2bc: {  	v36 =	vsel vm2, v36, v48;
	v41 =	vsel vm3, v60, v41;
	v39 =	vsel vm3, v39, v45  }
0x2bd: {  	v58 =	vadd.s32 $0x1, v42;
	v36 =	vadd.s32 v47, v36;
	v62 =	vadd.s32 v41, v39  }
0x2be: {  	v36 =	vshrl.u32 v36, $0x1;
	vm2 =	vle.f32 v57, v13;
	vm3 =	vle.f32 v59, v29  }
0x2bf: {  	v48 =	vshrl.u32 v62, $0x1;
	v57 =	vld.idx.msk [tilespmem:v43+s11+$0x0], $0xffff;
	v44 =	vsel vm3, v63, v44;
	v46 =	vsel vm3, v46, v50  }
0x2c0: {  	v59 =	vor.u32 $0x1, v52;
	v49 =	vadd.s32 v44, v46;
	vm3 =	vle.f32 v61, v17  }
0x2c1: {  	v49 =	vshrl.u32 v49, $0x1;
	v45 =	vsel vm3, v59, v53;
	v40 =	vsel vm3, v40, v52  }
0x2c2: {  	v35 =	vsel vm1, $0x0, v35;
	v1 =	vsel vm2, v58, v1;
	v52 =	vxor.u32 v45, v40  }
0x2c3: {  	v38 =	vsel vm2, v38, v42;
	v60 =	vld.idx.msk [tilespmem:v36+s11+$0x0], $0xffff;
	v61 =	vand.u32 v45, v40;
	v52 =	vshrl.u32 v52, $0x1  }
0x2c4: {  	v62 =	vadd.s32 v1, v38;
	vm2 =	vlt.f32 v57, v31;
	v31 =	vld.idx.msk [tilespmem:v48+s11+$0x0], $0xffff;
	v42 =	vadd.s32 v52, v61  }
0x2c5: {  	v27 =	vmax.f32 v27, v35;
	v43 =	vadd.s32 $0x1, v43;
	v63 =	vshrl.u32 v62, $0x1  }
0x2c6: {  	v30 =	vsub.s32 v30, v37;
	v16 =	vsub.f32 v16, v27;
	v11 =	vsel vm2, v43, v11;
	v52 =	vld.idx.msk [tilespmem:v49+s2+$0x0], $0xffff  }
0x2c7: {  	v62 =	vor.u32 s23, v7;
	v36 =	vadd.s32 $0x1, v36;
	v51 =	vmax.u32 v11, $0x1  }
0x2c8: {  	v35 =	vsub.s32 v51, v5;
	vm1 =	vlt.f32 v60, v26;
	v26 =	vcvt.s32.f32 v30  }
0x2c9: {  	v53 =	vadd.s32 $0x1, v49;
	v36 =	vsel vm1, v36, v47;
	vm1 =	vlt.f32 v31, v32;
	v31 =	vld.idx.msk [tilespmem:v42+s2+$0x0], $0xffff  }
0x2ca: {  	v18 =	vld.idx.msk [tilespmem:v63+s2+$0x0], $0xffff;
	v30 =	vadd.s32 $0x1, v48;
	v27 =	vmax.u32 v36, $0x1;
	v16 =	vmul.f32 v26, v16  }
0x2cb: {  	v41 =	vsel vm1, v30, v41;
	v30 =	vsel vm1, v39, v48;
	vm1 =	vle.f32 v52, v29  }
0x2cc: {  	v30 =	vadd.s32 v41, v30;
	v37 =	vsel vm1, v53, v44;
	v55 =	vsel vm1, v46, v49  }
0x2cd: {  	v27 =	vsub.s32 v27, v5;
	v35 =	vld.idx.msk [tilespmem:v35+s11+$0x0], $0xffff;
	v56 =	vshrl.u32 v30, $0x1;
	v46 =	vadd.s32 v37, v55  }
0x2ce: {  	v46 =	vshrl.u32 v46, $0x1;
	vm1 =	vle.f32 v31, v17;
	v31 =	vadd.s32 $0x1, v42  }
0x2cf: {  	vm2 =	vle.f32 v18, v13;
	v31 =	vsel vm1, v31, v45;
	v40 =	vsel vm1, v40, v42  }
0x2d0: {  	v26 =	vmul.f32 v26, v16;
	v30 =	vadd.s32 $0x1, v63;
	v18 =	vadd.s32 v31, v40  }
0x2d1: {  	v38 =	vsel vm2, v38, v63;
	v1 =	vsel vm2, v30, v1;
	v30 =	vld [tilespmem:s30+$0xFFFFFFF0];
	v58 =	vshrl.u32 v18, $0x1  }
0x2d2: {  	v16 =	vmul.f32 v9, v23;
	v57 =	vadd.s32 v1, v38;
	v35 =	vmul.f32 v35, v12;
	v23 =	vld.idx.msk [tilespmem:v56+s11+$0x0], $0xffff  }
0x2d3: {  	s25 =	simm.s32 $0x0;
	v59 =	vor.u32 s24, v7;
	vm1 =	veq.s32 v11, $0x0;
	v42 =	vshrl.u32 v57, $0x1;
	v60 =	vld.idx.msk [tilespmem:v46+s2+$0x0], $0xffff  }
0x2d4: {  	v63 =	vmin.u32 v36, $0x7FF;
	v11 =	vmin.u32 v11, $0x7FF;
	v35 =	vsel vm1, $0x0, v35;
	v18 =	vld.idx.msk [tilespmem:v2+s25+$0x0], $0xffff  }
0x2d5: {  	v44 =	vadd.s32 $0x1, v56;
	v27 =	vld.idx.msk [tilespmem:v27+s11+$0x0], $0xffff;
	v11 =	vsub.s32 v59, v11;
	v34 =	vmax.f32 v34, v35  }
0x2d6: {  	s23 =	simm.s32 $0x8F0;
	v53 =	vadd.s32 $0x1, v46;
	v9 =	vcvt.s32.f32 v11;
	v11 =	vsub.f32 v21, v34;
	v61 =	vld.idx.msk [tilespmem:v58+s2+$0x0], $0xffff  }
0x2d7: {  	v21 =	vsel vm0, v14, v54;
	v14 =	vadd.f32 v26, v28;
	v26 =	vmul.f32 v30, v12;
	v28 =	vld [tilespmem:s23+$0x0]  }
0x2d8: {  	v35 =	vsub.s32 v62, v63;
	vm3 =	vlt.f32 v23, v32;
	v52 =	vld.idx.msk [tilespmem:v42+s2+$0x0], $0xffff;
	vm2 =	vle.f32 v60, v29  }
0x2d9: {  	vm1 =	vle.f32 v18, v26;
	v37 =	vsel vm2, v53, v37;
	v39 =	vsel vm2, v55, v46  }
0x2da: {  	v56 =	vld.idx.msk [tilespmem:v2+s2+$0x0], $0xffff;
	v54 =	vsel vm1, $0x600, v4;
	v55 =	vmul.f32 v27, v12;
	v27 =	vadd.s32 v37, v39  }
0x2db: {  	v57 =	vshrl.u32 v27, $0x1;
	v27 =	vadd.s32 $0x1, v58;
	vm2 =	vle.f32 v61, v17  }
0x2dc: {  	v11 =	vmul.f32 v9, v11;
	v23 =	vsel vm2, v27, v31;
	v31 =	vsel vm2, v40, v58  }
0x2dd: {  	vm2 =	vle.f32 v52, v13;
	v58 =	vadd.s32 $0x1, v42;
	v27 =	vmul.f32 v28, v12  }
0x2de: {  	v34 =	vsel vm3, v44, v41;
	v1 =	vsel vm2, v58, v1;
	v40 =	vadd.s32 v23, v31  }
0x2df: {  	v59 =	vld.idx.msk [tilespmem:v54+s2+$0x0], $0xffff;
	v38 =	vsel vm2, v38, v42;
	vm2 =	vle.f32 v56, v27;
	v40 =	vshrl.u32 v40, $0x1  }
0x2e0: {  	vm3 =	veq.s32 v36, $0x0;
	v62 =	vmax.u32 v34, $0x1;
	v41 =	vsel vm2, $0x600, v4  }
0x2e1: {  	v9 =	vmul.f32 v9, v11;
	v49 =	vsel vm1, $0x800, v2;
	v61 =	vsel vm3, $0x0, v55;
	v60 =	vld.idx.msk [tilespmem:v57+s2+$0x0], $0xffff  }
0x2e2: {  	v51 =	vor.u32 $0x1, v54;
	v48 =	vadd.s32 $0x1, v57;
	v33 =	vmax.f32 v33, v61  }
0x2e3: {  	v52 =	vsel vm1, $0x401, v3;
	v42 =	vsub.s32 v62, v5;
	v63 =	vadd.s32 v1, v38  }
0x2e4: {  	v43 =	vshrl.u32 v63, $0x1;
	v58 =	vsel vm2, $0x401, v3;
	vm3 =	vle.f32 v59, v26;
	v53 =	vld.idx.msk [tilespmem:v40+s2+$0x0], $0xffff  }
0x2e5: {  	v61 =	vor.u32 $0x1, v41;
	v59 =	vadd.s32 $0x1, v40;
	v45 =	vsel vm3, v49, v54;
	v55 =	vld.idx.msk [tilespmem:v41+s2+$0x0], $0xffff  }
0x2e6: {  	v32 =	vsel vm3, v51, v52;
	v49 =	vsel vm2, $0x800, v2;
	vm1 =	vle.f32 v60, v29  }
0x2e7: {  	v54 =	vadd.s32 $0xFFFFFFFF, v45;
	v37 =	vsel vm1, v48, v37;
	v39 =	vsel vm1, v39, v57  }
0x2e8: {  	v56 =	vxor.u32 v54, v32;
	v36 =	vor.u32 v54, v32;
	v57 =	vadd.s32 v37, v39  }
0x2e9: {  	v44 =	vshrl.u32 v56, $0x1;
	v48 =	vshrl.u32 v57, $0x1;
	vm1 =	vle.f32 v53, v17  }
0x2ea: {  	vm2 =	vle.f32 v55, v27;
	v23 =	vsel vm1, v59, v23;
	v31 =	vsel vm1, v31, v40  }
0x2eb: {  	v36 =	vsub.s32 v36, v44;
	v41 =	vsel vm2, v49, v41;
	v62 =	vadd.s32 v23, v31  }
0x2ec: {  	v60 =	vld.idx.msk [tilespmem:v43+s2+$0x0], $0xffff;
	v44 =	vsel vm2, v61, v58;
	v63 =	vadd.s32 $0xFFFFFFFF, v41;
	v47 =	vshrl.u32 v62, $0x1  }
0x2ed: {  	v35 =	vcvt.s32.f32 v35;
	v15 =	vsub.f32 v15, v33;
	v42 =	vld.idx.msk [tilespmem:v42+s11+$0x0], $0xffff;
	v53 =	vxor.u32 v63, v44  }
0x2ee: {  	v9 =	vadd.f32 v9, v14;
	v52 =	vld.idx.msk [tilespmem:v48+s2+$0x0], $0xffff;
	v11 =	vor.u32 v63, v44;
	v54 =	vshrl.u32 v53, $0x1  }
0x2ef: {  	v15 =	vmul.f32 v35, v15;
	v56 =	vadd.s32 $0x1, v43;
	v11 =	vsub.s32 v11, v54  }
0x2f0: {  	v55 =	vor.u32 s22, v7;
	vm1 =	veq.s32 v34, $0x0;
	v34 =	vmin.u32 v34, $0x7FF;
	v57 =	vld.idx.msk [tilespmem:v36+s2+$0x0], $0xffff  }
0x2f1: {  	v59 =	vadd.s32 $0x1, v48;
	vm2 =	vle.f32 v60, v13;
	v34 =	vsub.s32 v55, v34;
	v58 =	vld.idx.msk [tilespmem:v47+s2+$0x0], $0xffff  }
0x2f2: {  	v60 =	vmul.f32 v42, v12;
	v1 =	vsel vm2, v56, v1;
	v38 =	vsel vm2, v38, v43  }
0x2f3: {  	v38 =	vadd.s32 v1, v38;
	v63 =	vor.u32 $0x1, v36;
	vm2 =	vle.f32 v52, v29  }
0x2f4: {  	v38 =	vshrl.u32 v38, $0x1;
	v33 =	vsel vm2, v59, v37;
	v37 =	vsel vm2, v39, v48;
	v62 =	vld.idx.msk [tilespmem:v11+s2+$0x0], $0xffff  }
0x2f5: {  	v52 =	vadd.s32 $0x1, v47;
	vm2 =	vle.f32 v57, v26;
	v61 =	vadd.s32 v33, v37  }
0x2f6: {  	v32 =	vsel vm2, v63, v32;
	v36 =	vsel vm2, v45, v36;
	vm3 =	vle.f32 v58, v17  }
0x2f7: {  	v42 =	vshrl.u32 v61, $0x1;
	v23 =	vsel vm3, v52, v23;
	v31 =	vsel vm3, v31, v47  }
0x2f8: {  	v55 =	vor.u32 $0x1, v11;
	v45 =	vand.u32 v32, v36;
	v47 =	vadd.s32 v23, v31  }
0x2f9: {  	v53 =	vld.idx.msk [tilespmem:v38+s2+$0x0], $0xffff;
	v54 =	vxor.u32 v32, v36;
	vm2 =	vle.f32 v62, v27;
	v47 =	vshrl.u32 v47, $0x1  }
0x2fa: {  	v46 =	vshrl.u32 v54, $0x1;
	v43 =	vsel vm2, v55, v44;
	v11 =	vsel vm2, v41, v11  }
0x2fb: {  	v14 =	vmul.f32 v35, v15;
	v56 =	vadd.s32 v46, v45;
	v44 =	vxor.u32 v43, v11  }
0x2fc: {  	v39 =	vsel vm1, $0x0, v60;
	v57 =	vld.idx.msk [tilespmem:v42+s2+$0x0], $0xffff;
	v58 =	vand.u32 v43, v11;
	v44 =	vshrl.u32 v44, $0x1  }
0x2fd: {  	v34 =	vcvt.s32.f32 v34;
	v21 =	vmax.f32 v21, v39;
	v59 =	vadd.s32 v44, v58  }
0x2fe: {  	v20 =	vsub.f32 v20, v21;
	vm1 =	vle.f32 v53, v13;
	v13 =	vadd.s32 $0x1, v38;
	v21 =	vld.idx.msk [tilespmem:v47+s2+$0x0], $0xffff  }
0x2ff: {  	v8 =	vadd.f32 v16, v19;
	v1 =	vsel vm1, v13, v1  }
0x300: {  	v9 =	vadd.f32 v14, v9;
	v16 =	vmul.f32 v34, v20;
	v15 =	vmax.u32 v1, $0x1;
	v19 =	vld.idx.msk [tilespmem:v56+s2+$0x0], $0xffff  }
0x301: {  	v14 =	vadd.s32 $0x1, v42;
	v15 =	vsub.s32 v15, v5;
	vm1 =	vle.f32 v57, v29  }
0x302: {  	v16 =	vmul.f32 v34, v16;
	v33 =	vsel vm1, v14, v33;
	v14 =	vsel vm1, v37, v42;
	v20 =	vld.idx.msk [tilespmem:v59+s2+$0x0], $0xffff  }
0x303: {  	v14 =	vadd.s32 v33, v14;
	vm1 =	vle.f32 v21, v17;
	v21 =	vadd.s32 $0x1, v47  }
0x304: {  	v60 =	vshrl.u32 v14, $0x1;
	v21 =	vsel vm1, v21, v23;
	v23 =	vsel vm1, v31, v47  }
0x305: {  	v14 =	vadd.s32 $0x1, v56;
	vm1 =	vle.f32 v19, v26;
	v19 =	vadd.s32 v21, v23  }
0x306: {  	v15 =	vld.idx.msk [tilespmem:v15+s2+$0x0], $0xffff;
	v32 =	vsel vm1, v14, v32;
	v61 =	vsel vm1, v36, v56;
	v62 =	vshrl.u32 v19, $0x1  }
0x307: {  	v19 =	vld [tilespmem:s28+$0xFFFFFFF0];
	v14 =	vadd.s32 v32, v61;
	vm1 =	vle.f32 v20, v27;
	v20 =	vadd.s32 $0x1, v59  }
0x308: {  	v63 =	vshrl.u32 v14, $0x1;
	v45 =	vsel vm1, v20, v43;
	v11 =	vsel vm1, v11, v59  }
0x309: {  	s22 =	simm.s32 $0x10;
	v48 =	vperm.xlane v22, v6;
	v46 =	vperm.xlane v30, v0;
	v20 =	vadd.s32 v45, v11  }
0x30a: {  	[tilespmem:$0x1FFB0] =	vst v8;
	v50 =	vor.u32 s22, v7;
	v8 =	vadd.f32 v16, v9;
	v9 =	vld.idx.msk [tilespmem:v60+s2+$0x0], $0xffff;
	v47 =	vshrl.u32 v20, $0x1  }
0x30b: {  	v38 =	vsel vm0, v46, v48;
	v15 =	vmul.f32 v15, v10;
	v54 =	vadd.s32 $0x1, v62;
	v49 =	vld.idx.msk [tilespmem:v62+s2+$0x0], $0xffff  }
0x30c: {  	vm1 =	veq.s32 v1, $0x0;
	v1 =	vmin.u32 v1, $0x7FF;
	v31 =	vmul.f32 v19, v12  }
0x30d: {  	s22 =	simm.s32 $0x910;
	v53 =	vadd.s32 $0x1, v63;
	v15 =	vsel vm1, $0x0, v15;
	v1 =	vsub.s32 v50, v1;
	v51 =	vld.idx.msk [tilespmem:v63+s2+$0x0], $0xffff  }
0x30e: {  	v15 =	vmax.f32 v38, v15;
	v38 =	vld [tilespmem:s22+$0x0];
	v1 =	vcvt.s32.f32 v1;
	vm1 =	vle.f32 v18, v31  }
0x30f: {  	vm2 =	vle.f32 v9, v29;
	v9 =	vadd.s32 $0x1, v60;
	v29 =	vsel vm1, $0x600, v4;
	v52 =	vld.idx.msk [tilespmem:v47+s2+$0x0], $0xffff  }
0x310: {  	v15 =	vsub.f32 v22, v15;
	v9 =	vsel vm2, v9, v33;
	vm2 =	vle.f32 v49, v17  }
0x311: {  	v55 =	vmax.u32 v9, $0x1;
	v21 =	vsel vm2, v54, v21;
	v23 =	vsel vm2, v23, v62  }
0x312: {  	v57 =	vld.idx.msk [tilespmem:v2+s2+$0x0], $0xffff;
	v56 =	vsub.s32 v55, v5;
	vm2 =	vle.f32 v51, v26;
	v58 =	vadd.s32 v21, v23  }
0x313: {  	v34 =	vsel vm2, v53, v32;
	v35 =	vsel vm2, v61, v63;
	v61 =	vadd.s32 $0x1, v47  }
0x314: {  	v32 =	vmul.f32 v38, v12;
	v59 =	vld.idx.msk [tilespmem:v29+s2+$0x0], $0xffff;
	v42 =	vshrl.u32 v58, $0x1;
	vm2 =	vle.f32 v52, v27  }
0x315: {  	v60 =	vadd.s32 v34, v35;
	v33 =	vsel vm2, v61, v45;
	v11 =	vsel vm2, v11, v47  }
0x316: {  	v20 =	vperm.xlane v22, v0;
	v39 =	vshrl.u32 v60, $0x1;
	v22 =	vadd.s32 v33, v11  }
0x317: {  	v15 =	vmul.f32 v1, v15;
	vm2 =	vle.f32 v57, v32;
	v62 =	vshrl.u32 v22, $0x1  }
0x318: {  	v16 =	vimm.f32 $0.0e+00;
	v50 =	vsel vm1, $0x401, v3;
	v41 =	vsel vm2, $0x600, v4  }
0x319: {  	v1 =	vmul.f32 v1, v15;
	v22 =	vsel vm1, $0x800, v2;
	v63 =	vld.idx.msk [tilespmem:v42+s2+$0x0], $0xffff;
	vm3 =	vle.f32 v59, v31  }
0x31a: {  	v49 =	vor.u32 $0x1, v29;
	v36 =	vld.idx.msk [tilespmem:v56+s2+$0x0], $0xffff;
	v56 =	vadd.s32 $0x1, v42;
	v29 =	vsel vm3, v22, v29  }
0x31b: {  	v45 =	vperm.xlane v19, v0;
	v37 =	vsel vm3, v49, v50;
	v52 =	vld.idx.msk [tilespmem:v39+s2+$0x0], $0xffff;
	v51 =	vadd.s32 $0xFFFFFFFF, v29  }
0x31c: {  	v57 =	vadd.s32 $0x1, v39;
	v58 =	vsel vm2, $0x401, v3;
	v53 =	vxor.u32 v51, v37;
	v54 =	vld.idx.msk [tilespmem:v62+s2+$0x0], $0xffff  }
0x31d: {  	v59 =	vsel vm2, $0x800, v2;
	v44 =	vor.u32 v51, v37;
	v55 =	vld.idx.msk [tilespmem:v41+s2+$0x0], $0xffff;
	v47 =	vshrl.u32 v53, $0x1  }
0x31e: {  	v60 =	vadd.s32 $0x1, v62;
	v44 =	vsub.s32 v44, v47;
	vm1 =	vle.f32 v63, v17  }
0x31f: {  	v22 =	vperm.xlane v24, v0;
	v21 =	vsel vm1, v56, v21;
	v23 =	vsel vm1, v23, v42  }
0x320: {  	v36 =	vmul.f32 v36, v10;
	v47 =	vperm.xlane v24, v6;
	v43 =	vadd.s32 v21, v23  }
0x321: {  	vm3 =	vle.f32 v52, v26;
	v43 =	vshrl.u32 v43, $0x1;
	vm2 =	vle.f32 v54, v27  }
0x322: {  	v33 =	vsel vm2, v60, v33;
	v11 =	vsel vm2, v11, v62;
	vm2 =	vle.f32 v55, v32  }
0x323: {  	v61 =	vld.idx.msk [tilespmem:v44+s2+$0x0], $0xffff;
	v62 =	vor.u32 $0x1, v41;
	v41 =	vsel vm2, v59, v41;
	v48 =	vadd.s32 v33, v11  }
0x324: {  	v40 =	vsel vm2, v62, v58;
	v63 =	vadd.s32 $0xFFFFFFFF, v41;
	v48 =	vshrl.u32 v48, $0x1  }
0x325: {  	vm1 =	veq.s32 v9, $0x0;
	v34 =	vsel vm3, v57, v34;
	v53 =	vxor.u32 v63, v40  }
0x326: {  	v35 =	vsel vm3, v35, v39;
	v54 =	vor.u32 v63, v40;
	v42 =	vshrl.u32 v53, $0x1  }
0x327: {  	v52 =	vor.u32 $0x1, v44;
	v55 =	vadd.s32 v34, v35;
	v56 =	vld.idx.msk [tilespmem:v43+s2+$0x0], $0xffff;
	v39 =	vsub.s32 v54, v42  }
0x328: {  	v36 =	vsel vm1, $0x0, v36;
	v57 =	vshrl.u32 v55, $0x1;
	vm2 =	vle.f32 v61, v31  }
0x329: {  	v45 =	vsel vm0, v45, v47;
	v37 =	vsel vm2, v52, v37;
	v29 =	vsel vm2, v29, v44;
	v59 =	vld.idx.msk [tilespmem:v48+s2+$0x0], $0xffff  }
0x32a: {  	v9 =	vmin.u32 v9, $0x7FF;
	v36 =	vmax.f32 v45, v36;
	v49 =	vxor.u32 v37, v29  }
0x32b: {  	v24 =	vsub.f32 v24, v36;
	v60 =	vand.u32 v37, v29;
	v49 =	vshrl.u32 v49, $0x1  }
0x32c: {  	s24 =	simm.s32 $0x30;
	v61 =	vadd.s32 $0x1, v43;
	vm1 =	vle.f32 v56, v17;
	v45 =	vadd.s32 v49, v60;
	v62 =	vld.idx.msk [tilespmem:v39+s2+$0x0], $0xffff  }
0x32d: {  	v58 =	vor.u32 s24, v7;
	v63 =	vld.idx.msk [tilespmem:v57+s2+$0x0], $0xffff;
	v21 =	vsel vm1, v61, v21;
	v23 =	vsel vm1, v23, v43  }
0x32e: {  	v49 =	vadd.s32 $0x1, v48;
	v23 =	vadd.s32 v21, v23;
	vm1 =	vle.f32 v59, v27  }
0x32f: {  	v23 =	vshrl.u32 v23, $0x1;
	v33 =	vsel vm1, v49, v33;
	v11 =	vsel vm1, v11, v48  }
0x330: {  	v9 =	vsub.s32 v58, v9;
	v50 =	vadd.s32 $0x1, v57;
	v52 =	vadd.s32 v33, v11  }
0x331: {  	v53 =	vor.u32 $0x1, v39;
	v51 =	vld.idx.msk [tilespmem:v45+s2+$0x0], $0xffff;
	vm1 =	vle.f32 v62, v32;
	v46 =	vshrl.u32 v52, $0x1  }
0x332: {  	vm2 =	vle.f32 v63, v26;
	v40 =	vsel vm1, v53, v40;
	v39 =	vsel vm1, v41, v39  }
0x333: {  	v9 =	vcvt.s32.f32 v9;
	v55 =	vsel vm2, v50, v34;
	v56 =	vxor.u32 v40, v39  }
0x334: {  	v35 =	vsel vm2, v35, v57;
	v57 =	vld.idx.msk [tilespmem:v23+s2+$0x0], $0xffff;
	v58 =	vand.u32 v40, v39;
	v34 =	vshrl.u32 v56, $0x1  }
0x335: {  	v24 =	vmul.f32 v9, v24;
	v59 =	vadd.s32 v55, v35;
	v43 =	vadd.s32 v34, v58  }
0x336: {  	v54 =	vadd.s32 $0x1, v45;
	v60 =	vshrl.u32 v59, $0x1;
	vm1 =	vle.f32 v51, v31;
	v61 =	vld.idx.msk [tilespmem:v46+s2+$0x0], $0xffff  }
0x337: {  	v1 =	vadd.f32 v1, v16;
	v62 =	vsel vm1, v54, v37;
	v45 =	vsel vm1, v29, v45  }
0x338: {  	v9 =	vmul.f32 v9, v24;
	v59 =	vperm.xlane v25, v6;
	v15 =	vadd.s32 v62, v45  }
0x339: {  	vm1 =	vle.f32 v57, v17;
	v63 =	vshrl.u32 v15, $0x1;
	v15 =	vadd.s32 $0x1, v23  }
0x33a: {  	v34 =	vperm.xlane v28, v0;
	v29 =	vperm.xlane v30, v6;
	v24 =	vsel vm1, v15, v21;
	v23 =	vld.idx.msk [tilespmem:v43+s2+$0x0], $0xffff  }
0x33b: {  	v51 =	vld.idx.msk [tilespmem:v60+s2+$0x0], $0xffff;
	v17 =	vadd.s32 $0x1, v46;
	v15 =	vmax.u32 v24, $0x1;
	vm1 =	vle.f32 v61, v27  }
0x33c: {  	v52 =	vsub.s32 v15, v5;
	v33 =	vsel vm1, v17, v33;
	v11 =	vsel vm1, v11, v46  }
0x33d: {  	v37 =	vperm.xlane v25, v0;
	v36 =	vsel vm0, v16, v29;
	v17 =	vadd.s32 v33, v11  }
0x33e: {  	v29 =	vperm.xlane v19, v6;
	v21 =	vadd.f32 v9, v1;
	v1 =	vshrl.u32 v17, $0x1;
	v17 =	vld [tilespmem:s1+$0xFFFFFFF0]  }
0x33f: {  	v9 =	vadd.s32 $0x1, v60;
	v53 =	vld.idx.msk [tilespmem:v63+s2+$0x0], $0xffff;
	vm1 =	vle.f32 v23, v32;
	v23 =	vadd.s32 $0x1, v43  }
0x340: {  	vm2 =	vle.f32 v51, v26;
	v40 =	vsel vm1, v23, v40;
	v39 =	vsel vm1, v39, v43  }
0x341: {  	v29 =	vsel vm0, v20, v29;
	v15 =	vperm.xlane v38, v0;
	v54 =	vld.idx.msk [tilespmem:v52+s2+$0x0], $0xffff;
	v23 =	vadd.s32 v40, v39  }
0x342: {  	v9 =	vsel vm2, v9, v55;
	v41 =	vsel vm2, v35, v60;
	v44 =	vshrl.u32 v23, $0x1  }
0x343: {  	v55 =	vadd.s32 $0x1, v63;
	v56 =	vadd.s32 v9, v41;
	v57 =	vld.idx.msk [tilespmem:v1+s2+$0x0], $0xffff;
	v23 =	vmul.f32 v17, v12  }
0x344: {  	vm2 =	veq.s32 v24, $0x0;
	v43 =	vshrl.u32 v56, $0x1;
	vm1 =	vle.f32 v53, v31  }
0x345: {  	s1 =	simm.s32 $0x50;
	v42 =	vsel vm1, v55, v62;
	v45 =	vsel vm1, v45, v63;
	vm1 =	vle.f32 v18, v23  }
0x346: {  	v60 =	vor.u32 s1, v7;
	v20 =	vmul.f32 v54, v10;
	v50 =	vsel vm1, $0x600, v4  }
0x347: {  	s29 =	simm.s32 $0x930;
	v47 =	vadd.s32 $0x1, v43;
	v58 =	vperm.xlane v17, v0;
	v63 =	vadd.s32 $0x1, v1;
	v61 =	vld.idx.msk [tilespmem:v44+s2+$0x0], $0xffff  }
0x348: {  	v49 =	vadd.s32 v42, v45;
	v62 =	vsel vm2, $0x0, v20;
	v20 =	vld [tilespmem:s29+$0x0];
	vm2 =	vle.f32 v57, v27  }
0x349: {  	v35 =	vsel vm0, v58, v59;
	v58 =	vld.idx.msk [tilespmem:v2+s2+$0x0], $0xffff;
	v49 =	vshrl.u32 v49, $0x1;
	v33 =	vsel vm2, v63, v33  }
0x34a: {  	v57 =	vld.idx.msk [tilespmem:v43+s2+$0x0], $0xffff;
	v1 =	vsel vm2, v11, v1;
	v11 =	vmin.u32 v24, $0x7FF;
	v24 =	vmax.f32 v35, v62  }
0x34b: {  	v59 =	vadd.s32 v33, v1;
	v11 =	vsub.s32 v60, v11;
	v24 =	vsub.f32 v25, v24;
	v25 =	vld.idx.msk [tilespmem:v50+s2+$0x0], $0xffff  }
0x34c: {  	v60 =	vadd.s32 $0x1, v44;
	v51 =	vshrl.u32 v59, $0x1;
	vm2 =	vle.f32 v61, v32  }
0x34d: {  	v35 =	vmul.f32 v20, v12;
	v40 =	vsel vm2, v60, v40;
	v39 =	vsel vm2, v39, v44  }
0x34e: {  	v62 =	vsel vm1, $0x401, v3;
	v11 =	vcvt.s32.f32 v11;
	v52 =	vadd.s32 v40, v39  }
0x34f: {  	v61 =	vsel vm1, $0x800, v2;
	vm1 =	vle.f32 v58, v35;
	v48 =	vshrl.u32 v52, $0x1  }
0x350: {  	vm2 =	vle.f32 v57, v26;
	v46 =	vsel vm1, $0x600, v4;
	vm3 =	vle.f32 v25, v23  }
0x351: {  	v9 =	vsel vm2, v47, v9;
	v63 =	vld.idx.msk [tilespmem:v51+s2+$0x0], $0xffff;
	v25 =	vor.u32 $0x1, v50;
	v44 =	vsel vm3, v61, v50  }
0x352: {  	v47 =	vld.idx.msk [tilespmem:v49+s2+$0x0], $0xffff;
	v41 =	vsel vm2, v41, v43;
	v25 =	vsel vm3, v25, v62;
	v58 =	vadd.s32 $0xFFFFFFFF, v44  }
0x353: {  	v24 =	vmul.f32 v11, v24;
	v59 =	vadd.s32 v9, v41;
	v60 =	vxor.u32 v58, v25  }
0x354: {  	v53 =	vshrl.u32 v59, $0x1;
	v43 =	vor.u32 v58, v25;
	v61 =	vld.idx.msk [tilespmem:v48+s2+$0x0], $0xffff;
	v54 =	vshrl.u32 v60, $0x1  }
0x355: {  	v59 =	vsel vm1, $0x800, v2;
	v50 =	vadd.s32 $0x1, v49;
	v62 =	vld.idx.msk [tilespmem:v46+s2+$0x0], $0xffff;
	v43 =	vsub.s32 v43, v54  }
0x356: {  	v58 =	vsel vm1, $0x401, v3;
	vm2 =	vle.f32 v63, v27;
	v63 =	vadd.s32 $0x1, v51  }
0x357: {  	v33 =	vsel vm2, v63, v33;
	v1 =	vsel vm2, v1, v51;
	vm2 =	vle.f32 v47, v31  }
0x358: {  	v60 =	vadd.s32 $0x1, v48;
	v57 =	vadd.s32 v33, v1;
	v42 =	vsel vm2, v50, v42  }
0x359: {  	v45 =	vsel vm2, v45, v49;
	v47 =	vshrl.u32 v57, $0x1;
	vm1 =	vle.f32 v61, v32  }
0x35a: {  	vm2 =	vle.f32 v62, v35;
	v54 =	vld.idx.msk [tilespmem:v43+s2+$0x0], $0xffff;
	v40 =	vsel vm1, v60, v40;
	v39 =	vsel vm1, v39, v48  }
0x35b: {  	v61 =	vor.u32 $0x1, v46;
	v48 =	vld.idx.msk [tilespmem:v53+s2+$0x0], $0xffff;
	v46 =	vsel vm2, v59, v46;
	v62 =	vadd.s32 v40, v39  }
0x35c: {  	v49 =	vsel vm2, v61, v58;
	v63 =	vadd.s32 $0xFFFFFFFF, v46;
	v51 =	vshrl.u32 v62, $0x1  }
0x35d: {  	v11 =	vmul.f32 v11, v24;
	v50 =	vadd.s32 v42, v45;
	v60 =	vxor.u32 v63, v49  }
0x35e: {  	v50 =	vshrl.u32 v50, $0x1;
	v52 =	vor.u32 v63, v49;
	v62 =	vld.idx.msk [tilespmem:v47+s2+$0x0], $0xffff;
	v55 =	vshrl.u32 v60, $0x1  }
0x35f: {  	v63 =	vor.u32 $0x1, v43;
	v52 =	vsub.s32 v52, v55;
	vm1 =	vle.f32 v54, v23  }
0x360: {  	v61 =	vadd.s32 $0x1, v53;
	vm2 =	vle.f32 v48, v26;
	v25 =	vsel vm1, v63, v25  }
0x361: {  	v43 =	vsel vm1, v44, v43;
	v9 =	vsel vm2, v61, v9;
	v41 =	vsel vm2, v41, v53;
	v24 =	vld.idx.msk [tilespmem:v51+s2+$0x0], $0xffff  }
0x362: {  	v44 =	vxor.u32 v25, v43;
	v60 =	vand.u32 v25, v43;
	v63 =	vadd.s32 v9, v41  }
0x363: {  	v61 =	vld.idx.msk [tilespmem:v50+s2+$0x0], $0xffff;
	v44 =	vshrl.u32 v44, $0x1;
	vm1 =	vle.f32 v62, v27;
	v62 =	vadd.s32 $0x1, v47  }
0x364: {  	v44 =	vadd.s32 v44, v60;
	v55 =	vld.idx.msk [tilespmem:v52+s2+$0x0], $0xffff;
	v33 =	vsel vm1, v62, v33;
	v1 =	vsel vm1, v1, v47  }
0x365: {  	v11 =	vadd.f32 v11, v21;
	v48 =	vshrl.u32 v63, $0x1;
	v1 =	vadd.s32 v33, v1  }
0x366: {  	v1 =	vshrl.u32 v1, $0x1;
	vm1 =	vle.f32 v24, v32;
	v24 =	vadd.s32 $0x1, v51  }
0x367: {  	v57 =	vadd.s32 $0x1, v50;
	v40 =	vsel vm1, v24, v40;
	v39 =	vsel vm1, v39, v51  }
0x368: {  	v58 =	vor.u32 $0x1, v52;
	vm1 =	vle.f32 v61, v31;
	v51 =	vadd.s32 v40, v39  }
0x369: {  	v24 =	vld.idx.msk [tilespmem:v44+s2+$0x0], $0xffff;
	v42 =	vsel vm1, v57, v42;
	v45 =	vsel vm1, v45, v50;
	vm1 =	vle.f32 v55, v35  }
0x36a: {  	v62 =	vadd.s32 $0x1, v44;
	v61 =	vld.idx.msk [tilespmem:v48+s2+$0x0], $0xffff;
	v50 =	vshrl.u32 v51, $0x1;
	v47 =	vsel vm1, v58, v49  }
0x36b: {  	v46 =	vsel vm1, v46, v52;
	v59 =	vadd.s32 v42, v45;
	v51 =	vperm.xlane v17, v6;
	v52 =	vld.idx.msk [tilespmem:v1+s2+$0x0], $0xffff  }
0x36c: {  	v58 =	vadd.s32 $0x1, v48;
	v60 =	vxor.u32 v47, v46;
	v49 =	vshrl.u32 v59, $0x1  }
0x36d: {  	v21 =	vand.u32 v47, v46;
	v1 =	vadd.s32 $0x1, v1;
	v53 =	vshrl.u32 v60, $0x1  }
0x36e: {  	v53 =	vadd.s32 v53, v21;
	v21 =	vperm.xlane v20, v0;
	vm1 =	vle.f32 v24, v23  }
0x36f: {  	vm2 =	vle.f32 v61, v26;
	v63 =	vld.idx.msk [tilespmem:v50+s2+$0x0], $0xffff;
	v25 =	vsel vm1, v62, v25;
	v43 =	vsel vm1, v43, v44  }
0x370: {  	v24 =	vsel vm0, v22, v51;
	v22 =	vadd.s32 v25, v43;
	vm1 =	vle.f32 v52, v27  }
0x371: {  	v9 =	vsel vm2, v58, v9;
	v51 =	vshrl.u32 v22, $0x1;
	v22 =	vld.idx.msk [tilespmem:v49+s2+$0x0], $0xffff;
	v1 =	vsel vm1, v1, v33  }
0x372: {  	v59 =	vsel vm2, v41, v48;
	v62 =	vadd.s32 $0x1, v50;
	v61 =	vmax.u32 v1, $0x1  }
0x373: {  	v27 =	vadd.s32 $0x1, v49;
	v33 =	vadd.s32 v9, v59;
	v60 =	vld.idx.msk [tilespmem:v53+s2+$0x0], $0xffff;
	v44 =	vsub.s32 v61, v5  }
0x374: {  	v54 =	vshrl.u32 v33, $0x1;
	vm2 =	veq.s32 v1, $0x0;
	vm1 =	vle.f32 v63, v32  }
0x375: {  	v1 =	vmin.u32 v1, $0x7FF;
	v40 =	vsel vm1, v62, v40;
	v48 =	vsel vm1, v39, v50  }
0x376: {  	v61 =	vperm.xlane v28, v6;
	v57 =	vld.idx.msk [tilespmem:v51+s2+$0x0], $0xffff;
	v50 =	vadd.s32 v40, v48;
	vm1 =	vle.f32 v22, v31  }
0x377: {  	v63 =	vadd.s32 $0x1, v51;
	v22 =	vld [tilespmem:s23+$0xFFFFFFF0];
	v33 =	vshrl.u32 v50, $0x1;
	v42 =	vsel vm1, v27, v42  }
0x378: {  	s24 =	simm.s32 $0x70;
	v45 =	vsel vm1, v45, v49;
	vm1 =	vle.f32 v60, v35;
	v27 =	vadd.s32 $0x1, v53;
	v58 =	vld.idx.msk [tilespmem:v44+s2+$0x0], $0xffff  }
0x379: {  	v62 =	vor.u32 s24, v7;
	v47 =	vsel vm1, v27, v47;
	v46 =	vsel vm1, v46, v53  }
0x37a: {  	v39 =	vor.u32 s25, v7;
	v1 =	vsub.s32 v62, v1;
	v27 =	vadd.s32 v47, v46  }
0x37b: {  	v49 =	vadd.s32 $0x1, v54;
	v59 =	vadd.s32 v42, v45;
	v53 =	vshrl.u32 v27, $0x1  }
0x37c: {  	v44 =	vshrl.u32 v59, $0x1;
	vm1 =	vle.f32 v57, v23;
	v27 =	vmul.f32 v22, v12;
	v60 =	vld.idx.msk [tilespmem:v33+s2+$0x0], $0xffff  }
0x37d: {  	v52 =	vsel vm1, v63, v25;
	v25 =	vperm.xlane v22, v0;
	v41 =	vmul.f32 v58, v10  }
0x37e: {  	v1 =	vcvt.s32.f32 v1;
	v50 =	vadd.s32 $0x1, v44;
	v43 =	vsel vm1, v43, v51  }
0x37f: {  	vm1 =	vle.f32 v18, v27;
	v25 =	vsel vm0, v25, v61;
	v41 =	vsel vm2, $0x0, v41  }
0x380: {  	s30 =	simm.s32 $0x950;
	v51 =	vperm.xlane v22, v6;
	v57 =	vsel vm1, $0x600, v4;
	v56 =	vld.idx.msk [tilespmem:v53+s2+$0x0], $0xffff;
	v41 =	vmax.f32 v25, v41  }
0x381: {  	v63 =	vadd.s32 $0x1, v33;
	v25 =	vld [tilespmem:s30+$0x0];
	vm2 =	vle.f32 v60, v32;
	v28 =	vsub.f32 v28, v41  }
0x382: {  	v55 =	vld.idx.msk [tilespmem:v44+s2+$0x0], $0xffff;
	v62 =	vor.u32 $0x1, v57;
	v58 =	vsel vm2, v63, v40;
	v48 =	vsel vm2, v48, v33  }
0x383: {  	v41 =	vadd.s32 v52, v43;
	v33 =	vadd.s32 v58, v48;
	v28 =	vmul.f32 v1, v28  }
0x384: {  	v59 =	vld.idx.msk [tilespmem:v2+s2+$0x0], $0xffff;
	v60 =	vsel vm1, $0x800, v2;
	v41 =	vshrl.u32 v41, $0x1;
	v63 =	vshrl.u32 v33, $0x1  }
0x385: {  	v61 =	vld.idx.msk [tilespmem:v57+s2+$0x0], $0xffff;
	vm2 =	vle.f32 v56, v35;
	v56 =	vadd.s32 $0x1, v53;
	v1 =	vmul.f32 v1, v28  }
0x386: {  	v33 =	vmul.f32 v25, v12;
	v28 =	vsel vm2, v56, v47;
	v46 =	vsel vm2, v46, v53  }
0x387: {  	v47 =	vld.idx.msk [tilespmem:v54+s2+$0x0], $0xffff;
	v53 =	vsel vm1, $0x401, v3;
	vm2 =	vle.f32 v55, v31;
	v54 =	vadd.s32 v28, v46  }
0x388: {  	v42 =	vsel vm2, v50, v42;
	v44 =	vsel vm2, v45, v44;
	v40 =	vadd.f32 v1, v11  }
0x389: {  	v1 =	vadd.s32 $0x1, v41;
	vm1 =	vle.f32 v59, v33;
	v11 =	vshrl.u32 v54, $0x1  }
0x38a: {  	v54 =	vsel vm1, $0x600, v4;
	vm3 =	vle.f32 v61, v27;
	v61 =	vadd.s32 $0x1, v63;
	v55 =	vld.idx.msk [tilespmem:v63+s2+$0x0], $0xffff  }
0x38b: {  	v50 =	vsel vm3, v60, v57;
	v45 =	vsel vm3, v62, v53;
	v60 =	vadd.s32 v42, v44  }
0x38c: {  	v53 =	vld.idx.msk [tilespmem:v41+s2+$0x0], $0xffff;
	v62 =	vadd.s32 $0xFFFFFFFF, v50;
	vm2 =	vle.f32 v47, v26;
	v47 =	vshrl.u32 v60, $0x1  }
0x38d: {  	v26 =	vxor.u32 v62, v45;
	v56 =	vor.u32 v62, v45;
	v59 =	vadd.s32 $0x1, v47  }
0x38e: {  	v9 =	vsel vm2, v49, v9;
	v62 =	vsel vm1, $0x800, v2;
	v57 =	vshrl.u32 v26, $0x1;
	v60 =	vld.idx.msk [tilespmem:v11+s2+$0x0], $0xffff  }
0x38f: {  	v49 =	vsub.s32 v56, v57;
	v56 =	vld.idx.msk [tilespmem:v54+s2+$0x0], $0xffff;
	v57 =	vmax.u32 v9, $0x1;
	vm2 =	vle.f32 v55, v32  }
0x390: {  	v26 =	vperm.xlane v25, v0;
	v57 =	vsub.s32 v57, v5;
	v55 =	vsel vm2, v61, v58  }
0x391: {  	v48 =	vsel vm2, v48, v63;
	vm2 =	vle.f32 v53, v23;
	v53 =	vor.u32 $0x1, v49  }
0x392: {  	v58 =	vadd.s32 v55, v48;
	v1 =	vsel vm2, v1, v52;
	v41 =	vsel vm2, v43, v41  }
0x393: {  	v52 =	vshrl.u32 v58, $0x1;
	v58 =	vld.idx.msk [tilespmem:v47+s2+$0x0], $0xffff;
	vm2 =	vle.f32 v60, v35;
	v60 =	vadd.s32 $0x1, v11  }
0x394: {  	v43 =	vsel vm1, $0x401, v3;
	v63 =	vld.idx.msk [tilespmem:v49+s2+$0x0], $0xffff;
	vm1 =	vle.f32 v56, v33;
	v56 =	vsel vm2, v60, v28  }
0x395: {  	v11 =	vsel vm2, v46, v11;
	v28 =	vor.u32 $0x1, v54;
	v46 =	vsel vm1, v62, v54  }
0x396: {  	v62 =	vadd.s32 v56, v11;
	v43 =	vsel vm1, v28, v43;
	v28 =	vadd.s32 $0xFFFFFFFF, v46  }
0x397: {  	v61 =	vadd.s32 v1, v41;
	v54 =	vshrl.u32 v62, $0x1;
	v60 =	vxor.u32 v28, v43  }
0x398: {  	v61 =	vshrl.u32 v61, $0x1;
	v28 =	vor.u32 v28, v43;
	v62 =	vld.idx.msk [tilespmem:v52+s2+$0x0], $0xffff;
	v60 =	vshrl.u32 v60, $0x1  }
0x399: {  	vm1 =	vle.f32 v58, v31;
	v58 =	vsub.s32 v28, v60;
	vm2 =	vle.f32 v63, v27  }
0x39a: {  	v42 =	vsel vm1, v59, v42;
	v44 =	vsel vm1, v44, v47;
	v47 =	vadd.s32 $0x1, v61  }
0x39b: {  	v45 =	vsel vm2, v53, v45;
	v49 =	vsel vm2, v50, v49;
	v63 =	vadd.s32 v42, v44  }
0x39c: {  	v28 =	vxor.u32 v45, v49;
	v53 =	vld.idx.msk [tilespmem:v54+s2+$0x0], $0xffff;
	v59 =	vand.u32 v45, v49;
	v50 =	vshrl.u32 v63, $0x1  }
0x39d: {  	v28 =	vshrl.u32 v28, $0x1;
	vm1 =	vle.f32 v62, v32;
	v62 =	vadd.s32 $0x1, v52  }
0x39e: {  	v60 =	vld.idx.msk [tilespmem:v61+s2+$0x0], $0xffff;
	v59 =	vadd.s32 v28, v59;
	v55 =	vsel vm1, v62, v55;
	v28 =	vsel vm1, v48, v52  }
0x39f: {  	v48 =	vld.idx.msk [tilespmem:v58+s2+$0x0], $0xffff;
	v52 =	vadd.s32 $0x1, v59;
	vm1 =	veq.s32 v9, $0x0;
	v9 =	vmin.u32 v9, $0x7FF  }
0x3a0: {  	v62 =	vadd.s32 $0x1, v50;
	v28 =	vadd.s32 v55, v28;
	v9 =	vsub.s32 v39, v9  }
0x3a1: {  	v63 =	vshrl.u32 v28, $0x1;
	vm2 =	vle.f32 v53, v35;
	v53 =	vadd.s32 $0x1, v54  }
0x3a2: {  	v28 =	vsel vm0, v37, v51;
	v37 =	vsel vm2, v53, v56;
	v11 =	vsel vm2, v11, v54;
	v54 =	vld.idx.msk [tilespmem:v57+s2+$0x0], $0xffff  }
0x3a3: {  	vm2 =	vle.f32 v60, v23;
	v60 =	vor.u32 $0x1, v58;
	v51 =	vld.idx.msk [tilespmem:v59+s2+$0x0], $0xffff;
	v56 =	vadd.s32 v37, v11  }
0x3a4: {  	v1 =	vsel vm2, v47, v1;
	v47 =	vsel vm2, v41, v61;
	v41 =	vld.idx.msk [tilespmem:v50+s2+$0x0], $0xffff;
	vm2 =	vle.f32 v48, v33  }
0x3a5: {  	v53 =	vshrl.u32 v56, $0x1;
	v43 =	vsel vm2, v60, v43;
	v48 =	vsel vm2, v46, v58  }
0x3a6: {  	v9 =	vcvt.s32.f32 v9;
	v61 =	vadd.s32 v1, v47;
	v60 =	vxor.u32 v43, v48  }
0x3a7: {  	v57 =	vshrl.u32 v61, $0x1;
	v39 =	vld.idx.msk [tilespmem:v63+s2+$0x0], $0xffff;
	v61 =	vand.u32 v43, v48;
	v56 =	vshrl.u32 v60, $0x1  }
0x3a8: {  	v58 =	vadd.s32 $0x1, v57;
	v60 =	vadd.s32 v56, v61;
	vm2 =	vle.f32 v51, v27  }
0x3a9: {  	vm3 =	vle.f32 v41, v31;
	v51 =	vmul.f32 v54, v10;
	v45 =	vsel vm2, v52, v45  }
0x3aa: {  	v49 =	vsel vm2, v49, v59;
	v41 =	vld.idx.msk [tilespmem:v53+s2+$0x0], $0xffff;
	v42 =	vsel vm3, v62, v42;
	v52 =	vadd.s32 $0x1, v63  }
0x3ab: {  	v54 =	vsel vm3, v44, v50;
	v63 =	vadd.s32 $0x1, v53;
	v62 =	vadd.s32 v45, v49  }
0x3ac: {  	v44 =	vld.idx.msk [tilespmem:v57+s2+$0x0], $0xffff;
	v50 =	vsel vm1, $0x0, v51;
	vm2 =	vle.f32 v39, v32;
	v59 =	vshrl.u32 v62, $0x1  }
0x3ad: {  	v39 =	vadd.s32 v42, v54;
	v36 =	vmax.f32 v36, v50;
	v32 =	vsel vm2, v52, v55  }
0x3ae: {  	v61 =	vadd.s32 $0x1, v59;
	v62 =	vshrl.u32 v39, $0x1;
	v56 =	vmax.u32 v32, $0x1  }
0x3af: {  	v30 =	vsub.f32 v30, v36;
	v51 =	vld.idx.msk [tilespmem:v60+s2+$0x0], $0xffff;
	v54 =	vsub.s32 v56, v5;
	vm1 =	vle.f32 v41, v35  }
0x3b0: {  	v46 =	vadd.s32 $0x1, v62;
	vm2 =	veq.s32 v32, $0x0;
	v52 =	vsel vm1, v63, v37  }
0x3b1: {  	v53 =	vsel vm1, v11, v53;
	vm1 =	vle.f32 v44, v23;
	v44 =	vmul.f32 v9, v30;
	v30 =	vld [tilespmem:s22+$0xFFFFFFF0]  }
0x3b2: {  	v32 =	vmin.u32 v32, $0x7FF;
	v11 =	vld.idx.msk [tilespmem:v59+s2+$0x0], $0xffff;
	v41 =	vadd.s32 v52, v53;
	v39 =	vsel vm1, v47, v57  }
0x3b3: {  	s25 =	simm.s32 $0x20;
	v56 =	vshrl.u32 v41, $0x1;
	v41 =	vsel vm1, v58, v1;
	v1 =	vadd.s32 $0x1, v60  }
0x3b4: {  	v37 =	vmul.f32 v9, v44;
	v44 =	vor.u32 s25, v7;
	vm1 =	vle.f32 v51, v33;
	v58 =	vld.idx.msk [tilespmem:v54+s2+$0x0], $0xffff  }
0x3b5: {  	v63 =	vadd.s32 v41, v39;
	v54 =	vsel vm1, v1, v43;
	v55 =	vsel vm1, v48, v60  }
0x3b6: {  	v50 =	vshrl.u32 v63, $0x1;
	v43 =	vperm.xlane v38, v6;
	v1 =	vadd.s32 v54, v55  }
0x3b7: {  	s26 =	simm.s32 $0x90;
	v36 =	vmul.f32 v30, v12;
	v57 =	vshrl.u32 v1, $0x1;
	vm1 =	vle.f32 v11, v27  }
0x3b8: {  	v63 =	vor.u32 s26, v7;
	v9 =	vperm.xlane v30, v0;
	v48 =	vsel vm1, v61, v45;
	v1 =	vld.idx.msk [tilespmem:v56+s2+$0x0], $0xffff  }
0x3b9: {  	v47 =	vsel vm1, v49, v59;
	vm1 =	vle.f32 v18, v36;
	v11 =	vmul.f32 v58, v10  }
0x3ba: {  	v51 =	vadd.s32 $0x1, v50;
	v45 =	vperm.xlane v30, v6;
	v49 =	vld.idx.msk [tilespmem:v62+s2+$0x0], $0xffff;
	v58 =	vsel vm1, $0x600, v4  }
0x3bb: {  	s31 =	simm.s32 $0x970;
	s0 =	simm.s32 $0x100;
	v9 =	vsel vm0, v9, v43;
	v62 =	vadd.s32 $0x1, v56;
	v59 =	vld.idx.msk [tilespmem:v50+s2+$0x0], $0xffff;
	v11 =	vsel vm2, $0x0, v11  }
0x3bc: {  	s28 =	simm.s32 $0x40;
	s24 =	simm.s32 $0xA0;
	s23 =	simm.s32 $0xC0;
	v60 =	vadd.s32 v48, v47;
	v61 =	vld.idx.msk [tilespmem:v57+s2+$0x0], $0xffff;
	v9 =	vmax.f32 v9, v11;
	v11 =	vsub.s32 v63, v32  }
0x3bd: {  	[tilespmem:$0x1FFC0] =	vst v8;
	s22 =	simm.s32 $0xE0;
	s25 =	simm.s32 $0x80;
	s26 =	simm.s32 $0x60;
	v32 =	vld [tilespmem:s31+$0x0];
	vm2 =	vle.f32 v1, v35;
	v63 =	vsub.f32 v38, v9;
	v38 =	vcvt.s32.f32 v11  }
.LBB2_9:
0x3be: {  	p0 =	sne.s32 s0, $0x7E0;
	v1 =	vld.idx.msk [tilespmem:v2+s2+$0x0], $0xffff;
	v9 =	vsel vm2, v62, v52;
	v11 =	vsel vm2, v53, v56;
	v43 =	vsel vm1, $0x800, v2  }
0x3bf: {  	v56 =	vor.u32 $0x1, v58;
	v52 =	vadd.s32 v9, v11;
	v53 =	vld.idx.msk [tilespmem:v58+s2+$0x0], $0xffff;
	v62 =	vmul.f32 v38, v63  }
0x3c0: {  	v60 =	vshrl.u32 v60, $0x1;
	v63 =	vsel vm1, $0x401, v3;
	v52 =	vshrl.u32 v52, $0x1  }
0x3c1: {  	vm1 =	vle.f32 v61, v33;
	v61 =	vadd.s32 $0x1, v57;
	v62 =	vmul.f32 v38, v62  }
0x3c2: {  	v54 =	vsel vm1, v61, v54;
	v55 =	vsel vm1, v55, v57;
	v38 =	vmul.f32 v32, v12  }
0x3c3: {  	v61 =	vadd.s32 $0x1, v60;
	v57 =	vadd.s32 v54, v55;
	v40 =	vadd.f32 v62, v40  }
0x3c4: {  	vm2 =	vle.f32 v59, v23;
	vm1 =	vle.f32 v1, v38;
	v1 =	vshrl.u32 v57, $0x1  }
0x3c5: {  	v41 =	vsel vm2, v51, v41;
	vm3 =	vle.f32 v53, v36;
	v57 =	vsel vm1, $0x600, v4;
	v59 =	vld.idx.msk [tilespmem:v52+s2+$0x0], $0xffff  }
0x3c6: {  	v39 =	vsel vm2, v39, v50;
	v51 =	vsel vm3, v56, v63;
	v43 =	vsel vm3, v43, v58;
	v53 =	vld.idx.msk [tilespmem:v60+s2+$0x0], $0xffff  }
0x3c7: {  	vm2 =	vle.f32 v49, v31;
	v31 =	vmovc v23;
	v23 =	vmovc v27;
	v56 =	vadd.s32 v41, v39;
	v50 =	vadd.s32 $0xFFFFFFFF, v43  }
0x3c8: {  	v27 =	vmovc v36;
	v56 =	vshrl.u32 v56, $0x1;
	v49 =	vor.u32 v50, v51;
	v50 =	vxor.u32 v50, v51  }
0x3c9: {  	v42 =	vsel vm2, v46, v42;
	v58 =	vadd.s32 $0x1, v56;
	v50 =	vshrl.u32 v50, $0x1;
	v36 =	vld.idx.msk [tilespmem:v1+s2+$0x0], $0xffff  }
0x3ca: {  	v62 =	vperm.xlane v32, v0;
	v49 =	vsub.s32 v49, v50;
	v50 =	vmax.u32 v42, $0x1;
	v46 =	vld.idx.msk [tilespmem:v57+s2+$0x0], $0xffff  }
0x3cb: {  	vm2 =	vle.f32 v59, v35;
	v59 =	vadd.s32 $0x1, v52;
	v63 =	vor.u32 $0x1, v49  }
0x3cc: {  	v9 =	vsel vm2, v59, v9;
	v11 =	vsel vm2, v11, v52;
	vm2 =	vle.f32 v53, v23  }
0x3cd: {  	v52 =	vadd.s32 v9, v11;
	v48 =	vsel vm2, v61, v48;
	v47 =	vsel vm2, v47, v60;
	v53 =	vld.idx.msk [tilespmem:v56+s2+$0x0], $0xffff  }
0x3ce: {  	v59 =	vsel vm1, $0x401, v3;
	v52 =	vshrl.u32 v52, $0x1;
	v60 =	vadd.s32 v48, v47  }
0x3cf: {  	v61 =	vsel vm1, $0x800, v2;
	vm1 =	vle.f32 v36, v33;
	v36 =	vadd.s32 $0x1, v1;
	v8 =	vld.idx.msk [tilespmem:v49+s2+$0x0], $0xffff  }
0x3d0: {  	vm2 =	vle.f32 v46, v38;
	v36 =	vsel vm1, v36, v54;
	v1 =	vsel vm1, v55, v1  }
0x3d1: {  	v46 =	vor.u32 $0x1, v57;
	v54 =	vsel vm2, v61, v57;
	v55 =	vadd.s32 v36, v1  }
0x3d2: {  	v46 =	vsel vm2, v46, v59;
	v57 =	vadd.s32 $0xFFFFFFFF, v54;
	v55 =	vshrl.u32 v55, $0x1  }
0x3d3: {  	v60 =	vshrl.u32 v60, $0x1;
	v59 =	vxor.u32 v57, v46;
	vm1 =	vle.f32 v53, v31;
	v61 =	vld.idx.msk [tilespmem:v52+s2+$0x0], $0xffff  }
0x3d4: {  	v53 =	vor.u32 v57, v46;
	v57 =	vshrl.u32 v59, $0x1;
	v59 =	vadd.s32 $0x1, v60  }
0x3d5: {  	v53 =	vsub.s32 v53, v57;
	vm2 =	vle.f32 v8, v27;
	v8 =	vsel vm1, v58, v41  }
0x3d6: {  	v39 =	vsel vm1, v39, v56;
	v41 =	vsel vm2, v63, v51;
	v43 =	vsel vm2, v43, v49  }
0x3d7: {  	v57 =	vadd.s32 v8, v39;
	v51 =	vand.u32 v41, v43;
	v56 =	vxor.u32 v41, v43;
	v49 =	vld.idx.msk [tilespmem:v55+s2+$0x0], $0xffff  }
0x3d8: {  	v50 =	vsub.s32 v50, v5;
	v57 =	vshrl.u32 v57, $0x1;
	v56 =	vshrl.u32 v56, $0x1;
	v58 =	vld.idx.msk [tilespmem:v60+s2+$0x0], $0xffff  }
0x3d9: {  	vm1 =	vle.f32 v61, v35;
	v61 =	vadd.s32 $0x1, v52;
	v51 =	vadd.s32 v56, v51  }
0x3da: {  	v9 =	vsel vm1, v61, v9;
	v11 =	vsel vm1, v11, v52;
	v52 =	vadd.s32 $0x1, v51;
	v56 =	vld.idx.msk [tilespmem:v53+s2+$0x0], $0xffff  }
0x3db: {  	v61 =	vadd.s32 $0x1, v57;
	vm1 =	veq.s32 v42, $0x0;
	v11 =	vadd.s32 v9, v11  }
0x3dc: {  	v45 =	vsel vm0, v34, v45;
	v34 =	vmovc v15;
	v15 =	vmovc v21;
	v42 =	vmin.u32 v42, $0x7FF;
	v11 =	vshrl.u32 v11, $0x1  }
0x3dd: {  	v21 =	vmovc v26;
	v42 =	vsub.s32 v44, v42;
	vm2 =	vle.f32 v49, v33;
	v49 =	vadd.s32 $0x1, v55;
	v63 =	vld.idx.msk [tilespmem:v57+s2+$0x0], $0xffff  }
0x3de: {  	v36 =	vsel vm2, v49, v36;
	v1 =	vsel vm2, v1, v55;
	vm2 =	vle.f32 v58, v23;
	v44 =	vld.idx.msk [tilespmem:v51+s2+$0x0], $0xffff  }
0x3df: {  	v13 =	vadd.s32 v36, v1;
	v48 =	vsel vm2, v59, v48;
	v47 =	vsel vm2, v47, v60;
	v49 =	vld.idx.msk [tilespmem:v50+s2+$0x0], $0xffff  }
0x3e0: {  	v26 =	vmovc v62;
	vm2 =	vle.f32 v56, v38;
	v50 =	vor.u32 $0x1, v53;
	v55 =	vshrl.u32 v13, $0x1  }
0x3e1: {  	v50 =	vsel vm2, v50, v46;
	v58 =	vsel vm2, v54, v53;
	v53 =	vadd.s32 v48, v47;
	v46 =	vld.idx.msk [tilespmem:v11+s2+$0x0], $0xffff  }
0x3e2: {  	v60 =	vcvt.s32.f32 v42;
	v54 =	vxor.u32 v50, v58;
	v59 =	vshrl.u32 v53, $0x1  }
0x3e3: {  	v42 =	vand.u32 v50, v58;
	v53 =	vshrl.u32 v54, $0x1;
	v54 =	vadd.s32 $0x1, v59  }
0x3e4: {  	vm3 =	vle.f32 v63, v31;
	v62 =	vadd.s32 v53, v42;
	vm2 =	vle.f32 v44, v27  }
0x3e5: {  	v42 =	vsel vm3, v61, v8;
	v63 =	vsel vm2, v52, v41;
	v43 =	vsel vm2, v43, v51;
	v44 =	vld.idx.msk [tilespmem:v55+s2+$0x0], $0xffff  }
0x3e6: {  	v39 =	vsel vm3, v39, v57;
	v41 =	vmul.f32 v49, v10;
	v8 =	vadd.s32 v63, v43  }
0x3e7: {  	v11 =	vadd.s32 $0x1, v11;
	vm2 =	vle.f32 v46, v35;
	v8 =	vshrl.u32 v8, $0x1;
	v35 =	vmovc v33;
	v33 =	vmovc v38;
	v49 =	vld.idx.msk [tilespmem:v59+s2+$0x0], $0xffff  }
0x3e8: {  	v38 =	vadd.s32 v42, v39;
	v9 =	vsel vm2, v11, v9;
	v11 =	vadd.s32 $0x1, v8  }
0x3e9: {  	v41 =	vsel vm1, $0x0, v41;
	v38 =	vshrl.u32 v38, $0x1;
	v39 =	vmax.u32 v9, $0x1;
	v51 =	vld.idx.msk [tilespmem:v62+s2+$0x0], $0xffff  }
0x3ea: {  	v46 =	vadd.s32 $0x1, v38;
	v57 =	vsub.s32 v39, v5;
	v39 =	vmax.f32 v29, v41;
	v29 =	vmovc v24;
	v24 =	vmovc v28  }
0x3eb: {  	v41 =	vadd.s32 $0x1, v55;
	v28 =	vmovc v45;
	vm1 =	vle.f32 v44, v35;
	v39 =	vsub.f32 v19, v39;
	v19 =	vmovc v17  }
0x3ec: {  	v16 =	vadd.f32 v37, v16;
	v52 =	vsel vm1, v41, v36;
	v53 =	vsel vm1, v1, v55;
	v1 =	vld.idx.msk [tilespmem:v8+s2+$0x0], $0xffff  }
0x3ed: {  	v17 =	vmovc v22;
	v36 =	vadd.s32 v52, v53;
	vm1 =	vle.f32 v49, v23;
	v37 =	vmul.f32 v60, v39  }
0x3ee: {  	v22 =	vmovc v30;
	v56 =	vshrl.u32 v36, $0x1;
	v41 =	vsel vm1, v54, v48;
	v39 =	vsel vm1, v47, v59;
	v30 =	vld [tilespmem:s29+$0xFFFFFFF0];
	s29 =	smov.u32 s30;
	s30 =	smov.u32 s31  }
0x3ef: {  	v36 =	vadd.s32 $0x1, v62;
	vm1 =	vle.f32 v51, v33;
	v44 =	vadd.s32 v41, v39;
	v59 =	vld.idx.msk [tilespmem:v57+s2+$0x0], $0xffff  }
0x3f0: {  	v54 =	vsel vm1, v36, v50;
	v55 =	vsel vm1, v58, v62;
	v50 =	vshrl.u32 v44, $0x1;
	v49 =	vld.idx.msk [tilespmem:v38+s2+$0x0], $0xffff  }
0x3f1: {  	v37 =	vmul.f32 v60, v37;
	v36 =	vadd.s32 v54, v55;
	v51 =	vadd.s32 $0x1, v50  }
0x3f2: {  	v44 =	vor.u32 s28, v7;
	s28 =	smov.u32 s26;
	s26 =	smov.u32 s25;
	s25 =	smov.u32 s24;
	v57 =	vshrl.u32 v36, $0x1;
	vm1 =	vle.f32 v1, v27  }
0x3f3: {  	s24 =	smov.u32 s23;
	s23 =	smov.u32 s22;
	s22 =	smov.u32 s0;
	v48 =	vsel vm1, v11, v63;
	v47 =	vsel vm1, v43, v8;
	v1 =	vld.idx.msk [tilespmem:v56+s2+$0x0], $0xffff;
	v36 =	vmul.f32 v30, v12  }
0x3f4: {  	v45 =	vperm.xlane v30, v6;
	v8 =	vperm.xlane v30, v0;
	v60 =	vadd.s32 v48, v47  }
.Ltmp3:
0x3f5: {  	s1 =	sadd.s32 $0x10, s25;
	v38 =	vperm.xlane v20, v6;
	v11 =	vmul.f32 v59, v10;
	vm1 =	vle.f32 v18, v36;
	v59 =	vld.idx.msk [tilespmem:v50+s2+$0x0], $0xffff;
	(pc) =	sbr.rel @p0 .LBB2_9-.Ltmp3, $4  }
0x3f6: {  	vm2 =	veq.s32 v9, $0x0;
	v43 =	vor.u32 s1, v7;
	v58 =	vsel vm1, $0x600, v4  }
0x3f7: {  	v9 =	vmin.u32 v9, $0x7FF;
	v8 =	vsel vm0, v8, v38;
	v11 =	vsel vm2, $0x0, v11;
	v61 =	vld.idx.msk [tilespmem:v57+s2+$0x0], $0xffff  }
0x3f8: {  	s31 =	sadd.s32 $0x20, s31;
	v62 =	vadd.s32 $0x1, v56;
	v9 =	vsub.s32 v43, v9;
	v8 =	vmax.f32 v8, v11  }
0x3f9: {  	s0 =	sadd.s32 $0x20, s0;
	v38 =	vcvt.s32.f32 v9;
	vm2 =	vle.f32 v1, v35;
	v63 =	vsub.f32 v20, v8;
	v20 =	vmovc v25;
	v25 =	vmovc v32;
	v32 =	vld [tilespmem:s31+$0x0]  }
0x3fa: {  	_ =	sdelay $0x3  }
0x3fb: {  	v1 =	vld.idx.msk [tilespmem:v2+s2+$0x0], $0xffff;
	_ =	sdelay $0x2  }
0x3fc: {  	v11 =	vmul.f32 v32, v12;
	_ =	sdelay $0x1  }
0x3fd: {  	vm3 =	vle.f32 v1, v11  }
0x3fe: {  	v1 =	vsel vm3, $0x600, v4;
	_ =	sdelay $0x4  }
0x3ff: {  	v8 =	vld.idx.msk [tilespmem:v1+s2+$0x0], $0xffff;
	_ =	sdelay $0x4  }
0x400: {  	v9 =	vsel vm3, $0x800, v2;
	vm4 =	vle.f32 v8, v11  }
0x401: {  	[tilespmem:$0x1FF50] =	vst v11;
	v8 =	vsel vm3, $0x401, v3;
	v11 =	vor.u32 $0x1, v1;
	v43 =	vsel vm4, v9, v1  }
0x402: {  	v8 =	vsel vm4, v11, v8;
	v9 =	vadd.s32 $0xFFFFFFFF, v43  }
0x403: {  	v11 =	vxor.u32 v9, v8  }
0x404: {  	v9 =	vor.u32 v9, v8;
	v11 =	vshrl.u32 v11, $0x1  }
0x405: {  	v14 =	vsel vm1, $0x401, v3;
	v9 =	vsub.s32 v9, v11  }
0x406: {  	v11 =	vsel vm2, v62, v52;
	v52 =	vsel vm2, v53, v56;
	v53 =	vsel vm1, $0x800, v2  }
0x407: {  	v62 =	vld.idx.msk [tilespmem:v58+s2+$0x0], $0xffff;
	vm1 =	vle.f32 v61, v33;
	v61 =	vadd.s32 $0x1, v57;
	v56 =	vadd.s32 v11, v52  }
0x408: {  	v54 =	vsel vm1, v61, v54;
	v55 =	vsel vm1, v55, v57;
	vm1 =	vle.f32 v59, v23  }
0x409: {  	v56 =	vshrl.u32 v56, $0x1;
	v50 =	vsel vm1, v39, v50;
	v39 =	vld [tilespmem:$0x1FF50]  }
0x40a: {  	v63 =	vmul.f32 v38, v63;
	v1 =	vld.idx.msk [tilespmem:v9+s2+$0x0], $0xffff  }
0x40b: {  	v13 =	vor.u32 $0x1, v58;
	v60 =	vshrl.u32 v60, $0x1  }
0x40c: {  	v38 =	vmul.f32 v38, v63;
	v51 =	vsel vm1, v51, v41;
	vm2 =	vle.f32 v62, v36  }
0x40d: {  	v57 =	vadd.s32 v54, v55;
	v63 =	vadd.s32 v51, v50;
	v13 =	vsel vm2, v13, v14;
	v14 =	vld [tilespmem:s29+$0xFFFFFFF0]  }
0x40e: {  	v57 =	vshrl.u32 v57, $0x1;
	v62 =	vsel vm2, v53, v58;
	v58 =	vshrl.u32 v63, $0x1;
	v53 =	vld.idx.msk [tilespmem:v56+s2+$0x0], $0xffff  }
0x40f: {  	v41 =	vadd.s32 $0xFFFFFFFF, v62;
	vm1 =	vle.f32 v1, v39;
	v1 =	vor.u32 $0x1, v9  }
0x410: {  	v1 =	vsel vm1, v1, v8;
	v8 =	vsel vm1, v43, v9;
	v9 =	vor.u32 v41, v13  }
0x411: {  	v41 =	vxor.u32 v41, v13;
	v43 =	vxor.u32 v1, v8;
	v61 =	vand.u32 v1, v8  }
0x412: {  	[tilespmem:$0x1FF60] =	vst v62;
	v62 =	vshrl.u32 v41, $0x1;
	v41 =	vmul.f32 v14, v12;
	v43 =	vshrl.u32 v43, $0x1  }
0x413: {  	v59 =	vld.idx.msk [tilespmem:v60+s2+$0x0], $0xffff;
	v63 =	vadd.s32 $0x1, v56;
	vm2 =	vle.f32 v53, v35;
	v43 =	vadd.s32 v43, v61  }
0x414: {  	v9 =	vsub.s32 v9, v62;
	v61 =	vadd.f32 v38, v40;
	v40 =	vld.idx.msk [tilespmem:v57+s2+$0x0], $0xffff;
	vm1 =	vle.f32 v18, v41  }
0x415: {  	v11 =	vsel vm2, v63, v11;
	v52 =	vsel vm2, v52, v56;
	v53 =	vsel vm1, $0x600, v4  }
0x416: {  	vm3 =	vle.f32 v49, v31;
	[tilespmem:$0x1FF70] =	vst v14;
	v38 =	vadd.s32 v11, v52  }
0x417: {  	v46 =	vsel vm3, v46, v42;
	v14 =	vadd.s32 $0x1, v60;
	v49 =	vshrl.u32 v38, $0x1;
	[tilespmem:$0x1FF90] =	vst v61;
	v61 =	vld.idx.msk [tilespmem:v58+s2+$0x0], $0xffff  }
0x418: {  	vm2 =	vle.f32 v59, v27;
	v63 =	vadd.s32 $0x1, v57;
	v56 =	vadd.s32 $0x1, v58;
	v31 =	vld.idx.msk [tilespmem:v43+s2+$0x0], $0xffff  }
0x419: {  	v48 =	vsel vm2, v14, v48;
	v47 =	vsel vm2, v47, v60;
	v59 =	vld.idx.msk [tilespmem:v9+s2+$0x0], $0xffff;
	vm2 =	vle.f32 v40, v33  }
0x41a: {  	v60 =	vor.u32 $0x1, v9;
	v14 =	vadd.s32 v48, v47;
	v55 =	vsel vm2, v55, v57;
	v57 =	vld.idx.msk [tilespmem:v53+s2+$0x0], $0xffff  }
0x41b: {  	v42 =	vsel vm1, $0x800, v2;
	v54 =	vsel vm2, v63, v54;
	v63 =	vshrl.u32 v14, $0x1  }
0x41c: {  	v40 =	vld.idx.msk [tilespmem:v49+s2+$0x0], $0xffff;
	v14 =	vadd.s32 $0x1, v43;
	v38 =	vadd.s32 v54, v55;
	vm2 =	vle.f32 v61, v23  }
0x41d: {  	v62 =	vshrl.u32 v38, $0x1;
	v38 =	vor.u32 $0x1, v53;
	vm3 =	vle.f32 v31, v39  }
0x41e: {  	v31 =	vsel vm1, $0x401, v3;
	v14 =	vsel vm3, v14, v1;
	v8 =	vsel vm3, v8, v43  }
0x41f: {  	vm3 =	vle.f32 v59, v36;
	v43 =	vsel vm2, v56, v51;
	vm1 =	vle.f32 v57, v41;
	v1 =	vld [tilespmem:s30+$0xFFFFFFF0]  }
0x420: {  	v13 =	vsel vm3, v60, v13;
	v51 =	vsel vm1, v38, v31;
	v53 =	vsel vm1, v42, v53  }
0x421: {  	vm1 =	vle.f32 v40, v35;
	v38 =	vadd.s32 v14, v8;
	v42 =	vadd.s32 $0xFFFFFFFF, v53  }
0x422: {  	v60 =	vadd.s32 $0x1, v49;
	v56 =	vld.idx.msk [tilespmem:v62+s2+$0x0], $0xffff;
	v59 =	vshrl.u32 v38, $0x1;
	v31 =	vxor.u32 v42, v51  }
0x423: {  	v40 =	vld [tilespmem:s31+$0xFFFFFFF0];
	v38 =	vsel vm1, v60, v11;
	v42 =	vor.u32 v42, v51;
	v60 =	vshrl.u32 v31, $0x1  }
0x424: {  	v49 =	vsel vm1, v52, v49;
	[tilespmem:$0x1FF80] =	vst v1;
	v52 =	vsub.s32 v42, v60;
	v42 =	vmul.f32 v1, v12;
	v1 =	vld [tilespmem:$0x1FF60];
	_ =	sdelay $0x1  }
0x425: {  	v61 =	vadd.s32 $0x1, v63;
	v49 =	vadd.s32 v38, v49  }
0x426: {  	v31 =	vsel vm2, v50, v58;
	v50 =	vld.idx.msk [tilespmem:v63+s2+$0x0], $0xffff;
	vm1 =	vle.f32 v56, v33;
	v56 =	vadd.s32 $0x1, v62  }
0x427: {  	v49 =	vshrl.u32 v49, $0x1;
	v12 =	vmul.f32 v40, v12;
	v54 =	vsel vm1, v56, v54  }
0x428: {  	v56 =	vadd.s32 v43, v31;
	v9 =	vsel vm3, v1, v9;
	vm3 =	vle.f32 v18, v42  }
0x429: {  	v58 =	vld.idx.msk [tilespmem:v59+s2+$0x0], $0xffff;
	v55 =	vsel vm1, v55, v62;
	v60 =	vsel vm3, $0x600, v4;
	v1 =	vxor.u32 v13, v9  }
0x42a: {  	vm2 =	vle.f32 v18, v12;
	v62 =	vld.idx.msk [tilespmem:v52+s2+$0x0], $0xffff;
	v57 =	vand.u32 v13, v9;
	v1 =	vshrl.u32 v1, $0x1  }
0x42b: {  	vm1 =	vle.f32 v50, v27;
	v1 =	vadd.s32 v1, v57;
	v57 =	vsel vm2, $0x600, v4  }
0x42c: {  	v56 =	vshrl.u32 v56, $0x1;
	v50 =	vld.idx.msk [tilespmem:v49+s2+$0x0], $0xffff;
	v48 =	vsel vm1, v61, v48  }
0x42d: {  	v47 =	vsel vm1, v47, v63;
	v18 =	vsel vm0, v34, v45;
	v34 =	vadd.s32 v54, v55  }
0x42e: {  	v63 =	vor.u32 $0x1, v52;
	vm1 =	vle.f32 v58, v39;
	v58 =	vadd.s32 $0x1, v59;
	v61 =	vld.idx.msk [tilespmem:v60+s2+$0x0], $0xffff  }
0x42f: {  	v14 =	vsel vm1, v58, v14;
	v11 =	vsel vm1, v8, v59;
	vm1 =	vle.f32 v62, v41  }
0x430: {  	v58 =	vadd.s32 v14, v11;
	v51 =	vsel vm1, v63, v51;
	v52 =	vsel vm1, v53, v52;
	v45 =	vld.idx.msk [tilespmem:v57+s2+$0x0], $0xffff  }
0x431: {  	vm1 =	vle.f32 v50, v35;
	v50 =	vshrl.u32 v58, $0x1;
	v59 =	vxor.u32 v51, v52  }
0x432: {  	v53 =	vsel vm3, $0x800, v2;
	v35 =	vand.u32 v51, v52;
	v59 =	vshrl.u32 v59, $0x1  }
0x433: {  	v58 =	vsel vm3, $0x401, v3;
	v59 =	vadd.s32 v59, v35;
	vm3 =	vle.f32 v61, v42  }
0x434: {  	v62 =	vld.idx.msk [tilespmem:v56+s2+$0x0], $0xffff;
	v63 =	vshrl.u32 v34, $0x1;
	v61 =	vor.u32 $0x1, v60;
	v53 =	vsel vm3, v53, v60  }
0x435: {  	v60 =	vld.idx.msk [tilespmem:v1+s2+$0x0], $0xffff;
	v58 =	vsel vm3, v61, v58;
	v61 =	vadd.s32 $0xFFFFFFFF, v53;
	vm3 =	vle.f32 v45, v12  }
0x436: {  	v34 =	vor.u32 v61, v58;
	v35 =	vxor.u32 v61, v58;
	v61 =	vsel vm2, $0x800, v2  }
0x437: {  	v45 =	vor.u32 $0x1, v57;
	v57 =	vsel vm3, v61, v57;
	v61 =	vsel vm2, $0x401, v3  }
0x438: {  	v16 =	vadd.f32 v37, v16;
	v8 =	vld.idx.msk [tilespmem:v59+s2+$0x0], $0xffff;
	v35 =	vshrl.u32 v35, $0x1;
	v61 =	vsel vm3, v45, v61  }
0x439: {  	v45 =	vadd.s32 $0xFFFFFFFF, v57;
	v35 =	vsub.s32 v34, v35;
	vm3 =	vle.f32 v62, v23  }
0x43a: {  	v62 =	vadd.s32 $0x1, v1;
	vm2 =	vle.f32 v60, v36;
	v34 =	vxor.u32 v45, v61  }
0x43b: {  	v60 =	vld.idx.msk [tilespmem:v50+s2+$0x0], $0xffff;
	v45 =	vor.u32 v45, v61;
	v34 =	vshrl.u32 v34, $0x1;
	v13 =	vsel vm2, v62, v13  }
0x43c: {  	v62 =	vsel vm2, v9, v1;
	v9 =	vadd.s32 $0x1, v49;
	v34 =	vsub.s32 v45, v34  }
0x43d: {  	v45 =	vadd.s32 $0x1, v56;
	v9 =	vsel vm1, v9, v38;
	vm2 =	vle.f32 v8, v41  }
0x43e: {  	v1 =	vsel vm3, v45, v43;
	v43 =	vadd.s32 v13, v62;
	v45 =	vsel vm3, v31, v56  }
0x43f: {  	v56 =	vmax.u32 v46, $0x1;
	v31 =	vld.idx.msk [tilespmem:v63+s2+$0x0], $0xffff;
	v52 =	vsel vm2, v52, v59;
	v43 =	vshrl.u32 v43, $0x1  }
0x440: {  	v38 =	vld.idx.msk [tilespmem:v35+s2+$0x0], $0xffff;
	v49 =	vsub.s32 v56, v5;
	vm1 =	vle.f32 v60, v39;
	v60 =	vadd.s32 $0x1, v50  }
0x441: {  	v56 =	vadd.s32 v48, v47;
	v45 =	vadd.s32 v1, v45;
	v14 =	vsel vm1, v60, v14  }
0x442: {  	v11 =	vsel vm1, v11, v50;
	v60 =	vadd.s32 $0x1, v59;
	vm1 =	veq.s32 v46, $0x0;
	v8 =	vld.idx.msk [tilespmem:v34+s2+$0x0], $0xffff  }
0x443: {  	v59 =	vor.u32 $0x1, v35;
	v46 =	vmin.u32 v46, $0x7FF;
	v50 =	vsel vm2, v60, v51  }
0x444: {  	v51 =	vshrl.u32 v56, $0x1;
	v60 =	vadd.s32 v14, v11;
	v44 =	vsub.s32 v44, v46  }
0x445: {  	vm3 =	vle.f32 v31, v33;
	v31 =	vshrl.u32 v60, $0x1;
	vm2 =	vle.f32 v38, v42;
	v56 =	vld.idx.msk [tilespmem:v43+s2+$0x0], $0xffff  }
0x446: {  	v60 =	vor.u32 $0x1, v34;
	v55 =	vsel vm3, v55, v63;
	v46 =	vld.idx.msk [tilespmem:v49+s2+$0x0], $0xffff;
	v38 =	vsel vm2, v59, v58  }
0x447: {  	v35 =	vsel vm2, v53, v35;
	vm2 =	vle.f32 v8, v12;
	v8 =	vadd.s32 $0x1, v63  }
0x448: {  	v63 =	vadd.s32 $0x1, v31;
	v53 =	vsel vm2, v60, v61;
	v61 =	vadd.s32 v50, v52  }
0x449: {  	v34 =	vsel vm2, v57, v34;
	v60 =	vxor.u32 v38, v35;
	v58 =	vshrl.u32 v61, $0x1  }
0x44a: {  	v59 =	vld.idx.msk [tilespmem:v51+s2+$0x0], $0xffff;
	v8 =	vsel vm3, v8, v54;
	v61 =	vand.u32 v38, v35;
	v57 =	vshrl.u32 v60, $0x1  }
0x44b: {  	vm2 =	vle.f32 v56, v36;
	v60 =	vxor.u32 v53, v34;
	v46 =	vmul.f32 v46, v10  }
0x44c: {  	v56 =	vld.idx.msk [tilespmem:v31+s2+$0x0], $0xffff;
	v54 =	vadd.s32 v57, v61;
	v57 =	vadd.s32 $0x1, v43;
	v60 =	vshrl.u32 v60, $0x1  }
0x44d: {  	v61 =	vadd.s32 v8, v55;
	v13 =	vsel vm2, v57, v13;
	v57 =	vand.u32 v53, v34  }
0x44e: {  	v43 =	vsel vm2, v62, v43;
	v61 =	vshrl.u32 v61, $0x1;
	v57 =	vadd.s32 v60, v57;
	v60 =	vld.idx.msk [tilespmem:v58+s2+$0x0], $0xffff  }
0x44f: {  	v46 =	vsel vm1, $0x0, v46;
	vm2 =	vle.f32 v59, v27;
	v59 =	vadd.s32 $0x1, v51  }
0x450: {  	v62 =	vadd.s32 v13, v43;
	v29 =	vmax.f32 v29, v46;
	v48 =	vsel vm2, v59, v48  }
0x451: {  	v47 =	vsel vm2, v47, v51;
	v51 =	vshrl.u32 v62, $0x1;
	vm2 =	vle.f32 v56, v39;
	v59 =	vld.idx.msk [tilespmem:v54+s2+$0x0], $0xffff  }
0x452: {  	v44 =	vcvt.s32.f32 v44;
	v19 =	vsub.f32 v19, v29;
	v14 =	vsel vm2, v63, v14  }
0x453: {  	v11 =	vsel vm2, v11, v31;
	v63 =	vadd.s32 $0x1, v58;
	v56 =	vld.idx.msk [tilespmem:v57+s2+$0x0], $0xffff;
	vm2 =	vle.f32 v60, v41  }
0x454: {  	v62 =	vadd.s32 v48, v47;
	v31 =	vsel vm2, v63, v50;
	v50 =	vsel vm2, v52, v58  }
0x455: {  	v49 =	vshrl.u32 v62, $0x1;
	v62 =	vadd.s32 $0x1, v57;
	v52 =	vld.idx.msk [tilespmem:v61+s2+$0x0], $0xffff;
	v58 =	vadd.s32 v31, v50  }
0x456: {  	v60 =	vadd.s32 $0x1, v54;
	vm2 =	vle.f32 v59, v42;
	v59 =	vld.idx.msk [tilespmem:v51+s2+$0x0], $0xffff;
	v58 =	vshrl.u32 v58, $0x1  }
0x457: {  	v38 =	vsel vm2, v60, v38;
	v60 =	vadd.s32 v14, v11;
	v35 =	vsel vm2, v35, v54  }
0x458: {  	v60 =	vshrl.u32 v60, $0x1;
	v54 =	vadd.s32 v38, v35;
	vm2 =	vle.f32 v56, v12  }
0x459: {  	v54 =	vshrl.u32 v54, $0x1;
	v53 =	vsel vm2, v62, v53;
	v34 =	vsel vm2, v34, v57  }
0x45a: {  	v19 =	vmul.f32 v44, v19;
	v56 =	vld.idx.msk [tilespmem:v49+s2+$0x0], $0xffff;
	v62 =	vadd.s32 $0x1, v51;
	v63 =	vadd.s32 v53, v34  }
0x45b: {  	vm1 =	vle.f32 v52, v33;
	vm2 =	vle.f32 v59, v36;
	v52 =	vshrl.u32 v63, $0x1;
	v59 =	vld.idx.msk [tilespmem:v58+s2+$0x0], $0xffff  }
0x45c: {  	v63 =	vadd.s32 $0x1, v61;
	v13 =	vsel vm2, v62, v13;
	v43 =	vsel vm2, v43, v51  }
0x45d: {  	v8 =	vsel vm1, v63, v8;
	v51 =	vsel vm1, v55, v61;
	v61 =	vadd.s32 v13, v43;
	v57 =	vld.idx.msk [tilespmem:v60+s2+$0x0], $0xffff  }
0x45e: {  	v29 =	vadd.s32 $0x1, v49;
	v46 =	vadd.s32 v8, v51;
	v55 =	vshrl.u32 v61, $0x1;
	v61 =	vld.idx.msk [tilespmem:v54+s2+$0x0], $0xffff  }
0x45f: {  	v44 =	vmul.f32 v44, v19;
	vm1 =	vle.f32 v56, v27;
	v46 =	vshrl.u32 v46, $0x1  }
0x460: {  	v62 =	vadd.s32 $0x1, v58;
	v48 =	vsel vm1, v29, v48;
	vm2 =	vle.f32 v59, v41  }
0x461: {  	v47 =	vsel vm1, v47, v49;
	v63 =	vld.idx.msk [tilespmem:v52+s2+$0x0], $0xffff;
	v31 =	vsel vm2, v62, v31;
	v50 =	vsel vm2, v50, v58  }
0x462: {  	vm1 =	vle.f32 v57, v39;
	v57 =	vadd.s32 $0x1, v54;
	v56 =	vadd.s32 v31, v50  }
0x463: {  	v49 =	vld.idx.msk [tilespmem:v55+s2+$0x0], $0xffff;
	vm2 =	vle.f32 v61, v42;
	v58 =	vadd.s32 v48, v47;
	v56 =	vshrl.u32 v56, $0x1  }
0x464: {  	v38 =	vsel vm2, v57, v38;
	v35 =	vsel vm2, v35, v54;
	v54 =	vld.idx.msk [tilespmem:v46+s2+$0x0], $0xffff;
	v57 =	vshrl.u32 v58, $0x1  }
0x465: {  	v59 =	vadd.s32 $0x1, v46;
	v61 =	vadd.s32 $0x1, v52;
	v62 =	vadd.s32 v38, v35  }
0x466: {  	v11 =	vsel vm1, v11, v60;
	vm2 =	vle.f32 v63, v12;
	v58 =	vshrl.u32 v62, $0x1  }
0x467: {  	v63 =	vadd.s32 $0x1, v60;
	v53 =	vsel vm2, v61, v53;
	v34 =	vsel vm2, v34, v52  }
0x468: {  	v14 =	vsel vm1, v63, v14;
	v62 =	vadd.s32 $0x1, v55;
	v61 =	vadd.s32 v53, v34;
	v29 =	vld.idx.msk [tilespmem:v56+s2+$0x0], $0xffff  }
0x469: {  	v63 =	vadd.s32 v14, v11;
	vm2 =	vle.f32 v49, v36;
	vm1 =	vle.f32 v54, v33;
	v54 =	vld.idx.msk [tilespmem:v57+s2+$0x0], $0xffff  }
0x46a: {  	v49 =	vshrl.u32 v61, $0x1;
	v52 =	vshrl.u32 v63, $0x1;
	v61 =	vadd.s32 $0x1, v56  }
0x46b: {  	v13 =	vsel vm2, v62, v13;
	v43 =	vsel vm2, v43, v55;
	v62 =	vadd.s32 $0x1, v57;
	v55 =	vld.idx.msk [tilespmem:v58+s2+$0x0], $0xffff  }
0x46c: {  	v8 =	vsel vm1, v59, v8;
	v46 =	vsel vm1, v51, v46;
	v60 =	vadd.s32 v13, v43  }
0x46d: {  	v51 =	vshrl.u32 v60, $0x1;
	vm1 =	vle.f32 v29, v41;
	v29 =	vshrl.u32 v45, $0x1  }
0x46e: {  	v31 =	vsel vm1, v61, v31;
	v45 =	vsel vm1, v50, v56;
	vm1 =	vle.f32 v54, v27  }
0x46f: {  	v50 =	vld.idx.msk [tilespmem:v49+s2+$0x0], $0xffff;
	v61 =	vadd.s32 $0x1, v58;
	v63 =	vadd.s32 v31, v45;
	v48 =	vsel vm1, v62, v48  }
0x470: {  	v56 =	vld.idx.msk [tilespmem:v52+s2+$0x0], $0xffff;
	v47 =	vsel vm1, v47, v57;
	vm1 =	vle.f32 v55, v42;
	v54 =	vshrl.u32 v63, $0x1  }
0x471: {  	v60 =	vadd.s32 v8, v46;
	v38 =	vsel vm1, v61, v38;
	v35 =	vsel vm1, v35, v58  }
0x472: {  	v16 =	vadd.f32 v44, v16;
	v57 =	vshrl.u32 v60, $0x1;
	v55 =	vld.idx.msk [tilespmem:v51+s2+$0x0], $0xffff;
	v58 =	vadd.s32 v38, v35  }
0x473: {  	v44 =	vperm.xlane v32, v6;
	v62 =	vadd.s32 $0x1, v49;
	v58 =	vshrl.u32 v58, $0x1  }
0x474: {  	v63 =	vadd.s32 $0x1, v52;
	v61 =	vadd.s32 $0x1, v51;
	vm1 =	vle.f32 v50, v12  }
0x475: {  	v50 =	vsel vm1, v62, v53;
	v34 =	vsel vm1, v34, v49;
	vm1 =	vle.f32 v56, v39;
	v53 =	vld.idx.msk [tilespmem:v54+s2+$0x0], $0xffff  }
0x476: {  	v60 =	vadd.s32 v50, v34;
	v14 =	vsel vm1, v63, v14;
	v11 =	vsel vm1, v11, v52  }
0x477: {  	v52 =	vld.idx.msk [tilespmem:v57+s2+$0x0], $0xffff;
	vm1 =	vle.f32 v55, v36;
	v63 =	vadd.s32 v48, v47;
	v49 =	vshrl.u32 v60, $0x1  }
0x478: {  	v62 =	vadd.s32 v14, v11;
	v13 =	vsel vm1, v61, v13;
	v43 =	vsel vm1, v43, v51;
	v56 =	vld.idx.msk [tilespmem:v58+s2+$0x0], $0xffff  }
0x479: {  	v61 =	vadd.s32 $0x1, v54;
	v37 =	vshrl.u32 v63, $0x1;
	v51 =	vshrl.u32 v62, $0x1  }
0x47a: {  	v60 =	vadd.s32 v13, v43;
	v62 =	vadd.s32 $0x1, v57;
	vm1 =	vle.f32 v53, v41  }
0x47b: {  	v55 =	vshrl.u32 v60, $0x1;
	v31 =	vsel vm1, v61, v31;
	v45 =	vsel vm1, v45, v54  }
0x47c: {  	v60 =	vadd.s32 $0x1, v58;
	v53 =	vld.idx.msk [tilespmem:v49+s2+$0x0], $0xffff;
	vm1 =	vle.f32 v52, v33;
	v54 =	vadd.s32 v31, v45  }
0x47d: {  	v8 =	vsel vm1, v62, v8;
	v46 =	vsel vm1, v46, v57;
	vm1 =	vle.f32 v56, v42  }
0x47e: {  	v63 =	vld.idx.msk [tilespmem:v51+s2+$0x0], $0xffff;
	v62 =	vadd.s32 $0x1, v49;
	v38 =	vsel vm1, v60, v38;
	v35 =	vsel vm1, v35, v58  }
0x47f: {  	v54 =	vshrl.u32 v54, $0x1;
	v46 =	vadd.s32 v8, v46;
	v57 =	vadd.s32 v38, v35  }
0x480: {  	v61 =	vld.idx.msk [tilespmem:v55+s2+$0x0], $0xffff;
	v60 =	vadd.s32 $0x1, v55;
	v46 =	vshrl.u32 v46, $0x1;
	v57 =	vshrl.u32 v57, $0x1  }
0x481: {  	v59 =	vadd.s32 $0x1, v54;
	vm1 =	vle.f32 v53, v12;
	v56 =	vadd.s32 $0x1, v57  }
0x482: {  	v53 =	vld.idx.msk [tilespmem:v29+s2+$0x0], $0xffff;
	v29 =	vadd.s32 $0x1, v29;
	v50 =	vsel vm1, v62, v50;
	v34 =	vsel vm1, v34, v49  }
0x483: {  	vm1 =	vle.f32 v63, v39;
	v63 =	vadd.s32 $0x1, v51;
	v49 =	vld.idx.msk [tilespmem:v37+s2+$0x0], $0xffff;
	v62 =	vmax.u32 v9, $0x1  }
0x484: {  	v52 =	vld.idx.msk [tilespmem:v54+s2+$0x0], $0xffff;
	v58 =	vadd.s32 v50, v34;
	v14 =	vsel vm1, v63, v14;
	v62 =	vsub.s32 v62, v5  }
0x485: {  	v11 =	vsel vm1, v11, v51;
	vm1 =	vle.f32 v61, v36;
	v51 =	vshrl.u32 v58, $0x1  }
0x486: {  	v61 =	vadd.s32 v14, v11;
	v13 =	vsel vm1, v60, v13;
	v43 =	vsel vm1, v43, v55  }
0x487: {  	v58 =	vld.idx.msk [tilespmem:v46+s2+$0x0], $0xffff;
	v60 =	vadd.s32 $0x1, v37;
	v55 =	vshrl.u32 v61, $0x1;
	v63 =	vadd.s32 v13, v43  }
0x488: {  	vm2 =	vle.f32 v53, v23;
	v53 =	vld.idx.msk [tilespmem:v57+s2+$0x0], $0xffff;
	v23 =	vshrl.u32 v63, $0x1;
	vm3 =	vle.f32 v49, v27  }
0x489: {  	vm1 =	vle.f32 v52, v41;
	v48 =	vsel vm3, v60, v48;
	v37 =	vsel vm3, v47, v37;
	v49 =	vld.idx.msk [tilespmem:v62+s2+$0x0], $0xffff  }
0x48a: {  	v31 =	vsel vm1, v59, v31;
	v61 =	vld.idx.msk [tilespmem:v51+s2+$0x0], $0xffff;
	v45 =	vsel vm1, v45, v54;
	v37 =	vadd.s32 v48, v37  }
0x48b: {  	v46 =	vadd.s32 $0x1, v46;
	v54 =	vadd.s32 v31, v45;
	v37 =	vshrl.u32 v37, $0x1  }
0x48c: {  	v1 =	vsel vm2, v29, v1;
	vm1 =	vle.f32 v58, v33;
	v63 =	vld.idx.msk [tilespmem:v55+s2+$0x0], $0xffff;
	v47 =	vshrl.u32 v54, $0x1  }
0x48d: {  	v59 =	vadd.s32 $0x1, v51;
	v8 =	vsel vm1, v46, v8;
	vm3 =	vle.f32 v53, v42  }
0x48e: {  	v58 =	vld.idx.msk [tilespmem:v23+s2+$0x0], $0xffff;
	v38 =	vsel vm3, v56, v38;
	v35 =	vsel vm3, v35, v57;
	v57 =	vadd.s32 $0x1, v23  }
0x48f: {  	v60 =	vadd.s32 v38, v35;
	v49 =	vmul.f32 v49, v10;
	vm3 =	vle.f32 v61, v12  }
0x490: {  	v61 =	vadd.s32 $0x1, v55;
	v34 =	vsel vm3, v34, v51;
	v51 =	vshrl.u32 v60, $0x1;
	v60 =	vld.idx.msk [tilespmem:v37+s2+$0x0], $0xffff  }
0x491: {  	v50 =	vsel vm3, v59, v50;
	vm3 =	vle.f32 v63, v39;
	v59 =	vperm.xlane v20, v6;
	v62 =	vld.idx.msk [tilespmem:v47+s2+$0x0], $0xffff  }
0x492: {  	v37 =	vadd.s32 $0x1, v37;
	v11 =	vsel vm3, v11, v55;
	v63 =	vadd.s32 v50, v34;
	v55 =	vld [tilespmem:$0x1FF70]  }
0x493: {  	v14 =	vsel vm3, v61, v14;
	vm3 =	vle.f32 v58, v36;
	v52 =	vshrl.u32 v63, $0x1  }
0x494: {  	v13 =	vsel vm3, v57, v13;
	v23 =	vsel vm3, v43, v23;
	v11 =	vadd.s32 v14, v11  }
0x495: {  	vm3 =	veq.s32 v9, $0x0;
	v9 =	vmin.u32 v9, $0x7FF;
	v11 =	vshrl.u32 v11, $0x1  }
0x496: {  	v49 =	vsel vm3, $0x0, v49;
	v63 =	vadd.s32 v13, v23;
	v61 =	vld.idx.msk [tilespmem:v51+s2+$0x0], $0xffff;
	vm2 =	vle.f32 v60, v27  }
0x497: {  	v58 =	vperm.xlane v55, v0;
	vm3 =	vle.f32 v62, v41;
	v62 =	vadd.s32 $0x1, v47  }
0x498: {  	v60 =	vadd.s32 $0x1, v52;
	v31 =	vsel vm3, v62, v31;
	v45 =	vsel vm3, v45, v47  }
0x499: {  	v56 =	vld.idx.msk [tilespmem:v52+s2+$0x0], $0xffff;
	v47 =	vshrl.u32 v63, $0x1;
	v63 =	vmax.u32 v1, $0x1;
	v53 =	vsel vm0, v58, v59  }
0x49a: {  	v57 =	vadd.s32 v31, v45;
	v58 =	vld.idx.msk [tilespmem:v11+s2+$0x0], $0xffff;
	v59 =	vadd.s32 $0x1, v51;
	v11 =	vadd.s32 $0x1, v11  }
0x49b: {  	s0 =	sadd.s32 $0x10, s24;
	v49 =	vmax.f32 v53, v49;
	v27 =	vshrl.u32 v57, $0x1;
	vm3 =	vle.f32 v61, v42  }
0x49c: {  	v61 =	vor.u32 s0, v7;
	v38 =	vsel vm3, v59, v38;
	v35 =	vsel vm3, v35, v51  }
0x49d: {  	v53 =	vor.u32 s28, v7;
	v9 =	vsub.s32 v61, v9;
	v43 =	vadd.s32 v38, v35  }
0x49e: {  	vm3 =	vle.f32 v56, v12;
	v62 =	vld.idx.msk [tilespmem:v47+s2+$0x0], $0xffff;
	v9 =	vcvt.s32.f32 v9;
	v43 =	vshrl.u32 v43, $0x1  }
0x49f: {  	v50 =	vsel vm3, v60, v50;
	v34 =	vsel vm3, v34, v52;
	v52 =	vsub.s32 v63, v5  }
0x4a0: {  	vm3 =	vle.f32 v58, v39;
	v58 =	vsub.f32 v20, v49;
	v39 =	vld [tilespmem:$0x1FF80];
	v57 =	vadd.s32 v50, v34  }
0x4a1: {  	v59 =	vadd.s32 $0x1, v47;
	v51 =	vadd.s32 $0x1, v27;
	v56 =	vld.idx.msk [tilespmem:v27+s2+$0x0], $0xffff;
	v33 =	vshrl.u32 v57, $0x1  }
0x4a2: {  	v54 =	vadd.s32 $0x1, v43;
	v11 =	vsel vm3, v11, v14;
	v61 =	vmul.f32 v9, v58  }
0x4a3: {  	vm3 =	veq.s32 v8, $0x0;
	v57 =	vadd.s32 $0x1, v33;
	vm1 =	vle.f32 v62, v36;
	v60 =	vld.idx.msk [tilespmem:v43+s2+$0x0], $0xffff  }
0x4a4: {  	v19 =	vmul.f32 v9, v61;
	v61 =	vsel vm2, v37, v48;
	v13 =	vsel vm1, v59, v13  }
0x4a5: {  	v62 =	vsel vm1, v23, v47;
	v63 =	vld.idx.msk [tilespmem:v52+s2+$0x0], $0xffff;
	v46 =	vperm.xlane v39, v0;
	v47 =	vperm.xlane v25, v6  }
0x4a6: {  	vm1 =	vle.f32 v56, v41;
	v9 =	vadd.s32 v13, v62;
	v56 =	vmax.u32 v8, $0x1;
	v52 =	vld.idx.msk [tilespmem:v33+s2+$0x0], $0xffff  }
0x4a7: {  	v62 =	vmax.u32 v61, $0x1;
	v8 =	vmin.u32 v8, $0x7FF;
	v20 =	vsel vm1, v51, v31  }
0x4a8: {  	v27 =	vsel vm1, v45, v27;
	v9 =	vshrl.u32 v9, $0x1;
	vm1 =	vle.f32 v60, v42  }
0x4a9: {  	v45 =	vsub.s32 v56, v5;
	v38 =	vsel vm1, v54, v38;
	v35 =	vsel vm1, v35, v43  }
0x4aa: {  	v31 =	vsel vm0, v46, v47;
	v56 =	vor.u32 s26, v7;
	v43 =	vadd.s32 v38, v35  }
0x4ab: {  	v27 =	vadd.s32 v20, v27;
	vm1 =	vle.f32 v52, v12;
	v43 =	vshrl.u32 v43, $0x1  }
0x4ac: {  	v60 =	vperm.xlane v55, v6;
	v29 =	vsel vm1, v57, v50;
	v33 =	vsel vm1, v34, v33  }
0x4ad: {  	v27 =	vshrl.u32 v27, $0x1;
	v23 =	vmul.f32 v63, v10;
	v34 =	vadd.s32 v29, v33  }
0x4ae: {  	v54 =	vmax.u32 v11, $0x1;
	v45 =	vld.idx.msk [tilespmem:v45+s2+$0x0], $0xffff;
	v15 =	vsel vm0, v15, v60;
	v34 =	vshrl.u32 v34, $0x1  }
0x4af: {  	v58 =	vld.idx.msk [tilespmem:v9+s2+$0x0], $0xffff;
	v9 =	vadd.s32 $0x1, v9;
	vm1 =	veq.s32 v1, $0x0;
	v1 =	vmin.u32 v1, $0x7FF  }
0x4b0: {  	v57 =	vperm.xlane v39, v6;
	v1 =	vsub.s32 v53, v1;
	v23 =	vsel vm1, $0x0, v23;
	v63 =	vld.idx.msk [tilespmem:v43+s2+$0x0], $0xffff  }
0x4b1: {  	v51 =	vadd.s32 $0x1, v43;
	v23 =	vmax.f32 v24, v23;
	v1 =	vcvt.s32.f32 v1  }
0x4b2: {  	v59 =	vld.idx.msk [tilespmem:v27+s2+$0x0], $0xffff;
	v24 =	vsub.s32 v62, v5;
	v21 =	vsel vm0, v21, v57;
	v17 =	vsub.f32 v17, v23  }
0x4b3: {  	v62 =	vadd.s32 $0x1, v27;
	v53 =	vadd.s32 $0x1, v34;
	v49 =	vmul.f32 v45, v10;
	v48 =	vld.idx.msk [tilespmem:v34+s2+$0x0], $0xffff  }
0x4b4: {  	v23 =	vmin.u32 v61, $0x7FF;
	vm2 =	vle.f32 v58, v36;
	v17 =	vmul.f32 v1, v17  }
0x4b5: {  	v36 =	vsub.s32 v54, v5;
	v50 =	vsel vm3, $0x0, v49;
	vm3 =	vle.f32 v63, v42  }
0x4b6: {  	v1 =	vmul.f32 v1, v17;
	v17 =	vsel vm3, v51, v38;
	v52 =	vsel vm3, v35, v43  }
0x4b7: {  	v9 =	vsel vm2, v9, v13;
	v14 =	vmax.f32 v31, v50;
	v31 =	vadd.s32 v17, v52  }
0x4b8: {  	vm1 =	vle.f32 v59, v41;
	vm3 =	vle.f32 v48, v12;
	v31 =	vshrl.u32 v31, $0x1  }
0x4b9: {  	v59 =	vmax.u32 v9, $0x1;
	v24 =	vld.idx.msk [tilespmem:v24+s2+$0x0], $0xffff;
	v29 =	vsel vm3, v53, v29;
	v33 =	vsel vm3, v33, v34  }
0x4ba: {  	v23 =	vsub.s32 v56, v23;
	v58 =	vadd.s32 v29, v33;
	v33 =	vsub.s32 v59, v5  }
0x4bb: {  	v57 =	vor.u32 s24, v7;
	v23 =	vcvt.s32.f32 v23;
	v13 =	vshrl.u32 v58, $0x1  }
0x4bc: {  	vm2 =	veq.s32 v11, $0x0;
	v11 =	vmin.u32 v11, $0x7FF;
	v49 =	vor.u32 s25, v7;
	v36 =	vld.idx.msk [tilespmem:v36+s2+$0x0], $0xffff  }
0x4bd: {  	v20 =	vsel vm1, v62, v20;
	v14 =	vsub.f32 v25, v14;
	v38 =	vperm.xlane v40, v0;
	v60 =	vld.idx.msk [tilespmem:v31+s2+$0x0], $0xffff  }
0x4be: {  	s29 =	sadd.s32 $0x10, s23;
	s30 =	sadd.s32 $0x10, s22;
	v1 =	vadd.f32 v1, v16;
	v51 =	vperm.xlane v40, v6;
	v24 =	vmul.f32 v24, v10  }
0x4bf: {  	vm3 =	veq.s32 v61, $0x0;
	v61 =	vor.u32 s29, v7;
	v53 =	vor.u32 s30, v7;
	v41 =	vld.idx.msk [tilespmem:v33+s2+$0x0], $0xffff  }
0x4c0: {  	v54 =	vsel vm0, v26, v51;
	v24 =	vsel vm3, $0x0, v24;
	v8 =	vsub.s32 v61, v8;
	v37 =	vld.idx.msk [tilespmem:v13+s2+$0x0], $0xffff  }
0x4c1: {  	v43 =	vmul.f32 v36, v10;
	v45 =	vadd.s32 $0x1, v31;
	v11 =	vsub.s32 v53, v11  }
0x4c2: {  	v24 =	vmax.f32 v28, v24;
	vm1 =	vle.f32 v60, v42;
	v42 =	vmax.u32 v20, $0x1  }
0x4c3: {  	v22 =	vsub.f32 v22, v24;
	v27 =	vsub.s32 v42, v5;
	v17 =	vsel vm1, v45, v17  }
0x4c4: {  	v46 =	vsel vm2, $0x0, v43;
	v13 =	vadd.s32 $0x1, v13;
	v47 =	vmax.u32 v17, $0x1  }
0x4c5: {  	v48 =	vmul.f32 v41, v10;
	vm1 =	vle.f32 v37, v12;
	v12 =	vsub.s32 v47, v5  }
0x4c6: {  	vm2 =	veq.s32 v9, $0x0;
	v9 =	vmin.u32 v9, $0x7FF;
	v13 =	vsel vm1, v13, v29  }
0x4c7: {  	v63 =	vmul.f32 v23, v22;
	v22 =	vsel vm2, $0x0, v48;
	v52 =	vmax.u32 v13, $0x1  }
0x4c8: {  	v9 =	vsub.s32 v49, v9;
	v18 =	vmax.f32 v18, v22;
	v22 =	vsub.s32 v52, v5;
	v50 =	vld.idx.msk [tilespmem:v27+s2+$0x0], $0xffff  }
0x4c9: {  	v8 =	vcvt.s32.f32 v8;
	v9 =	vcvt.s32.f32 v9;
	v18 =	vsub.f32 v30, v18  }
0x4ca: {  	v61 =	vor.u32 s22, v7;
	v11 =	vcvt.s32.f32 v11;
	v16 =	vmul.f32 v23, v63;
	v12 =	vld.idx.msk [tilespmem:v12+s2+$0x0], $0xffff  }
0x4cb: {  	v24 =	vsel vm0, v38, v44;
	v14 =	vmul.f32 v8, v14;
	v56 =	vmul.f32 v9, v18  }
0x4cc: {  	v1 =	vadd.f32 v16, v1;
	vm1 =	veq.s32 v20, $0x0;
	v20 =	vmin.u32 v20, $0x7FF  }
0x4cd: {  	v58 =	vsub.s32 v57, v20;
	v9 =	vmul.f32 v9, v56;
	v59 =	vld.idx.msk [tilespmem:v22+s2+$0x0], $0xffff;
	v25 =	vmul.f32 v50, v10  }
0x4ce: {  	v23 =	vmax.f32 v24, v46;
	v60 =	vor.u32 s23, v7;
	v16 =	vcvt.s32.f32 v58  }
0x4cf: {  	v1 =	vadd.f32 v9, v1;
	v25 =	vsel vm1, $0x0, v25;
	v12 =	vmul.f32 v12, v10  }
0x4d0: {  	vm1 =	veq.s32 v17, $0x0;
	v17 =	vmin.u32 v17, $0x7FF;
	v15 =	vmax.f32 v15, v25  }
0x4d1: {  	v9 =	vsub.s32 v60, v17;
	v15 =	vsub.f32 v55, v15;
	v12 =	vsel vm1, $0x0, v12  }
0x4d2: {  	v62 =	vld [tilespmem:$0x1FF90];
	v10 =	vmul.f32 v59, v10;
	vm1 =	veq.s32 v13, $0x0;
	v13 =	vmin.u32 v13, $0x7FF  }
0x4d3: {  	v9 =	vcvt.s32.f32 v9;
	v12 =	vmax.f32 v21, v12;
	v13 =	vsub.s32 v61, v13  }
0x4d4: {  	v15 =	vmul.f32 v16, v15;
	v12 =	vsub.f32 v39, v12;
	v10 =	vsel vm1, $0x0, v10  }
0x4d5: {  	v23 =	vsub.f32 v32, v23;
	v13 =	vcvt.s32.f32 v13;
	v10 =	vmax.f32 v54, v10  }
0x4d6: {  	v15 =	vmul.f32 v16, v15;
	v12 =	vmul.f32 v9, v12;
	v10 =	vsub.f32 v40, v10  }
0x4d7: {  	v8 =	vmul.f32 v8, v14;
	v63 =	vmul.f32 v11, v23;
	v16 =	vadd.f32 v19, v62  }
0x4d8: {  	v9 =	vmul.f32 v9, v12;
	v1 =	vadd.f32 v15, v1;
	v10 =	vmul.f32 v13, v10  }
0x4d9: {  	v11 =	vmul.f32 v11, v63  }
0x4da: {  	v8 =	vadd.f32 v8, v16;
	v1 =	vadd.f32 v9, v1;
	v9 =	vmul.f32 v13, v10  }
0x4db: {  	v10 =	vld [tilespmem:$0x1FFC0]  }
0x4dc: {  	v8 =	vadd.f32 v11, v8;
	v1 =	vadd.f32 v9, v1;
	v9 =	vld [tilespmem:$0x1FFB0];
	_ =	sdelay $0x1  }
0x4dd: {  	v1 =	vadd.f32 v8, v1;
	v8 =	vld [tilespmem:$0x1FFD0];
	_ =	sdelay $0x2  }
0x4de: {  	v9 =	vadd.f32 v9, v10;
	_ =	sdelay $0x1  }
0x4df: {  	v8 =	vmul.f32 v9, v8;
	v9 =	vld [tilespmem:$0x1FFE0];
	_ =	sdelay $0x4  }
0x4e0: {  	v1 =	vmul.f32 v1, v9;
	_ =	sdelay $0x1  }
0x4e1: {  	v1 =	vadd.f32 v1, v8;
	_ =	sdelay $0x1  }
0x4e2: {  	(xrf2) =	vadd.scan.msk.f32 $0xffff, v1;
	_ =	sdelay $0x9  }
0x4e3: {  	v1, _, _ =	vpop (xrf2)  }
0x4e4: {  	(v2sf) =	vpush v1, $0xF;
	_ =	sdelay $0x6  }
0x4e5: {  	p0 =	seq.s32 s19, $0x3  }
0x4e6: {  	s0 =	sadd.s32 @!p0 s21, s8  }
0x4e7: {  	s0 =	sshll.u32 @!p0 s0, $0x8  }
0x4e8: {  	s0 =	sand.u32 @!p0 $0x1FFFFE00, s0  }
0x4e9: {  	s1 =	sadd.s32 @!p0 s3, s0;
	s22 =	simm.s32 @!p0 $0x0  }
0x4ea: {  	[tilespmem:s22], [sflag:$0x1] =	stream.linear.gather @!p0 [hbm4b:s1+s22], $0x800, $0x38;
	[tilespmem:$0x2280] =	vst v63  }
0x4eb: {  	s0 =	sadd.s32 @!p0 s4, s0;
	s23 =	simm.s32 @!p0 $0x880  }
0x4ec: {  	[tilespmem:s23], [sflag:$0x1] =	stream.linear.gather @!p0 [hbm4b:s0+s22], $0x800, $0x38;
	[tilespmem:$0x2280] =	vst v63  }
0x4ed: {  	s31 =	spop (v2sf)  }
0x4ee: {  	_ =	swait.ge [sflag:s15], $0x800  }
0x4ef: {  	[sflag:s15] =	ssyncset.done $0x0  }
0x4f0: {  	[sflag:s15] =	ssyncadd.s32 $0xFFFFF800  }
0x4f1: {  	_ =	swait.ge [sflag:s15], $0x800  }
0x4f2: {  	[sflag:s15] =	ssyncset.done $0x0  }
0x4f3: {  	s0 =	simm.s32 $0x0;
	[sflag:s15] =	ssyncadd.s32 $0xFFFFF800  }
0x4f4: {  	v1 =	vld [tilespmem:s0+$0x1100];
	_ =	sdelay $0x3  }
0x4f5: {  	v10 =	vld [tilespmem:s0+$0x1110]  }
0x4f6: {  	(xrf2) =	vadd.scan.msk.f32 $0xffff, v1;
	_ =	sdelay $0x2  }
0x4f7: {  	v1 =	vld [tilespmem:$0x1FFF0]  }
0x4f8: {  	(xrf2) =	vadd.scan.msk.f32 $0xffff, v10;
	_ =	sdelay $0x1  }
0x4f9: {  	v8 =	vmov s21;
	s1 =	smul.f32 $9.999999970e-07, s31  }
0x4fa: {  	vm1 =	veq.s32 v8, v7  }
0x4fb: {  	s24 =	simm.s32 $0x80;
	v1 =	vsel vm1, s1, v1  }
0x4fc: {  	s23 =	simm.s32 $0x100;
	s22 =	simm.s32 $0x0;
	v9 =	vimm.f32 $0.0e+00;
	s21 =	simm.s32 $0x80;
	v10 =	vimm.f32 $0.0e+00;
	[tilespmem:$0x1FFA0] =	vst v1  }
.LBB2_11:
0x4fd: {  	p0 =	sne.s32 s23, $0x1F80;
	v1, _, _ =	vpop (xrf2)  }
0x4fe: {  	v1 =	vadd.f32 v1, v10;
	_ =	sdelay $0x1  }
0x4ff: {  	s1 =	sshra.s32 s24, $0x2;
	s24 =	smov.u32 s23;
	v10 =	vperm.xlane v1, v0;
	[tilespmem:s22+$0x1100] =	vst v1  }
0x500: {  	v1 =	vld [tilespmem:s1+$0x1100];
	v11, _, _ =	vpop (xrf2)  }
0x501: {  	v10 =	vadd.f32 v11, v10;
	_ =	sdelay $0x1  }
0x502: {  	[tilespmem:s22+$0x1110] =	vst v10;
	v10 =	vperm.xlane v10, v0;
	s22 =	smov.u32 s1  }
0x503: {  	v11 =	vld [tilespmem:s22+$0x1110]  }
0x504: {  	(xrf2) =	vadd.scan.msk.f32 $0xffff, v1;
	_ =	sdelay $0x3  }
0x505: {  	(xrf2) =	vadd.scan.msk.f32 $0xffff, v11  }
.Ltmp4:
0x506: {  	(pc) =	sbr.rel @p0 .LBB2_11-.Ltmp4, $2  }
0x507: {  	_ =	sdelay $0x2  }
0x508: {  	s23 =	sadd.s32 $0x80, s23  }
0x509: {  	v1, _, _ =	vpop (xrf2)  }
0x50a: {  	v1 =	vadd.f32 v1, v10;
	_ =	sdelay $0x1  }
0x50b: {  	s1 =	sshra.s32 s24, $0x2;
	v10 =	vperm.xlane v1, v0;
	[tilespmem:s22+$0x1100] =	vst v1  }
0x50c: {  	v1 =	vld [tilespmem:s1+$0x1100];
	v11, _, _ =	vpop (xrf2)  }
0x50d: {  	v10 =	vadd.f32 v11, v10;
	_ =	sdelay $0x1  }
0x50e: {  	[tilespmem:s22+$0x1110] =	vst v10  }
0x50f: {  	v11 =	vld [tilespmem:s1+$0x1110]  }
0x510: {  	(xrf2) =	vadd.scan.msk.f32 $0xffff, v1;
	_ =	sdelay $0x3  }
0x511: {  	(xrf2) =	vadd.scan.msk.f32 $0xffff, v11;
	_ =	sdelay $0x4  }
0x512: {  	v1 =	vperm.xlane v10, v0  }
0x513: {  	v10, _, _ =	vpop (xrf2)  }
0x514: {  	v1 =	vadd.f32 v10, v1;
	_ =	sdelay $0x1  }
0x515: {  	v10 =	vperm.xlane v1, v0  }
0x516: {  	v11, _, _ =	vpop (xrf2)  }
0x517: {  	v10 =	vadd.f32 v11, v10  }
0x518: {  	[tilespmem:s1+$0x1100] =	vst v1  }
0x519: {  	[tilespmem:s1+$0x1110] =	vst v10  }
0x51a: {  	v1 =	vld [tilespmem:s0+$0x1980];
	_ =	sdelay $0x3  }
0x51b: {  	v11 =	vld [tilespmem:s0+$0x1990]  }
0x51c: {  	(xrf2) =	vadd.scan.msk.f32 $0xffff, v1;
	_ =	sdelay $0x3  }
0x51d: {  	(xrf2) =	vadd.scan.msk.f32 $0xffff, v11;
	_ =	sdelay $0x4  }
0x51e: {  	s22 =	simm.s32 $0x100;
	v12 =	vperm.xlane v10, v0  }
.LBB2_13:
0x51f: {  	p0 =	sne.s32 s22, $0x1F80;
	v1, _, _ =	vpop (xrf2)  }
0x520: {  	v1 =	vadd.f32 v1, v9;
	_ =	sdelay $0x1  }
0x521: {  	s1 =	sshra.s32 s21, $0x2;
	s21 =	smov.u32 s22;
	v9 =	vperm.xlane v1, v0;
	[tilespmem:s0+$0x1980] =	vst v1  }
0x522: {  	v1 =	vld [tilespmem:s1+$0x1980];
	v10, _, _ =	vpop (xrf2)  }
0x523: {  	v9 =	vadd.f32 v10, v9;
	_ =	sdelay $0x1  }
0x524: {  	[tilespmem:s0+$0x1990] =	vst v9;
	v9 =	vperm.xlane v9, v0;
	s0 =	smov.u32 s1  }
0x525: {  	v10 =	vld [tilespmem:s0+$0x1990]  }
0x526: {  	(xrf2) =	vadd.scan.msk.f32 $0xffff, v1;
	_ =	sdelay $0x3  }
0x527: {  	(xrf2) =	vadd.scan.msk.f32 $0xffff, v10  }
.Ltmp5:
0x528: {  	(pc) =	sbr.rel @p0 .LBB2_13-.Ltmp5, $2  }
0x529: {  	_ =	sdelay $0x2  }
0x52a: {  	s22 =	sadd.s32 $0x80, s22  }
0x52b: {  	v1, _, _ =	vpop (xrf2)  }
0x52c: {  	v1 =	vadd.f32 v1, v9;
	_ =	sdelay $0x1  }
0x52d: {  	s1 =	sshra.s32 s21, $0x2;
	v9 =	vperm.xlane v1, v0;
	[tilespmem:s0+$0x1980] =	vst v1  }
0x52e: {  	v1 =	vld [tilespmem:s1+$0x1980];
	v10, _, _ =	vpop (xrf2)  }
0x52f: {  	v9 =	vadd.f32 v10, v9;
	_ =	sdelay $0x1  }
0x530: {  	[tilespmem:s0+$0x1990] =	vst v9  }
0x531: {  	v10 =	vld [tilespmem:s1+$0x1990]  }
0x532: {  	(xrf2) =	vadd.scan.msk.f32 $0xffff, v1;
	_ =	sdelay $0x3  }
0x533: {  	(xrf2) =	vadd.scan.msk.f32 $0xffff, v10;
	_ =	sdelay $0x4  }
0x534: {  	v1 =	vperm.xlane v9, v0  }
0x535: {  	v9, _, _ =	vpop (xrf2)  }
0x536: {  	v1 =	vadd.f32 v9, v1;
	_ =	sdelay $0x1  }
0x537: {  	(erf) = vrcp.f32 v12;
	v9 =	vperm.xlane v1, v0  }
0x538: {  	v10, _, _ =	vpop (xrf2)  }
0x539: {  	v9 =	vadd.f32 v10, v9  }
0x53a: {  	[tilespmem:s1+$0x1980] =	vst v1  }
0x53b: {  	v1 =	vimm.f32 $+Inf;
	[tilespmem:s1+$0x1990] =	vst v9  }
0x53c: {  	[tilespmem:$0x1900] =	vst v1  }
0x53d: {  	s0 =	simm.s32 $0x1110;
	[tilespmem:$0x2180] =	vst v1  }
0x53e: {  	v23 =	vld [tilespmem:s0+$0x0]  }
0x53f: {  	v19 =	vperm.xlane v9, v0  }
0x540: {  	v8 =	vpop (erf);
	v1 =	vld.idx.msk [tilespmem:v2+s13+$0x0], $0xffff  }
0x541: {  	v10 =	vmul.f32 v19, v8;
	_ =	sdelay $0x1  }
0x542: {  	v11 =	vmul.f32 v23, v10;
	_ =	sdelay $0x1  }
0x543: {  	vm1 =	vlt.f32 v1, v11  }
0x544: {  	v1 =	vsel vm1, $0x600, v4;
	_ =	sdelay $0x4  }
0x545: {  	v13 =	vld.idx.msk [tilespmem:v1+s13+$0x0], $0xffff;
	_ =	sdelay $0x4  }
0x546: {  	v14 =	vsel vm1, $0x800, v2;
	vm2 =	vlt.f32 v13, v11  }
0x547: {  	v15 =	vor.u32 $0x1, v1;
	v13 =	vsel vm1, $0x401, v3;
	v1 =	vsel vm2, v14, v1  }
0x548: {  	s1 =	simm.s32 $0x1130;
	v13 =	vsel vm2, v15, v13;
	v14 =	vadd.s32 $0xFFFFFFFF, v1  }
0x549: {  	v18 =	vld [tilespmem:s1+$0x0];
	v15 =	vxor.u32 v14, v13  }
0x54a: {  	v14 =	vor.u32 v14, v13;
	v15 =	vshrl.u32 v15, $0x1  }
0x54b: {  	v14 =	vsub.s32 v14, v15;
	v15 =	vld.idx.msk [tilespmem:v2+s13+$0x0], $0xffff;
	_ =	sdelay $0x2  }
0x54c: {  	v24 =	vmul.f32 v18, v10;
	_ =	sdelay $0x1  }
0x54d: {  	v16 =	vld.idx.msk [tilespmem:v14+s13+$0x0], $0xffff;
	vm1 =	vlt.f32 v15, v24  }
0x54e: {  	v15 =	vsel vm1, $0x600, v4;
	_ =	sdelay $0x3  }
0x54f: {  	vm2 =	vlt.f32 v16, v11;
	v16 =	vor.u32 $0x1, v14  }
0x550: {  	v13 =	vsel vm2, v16, v13;
	v1 =	vsel vm2, v1, v14;
	v14 =	vld.idx.msk [tilespmem:v15+s13+$0x0], $0xffff  }
0x551: {  	v16 =	vxor.u32 v13, v1  }
0x552: {  	v17 =	vand.u32 v13, v1;
	v16 =	vshrl.u32 v16, $0x1  }
0x553: {  	v16 =	vadd.s32 v16, v17;
	_ =	sdelay $0x1  }
0x554: {  	v17 =	vsel vm1, $0x800, v2;
	vm2 =	vlt.f32 v14, v24  }
0x555: {  	v20 =	vor.u32 $0x1, v15;
	v14 =	vsel vm1, $0x401, v3;
	v15 =	vsel vm2, v17, v15  }
0x556: {  	v14 =	vsel vm2, v20, v14;
	v17 =	vadd.s32 $0xFFFFFFFF, v15  }
0x557: {  	v20 =	vld.idx.msk [tilespmem:v16+s13+$0x0], $0xffff;
	v21 =	vxor.u32 v17, v14  }
0x558: {  	v17 =	vor.u32 v17, v14;
	v21 =	vshrl.u32 v21, $0x1  }
0x559: {  	v17 =	vsub.s32 v17, v21;
	_ =	sdelay $0x2  }
0x55a: {  	vm1 =	vlt.f32 v20, v11;
	v20 =	vadd.s32 $0x1, v16  }
0x55b: {  	v13 =	vsel vm1, v20, v13;
	v1 =	vsel vm1, v1, v16  }
0x55c: {  	v16 =	vadd.s32 v13, v1;
	v20 =	vld.idx.msk [tilespmem:v17+s13+$0x0], $0xffff  }
0x55d: {  	v16 =	vshrl.u32 v16, $0x1;
	_ =	sdelay $0x3  }
0x55e: {  	vm1 =	vlt.f32 v20, v24;
	v20 =	vor.u32 $0x1, v17  }
0x55f: {  	v21 =	vld.idx.msk [tilespmem:v16+s13+$0x0], $0xffff;
	v14 =	vsel vm1, v20, v14;
	v15 =	vsel vm1, v15, v17  }
0x560: {  	v17 =	vxor.u32 v14, v15  }
0x561: {  	v20 =	vand.u32 v14, v15;
	v17 =	vshrl.u32 v17, $0x1  }
0x562: {  	v20 =	vadd.s32 v17, v20;
	_ =	sdelay $0x1  }
0x563: {  	v17 =	vadd.s32 $0x1, v16;
	vm1 =	vlt.f32 v21, v11  }
0x564: {  	v13 =	vsel vm1, v17, v13;
	v1 =	vsel vm1, v1, v16  }
0x565: {  	v16 =	vadd.s32 v13, v1  }
0x566: {  	v16 =	vshrl.u32 v16, $0x1;
	v21 =	vld.idx.msk [tilespmem:v20+s13+$0x0], $0xffff  }
0x567: {  	s23 =	simm.s32 $0x1150  }
0x568: {  	v17 =	vld [tilespmem:s23+$0x0];
	_ =	sdelay $0x1  }
0x569: {  	v22 =	vld.idx.msk [tilespmem:v2+s13+$0x0], $0xffff  }
0x56a: {  	v25 =	vld.idx.msk [tilespmem:v16+s13+$0x0], $0xffff;
	vm1 =	vlt.f32 v21, v24;
	v21 =	vadd.s32 $0x1, v20  }
0x56b: {  	v14 =	vsel vm1, v21, v14;
	v15 =	vsel vm1, v15, v20  }
0x56c: {  	v21 =	vmul.f32 v17, v10;
	v20 =	vadd.s32 v14, v15  }
0x56d: {  	v20 =	vshrl.u32 v20, $0x1  }
0x56e: {  	vm1 =	vlt.f32 v22, v21  }
0x56f: {  	v22 =	vadd.s32 $0x1, v16;
	vm2 =	vlt.f32 v25, v11;
	v25 =	vsel vm1, $0x600, v4  }
0x570: {  	v13 =	vsel vm2, v22, v13;
	v1 =	vsel vm2, v1, v16  }
0x571: {  	v16 =	vadd.s32 v13, v1  }
0x572: {  	v16 =	vshrl.u32 v16, $0x1;
	v22 =	vld.idx.msk [tilespmem:v20+s13+$0x0], $0xffff;
	_ =	sdelay $0x1  }
0x573: {  	v26 =	vld.idx.msk [tilespmem:v25+s13+$0x0], $0xffff;
	_ =	sdelay $0x2  }
0x574: {  	v27 =	vld.idx.msk [tilespmem:v16+s13+$0x0], $0xffff;
	vm2 =	vlt.f32 v22, v24;
	v22 =	vadd.s32 $0x1, v20  }
0x575: {  	v14 =	vsel vm2, v22, v14  }
0x576: {  	v15 =	vsel vm2, v15, v20;
	v22 =	vsel vm1, $0x800, v2;
	vm2 =	vlt.f32 v26, v21  }
0x577: {  	v28 =	vor.u32 $0x1, v25;
	v26 =	vsel vm1, $0x401, v3;
	v22 =	vsel vm2, v22, v25  }
0x578: {  	v20 =	vadd.s32 v14, v15;
	v25 =	vsel vm2, v28, v26;
	v26 =	vadd.s32 $0xFFFFFFFF, v22  }
0x579: {  	v20 =	vshrl.u32 v20, $0x1;
	vm1 =	vlt.f32 v27, v11;
	v27 =	vxor.u32 v26, v25  }
0x57a: {  	v28 =	vadd.s32 $0x1, v16;
	v26 =	vor.u32 v26, v25;
	v27 =	vshrl.u32 v27, $0x1  }
0x57b: {  	v13 =	vsel vm1, v28, v13;
	v1 =	vsel vm1, v1, v16;
	v16 =	vsub.s32 v26, v27  }
0x57c: {  	v26 =	vadd.s32 v13, v1  }
0x57d: {  	v26 =	vshrl.u32 v26, $0x1  }
0x57e: {  	v27 =	vld.idx.msk [tilespmem:v20+s13+$0x0], $0xffff;
	_ =	sdelay $0x1  }
0x57f: {  	v28 =	vld.idx.msk [tilespmem:v16+s13+$0x0], $0xffff;
	_ =	sdelay $0x1  }
0x580: {  	v29 =	vld.idx.msk [tilespmem:v26+s13+$0x0], $0xffff  }
0x581: {  	vm1 =	vlt.f32 v27, v24;
	v27 =	vadd.s32 $0x1, v20  }
0x582: {  	v14 =	vsel vm1, v27, v14;
	v15 =	vsel vm1, v15, v20  }
0x583: {  	v27 =	vor.u32 $0x1, v16;
	v20 =	vadd.s32 v14, v15;
	vm1 =	vlt.f32 v28, v21  }
0x584: {  	v20 =	vshrl.u32 v20, $0x1;
	v25 =	vsel vm1, v27, v25;
	v16 =	vsel vm1, v22, v16  }
0x585: {  	vm1 =	vlt.f32 v29, v11;
	v22 =	vxor.u32 v25, v16  }
0x586: {  	v27 =	vadd.s32 $0x1, v26;
	v28 =	vand.u32 v25, v16;
	v22 =	vshrl.u32 v22, $0x1  }
0x587: {  	v27 =	vsel vm1, v27, v13;
	v13 =	vadd.s32 v22, v28  }
0x588: {  	v1 =	vsel vm1, v1, v26  }
0x589: {  	v22 =	vadd.s32 v27, v1;
	v26 =	vld.idx.msk [tilespmem:v20+s13+$0x0], $0xffff  }
0x58a: {  	v22 =	vshrl.u32 v22, $0x1;
	_ =	sdelay $0x1  }
0x58b: {  	v28 =	vld.idx.msk [tilespmem:v13+s13+$0x0], $0xffff;
	_ =	sdelay $0x1  }
0x58c: {  	vm1 =	vlt.f32 v26, v24;
	v26 =	vadd.s32 $0x1, v20  }
0x58d: {  	v29 =	vld.idx.msk [tilespmem:v22+s13+$0x0], $0xffff;
	v26 =	vsel vm1, v26, v14;
	v20 =	vsel vm1, v15, v20  }
0x58e: {  	v14 =	vadd.s32 v26, v20  }
0x58f: {  	v30 =	vshrl.u32 v14, $0x1;
	v14 =	vadd.s32 $0x1, v13;
	vm1 =	vlt.f32 v28, v21  }
0x590: {  	v25 =	vsel vm1, v14, v25;
	v28 =	vsel vm1, v16, v13  }
0x591: {  	v16 =	vadd.s32 v25, v28  }
0x592: {  	vm1 =	vlt.f32 v29, v11;
	v29 =	vshrl.u32 v16, $0x1  }
0x593: {  	v15 =	vld [tilespmem:s0+$0xFFFFFFF0];
	v14 =	vadd.s32 $0x1, v22  }
0x594: {  	v27 =	vsel vm1, v14, v27;
	v1 =	vsel vm1, v1, v22;
	v16 =	vld.idx.msk [tilespmem:v30+s13+$0x0], $0xffff  }
0x595: {  	v13 =	vld.idx.msk [tilespmem:v2+s13+$0x0], $0xffff;
	v14 =	vadd.s32 v27, v1  }
0x596: {  	v31 =	vshrl.u32 v14, $0x1  }
0x597: {  	s22 =	simm.s32 $0x1170;
	v32 =	vld.idx.msk [tilespmem:v29+s13+$0x0], $0xffff  }
0x598: {  	v22 =	vld [tilespmem:s22+$0x0];
	v14 =	vmul.f32 v15, v10  }
0x599: {  	vm1 =	vlt.f32 v16, v24;
	v16 =	vadd.s32 $0x1, v30  }
0x59a: {  	v34 =	vld.idx.msk [tilespmem:v2+s13+$0x0], $0xffff;
	vm2 =	vlt.f32 v13, v14;
	v26 =	vsel vm1, v16, v26;
	v20 =	vsel vm1, v20, v30  }
0x59b: {  	v33 =	vld.idx.msk [tilespmem:v31+s13+$0x0], $0xffff;
	v30 =	vsel vm2, $0x600, v4;
	v16 =	vadd.s32 v26, v20  }
0x59c: {  	v48 =	vadd.s32 $0x1, v29;
	v35 =	vshrl.u32 v16, $0x1;
	vm1 =	vlt.f32 v32, v21  }
0x59d: {  	v16 =	vmul.f32 v22, v10;
	v25 =	vsel vm1, v48, v25;
	v28 =	vsel vm1, v28, v29  }
0x59e: {  	v32 =	vadd.s32 v25, v28  }
0x59f: {  	vm3 =	vlt.f32 v34, v16;
	v32 =	vshrl.u32 v32, $0x1  }
0x5a0: {  	vm1 =	vlt.f32 v33, v11;
	v29 =	vld.idx.msk [tilespmem:v30+s13+$0x0], $0xffff;
	v50 =	vsel vm3, $0x600, v4  }
0x5a1: {  	v49 =	vadd.s32 $0x1, v31;
	v1 =	vsel vm1, v1, v31;
	v31 =	vld.idx.msk [tilespmem:v35+s13+$0x0], $0xffff  }
0x5a2: {  	v37 =	vsel vm2, $0x800, v2;
	v38 =	vsel vm2, $0x401, v3;
	v27 =	vsel vm1, v49, v27  }
0x5a3: {  	v36 =	vadd.s32 $0x1, v35;
	v55 =	vsel vm3, $0x401, v3;
	v51 =	vadd.s32 v27, v1  }
0x5a4: {  	v39 =	vsel vm3, $0x800, v2;
	v58 =	vor.u32 $0x1, v50;
	v34 =	vshrl.u32 v51, $0x1;
	v52 =	vld.idx.msk [tilespmem:v32+s13+$0x0], $0xffff  }
0x5a5: {  	v56 =	vadd.s32 $0x1, v32;
	vm1 =	vlt.f32 v29, v14;
	v29 =	vor.u32 $0x1, v30;
	v53 =	vld.idx.msk [tilespmem:v50+s13+$0x0], $0xffff  }
0x5a6: {  	v30 =	vsel vm1, v37, v30;
	v29 =	vsel vm1, v29, v38;
	vm2 =	vlt.f32 v31, v24  }
0x5a7: {  	v31 =	vadd.s32 $0xFFFFFFFF, v30;
	v26 =	vsel vm2, v36, v26;
	v20 =	vsel vm2, v20, v35  }
0x5a8: {  	v54 =	vxor.u32 v31, v29;
	v31 =	vor.u32 v31, v29;
	v36 =	vadd.s32 v26, v20  }
0x5a9: {  	v35 =	vshrl.u32 v54, $0x1;
	v36 =	vshrl.u32 v36, $0x1;
	vm1 =	vlt.f32 v52, v21  }
0x5aa: {  	v57 =	vld.idx.msk [tilespmem:v34+s13+$0x0], $0xffff;
	vm2 =	vlt.f32 v53, v16;
	v25 =	vsel vm1, v56, v25;
	v28 =	vsel vm1, v28, v32  }
0x5ab: {  	v31 =	vsub.s32 v31, v35;
	v33 =	vsel vm2, v39, v50;
	v59 =	vadd.s32 v25, v28  }
0x5ac: {  	v35 =	vsel vm2, v58, v55;
	v60 =	vadd.s32 $0xFFFFFFFF, v33;
	v38 =	vshrl.u32 v59, $0x1  }
0x5ad: {  	v40 =	vxor.u32 v60, v35  }
0x5ae: {  	v37 =	vor.u32 v60, v35;
	v40 =	vshrl.u32 v40, $0x1;
	v61 =	vld.idx.msk [tilespmem:v36+s13+$0x0], $0xffff  }
0x5af: {  	v62 =	vadd.s32 $0x1, v34;
	vm1 =	vlt.f32 v57, v11;
	v37 =	vsub.s32 v37, v40  }
0x5b0: {  	v27 =	vsel vm1, v62, v27;
	v1 =	vsel vm1, v1, v34;
	v63 =	vld.idx.msk [tilespmem:v31+s13+$0x0], $0xffff  }
0x5b1: {  	v1 =	vadd.s32 v27, v1;
	v42 =	vld.idx.msk [tilespmem:v38+s13+$0x0], $0xffff  }
0x5b2: {  	v1 =	vshrl.u32 v1, $0x1  }
0x5b3: {  	(erf) = vrcp.f32 v19;
	v43 =	vadd.s32 $0x1, v36;
	vm1 =	vlt.f32 v61, v24  }
0x5b4: {  	v45 =	vor.u32 $0x1, v31;
	v44 =	vld.idx.msk [tilespmem:v37+s13+$0x0], $0xffff;
	v26 =	vsel vm1, v43, v26;
	v20 =	vsel vm1, v20, v36  }
0x5b5: {  	v46 =	vadd.s32 $0x1, v38;
	vm1 =	vlt.f32 v63, v14;
	v19 =	vadd.s32 v26, v20  }
0x5b6: {  	v29 =	vsel vm1, v45, v29;
	v19 =	vshrl.u32 v19, $0x1;
	vm2 =	vlt.f32 v42, v21  }
0x5b7: {  	v30 =	vsel vm1, v30, v31;
	v31 =	vld.idx.msk [tilespmem:v1+s13+$0x0], $0xffff;
	v25 =	vsel vm2, v46, v25;
	v28 =	vsel vm2, v28, v38  }
0x5b8: {  	v48 =	vor.u32 $0x1, v37;
	v47 =	vand.u32 v29, v30;
	v38 =	vadd.s32 v25, v28  }
0x5b9: {  	v36 =	vxor.u32 v29, v30;
	vm1 =	vlt.f32 v44, v16;
	v38 =	vshrl.u32 v38, $0x1  }
0x5ba: {  	v36 =	vshrl.u32 v36, $0x1;
	v34 =	vsel vm1, v48, v35;
	v33 =	vsel vm1, v33, v37  }
0x5bb: {  	v1 =	vadd.s32 $0x1, v1;
	v32 =	vadd.s32 v36, v47;
	v35 =	vxor.u32 v34, v33;
	v49 =	vld.idx.msk [tilespmem:v19+s13+$0x0], $0xffff  }
0x5bc: {  	v37 =	vand.u32 v34, v33;
	vm1 =	vlt.f32 v31, v11;
	v35 =	vshrl.u32 v35, $0x1  }
0x5bd: {  	v1 =	vsel vm1, v1, v27;
	v31 =	vadd.s32 v35, v37  }
0x5be: {  	v11 =	vmax.u32 v1, $0x1;
	v27 =	vld.idx.msk [tilespmem:v38+s13+$0x0], $0xffff  }
0x5bf: {  	v50 =	vsub.s32 v11, v5  }
0x5c0: {  	v52 =	vadd.s32 $0x1, v19;
	v51 =	vld.idx.msk [tilespmem:v32+s13+$0x0], $0xffff;
	vm1 =	vlt.f32 v49, v24  }
0x5c1: {  	[tilespmem:$0x1FF30] =	vst v8;
	v8 =	vpop (erf);
	v36 =	vsel vm1, v52, v26;
	v19 =	vsel vm1, v20, v19  }
0x5c2: {  	v41 =	vperm.xlane v23, v6;
	v12 =	vmul.f32 v8, v12;
	v26 =	vld.idx.msk [tilespmem:v31+s13+$0x0], $0xffff;
	v19 =	vadd.s32 v36, v19  }
0x5c3: {  	v20 =	vadd.s32 $0x1, v38;
	v53 =	vshrl.u32 v19, $0x1;
	vm1 =	vlt.f32 v27, v21  }
0x5c4: {  	v58 =	vperm.xlane v15, v0;
	v27 =	vld.idx.msk [tilespmem:v50+s13+$0x0], $0xffff;
	v25 =	vsel vm1, v20, v25;
	v28 =	vsel vm1, v28, v38  }
0x5c5: {  	v19 =	vadd.s32 $0x1, v32;
	vm1 =	vlt.f32 v51, v14;
	v20 =	vadd.s32 v25, v28  }
0x5c6: {  	v29 =	vsel vm1, v19, v29;
	v30 =	vsel vm1, v30, v32;
	v54 =	vshrl.u32 v20, $0x1  }
0x5c7: {  	vm1 =	vlt.f32 v26, v16;
	v26 =	vadd.s32 $0x1, v31;
	v20 =	vld [tilespmem:s1+$0xFFFFFFF0];
	v19 =	vadd.s32 v29, v30  }
0x5c8: {  	s21 =	simm.s32 $0x10;
	v56 =	vsel vm1, v26, v34;
	v31 =	vsel vm1, v33, v31;
	v57 =	vld.idx.msk [tilespmem:v53+s13+$0x0], $0xffff;
	v55 =	vshrl.u32 v19, $0x1  }
0x5c9: {  	v43 =	vor.u32 s21, v7;
	v26 =	vadd.s32 v56, v31;
	v35 =	vmul.f32 v27, v12  }
0x5ca: {  	vm1 =	veq.s32 v1, $0x0;
	v34 =	vsel vm0, v58, v41;
	v59 =	vshrl.u32 v26, $0x1  }
0x5cb: {  	s24 =	simm.s32 $0x1190;
	v1 =	vmin.u32 v1, $0x7FF;
	v19 =	vimm.f32 $0.0e+00;
	v35 =	vsel vm1, $0x0, v35;
	v42 =	vld.idx.msk [tilespmem:v54+s13+$0x0], $0xffff  }
0x5cc: {  	v1 =	vsub.s32 v43, v1;
	v26 =	vmul.f32 v20, v10;
	v62 =	vmax.f32 v34, v35;
	v35 =	vld [tilespmem:s24+$0x0]  }
0x5cd: {  	v46 =	vadd.s32 $0x1, v54;
	vm2 =	vlt.f32 v57, v24;
	v24 =	vadd.s32 $0x1, v53;
	v60 =	vld.idx.msk [tilespmem:v55+s13+$0x0], $0xffff  }
0x5ce: {  	v1 =	vcvt.s32.f32 v1;
	v24 =	vsel vm2, v24, v36;
	vm1 =	vlt.f32 v13, v26  }
0x5cf: {  	v39 =	vsub.f32 v23, v62;
	v63 =	vld.idx.msk [tilespmem:v59+s13+$0x0], $0xffff;
	v47 =	vmax.u32 v24, $0x1;
	v61 =	vsel vm1, $0x600, v4  }
0x5d0: {  	v27 =	vperm.xlane v23, v0;
	v45 =	vadd.s32 $0x1, v55;
	v48 =	vsub.s32 v47, v5  }
0x5d1: {  	v39 =	vmul.f32 v1, v39;
	vm2 =	vlt.f32 v42, v21;
	v34 =	vmul.f32 v35, v10  }
0x5d2: {  	v49 =	vld.idx.msk [tilespmem:v2+s13+$0x0], $0xffff;
	v25 =	vsel vm2, v46, v25;
	v28 =	vsel vm2, v28, v54;
	vm2 =	vlt.f32 v60, v14  }
0x5d3: {  	v54 =	vadd.s32 $0x1, v59;
	v50 =	vadd.s32 v25, v28;
	v29 =	vsel vm2, v45, v29  }
0x5d4: {  	v30 =	vsel vm2, v30, v55;
	vm2 =	vlt.f32 v63, v16;
	v51 =	vld.idx.msk [tilespmem:v61+s13+$0x0], $0xffff;
	v52 =	vshrl.u32 v50, $0x1  }
0x5d5: {  	v53 =	vadd.s32 v29, v30;
	v38 =	vsel vm2, v54, v56;
	v31 =	vsel vm2, v31, v59  }
0x5d6: {  	v44 =	vsel vm1, $0x401, v3;
	v40 =	vshrl.u32 v53, $0x1;
	v23 =	vadd.s32 v38, v31  }
0x5d7: {  	v1 =	vmul.f32 v1, v39;
	v32 =	vld.idx.msk [tilespmem:v48+s13+$0x0], $0xffff;
	vm2 =	vlt.f32 v49, v34;
	v55 =	vshrl.u32 v23, $0x1  }
0x5d8: {  	v58 =	vor.u32 $0x1, v61;
	v45 =	vperm.xlane v20, v0;
	v56 =	vsel vm2, $0x600, v4  }
0x5d9: {  	v1 =	vadd.f32 v1, v19;
	v23 =	vsel vm1, $0x800, v2;
	v57 =	vld.idx.msk [tilespmem:v52+s13+$0x0], $0xffff;
	vm3 =	vlt.f32 v51, v26  }
0x5da: {  	v60 =	vadd.s32 $0x1, v52;
	v62 =	vsel vm2, $0x401, v3;
	v33 =	vsel vm3, v23, v61  }
0x5db: {  	v50 =	vsel vm2, $0x800, v2;
	v36 =	vsel vm3, v58, v44;
	v46 =	vld.idx.msk [tilespmem:v40+s13+$0x0], $0xffff;
	v59 =	vadd.s32 $0xFFFFFFFF, v33  }
0x5dc: {  	v63 =	vadd.s32 $0x1, v55;
	v32 =	vmul.f32 v32, v12;
	v48 =	vld.idx.msk [tilespmem:v55+s13+$0x0], $0xffff;
	v47 =	vxor.u32 v59, v36  }
0x5dd: {  	v23 =	vperm.xlane v18, v0;
	v49 =	vld.idx.msk [tilespmem:v56+s13+$0x0], $0xffff;
	v44 =	vor.u32 v59, v36;
	v47 =	vshrl.u32 v47, $0x1  }
0x5de: {  	v61 =	vadd.s32 $0x1, v40;
	v44 =	vsub.s32 v44, v47;
	vm1 =	vlt.f32 v57, v21  }
0x5df: {  	v47 =	vperm.xlane v18, v6;
	v25 =	vsel vm1, v60, v25;
	v28 =	vsel vm1, v28, v52  }
0x5e0: {  	vm1 =	veq.s32 v24, $0x0;
	vm3 =	vlt.f32 v46, v14;
	v43 =	vadd.s32 v25, v28  }
0x5e1: {  	v52 =	vor.u32 $0x1, v56;
	vm2 =	vlt.f32 v48, v16;
	v43 =	vshrl.u32 v43, $0x1  }
0x5e2: {  	v38 =	vsel vm2, v63, v38;
	v31 =	vsel vm2, v31, v55;
	vm2 =	vlt.f32 v49, v34  }
0x5e3: {  	v54 =	vor.u32 $0x1, v44;
	v42 =	vsel vm2, v50, v56;
	v48 =	vadd.s32 v38, v31;
	v51 =	vld.idx.msk [tilespmem:v44+s13+$0x0], $0xffff  }
0x5e4: {  	s31 =	simm.s32 $0x30;
	v41 =	vsel vm2, v52, v62;
	v53 =	vadd.s32 $0xFFFFFFFF, v42;
	v48 =	vshrl.u32 v48, $0x1  }
0x5e5: {  	v60 =	vor.u32 s31, v7;
	v29 =	vsel vm3, v61, v29;
	v55 =	vxor.u32 v53, v41  }
0x5e6: {  	v30 =	vsel vm3, v30, v40;
	v56 =	vor.u32 v53, v41;
	v37 =	vshrl.u32 v55, $0x1  }
0x5e7: {  	v24 =	vmin.u32 v24, $0x7FF;
	v57 =	vadd.s32 v29, v30;
	v58 =	vld.idx.msk [tilespmem:v43+s13+$0x0], $0xffff;
	v37 =	vsub.s32 v56, v37  }
0x5e8: {  	v32 =	vsel vm1, $0x0, v32;
	v59 =	vshrl.u32 v57, $0x1;
	vm2 =	vlt.f32 v51, v26  }
0x5e9: {  	v45 =	vsel vm0, v45, v47;
	v61 =	vld.idx.msk [tilespmem:v48+s13+$0x0], $0xffff;
	v36 =	vsel vm2, v54, v36;
	v33 =	vsel vm2, v33, v44  }
0x5ea: {  	v24 =	vsub.s32 v60, v24;
	v32 =	vmax.f32 v45, v32;
	v49 =	vxor.u32 v36, v33  }
0x5eb: {  	v18 =	vsub.f32 v18, v32;
	v62 =	vand.u32 v36, v33;
	v49 =	vshrl.u32 v49, $0x1  }
0x5ec: {  	vm1 =	vlt.f32 v58, v21;
	v50 =	vld.idx.msk [tilespmem:v37+s13+$0x0], $0xffff;
	v63 =	vadd.s32 v49, v62;
	v49 =	vadd.s32 $0x1, v43  }
0x5ed: {  	v52 =	vadd.s32 $0x1, v48;
	v51 =	vld.idx.msk [tilespmem:v59+s13+$0x0], $0xffff;
	v28 =	vsel vm1, v28, v43;
	v25 =	vsel vm1, v49, v25  }
0x5ee: {  	v54 =	vcvt.s32.f32 v24;
	vm1 =	vlt.f32 v61, v16;
	v28 =	vadd.s32 v25, v28  }
0x5ef: {  	v38 =	vsel vm1, v52, v38;
	v53 =	vsel vm1, v31, v48;
	v28 =	vshrl.u32 v28, $0x1  }
0x5f0: {  	v56 =	vor.u32 $0x1, v37;
	v24 =	vadd.s32 $0x1, v59;
	v55 =	vadd.s32 v38, v53  }
0x5f1: {  	v18 =	vmul.f32 v54, v18;
	vm1 =	vlt.f32 v50, v34;
	v46 =	vshrl.u32 v55, $0x1  }
0x5f2: {  	vm2 =	vlt.f32 v51, v14;
	v31 =	vld.idx.msk [tilespmem:v63+s13+$0x0], $0xffff;
	v32 =	vsel vm1, v56, v41;
	v41 =	vsel vm1, v42, v37  }
0x5f3: {  	v61 =	vperm.xlane v15, v6;
	v29 =	vsel vm2, v24, v29;
	v24 =	vxor.u32 v32, v41  }
0x5f4: {  	v30 =	vsel vm2, v30, v59;
	v42 =	vand.u32 v32, v41;
	v24 =	vshrl.u32 v24, $0x1;
	v58 =	vld.idx.msk [tilespmem:v28+s13+$0x0], $0xffff  }
0x5f5: {  	v57 =	vadd.s32 $0x1, v63;
	v59 =	vadd.s32 v29, v30;
	v42 =	vadd.s32 v24, v42  }
0x5f6: {  	s1 =	simm.s32 $0x50;
	v18 =	vmul.f32 v54, v18;
	v47 =	vshrl.u32 v59, $0x1;
	v37 =	vsel vm0, v19, v61;
	v60 =	vld.idx.msk [tilespmem:v46+s13+$0x0], $0xffff  }
0x5f7: {  	v56 =	vadd.s32 $0x1, v47;
	v61 =	vor.u32 s1, v7;
	vm1 =	vlt.f32 v31, v26  }
0x5f8: {  	v24 =	vperm.xlane v17, v0;
	v36 =	vsel vm1, v57, v36;
	v33 =	vsel vm1, v33, v63  }
0x5f9: {  	v31 =	vadd.s32 v36, v33;
	vm1 =	vlt.f32 v58, v21;
	v21 =	vadd.s32 $0x1, v28  }
0x5fa: {  	v62 =	vshrl.u32 v31, $0x1;
	v31 =	vperm.xlane v22, v0;
	v40 =	vsel vm1, v21, v25;
	v25 =	vld.idx.msk [tilespmem:v42+s13+$0x0], $0xffff  }
0x5fb: {  	v63 =	vld.idx.msk [tilespmem:v47+s13+$0x0], $0xffff;
	v28 =	vadd.s32 $0x1, v46;
	vm1 =	vlt.f32 v60, v16;
	v21 =	vmax.u32 v40, $0x1  }
0x5fc: {  	v38 =	vsel vm1, v28, v38;
	v43 =	vsel vm1, v53, v46;
	v52 =	vsub.s32 v21, v5  }
0x5fd: {  	v57 =	vadd.s32 $0x1, v62;
	v28 =	vadd.f32 v18, v1;
	v18 =	vld [tilespmem:s23+$0xFFFFFFF0];
	v55 =	vadd.s32 v38, v43  }
0x5fe: {  	v60 =	vperm.xlane v17, v6;
	v53 =	vperm.xlane v20, v6;
	v1 =	vshrl.u32 v55, $0x1  }
0x5ff: {  	v21 =	vperm.xlane v35, v0;
	v54 =	vld.idx.msk [tilespmem:v62+s13+$0x0], $0xffff;
	vm1 =	vlt.f32 v25, v34;
	v25 =	vadd.s32 $0x1, v42  }
0x600: {  	vm2 =	vlt.f32 v63, v14;
	v32 =	vsel vm1, v25, v32;
	v41 =	vsel vm1, v41, v42  }
0x601: {  	v44 =	vsel vm2, v30, v47;
	v42 =	vsel vm2, v56, v29;
	v29 =	vld.idx.msk [tilespmem:v52+s13+$0x0], $0xffff;
	v25 =	vadd.s32 v32, v41  }
0x602: {  	v59 =	vperm.xlane v18, v0;
	vm2 =	veq.s32 v40, $0x0;
	v47 =	vshrl.u32 v25, $0x1  }
0x603: {  	v40 =	vmin.u32 v40, $0x7FF;
	v30 =	vadd.s32 v42, v44;
	v58 =	vld.idx.msk [tilespmem:v1+s13+$0x0], $0xffff;
	v25 =	vmul.f32 v18, v10  }
0x604: {  	v40 =	vsub.s32 v61, v40;
	v49 =	vshrl.u32 v30, $0x1;
	vm1 =	vlt.f32 v54, v26  }
0x605: {  	v36 =	vsel vm1, v57, v36;
	v39 =	vsel vm1, v33, v62;
	vm1 =	vlt.f32 v13, v25  }
0x606: {  	v30 =	vsel vm0, v27, v53;
	v46 =	vsel vm1, $0x600, v4;
	v29 =	vmul.f32 v29, v12  }
0x607: {  	s25 =	simm.s32 $0x11B0;
	v40 =	vcvt.s32.f32 v40;
	v27 =	vadd.s32 $0x1, v49;
	v54 =	vadd.s32 $0x1, v1;
	v52 =	vld.idx.msk [tilespmem:v47+s13+$0x0], $0xffff  }
0x608: {  	v33 =	vsel vm0, v59, v60;
	v53 =	vsel vm2, $0x0, v29;
	v29 =	vld [tilespmem:s25+$0x0];
	vm2 =	vlt.f32 v58, v16  }
0x609: {  	v63 =	vld.idx.msk [tilespmem:v2+s13+$0x0], $0xffff;
	v45 =	vadd.s32 v36, v39;
	v38 =	vsel vm2, v54, v38;
	v1 =	vsel vm2, v43, v1  }
0x60a: {  	v59 =	vsel vm1, $0x800, v2;
	v60 =	vsel vm1, $0x401, v3;
	v62 =	vld.idx.msk [tilespmem:v49+s13+$0x0], $0xffff;
	v56 =	vadd.s32 v38, v1  }
0x60b: {  	v45 =	vshrl.u32 v45, $0x1;
	v33 =	vmax.f32 v33, v53;
	v57 =	vld.idx.msk [tilespmem:v46+s13+$0x0], $0xffff;
	v50 =	vshrl.u32 v56, $0x1  }
0x60c: {  	v58 =	vadd.s32 $0x1, v47;
	v17 =	vsub.f32 v17, v33;
	vm2 =	vlt.f32 v52, v34  }
0x60d: {  	v33 =	vmul.f32 v29, v10;
	v32 =	vsel vm2, v58, v32;
	v41 =	vsel vm2, v41, v47  }
0x60e: {  	v61 =	vor.u32 $0x1, v46;
	v17 =	vmul.f32 v40, v17;
	v52 =	vadd.s32 v32, v41  }
0x60f: {  	vm2 =	vlt.f32 v62, v14;
	vm1 =	vlt.f32 v63, v33;
	v43 =	vshrl.u32 v52, $0x1  }
0x610: {  	v27 =	vsel vm2, v27, v42;
	vm3 =	vlt.f32 v57, v25;
	v48 =	vsel vm1, $0x600, v4;
	v52 =	vld.idx.msk [tilespmem:v50+s13+$0x0], $0xffff  }
0x611: {  	v44 =	vsel vm2, v44, v49;
	v17 =	vmul.f32 v40, v17;
	v42 =	vsel vm3, v59, v46  }
0x612: {  	v63 =	vadd.s32 $0x1, v45;
	v46 =	vld.idx.msk [tilespmem:v45+s13+$0x0], $0xffff;
	v47 =	vsel vm3, v61, v60;
	v62 =	vadd.s32 $0xFFFFFFFF, v42  }
0x613: {  	v59 =	vadd.s32 v27, v44;
	v61 =	vadd.s32 $0x1, v50;
	v60 =	vxor.u32 v62, v47  }
0x614: {  	v58 =	vsel vm1, $0x800, v2;
	v49 =	vor.u32 v62, v47;
	v54 =	vshrl.u32 v60, $0x1;
	v55 =	vld.idx.msk [tilespmem:v43+s13+$0x0], $0xffff  }
0x615: {  	v53 =	vshrl.u32 v59, $0x1;
	v49 =	vsub.s32 v49, v54;
	v56 =	vld.idx.msk [tilespmem:v48+s13+$0x0], $0xffff;
	vm2 =	vlt.f32 v52, v16  }
0x616: {  	v59 =	vadd.s32 $0x1, v43;
	v38 =	vsel vm2, v61, v38;
	v1 =	vsel vm2, v1, v50  }
0x617: {  	v60 =	vor.u32 $0x1, v48;
	vm2 =	vlt.f32 v46, v26;
	v62 =	vadd.s32 v38, v1  }
0x618: {  	v36 =	vsel vm2, v63, v36;
	v39 =	vsel vm2, v39, v45;
	v63 =	vsel vm1, $0x401, v3  }
0x619: {  	v46 =	vshrl.u32 v62, $0x1;
	v57 =	vadd.s32 v36, v39;
	vm1 =	vlt.f32 v55, v34  }
0x61a: {  	v54 =	vld.idx.msk [tilespmem:v49+s13+$0x0], $0xffff;
	vm2 =	vlt.f32 v56, v33;
	v32 =	vsel vm1, v59, v32;
	v41 =	vsel vm1, v41, v43  }
0x61b: {  	v50 =	vshrl.u32 v57, $0x1;
	v43 =	vld.idx.msk [tilespmem:v53+s13+$0x0], $0xffff;
	v48 =	vsel vm2, v58, v48;
	v61 =	vadd.s32 v32, v41  }
0x61c: {  	v45 =	vsel vm2, v60, v63;
	v62 =	vadd.s32 $0xFFFFFFFF, v48;
	v51 =	vshrl.u32 v61, $0x1  }
0x61d: {  	v60 =	vadd.s32 $0x1, v53;
	v58 =	vor.u32 $0x1, v49;
	v63 =	vxor.u32 v62, v45  }
0x61e: {  	v57 =	vld.idx.msk [tilespmem:v46+s13+$0x0], $0xffff;
	v52 =	vor.u32 v62, v45;
	v62 =	vadd.s32 $0x1, v46;
	v55 =	vshrl.u32 v63, $0x1  }
0x61f: {  	vm1 =	vlt.f32 v54, v25;
	v54 =	vadd.f32 v17, v28;
	v52 =	vsub.s32 v52, v55  }
0x620: {  	vm2 =	vlt.f32 v43, v14;
	v43 =	vsel vm1, v58, v47;
	v42 =	vsel vm1, v42, v49  }
0x621: {  	v40 =	vsel vm2, v60, v27;
	v47 =	vxor.u32 v43, v42;
	v44 =	vsel vm2, v44, v53;
	v27 =	vld.idx.msk [tilespmem:v51+s13+$0x0], $0xffff  }
0x622: {  	v61 =	vld.idx.msk [tilespmem:v50+s13+$0x0], $0xffff;
	v49 =	vand.u32 v43, v42;
	v58 =	vor.u32 $0x1, v52;
	v47 =	vshrl.u32 v47, $0x1  }
0x623: {  	v63 =	vadd.s32 v40, v44;
	vm1 =	vlt.f32 v57, v16;
	v47 =	vadd.s32 v47, v49  }
0x624: {  	v49 =	vshrl.u32 v63, $0x1;
	v38 =	vsel vm1, v62, v38;
	v1 =	vsel vm1, v1, v46;
	v55 =	vld.idx.msk [tilespmem:v52+s13+$0x0], $0xffff  }
0x625: {  	v57 =	vadd.s32 $0x1, v50;
	v62 =	vadd.s32 $0x1, v47;
	v1 =	vadd.s32 v38, v1  }
0x626: {  	v1 =	vshrl.u32 v1, $0x1;
	vm1 =	vlt.f32 v27, v34;
	v27 =	vadd.s32 $0x1, v51  }
0x627: {  	v32 =	vsel vm1, v27, v32;
	v41 =	vsel vm1, v41, v51;
	vm1 =	vlt.f32 v61, v26  }
0x628: {  	v27 =	vld.idx.msk [tilespmem:v47+s13+$0x0], $0xffff;
	v51 =	vadd.s32 v32, v41;
	v36 =	vsel vm1, v57, v36;
	v39 =	vsel vm1, v39, v50  }
0x629: {  	v28 =	vld.idx.msk [tilespmem:v49+s13+$0x0], $0xffff;
	vm1 =	vlt.f32 v55, v33;
	v50 =	vshrl.u32 v51, $0x1;
	v59 =	vadd.s32 v36, v39  }
0x62a: {  	v51 =	vperm.xlane v18, v6;
	v45 =	vsel vm1, v58, v45;
	v46 =	vsel vm1, v48, v52  }
0x62b: {  	v55 =	vadd.s32 $0x1, v49;
	v60 =	vld.idx.msk [tilespmem:v1+s13+$0x0], $0xffff;
	v48 =	vshrl.u32 v59, $0x1;
	v61 =	vxor.u32 v45, v46  }
0x62c: {  	v1 =	vadd.s32 $0x1, v1;
	v17 =	vand.u32 v45, v46;
	v53 =	vshrl.u32 v61, $0x1  }
0x62d: {  	vm1 =	vlt.f32 v27, v25;
	v27 =	vsel vm0, v23, v51;
	v53 =	vadd.s32 v53, v17  }
0x62e: {  	vm2 =	vlt.f32 v28, v14;
	v43 =	vsel vm1, v62, v43;
	v42 =	vsel vm1, v42, v47;
	v63 =	vld.idx.msk [tilespmem:v50+s13+$0x0], $0xffff  }
0x62f: {  	v17 =	vperm.xlane v29, v0;
	v40 =	vsel vm2, v55, v40;
	v23 =	vadd.s32 v43, v42  }
0x630: {  	v28 =	vsel vm2, v44, v49;
	vm1 =	vlt.f32 v60, v16;
	v57 =	vshrl.u32 v23, $0x1;
	v16 =	vld.idx.msk [tilespmem:v48+s13+$0x0], $0xffff  }
0x631: {  	v28 =	vadd.s32 v40, v28;
	v23 =	vadd.s32 $0x1, v48;
	v1 =	vsel vm1, v1, v38  }
0x632: {  	v60 =	vadd.s32 $0x1, v50;
	v52 =	vshrl.u32 v28, $0x1;
	v59 =	vmax.u32 v1, $0x1;
	v58 =	vld.idx.msk [tilespmem:v53+s13+$0x0], $0xffff  }
0x633: {  	v61 =	vadd.s32 $0x1, v57;
	v44 =	vsub.s32 v59, v5;
	vm1 =	vlt.f32 v63, v34  }
0x634: {  	vm2 =	veq.s32 v1, $0x0;
	v32 =	vsel vm1, v60, v32;
	v41 =	vsel vm1, v41, v50  }
0x635: {  	v1 =	vmin.u32 v1, $0x7FF;
	v62 =	vld.idx.msk [tilespmem:v57+s13+$0x0], $0xffff;
	vm1 =	vlt.f32 v16, v26;
	v50 =	vadd.s32 v32, v41  }
0x636: {  	v16 =	vld [tilespmem:s22+$0xFFFFFFF0];
	s22 =	simm.s32 $0x0;
	v55 =	vsel vm1, v23, v36;
	v39 =	vsel vm1, v39, v48;
	v23 =	vadd.s32 $0x1, v53  }
0x637: {  	v38 =	vor.u32 s22, v7;
	v50 =	vshrl.u32 v50, $0x1;
	vm1 =	vlt.f32 v58, v33  }
0x638: {  	v36 =	vadd.s32 v55, v39;
	v28 =	vld.idx.msk [tilespmem:v44+s13+$0x0], $0xffff;
	v44 =	vsel vm1, v23, v45;
	v45 =	vsel vm1, v46, v53  }
0x639: {  	v48 =	vshrl.u32 v36, $0x1;
	v59 =	vadd.s32 $0x1, v50;
	v23 =	vadd.s32 v44, v45  }
0x63a: {  	v46 =	vadd.s32 $0x1, v52;
	v53 =	vadd.s32 $0x1, v48;
	v36 =	vshrl.u32 v23, $0x1  }
0x63b: {  	s23 =	simm.s32 $0x70;
	vm1 =	vlt.f32 v62, v25;
	v49 =	vperm.xlane v16, v6;
	v60 =	vperm.xlane v16, v0  }
0x63c: {  	v62 =	vor.u32 s23, v7;
	v23 =	vmul.f32 v16, v10;
	v43 =	vsel vm1, v61, v43;
	v63 =	vld.idx.msk [tilespmem:v50+s13+$0x0], $0xffff  }
0x63d: {  	v61 =	vperm.xlane v22, v6;
	v1 =	vsub.s32 v62, v1;
	v28 =	vmul.f32 v28, v12  }
0x63e: {  	v42 =	vsel vm1, v42, v57;
	v1 =	vcvt.s32.f32 v1;
	vm1 =	vlt.f32 v13, v23  }
0x63f: {  	s26 =	simm.s32 $0x11D0;
	v51 =	vsel vm0, v60, v61;
	v57 =	vsel vm1, $0x600, v4;
	v28 =	vsel vm2, $0x0, v28;
	v56 =	vld.idx.msk [tilespmem:v36+s13+$0x0], $0xffff  }
0x640: {  	v47 =	vadd.s32 v43, v42;
	v24 =	vsel vm0, v24, v49;
	v51 =	vmax.f32 v51, v28;
	v28 =	vld [tilespmem:s26+$0x0]  }
0x641: {  	v47 =	vshrl.u32 v47, $0x1;
	vm2 =	vlt.f32 v63, v34;
	v22 =	vsub.f32 v22, v51;
	v51 =	vld.idx.msk [tilespmem:v48+s13+$0x0], $0xffff  }
0x642: {  	v61 =	vor.u32 $0x1, v57;
	v58 =	vsel vm2, v59, v32;
	v41 =	vsel vm2, v41, v50  }
0x643: {  	v63 =	vadd.s32 $0x1, v36;
	v50 =	vld.idx.msk [tilespmem:v2+s13+$0x0], $0xffff;
	v32 =	vadd.s32 v58, v41;
	v22 =	vmul.f32 v1, v22  }
0x644: {  	v59 =	vsel vm1, $0x800, v2;
	v60 =	vld.idx.msk [tilespmem:v57+s13+$0x0], $0xffff;
	v62 =	vshrl.u32 v32, $0x1;
	vm2 =	vlt.f32 v56, v33  }
0x645: {  	v1 =	vmul.f32 v1, v22;
	v32 =	vmul.f32 v28, v10;
	v22 =	vsel vm2, v63, v44  }
0x646: {  	v44 =	vsel vm2, v45, v36;
	v45 =	vld.idx.msk [tilespmem:v52+s13+$0x0], $0xffff;
	v63 =	vsel vm1, $0x401, v3;
	vm2 =	vlt.f32 v51, v26  }
0x647: {  	v56 =	vadd.s32 v22, v44;
	v36 =	vadd.f32 v1, v54;
	v1 =	vadd.s32 $0x1, v47  }
0x648: {  	vm1 =	vlt.f32 v50, v32;
	v53 =	vsel vm2, v53, v55;
	v50 =	vshrl.u32 v56, $0x1  }
0x649: {  	v39 =	vsel vm2, v39, v48;
	v51 =	vsel vm1, $0x600, v4;
	vm3 =	vlt.f32 v60, v23;
	v54 =	vld.idx.msk [tilespmem:v62+s13+$0x0], $0xffff  }
0x64a: {  	v55 =	vsel vm3, v59, v57;
	v48 =	vsel vm3, v61, v63;
	v61 =	vadd.s32 v53, v39  }
0x64b: {  	v52 =	vld.idx.msk [tilespmem:v47+s13+$0x0], $0xffff;
	v63 =	vadd.s32 $0x1, v62;
	v60 =	vadd.s32 $0xFFFFFFFF, v55;
	vm2 =	vlt.f32 v45, v14  }
0x64c: {  	v14 =	vxor.u32 v60, v48;
	v45 =	vshrl.u32 v61, $0x1;
	v56 =	vor.u32 v60, v48  }
0x64d: {  	v57 =	vshrl.u32 v14, $0x1;
	v59 =	vadd.s32 $0x1, v45;
	v40 =	vsel vm2, v46, v40;
	v60 =	vld.idx.msk [tilespmem:v50+s13+$0x0], $0xffff  }
0x64e: {  	v46 =	vsub.s32 v56, v57;
	v56 =	vld.idx.msk [tilespmem:v51+s13+$0x0], $0xffff;
	v57 =	vmax.u32 v40, $0x1;
	vm2 =	vlt.f32 v54, v34  }
0x64f: {  	v14 =	vperm.xlane v28, v0;
	v57 =	vsub.s32 v57, v5;
	v54 =	vsel vm2, v63, v58  }
0x650: {  	v41 =	vsel vm2, v41, v62;
	vm2 =	vlt.f32 v52, v25;
	v62 =	vsel vm1, $0x800, v2  }
0x651: {  	v58 =	vadd.s32 v54, v41;
	v1 =	vsel vm2, v1, v43;
	v42 =	vsel vm2, v42, v47  }
0x652: {  	v47 =	vshrl.u32 v58, $0x1;
	vm2 =	vlt.f32 v60, v33;
	v60 =	vadd.s32 $0x1, v50  }
0x653: {  	v43 =	vsel vm1, $0x401, v3;
	v58 =	vld.idx.msk [tilespmem:v45+s13+$0x0], $0xffff;
	vm1 =	vlt.f32 v56, v32;
	v22 =	vsel vm2, v60, v22  }
0x654: {  	v63 =	vld.idx.msk [tilespmem:v46+s13+$0x0], $0xffff;
	v44 =	vsel vm2, v44, v50;
	v60 =	vor.u32 $0x1, v51;
	v51 =	vsel vm1, v62, v51  }
0x655: {  	v62 =	vadd.s32 v22, v44;
	v43 =	vsel vm1, v60, v43;
	v50 =	vadd.s32 $0xFFFFFFFF, v51  }
0x656: {  	v52 =	vor.u32 $0x1, v46;
	v56 =	vshrl.u32 v62, $0x1;
	v60 =	vxor.u32 v50, v43  }
0x657: {  	v61 =	vadd.s32 v1, v42;
	v50 =	vor.u32 v50, v43;
	v62 =	vld.idx.msk [tilespmem:v47+s13+$0x0], $0xffff;
	v60 =	vshrl.u32 v60, $0x1  }
0x658: {  	v61 =	vshrl.u32 v61, $0x1;
	vm1 =	vlt.f32 v58, v26;
	v50 =	vsub.s32 v50, v60  }
0x659: {  	vm2 =	vlt.f32 v63, v23;
	v53 =	vsel vm1, v59, v53;
	v39 =	vsel vm1, v39, v45  }
0x65a: {  	v45 =	vadd.s32 $0x1, v61;
	v48 =	vsel vm2, v52, v48;
	v46 =	vsel vm2, v55, v46  }
0x65b: {  	v63 =	vadd.s32 v53, v39;
	v52 =	vxor.u32 v48, v46;
	v59 =	vand.u32 v48, v46;
	v58 =	vld.idx.msk [tilespmem:v56+s13+$0x0], $0xffff  }
0x65c: {  	v52 =	vshrl.u32 v52, $0x1;
	vm1 =	vlt.f32 v62, v34;
	v62 =	vadd.s32 $0x1, v47  }
0x65d: {  	v60 =	vld.idx.msk [tilespmem:v61+s13+$0x0], $0xffff;
	v55 =	vshrl.u32 v63, $0x1;
	v52 =	vadd.s32 v52, v59;
	v54 =	vsel vm1, v62, v54  }
0x65e: {  	v41 =	vsel vm1, v41, v47;
	v47 =	vld.idx.msk [tilespmem:v50+s13+$0x0], $0xffff;
	v59 =	vadd.s32 $0x1, v52;
	v62 =	vadd.s32 $0x1, v55  }
0x65f: {  	vm1 =	veq.s32 v40, $0x0;
	v40 =	vmin.u32 v40, $0x7FF;
	v41 =	vadd.s32 v54, v41  }
0x660: {  	v41 =	vshrl.u32 v41, $0x1;
	vm2 =	vlt.f32 v58, v33;
	v58 =	vadd.s32 $0x1, v56  }
0x661: {  	v38 =	vsub.s32 v38, v40;
	v22 =	vsel vm2, v58, v22;
	v44 =	vsel vm2, v44, v56  }
0x662: {  	vm2 =	vlt.f32 v60, v25;
	v49 =	vld.idx.msk [tilespmem:v52+s13+$0x0], $0xffff;
	v60 =	vor.u32 $0x1, v50;
	v56 =	vadd.s32 v22, v44  }
0x663: {  	v1 =	vsel vm2, v45, v1;
	v42 =	vsel vm2, v42, v61;
	v45 =	vld.idx.msk [tilespmem:v55+s13+$0x0], $0xffff;
	vm2 =	vlt.f32 v47, v32  }
0x664: {  	v57 =	vld.idx.msk [tilespmem:v57+s13+$0x0], $0xffff;
	v56 =	vshrl.u32 v56, $0x1;
	v43 =	vsel vm2, v60, v43;
	v47 =	vsel vm2, v51, v50  }
0x665: {  	v38 =	vcvt.s32.f32 v38;
	v61 =	vadd.s32 v1, v42;
	v51 =	vld.idx.msk [tilespmem:v41+s13+$0x0], $0xffff;
	v63 =	vxor.u32 v43, v47  }
0x666: {  	v58 =	vshrl.u32 v61, $0x1;
	v50 =	vand.u32 v43, v47;
	v40 =	vshrl.u32 v63, $0x1  }
0x667: {  	v60 =	vadd.s32 $0x1, v58;
	v61 =	vadd.s32 v40, v50;
	vm2 =	vlt.f32 v49, v23  }
0x668: {  	vm3 =	vlt.f32 v45, v26;
	v59 =	vsel vm2, v59, v48;
	v63 =	vsel vm2, v46, v52  }
0x669: {  	v48 =	vmul.f32 v57, v12;
	v45 =	vld.idx.msk [tilespmem:v56+s13+$0x0], $0xffff;
	v40 =	vsel vm3, v62, v53;
	v46 =	vadd.s32 v59, v63  }
0x66a: {  	v53 =	vadd.s32 $0x1, v41;
	vm2 =	vlt.f32 v51, v34;
	v57 =	vshrl.u32 v46, $0x1  }
0x66b: {  	v39 =	vsel vm3, v39, v55;
	v46 =	vld.idx.msk [tilespmem:v58+s13+$0x0], $0xffff;
	v62 =	vsel vm2, v53, v54;
	v55 =	vadd.s32 $0x1, v57  }
0x66c: {  	v54 =	vadd.s32 v40, v39;
	v53 =	vsel vm1, $0x0, v48;
	v52 =	vmax.u32 v62, $0x1  }
0x66d: {  	[tilespmem:$0x1FF40] =	vst v8;
	v48 =	vld.idx.msk [tilespmem:v61+s13+$0x0], $0xffff;
	v8 =	vshrl.u32 v54, $0x1;
	v37 =	vmax.f32 v37, v53;
	v54 =	vadd.s32 $0x1, v56  }
0x66e: {  	vm2 =	veq.s32 v62, $0x0;
	v34 =	vsub.s32 v52, v5;
	vm1 =	vlt.f32 v45, v33  }
0x66f: {  	v15 =	vsub.f32 v15, v37;
	v49 =	vsel vm1, v54, v22;
	v50 =	vsel vm1, v44, v56  }
0x670: {  	v41 =	vadd.s32 $0x1, v8;
	v22 =	vld.idx.msk [tilespmem:v57+s13+$0x0], $0xffff;
	vm1 =	vlt.f32 v46, v25;
	v45 =	vadd.s32 v49, v50  }
0x671: {  	v39 =	vmul.f32 v38, v15;
	v15 =	vld [tilespmem:s24+$0xFFFFFFF0];
	v44 =	vsel vm1, v42, v58;
	v53 =	vshrl.u32 v45, $0x1  }
0x672: {  	s24 =	simm.s32 $0x20;
	v45 =	vsel vm1, v60, v1;
	vm1 =	vlt.f32 v48, v32;
	v1 =	vadd.s32 $0x1, v61  }
0x673: {  	s31 =	simm.s32 $0x90;
	v37 =	vmul.f32 v38, v39;
	v38 =	vor.u32 s24, v7;
	v46 =	vadd.s32 v45, v44;
	v60 =	vld.idx.msk [tilespmem:v34+s13+$0x0], $0xffff  }
0x674: {  	v51 =	vsel vm1, v1, v43;
	v52 =	vsel vm1, v47, v61;
	v47 =	vld.idx.msk [tilespmem:v8+s13+$0x0], $0xffff;
	v8 =	vor.u32 s31, v7  }
0x675: {  	v61 =	vmin.u32 v62, $0x7FF;
	v46 =	vshrl.u32 v46, $0x1;
	v1 =	vadd.s32 v51, v52  }
0x676: {  	v54 =	vshrl.u32 v1, $0x1;
	vm1 =	vlt.f32 v22, v23;
	v34 =	vmul.f32 v15, v10  }
0x677: {  	v22 =	vperm.xlane v15, v0;
	v42 =	vsel vm1, v55, v59;
	v43 =	vsel vm1, v63, v57;
	v1 =	vld.idx.msk [tilespmem:v53+s13+$0x0], $0xffff  }
0x678: {  	v59 =	vperm.xlane v35, v6;
	vm1 =	vlt.f32 v13, v34;
	v63 =	vmul.f32 v60, v12  }
0x679: {  	v8 =	vsub.s32 v8, v61;
	v48 =	vadd.s32 $0x1, v46;
	v55 =	vsel vm1, $0x600, v4  }
0x67a: {  	s30 =	simm.s32 $0x40;
	s28 =	simm.s32 $0x60;
	v39 =	vperm.xlane v15, v6;
	v22 =	vsel vm0, v22, v59;
	v56 =	vld.idx.msk [tilespmem:v46+s13+$0x0], $0xffff;
	v60 =	vsel vm2, $0x0, v63  }
0x67b: {  	s29 =	simm.s32 $0x11F0;
	s0 =	simm.s32 $0x100;
	s21 =	simm.s32 $0xE0;
	v57 =	vadd.s32 v42, v43;
	v59 =	vadd.s32 $0x1, v53;
	v58 =	vld.idx.msk [tilespmem:v54+s13+$0x0], $0xffff;
	v60 =	vmax.f32 v22, v60  }
0x67c: {  	s22 =	simm.s32 $0xC0;
	s23 =	simm.s32 $0xA0;
	s24 =	simm.s32 $0x80;
	v22 =	vld [tilespmem:s29+$0x0];
	vm2 =	vlt.f32 v1, v33;
	v60 =	vsub.f32 v35, v60;
	v35 =	vcvt.s32.f32 v8  }
.LBB2_15:
0x67d: {  	p0 =	sne.s32 s0, $0x7E0;
	v1 =	vld.idx.msk [tilespmem:v2+s13+$0x0], $0xffff;
	v8 =	vsel vm2, v59, v49;
	v49 =	vsel vm2, v50, v53;
	v50 =	vsel vm1, $0x800, v2  }
0x67e: {  	v61 =	vor.u32 $0x1, v55;
	v53 =	vadd.s32 v8, v49;
	v59 =	vld.idx.msk [tilespmem:v55+s13+$0x0], $0xffff;
	v60 =	vmul.f32 v35, v60  }
0x67f: {  	v62 =	vsel vm1, $0x401, v3;
	v57 =	vshrl.u32 v57, $0x1;
	v53 =	vshrl.u32 v53, $0x1  }
0x680: {  	vm1 =	vlt.f32 v58, v32;
	v58 =	vadd.s32 $0x1, v54;
	v60 =	vmul.f32 v35, v60  }
0x681: {  	v51 =	vsel vm1, v58, v51;
	v52 =	vsel vm1, v52, v54;
	v35 =	vmul.f32 v22, v10  }
0x682: {  	v58 =	vadd.s32 $0x1, v57;
	v54 =	vadd.s32 v51, v52;
	v36 =	vadd.f32 v60, v36  }
0x683: {  	vm2 =	vlt.f32 v56, v25;
	vm1 =	vlt.f32 v1, v35;
	v1 =	vshrl.u32 v54, $0x1  }
0x684: {  	v45 =	vsel vm2, v48, v45;
	vm3 =	vlt.f32 v59, v34;
	v54 =	vsel vm1, $0x600, v4;
	v56 =	vld.idx.msk [tilespmem:v53+s13+$0x0], $0xffff  }
0x685: {  	v44 =	vsel vm2, v44, v46;
	v48 =	vsel vm3, v61, v62;
	v50 =	vsel vm3, v50, v55;
	v55 =	vld.idx.msk [tilespmem:v57+s13+$0x0], $0xffff  }
0x686: {  	vm2 =	vlt.f32 v47, v26;
	v26 =	vmovc v25;
	v25 =	vmovc v23;
	v59 =	vadd.s32 v45, v44;
	v46 =	vadd.s32 $0xFFFFFFFF, v50  }
0x687: {  	v23 =	vmovc v34;
	v59 =	vshrl.u32 v59, $0x1;
	v47 =	vor.u32 v46, v48;
	v46 =	vxor.u32 v46, v48  }
0x688: {  	v40 =	vsel vm2, v41, v40;
	v60 =	vadd.s32 $0x1, v59;
	v46 =	vshrl.u32 v46, $0x1;
	v34 =	vld.idx.msk [tilespmem:v1+s13+$0x0], $0xffff  }
0x689: {  	v61 =	vperm.xlane v22, v0;
	v46 =	vsub.s32 v47, v46;
	v47 =	vmax.u32 v40, $0x1;
	v41 =	vld.idx.msk [tilespmem:v54+s13+$0x0], $0xffff  }
0x68a: {  	vm2 =	vlt.f32 v56, v33;
	v56 =	vadd.s32 $0x1, v53;
	v62 =	vor.u32 $0x1, v46  }
0x68b: {  	v8 =	vsel vm2, v56, v8;
	v49 =	vsel vm2, v49, v53;
	vm2 =	vlt.f32 v55, v25  }
0x68c: {  	v53 =	vadd.s32 v8, v49;
	v42 =	vsel vm2, v58, v42;
	v43 =	vsel vm2, v43, v57;
	v55 =	vld.idx.msk [tilespmem:v59+s13+$0x0], $0xffff  }
0x68d: {  	v56 =	vsel vm1, $0x401, v3;
	v53 =	vshrl.u32 v53, $0x1;
	v57 =	vadd.s32 v42, v43  }
0x68e: {  	v58 =	vsel vm1, $0x800, v2;
	vm1 =	vlt.f32 v34, v32;
	v34 =	vadd.s32 $0x1, v1;
	v63 =	vld.idx.msk [tilespmem:v46+s13+$0x0], $0xffff  }
0x68f: {  	vm2 =	vlt.f32 v41, v35;
	v34 =	vsel vm1, v34, v51;
	v1 =	vsel vm1, v52, v1  }
0x690: {  	v41 =	vor.u32 $0x1, v54;
	v51 =	vsel vm2, v58, v54;
	v52 =	vadd.s32 v34, v1  }
0x691: {  	v41 =	vsel vm2, v41, v56;
	v54 =	vadd.s32 $0xFFFFFFFF, v51;
	v52 =	vshrl.u32 v52, $0x1  }
0x692: {  	v57 =	vshrl.u32 v57, $0x1;
	v56 =	vxor.u32 v54, v41;
	vm1 =	vlt.f32 v55, v26;
	v58 =	vld.idx.msk [tilespmem:v53+s13+$0x0], $0xffff  }
0x693: {  	v54 =	vor.u32 v54, v41;
	v55 =	vshrl.u32 v56, $0x1;
	v56 =	vadd.s32 $0x1, v57  }
0x694: {  	v45 =	vsel vm1, v60, v45;
	v54 =	vsub.s32 v54, v55;
	vm2 =	vlt.f32 v63, v23  }
0x695: {  	v44 =	vsel vm1, v44, v59;
	v48 =	vsel vm2, v62, v48;
	v46 =	vsel vm2, v50, v46  }
0x696: {  	v60 =	vadd.s32 v45, v44;
	v55 =	vand.u32 v48, v46;
	v59 =	vxor.u32 v48, v46;
	v50 =	vld.idx.msk [tilespmem:v52+s13+$0x0], $0xffff  }
0x697: {  	v47 =	vsub.s32 v47, v5;
	v60 =	vshrl.u32 v60, $0x1;
	v59 =	vshrl.u32 v59, $0x1;
	v62 =	vld.idx.msk [tilespmem:v57+s13+$0x0], $0xffff  }
0x698: {  	vm1 =	vlt.f32 v58, v33;
	v58 =	vadd.s32 $0x1, v53;
	v55 =	vadd.s32 v59, v55  }
0x699: {  	v8 =	vsel vm1, v58, v8;
	v49 =	vsel vm1, v49, v53;
	v53 =	vadd.s32 $0x1, v55;
	v59 =	vld.idx.msk [tilespmem:v54+s13+$0x0], $0xffff  }
0x69a: {  	v58 =	vadd.s32 $0x1, v60;
	vm1 =	veq.s32 v40, $0x0;
	v49 =	vadd.s32 v8, v49  }
0x69b: {  	v39 =	vsel vm0, v31, v39;
	v31 =	vmovc v21;
	v21 =	vmovc v17;
	v40 =	vmin.u32 v40, $0x7FF;
	v49 =	vshrl.u32 v49, $0x1  }
0x69c: {  	v17 =	vmovc v14;
	v38 =	vsub.s32 v38, v40;
	vm2 =	vlt.f32 v50, v32;
	v50 =	vadd.s32 $0x1, v52;
	v63 =	vld.idx.msk [tilespmem:v60+s13+$0x0], $0xffff  }
0x69d: {  	v34 =	vsel vm2, v50, v34;
	v1 =	vsel vm2, v1, v52;
	vm2 =	vlt.f32 v62, v25;
	v40 =	vld.idx.msk [tilespmem:v55+s13+$0x0], $0xffff  }
0x69e: {  	v9 =	vadd.s32 v34, v1;
	v42 =	vsel vm2, v56, v42;
	v43 =	vsel vm2, v43, v57;
	v47 =	vld.idx.msk [tilespmem:v47+s13+$0x0], $0xffff  }
0x69f: {  	v14 =	vmovc v61;
	v50 =	vor.u32 $0x1, v54;
	vm2 =	vlt.f32 v59, v35;
	v52 =	vshrl.u32 v9, $0x1  }
0x6a0: {  	v56 =	vsel vm2, v50, v41;
	v54 =	vsel vm2, v51, v54;
	v50 =	vadd.s32 v42, v43;
	v41 =	vld.idx.msk [tilespmem:v49+s13+$0x0], $0xffff  }
0x6a1: {  	v38 =	vcvt.s32.f32 v38;
	v51 =	vxor.u32 v56, v54;
	v57 =	vshrl.u32 v50, $0x1  }
0x6a2: {  	v50 =	vand.u32 v56, v54;
	v51 =	vshrl.u32 v51, $0x1;
	v59 =	vadd.s32 $0x1, v57  }
0x6a3: {  	vm3 =	vlt.f32 v63, v26;
	v61 =	vadd.s32 v51, v50;
	vm2 =	vlt.f32 v40, v23  }
0x6a4: {  	v40 =	vsel vm3, v58, v45;
	v62 =	vsel vm2, v53, v48;
	v55 =	vsel vm2, v46, v55;
	v50 =	vld.idx.msk [tilespmem:v52+s13+$0x0], $0xffff  }
0x6a5: {  	v44 =	vsel vm3, v44, v60;
	v46 =	vmul.f32 v47, v12;
	v45 =	vadd.s32 v62, v55  }
0x6a6: {  	vm2 =	vlt.f32 v41, v33;
	v41 =	vadd.s32 $0x1, v49;
	v58 =	vshrl.u32 v45, $0x1;
	v33 =	vmovc v32;
	v32 =	vmovc v35;
	v45 =	vld.idx.msk [tilespmem:v57+s13+$0x0], $0xffff  }
0x6a7: {  	v8 =	vsel vm2, v41, v8;
	v35 =	vadd.s32 $0x1, v58;
	v41 =	vadd.s32 v40, v44  }
0x6a8: {  	v46 =	vsel vm1, $0x0, v46;
	v44 =	vmax.u32 v8, $0x1;
	v48 =	vshrl.u32 v41, $0x1;
	v47 =	vld.idx.msk [tilespmem:v61+s13+$0x0], $0xffff  }
0x6a9: {  	v51 =	vsub.s32 v44, v5;
	v41 =	vadd.s32 $0x1, v48;
	v44 =	vmax.f32 v30, v46;
	v30 =	vmovc v27;
	v27 =	vmovc v24  }
0x6aa: {  	v46 =	vadd.s32 $0x1, v52;
	v24 =	vmovc v39;
	vm1 =	vlt.f32 v50, v33;
	v44 =	vsub.f32 v20, v44;
	v20 =	vmovc v18  }
0x6ab: {  	v19 =	vadd.f32 v37, v19;
	v49 =	vsel vm1, v46, v34;
	v50 =	vsel vm1, v1, v52;
	v1 =	vld.idx.msk [tilespmem:v58+s13+$0x0], $0xffff  }
0x6ac: {  	v18 =	vmovc v16;
	v34 =	vadd.s32 v49, v50;
	vm1 =	vlt.f32 v45, v25;
	v37 =	vmul.f32 v38, v44  }
0x6ad: {  	v16 =	vmovc v15;
	v53 =	vshrl.u32 v34, $0x1;
	v45 =	vsel vm1, v59, v42;
	v44 =	vsel vm1, v43, v57;
	v15 =	vld [tilespmem:s25+$0xFFFFFFF0];
	s25 =	smov.u32 s26;
	s26 =	smov.u32 s29  }
0x6ae: {  	v34 =	vadd.s32 $0x1, v61;
	vm1 =	vlt.f32 v47, v32;
	v39 =	vadd.s32 v45, v44;
	v59 =	vld.idx.msk [tilespmem:v51+s13+$0x0], $0xffff  }
0x6af: {  	v51 =	vsel vm1, v34, v56;
	v52 =	vsel vm1, v54, v61;
	v46 =	vshrl.u32 v39, $0x1;
	v47 =	vld.idx.msk [tilespmem:v48+s13+$0x0], $0xffff  }
0x6b0: {  	v37 =	vmul.f32 v38, v37;
	v34 =	vadd.s32 v51, v52;
	v48 =	vadd.s32 $0x1, v46  }
0x6b1: {  	v38 =	vor.u32 s30, v7;
	s30 =	smov.u32 s28;
	s28 =	smov.u32 s24;
	s24 =	smov.u32 s23;
	v54 =	vshrl.u32 v34, $0x1;
	vm1 =	vlt.f32 v1, v23  }
0x6b2: {  	s23 =	smov.u32 s22;
	s22 =	smov.u32 s21;
	s21 =	smov.u32 s0;
	v42 =	vsel vm1, v35, v62;
	v43 =	vsel vm1, v55, v58;
	v1 =	vld.idx.msk [tilespmem:v53+s13+$0x0], $0xffff;
	v34 =	vmul.f32 v15, v10  }
0x6b3: {  	v39 =	vperm.xlane v15, v6;
	v35 =	vperm.xlane v15, v0;
	v57 =	vadd.s32 v42, v43  }
.Ltmp6:
0x6b4: {  	v60 =	vperm.xlane v29, v6;
	s1 =	sadd.s32 $0x10, s24;
	v59 =	vmul.f32 v59, v12;
	vm1 =	vlt.f32 v13, v34;
	v56 =	vld.idx.msk [tilespmem:v46+s13+$0x0], $0xffff;
	(pc) =	sbr.rel @p0 .LBB2_15-.Ltmp6, $4  }
0x6b5: {  	vm2 =	veq.s32 v8, $0x0;
	v61 =	vor.u32 s1, v7;
	v55 =	vsel vm1, $0x600, v4  }
0x6b6: {  	v8 =	vmin.u32 v8, $0x7FF;
	v35 =	vsel vm0, v35, v60;
	v62 =	vsel vm2, $0x0, v59;
	v58 =	vld.idx.msk [tilespmem:v54+s13+$0x0], $0xffff  }
0x6b7: {  	s29 =	sadd.s32 $0x20, s29;
	v8 =	vsub.s32 v61, v8;
	v59 =	vadd.s32 $0x1, v53;
	v35 =	vmax.f32 v35, v62  }
0x6b8: {  	s0 =	sadd.s32 $0x20, s0;
	vm2 =	vlt.f32 v1, v33;
	v60 =	vsub.f32 v29, v35;
	v35 =	vcvt.s32.f32 v8;
	v29 =	vmovc v28;
	v28 =	vmovc v22;
	v22 =	vld [tilespmem:s29+$0x0]  }
0x6b9: {  	_ =	sdelay $0x2  }
0x6ba: {  	v1 =	vsel vm2, v59, v49;
	v8 =	vsel vm2, v50, v53  }
0x6bb: {  	v49 =	vsel vm1, $0x800, v2;
	v50 =	vld.idx.msk [tilespmem:v2+s13+$0x0], $0xffff;
	v59 =	vor.u32 $0x1, v55;
	v62 =	vsel vm1, $0x401, v3  }
0x6bc: {  	v61 =	vld.idx.msk [tilespmem:v55+s13+$0x0], $0xffff;
	v57 =	vshrl.u32 v57, $0x1;
	v53 =	vadd.s32 v1, v8;
	v60 =	vmul.f32 v35, v60  }
0x6bd: {  	vm2 =	vlt.f32 v56, v25;
	v37 =	vadd.f32 v37, v19;
	v53 =	vshrl.u32 v53, $0x1  }
0x6be: {  	vm1 =	vlt.f32 v58, v32;
	v58 =	vadd.s32 $0x1, v54;
	v60 =	vmul.f32 v35, v60  }
0x6bf: {  	v51 =	vsel vm1, v58, v51;
	v52 =	vsel vm1, v52, v54;
	v35 =	vmul.f32 v22, v10  }
0x6c0: {  	v45 =	vsel vm2, v48, v45;
	v44 =	vsel vm2, v44, v46;
	v54 =	vadd.s32 v51, v52  }
0x6c1: {  	vm3 =	vlt.f32 v61, v34;
	vm1 =	vlt.f32 v50, v35;
	v50 =	vshrl.u32 v54, $0x1  }
0x6c2: {  	vm2 =	vlt.f32 v47, v26;
	v49 =	vsel vm3, v49, v55;
	v54 =	vsel vm1, $0x600, v4;
	v56 =	vld.idx.msk [tilespmem:v53+s13+$0x0], $0xffff  }
0x6c3: {  	v40 =	vsel vm2, v41, v40;
	v48 =	vsel vm3, v59, v62;
	v55 =	vadd.s32 $0xFFFFFFFF, v49  }
0x6c4: {  	v36 =	vadd.f32 v60, v36;
	v46 =	vld.idx.msk [tilespmem:v57+s13+$0x0], $0xffff;
	v60 =	vadd.s32 v45, v44;
	v61 =	vxor.u32 v55, v48  }
0x6c5: {  	v26 =	vor.u32 v55, v48;
	v55 =	vshrl.u32 v60, $0x1;
	v47 =	vshrl.u32 v61, $0x1  }
0x6c6: {  	v58 =	vadd.s32 $0x1, v57;
	v62 =	vadd.s32 $0x1, v53;
	v26 =	vsub.s32 v26, v47;
	v59 =	vld.idx.msk [tilespmem:v50+s13+$0x0], $0xffff  }
0x6c7: {  	v60 =	vadd.s32 $0x1, v55;
	v47 =	vor.u32 $0x1, v26;
	v41 =	vld.idx.msk [tilespmem:v54+s13+$0x0], $0xffff;
	vm2 =	vlt.f32 v56, v33  }
0x6c8: {  	v56 =	vmax.u32 v40, $0x1;
	v1 =	vsel vm2, v62, v1;
	v8 =	vsel vm2, v8, v53  }
0x6c9: {  	vm2 =	vlt.f32 v46, v23;
	v53 =	vsel vm1, $0x401, v3;
	v63 =	vadd.s32 v1, v8  }
0x6ca: {  	v42 =	vsel vm2, v58, v42;
	v43 =	vsel vm2, v43, v57;
	v57 =	vld.idx.msk [tilespmem:v55+s13+$0x0], $0xffff;
	v58 =	vadd.s32 $0x1, v50  }
0x6cb: {  	v46 =	vshrl.u32 v63, $0x1;
	v61 =	vld.idx.msk [tilespmem:v26+s13+$0x0], $0xffff;
	vm2 =	vlt.f32 v59, v32;
	v59 =	vsel vm1, $0x800, v2  }
0x6cc: {  	vm1 =	vlt.f32 v41, v35;
	v41 =	vsel vm2, v58, v51;
	v50 =	vsel vm2, v52, v50  }
0x6cd: {  	v58 =	vor.u32 $0x1, v54;
	v52 =	vsel vm1, v59, v54;
	v62 =	vadd.s32 v41, v50  }
0x6ce: {  	v51 =	vsel vm1, v58, v53;
	v58 =	vadd.s32 v42, v43;
	v53 =	vadd.s32 $0xFFFFFFFF, v52  }
0x6cf: {  	v54 =	vshrl.u32 v62, $0x1;
	v58 =	vshrl.u32 v58, $0x1;
	vm1 =	vlt.f32 v57, v25  }
0x6d0: {  	v59 =	vxor.u32 v53, v51;
	v53 =	vor.u32 v53, v51;
	vm2 =	vlt.f32 v61, v34  }
0x6d1: {  	v62 =	vld.idx.msk [tilespmem:v46+s13+$0x0], $0xffff;
	v45 =	vsel vm1, v60, v45;
	v44 =	vsel vm1, v44, v55;
	v61 =	vadd.s32 $0x1, v46  }
0x6d2: {  	v63 =	vshrl.u32 v59, $0x1;
	v47 =	vsel vm2, v47, v48;
	v48 =	vsel vm2, v49, v26  }
0x6d3: {  	v59 =	vadd.s32 $0x1, v58;
	v53 =	vsub.s32 v53, v63;
	v26 =	vxor.u32 v47, v48  }
0x6d4: {  	v57 =	vadd.s32 v45, v44;
	v55 =	vand.u32 v47, v48;
	v26 =	vshrl.u32 v26, $0x1;
	v49 =	vld.idx.msk [tilespmem:v54+s13+$0x0], $0xffff  }
0x6d5: {  	v57 =	vshrl.u32 v57, $0x1;
	v55 =	vadd.s32 v26, v55;
	v26 =	vsel vm0, v31, v39  }
0x6d6: {  	v60 =	vld.idx.msk [tilespmem:v58+s13+$0x0], $0xffff;
	v31 =	vadd.s32 $0x1, v54;
	vm1 =	vlt.f32 v62, v33;
	v62 =	vadd.s32 $0x1, v57  }
0x6d7: {  	v1 =	vsel vm1, v61, v1;
	v8 =	vsel vm1, v8, v46;
	v46 =	vsub.s32 v56, v5  }
0x6d8: {  	v61 =	vadd.s32 $0x1, v55;
	vm1 =	veq.s32 v40, $0x0;
	v40 =	vmin.u32 v40, $0x7FF;
	v56 =	vld.idx.msk [tilespmem:v53+s13+$0x0], $0xffff  }
0x6d9: {  	v8 =	vadd.s32 v1, v8;
	v38 =	vsub.s32 v38, v40;
	vm2 =	vlt.f32 v49, v32  }
0x6da: {  	v8 =	vshrl.u32 v8, $0x1;
	v31 =	vsel vm2, v31, v41;
	v39 =	vsel vm2, v50, v54;
	v41 =	vld.idx.msk [tilespmem:v55+s13+$0x0], $0xffff  }
0x6db: {  	v38 =	vcvt.s32.f32 v38;
	vm2 =	vlt.f32 v60, v23;
	v50 =	vld.idx.msk [tilespmem:v57+s13+$0x0], $0xffff;
	v63 =	vadd.s32 v31, v39  }
0x6dc: {  	v42 =	vsel vm2, v59, v42;
	v59 =	vor.u32 $0x1, v53;
	v43 =	vsel vm2, v43, v58  }
0x6dd: {  	v46 =	vld.idx.msk [tilespmem:v46+s13+$0x0], $0xffff;
	vm3 =	vlt.f32 v56, v35;
	v49 =	vshrl.u32 v63, $0x1;
	v60 =	vadd.s32 v42, v43  }
0x6de: {  	v51 =	vsel vm3, v59, v51;
	v52 =	vsel vm3, v52, v53;
	v53 =	vshrl.u32 v60, $0x1  }
0x6df: {  	v40 =	vld.idx.msk [tilespmem:v8+s13+$0x0], $0xffff;
	v8 =	vadd.s32 $0x1, v8;
	v54 =	vxor.u32 v51, v52;
	v63 =	vand.u32 v51, v52  }
0x6e0: {  	v54 =	vshrl.u32 v54, $0x1;
	vm2 =	vlt.f32 v41, v34;
	vm3 =	vlt.f32 v50, v25  }
0x6e1: {  	v50 =	vadd.s32 $0x1, v53;
	v54 =	vadd.s32 v54, v63;
	v47 =	vsel vm2, v61, v47  }
0x6e2: {  	v48 =	vsel vm2, v48, v55;
	v45 =	vsel vm3, v62, v45;
	v46 =	vmul.f32 v46, v12;
	v41 =	vld.idx.msk [tilespmem:v49+s13+$0x0], $0xffff  }
0x6e3: {  	v60 =	vsel vm3, v44, v57;
	v57 =	vadd.s32 $0x1, v49;
	v55 =	vadd.s32 v47, v48  }
0x6e4: {  	vm2 =	vlt.f32 v40, v33;
	v61 =	vshrl.u32 v55, $0x1;
	v62 =	vld.idx.msk [tilespmem:v53+s13+$0x0], $0xffff;
	v46 =	vsel vm1, $0x0, v46  }
0x6e5: {  	v33 =	vadd.s32 v45, v60;
	v1 =	vsel vm2, v8, v1;
	v8 =	vadd.s32 $0x1, v61  }
0x6e6: {  	v30 =	vmax.f32 v30, v46;
	v33 =	vshrl.u32 v33, $0x1;
	v63 =	vmax.u32 v1, $0x1;
	v56 =	vld.idx.msk [tilespmem:v54+s13+$0x0], $0xffff  }
0x6e7: {  	v20 =	vsub.f32 v20, v30;
	v46 =	vadd.s32 $0x1, v33;
	vm1 =	vlt.f32 v41, v32  }
0x6e8: {  	v55 =	vsub.s32 v63, v5;
	v41 =	vsel vm1, v57, v31;
	v39 =	vsel vm1, v39, v49  }
0x6e9: {  	s0 =	sadd.s32 $0x10, s23;
	v20 =	vmul.f32 v38, v20;
	v31 =	vld [tilespmem:s25+$0xFFFFFFF0];
	vm1 =	vlt.f32 v62, v23;
	v30 =	vadd.s32 v41, v39  }
0x6ea: {  	v58 =	vld.idx.msk [tilespmem:v61+s13+$0x0], $0xffff;
	v62 =	vor.u32 s0, v7;
	v42 =	vsel vm1, v50, v42;
	v44 =	vshrl.u32 v30, $0x1  }
0x6eb: {  	v43 =	vsel vm1, v43, v53;
	v30 =	vadd.s32 $0x1, v54;
	vm1 =	vlt.f32 v56, v35  }
0x6ec: {  	v53 =	vadd.s32 v42, v43;
	v51 =	vsel vm1, v30, v51;
	v52 =	vsel vm1, v52, v54  }
0x6ed: {  	v38 =	vmul.f32 v38, v20;
	v59 =	vld.idx.msk [tilespmem:v55+s13+$0x0], $0xffff;
	v53 =	vshrl.u32 v53, $0x1;
	v54 =	vadd.s32 v51, v52  }
0x6ee: {  	v63 =	vadd.s32 $0x1, v44;
	v30 =	vmul.f32 v31, v10;
	v54 =	vshrl.u32 v54, $0x1  }
0x6ef: {  	v56 =	vor.u32 s30, v7;
	v19 =	vadd.s32 $0x1, v53;
	vm1 =	vlt.f32 v58, v34;
	v55 =	vld.idx.msk [tilespmem:v44+s13+$0x0], $0xffff  }
0x6f0: {  	v8 =	vsel vm1, v8, v47;
	v20 =	vsel vm1, v48, v61;
	vm2 =	vlt.f32 v13, v30  }
0x6f1: {  	v47 =	vperm.xlane v31, v0;
	v61 =	vperm.xlane v29, v6;
	v40 =	vsel vm2, $0x600, v4  }
0x6f2: {  	vm1 =	veq.s32 v1, $0x0;
	v1 =	vmin.u32 v1, $0x7FF;
	v60 =	vmul.f32 v59, v12  }
0x6f3: {  	v48 =	vadd.s32 v8, v20;
	v1 =	vsub.s32 v62, v1;
	v47 =	vsel vm0, v47, v61;
	v57 =	vld.idx.msk [tilespmem:v54+s13+$0x0], $0xffff  }
0x6f4: {  	v1 =	vcvt.s32.f32 v1;
	v49 =	vsel vm1, $0x0, v60;
	vm1 =	vlt.f32 v55, v32  }
0x6f5: {  	v58 =	vmax.f32 v47, v49;
	v55 =	vld.idx.msk [tilespmem:v53+s13+$0x0], $0xffff;
	v41 =	vsel vm1, v63, v41;
	v39 =	vsel vm1, v39, v44  }
0x6f6: {  	v48 =	vshrl.u32 v48, $0x1;
	v29 =	vsub.f32 v29, v58;
	v49 =	vld.idx.msk [tilespmem:v40+s13+$0x0], $0xffff;
	v59 =	vadd.s32 v41, v39  }
0x6f7: {  	v62 =	vsel vm2, $0x401, v3;
	v61 =	vor.u32 $0x1, v40;
	v44 =	vshrl.u32 v59, $0x1  }
0x6f8: {  	v63 =	vadd.s32 $0x1, v54;
	v29 =	vmul.f32 v1, v29;
	vm1 =	vlt.f32 v57, v35  }
0x6f9: {  	v60 =	vsel vm2, $0x800, v2;
	v51 =	vsel vm1, v63, v51;
	v52 =	vsel vm1, v52, v54  }
0x6fa: {  	v1 =	vmul.f32 v1, v29;
	v29 =	vadd.s32 $0x1, v44;
	v54 =	vadd.s32 v51, v52  }
0x6fb: {  	vm1 =	vlt.f32 v55, v23;
	v63 =	vld.idx.msk [tilespmem:v48+s13+$0x0], $0xffff;
	vm2 =	vlt.f32 v49, v30;
	v49 =	vshrl.u32 v54, $0x1  }
0x6fc: {  	v42 =	vsel vm1, v19, v42;
	v43 =	vsel vm1, v43, v53;
	v40 =	vsel vm2, v60, v40;
	v54 =	vld.idx.msk [tilespmem:v44+s13+$0x0], $0xffff  }
0x6fd: {  	v33 =	vld.idx.msk [tilespmem:v33+s13+$0x0], $0xffff;
	v47 =	vsel vm2, v61, v62;
	v60 =	vadd.s32 v42, v43;
	v19 =	vadd.s32 $0xFFFFFFFF, v40  }
0x6fe: {  	v50 =	vshrl.u32 v60, $0x1;
	v61 =	vxor.u32 v19, v47;
	v62 =	vor.u32 v19, v47;
	v19 =	vld [tilespmem:s26+$0xFFFFFFF0]  }
0x6ff: {  	v55 =	vperm.xlane v31, v6;
	v36 =	vadd.f32 v1, v36;
	v53 =	vshrl.u32 v61, $0x1  }
0x700: {  	v61 =	vadd.s32 $0x1, v48;
	vm2 =	vlt.f32 v63, v34;
	v53 =	vsub.s32 v62, v53;
	v60 =	vld.idx.msk [tilespmem:v49+s13+$0x0], $0xffff  }
0x701: {  	v63 =	vadd.s32 $0x1, v49;
	v8 =	vsel vm2, v61, v8;
	vm1 =	vlt.f32 v54, v32  }
0x702: {  	v1 =	vsel vm1, v29, v41;
	v39 =	vsel vm1, v39, v44;
	vm1 =	vlt.f32 v33, v25  }
0x703: {  	v33 =	vld.idx.msk [tilespmem:v50+s13+$0x0], $0xffff;
	v29 =	vmul.f32 v19, v10;
	v41 =	vsel vm2, v20, v48;
	v25 =	vadd.s32 v1, v39  }
0x704: {  	v44 =	vsel vm1, v46, v45;
	v45 =	vadd.s32 $0x1, v50;
	v25 =	vshrl.u32 v25, $0x1  }
0x705: {  	v61 =	vadd.s32 v8, v41;
	v62 =	vld.idx.msk [tilespmem:v53+s13+$0x0], $0xffff;
	vm1 =	vlt.f32 v13, v29;
	vm3 =	vlt.f32 v60, v35  }
0x706: {  	v46 =	vmax.u32 v44, $0x1;
	v49 =	vsel vm3, v52, v49;
	v52 =	vsel vm1, $0x600, v4  }
0x707: {  	v57 =	vshrl.u32 v61, $0x1;
	v60 =	vor.u32 $0x1, v53;
	v51 =	vsel vm3, v63, v51  }
0x708: {  	v54 =	vadd.s32 $0x1, v57;
	v20 =	vadd.s32 v51, v49;
	vm2 =	vlt.f32 v33, v23  }
0x709: {  	v59 =	vsel vm1, $0x800, v2;
	v58 =	vshrl.u32 v20, $0x1;
	v42 =	vsel vm2, v45, v42;
	v20 =	vld.idx.msk [tilespmem:v25+s13+$0x0], $0xffff  }
0x70a: {  	v43 =	vsel vm2, v43, v50;
	v45 =	vor.u32 $0x1, v52;
	vm3 =	vlt.f32 v62, v30  }
0x70b: {  	v50 =	vadd.s32 v42, v43;
	v47 =	vsel vm3, v60, v47;
	v40 =	vsel vm3, v40, v53;
	v63 =	vld.idx.msk [tilespmem:v52+s13+$0x0], $0xffff  }
0x70c: {  	v50 =	vshrl.u32 v50, $0x1;
	v60 =	vsel vm1, $0x401, v3;
	vm1 =	veq.s32 v44, $0x0  }
0x70d: {  	v44 =	vmin.u32 v44, $0x7FF;
	v62 =	vxor.u32 v47, v40;
	v48 =	vand.u32 v47, v40  }
0x70e: {  	v44 =	vsub.s32 v56, v44;
	vm2 =	vlt.f32 v20, v32;
	v20 =	vadd.s32 $0x1, v25  }
0x70f: {  	v33 =	vshrl.u32 v62, $0x1;
	v1 =	vsel vm2, v20, v1;
	v20 =	vsel vm2, v39, v25;
	v25 =	vld.idx.msk [tilespmem:v58+s13+$0x0], $0xffff  }
0x710: {  	v48 =	vadd.s32 v33, v48;
	v33 =	vadd.s32 v1, v20;
	vm2 =	vlt.f32 v63, v29;
	v20 =	vld [tilespmem:s29+$0xFFFFFFF0]  }
0x711: {  	v53 =	vadd.s32 $0x1, v50;
	v44 =	vcvt.s32.f32 v44;
	v52 =	vsel vm2, v59, v52  }
0x712: {  	v39 =	vsub.s32 v46, v5;
	v59 =	vld.idx.msk [tilespmem:v57+s13+$0x0], $0xffff;
	v45 =	vsel vm2, v45, v60;
	v60 =	vadd.s32 $0xFFFFFFFF, v52  }
0x713: {  	v61 =	vshrl.u32 v33, $0x1;
	v33 =	vsel vm0, v21, v55;
	v21 =	vxor.u32 v60, v45  }
0x714: {  	vm2 =	vlt.f32 v25, v35;
	v25 =	vor.u32 v60, v45;
	v21 =	vshrl.u32 v21, $0x1  }
0x715: {  	v55 =	vadd.s32 $0x1, v58;
	v60 =	vld.idx.msk [tilespmem:v48+s13+$0x0], $0xffff;
	v21 =	vsub.s32 v25, v21;
	v25 =	vmul.f32 v20, v10  }
0x716: {  	v46 =	vadd.s32 $0x1, v48;
	v62 =	vld.idx.msk [tilespmem:v50+s13+$0x0], $0xffff;
	v51 =	vsel vm2, v55, v51;
	v49 =	vsel vm2, v49, v58  }
0x717: {  	v56 =	vld.idx.msk [tilespmem:v39+s13+$0x0], $0xffff;
	vm3 =	vlt.f32 v59, v34;
	v55 =	vadd.s32 v51, v49;
	vm2 =	vlt.f32 v13, v25  }
0x718: {  	v8 =	vsel vm3, v54, v8;
	v13 =	vsel vm3, v41, v57;
	v54 =	vsel vm2, $0x600, v4  }
0x719: {  	v41 =	vld.idx.msk [tilespmem:v61+s13+$0x0], $0xffff;
	v55 =	vshrl.u32 v55, $0x1;
	v59 =	vadd.s32 v8, v13;
	v58 =	vsel vm2, $0x800, v2  }
0x71a: {  	v57 =	vshrl.u32 v59, $0x1;
	vm3 =	vlt.f32 v60, v30;
	v59 =	vadd.s32 $0x1, v61  }
0x71b: {  	v61 =	vor.u32 $0x1, v21;
	v63 =	vld.idx.msk [tilespmem:v21+s13+$0x0], $0xffff;
	v46 =	vsel vm3, v46, v47;
	v40 =	vsel vm3, v40, v48  }
0x71c: {  	vm3 =	vlt.f32 v62, v23;
	v47 =	vadd.s32 $0x1, v57;
	v48 =	vmul.f32 v56, v12  }
0x71d: {  	v39 =	vsel vm3, v53, v42;
	v53 =	vadd.s32 v46, v40;
	v43 =	vsel vm3, v43, v50;
	v60 =	vld.idx.msk [tilespmem:v54+s13+$0x0], $0xffff  }
0x71e: {  	vm3 =	vlt.f32 v41, v32;
	v42 =	vshrl.u32 v53, $0x1;
	v48 =	vsel vm1, $0x0, v48  }
0x71f: {  	v1 =	vsel vm3, v59, v1;
	v59 =	vor.u32 $0x1, v54;
	v27 =	vmax.f32 v27, v48  }
0x720: {  	v62 =	vmax.u32 v1, $0x1;
	v18 =	vsub.f32 v18, v27;
	vm3 =	vlt.f32 v63, v29  }
0x721: {  	v45 =	vsel vm3, v61, v45;
	v50 =	vsel vm3, v52, v21;
	v21 =	vadd.s32 v39, v43  }
0x722: {  	v41 =	vld.idx.msk [tilespmem:v57+s13+$0x0], $0xffff;
	v43 =	vsub.s32 v62, v5;
	v52 =	vand.u32 v45, v50;
	vm3 =	vlt.f32 v60, v25  }
0x723: {  	v53 =	vld.idx.msk [tilespmem:v55+s13+$0x0], $0xffff;
	v56 =	vxor.u32 v45, v50;
	v60 =	vsel vm2, $0x401, v3;
	v54 =	vsel vm3, v58, v54  }
0x724: {  	v56 =	vshrl.u32 v56, $0x1;
	v58 =	vsel vm3, v59, v60;
	v59 =	vadd.s32 $0xFFFFFFFF, v54  }
0x725: {  	v60 =	vshrl.u32 v21, $0x1;
	v52 =	vadd.s32 v56, v52;
	v21 =	vxor.u32 v59, v58  }
0x726: {  	v32 =	vadd.s32 $0x1, v42;
	v63 =	vor.u32 v59, v58;
	v21 =	vshrl.u32 v21, $0x1  }
0x727: {  	v62 =	vmul.f32 v44, v18;
	v61 =	vld.idx.msk [tilespmem:v42+s13+$0x0], $0xffff;
	vm2 =	vlt.f32 v41, v34;
	v48 =	vsub.s32 v63, v21  }
0x728: {  	vm1 =	vlt.f32 v53, v35;
	v41 =	vsel vm2, v13, v57;
	v13 =	vld.idx.msk [tilespmem:v43+s13+$0x0], $0xffff;
	v21 =	vadd.s32 $0x1, v55  }
0x729: {  	s26 =	sadd.s32 $0x10, s22;
	v18 =	vadd.f32 v38, v37;
	v43 =	vsel vm1, v49, v55;
	v27 =	vsel vm1, v21, v51  }
0x72a: {  	v53 =	vor.u32 s26, v7;
	v8 =	vsel vm2, v47, v8;
	v47 =	vld.idx.msk [tilespmem:v52+s13+$0x0], $0xffff;
	v49 =	vadd.s32 v27, v43  }
0x72b: {  	v37 =	vmul.f32 v44, v62;
	vm2 =	veq.s32 v1, $0x0;
	v38 =	vshrl.u32 v49, $0x1  }
0x72c: {  	v1 =	vmin.u32 v1, $0x7FF;
	v63 =	vperm.xlane v19, v0;
	v21 =	vadd.s32 v8, v41;
	v56 =	vld.idx.msk [tilespmem:v48+s13+$0x0], $0xffff  }
0x72d: {  	vm1 =	vlt.f32 v61, v30;
	v61 =	vperm.xlane v28, v6;
	v13 =	vmul.f32 v13, v12  }
0x72e: {  	s31 =	simm.s32 $0x1990;
	v62 =	vadd.s32 $0x1, v52;
	v1 =	vsub.s32 v53, v1;
	v55 =	vshrl.u32 v21, $0x1  }
0x72f: {  	v21 =	vld [tilespmem:s31+$0x0];
	v44 =	vsel vm0, v63, v61;
	vm3 =	vlt.f32 v47, v29;
	v47 =	vsel vm2, $0x0, v13  }
0x730: {  	v13 =	vor.u32 $0x1, v48;
	v45 =	vsel vm3, v62, v45;
	v50 =	vsel vm3, v50, v52;
	v52 =	vld.idx.msk [tilespmem:v38+s13+$0x0], $0xffff  }
0x731: {  	v51 =	vld.idx.msk [tilespmem:v2+s12+$0x0], $0xffff;
	v44 =	vmax.f32 v44, v47;
	v63 =	vadd.s32 v45, v50;
	vm2 =	vlt.f32 v56, v25  }
0x732: {  	v57 =	vsel vm2, v13, v58;
	v48 =	vsel vm2, v54, v48;
	v54 =	vshrl.u32 v63, $0x1  }
0x733: {  	v1 =	vcvt.s32.f32 v1;
	v28 =	vsub.f32 v28, v44;
	v13 =	vxor.u32 v57, v48  }
0x734: {  	v61 =	vand.u32 v57, v48;
	v62 =	vshrl.u32 v13, $0x1;
	v13 =	vmul.f32 v21, v12  }
0x735: {  	v56 =	vadd.s32 $0x1, v38;
	vm3 =	vlt.f32 v52, v35;
	v47 =	vadd.s32 v62, v61  }
0x736: {  	v63 =	vld.idx.msk [tilespmem:v55+s13+$0x0], $0xffff;
	v44 =	vsel vm3, v56, v27;
	v38 =	vsel vm3, v43, v38;
	vm2 =	vle.f32 v51, v13  }
0x737: {  	v27 =	vmul.f32 v1, v28;
	v58 =	vadd.s32 v44, v38;
	v51 =	vsel vm2, $0x600, v4;
	v28 =	vld.idx.msk [tilespmem:v54+s13+$0x0], $0xffff  }
0x738: {  	v59 =	vadd.s32 $0x1, v60;
	v40 =	vsel vm1, v40, v42;
	v42 =	vshrl.u32 v58, $0x1  }
0x739: {  	v32 =	vsel vm1, v32, v46;
	v49 =	vadd.s32 $0x1, v55;
	v1 =	vmul.f32 v1, v27  }
0x73a: {  	v52 =	vperm.xlane v19, v6;
	v62 =	vadd.s32 $0x1, v54;
	v27 =	vadd.s32 v32, v40;
	v61 =	vld.idx.msk [tilespmem:v47+s13+$0x0], $0xffff  }
0x73b: {  	vm1 =	vlt.f32 v63, v34;
	v53 =	vshrl.u32 v27, $0x1;
	v27 =	vadd.f32 v1, v36  }
0x73c: {  	v1 =	vsel vm1, v49, v8;
	v36 =	vsel vm1, v41, v55;
	v8 =	vld.idx.msk [tilespmem:v51+s12+$0x0], $0xffff;
	vm1 =	vlt.f32 v28, v29  }
0x73d: {  	v28 =	vadd.s32 v1, v36;
	v49 =	vld.idx.msk [tilespmem:v42+s13+$0x0], $0xffff;
	v41 =	vsel vm1, v62, v45;
	v45 =	vsel vm1, v50, v54  }
0x73e: {  	v63 =	vadd.s32 $0x1, v47;
	v28 =	vshrl.u32 v28, $0x1;
	v50 =	vadd.s32 v41, v45  }
0x73f: {  	v58 =	vsel vm2, $0x800, v2;
	vm1 =	vlt.f32 v61, v25;
	v46 =	vshrl.u32 v50, $0x1  }
0x740: {  	v61 =	vor.u32 $0x1, v51;
	v50 =	vsel vm1, v63, v57;
	v47 =	vsel vm1, v48, v47  }
0x741: {  	vm1 =	vle.f32 v8, v13;
	v8 =	vld.idx.msk [tilespmem:v60+s13+$0x0], $0xffff;
	v60 =	vsel vm2, $0x401, v3;
	v62 =	vadd.s32 v50, v47  }
0x742: {  	v48 =	vsel vm1, v58, v51;
	v51 =	vld.idx.msk [tilespmem:v53+s13+$0x0], $0xffff;
	v54 =	vsel vm1, v61, v60;
	vm1 =	vlt.f32 v49, v35  }
0x743: {  	v49 =	vshrl.u32 v62, $0x1;
	v61 =	vadd.s32 $0x1, v42;
	v62 =	vld.idx.msk [tilespmem:v28+s13+$0x0], $0xffff;
	v63 =	vadd.s32 $0xFFFFFFFF, v48  }
0x744: {  	v43 =	vor.u32 s28, v7;
	v44 =	vsel vm1, v61, v44;
	v60 =	vxor.u32 v63, v54  }
0x745: {  	v38 =	vsel vm1, v38, v42;
	v55 =	vor.u32 v63, v54;
	v56 =	vshrl.u32 v60, $0x1  }
0x746: {  	v63 =	vadd.s32 $0x1, v53;
	v60 =	vadd.s32 $0x1, v28;
	v42 =	vsub.s32 v55, v56  }
0x747: {  	vm1 =	vlt.f32 v8, v23;
	v8 =	vadd.s32 v44, v38;
	v23 =	vld.idx.msk [tilespmem:v46+s13+$0x0], $0xffff;
	vm2 =	vlt.f32 v51, v30  }
0x748: {  	v8 =	vshrl.u32 v8, $0x1;
	v39 =	vsel vm1, v59, v39;
	vm1 =	vlt.f32 v62, v34  }
0x749: {  	v62 =	vadd.s32 $0x1, v46;
	v51 =	vsel vm2, v63, v32;
	v40 =	vsel vm2, v40, v53;
	v32 =	vld.idx.msk [tilespmem:v49+s13+$0x0], $0xffff  }
0x74a: {  	v53 =	vmax.u32 v39, $0x1;
	v1 =	vsel vm1, v60, v1;
	v28 =	vsel vm1, v36, v28  }
0x74b: {  	v60 =	vadd.s32 $0x1, v49;
	v55 =	vadd.s32 v51, v40;
	v56 =	vadd.s32 v1, v28;
	v61 =	vld.idx.msk [tilespmem:v42+s12+$0x0], $0xffff  }
0x74c: {  	v53 =	vsub.s32 v53, v5;
	v55 =	vshrl.u32 v55, $0x1;
	vm1 =	vlt.f32 v23, v29  }
0x74d: {  	v56 =	vshrl.u32 v56, $0x1;
	v63 =	vld.idx.msk [tilespmem:v8+s13+$0x0], $0xffff;
	v41 =	vsel vm1, v62, v41;
	v45 =	vsel vm1, v45, v46  }
0x74e: {  	v57 =	vadd.s32 $0x1, v55;
	v23 =	vadd.s32 v41, v45;
	vm1 =	vlt.f32 v32, v25  }
0x74f: {  	s1 =	simm.s32 $0x19B0;
	v62 =	vadd.s32 $0x1, v56;
	v59 =	vshrl.u32 v23, $0x1;
	v46 =	vsel vm1, v60, v50  }
0x750: {  	v47 =	vsel vm1, v47, v49;
	v23 =	vld [tilespmem:s1+$0x0];
	vm1 =	vle.f32 v61, v13;
	v61 =	vor.u32 $0x1, v42  }
0x751: {  	v36 =	vld.idx.msk [tilespmem:v55+s13+$0x0], $0xffff;
	v49 =	vadd.s32 v46, v47;
	v50 =	vsel vm1, v61, v54;
	v42 =	vsel vm1, v48, v42  }
0x752: {  	vm1 =	vlt.f32 v63, v35;
	v48 =	vshrl.u32 v49, $0x1;
	v49 =	vld.idx.msk [tilespmem:v2+s12+$0x0], $0xffff;
	v54 =	vadd.s32 $0x1, v8  }
0x753: {  	v58 =	vld.idx.msk [tilespmem:v56+s13+$0x0], $0xffff;
	v32 =	vxor.u32 v50, v42;
	v60 =	vand.u32 v50, v42;
	v44 =	vsel vm1, v54, v44  }
0x754: {  	v8 =	vsel vm1, v38, v8;
	vm1 =	veq.s32 v39, $0x0;
	v32 =	vshrl.u32 v32, $0x1  }
0x755: {  	v8 =	vadd.s32 v44, v8;
	v54 =	vadd.s32 v32, v60;
	v32 =	vmul.f32 v23, v12  }
0x756: {  	v60 =	vld.idx.msk [tilespmem:v59+s13+$0x0], $0xffff;
	v8 =	vshrl.u32 v8, $0x1;
	vm3 =	vlt.f32 v36, v30;
	v36 =	vsel vm0, v17, v52  }
0x757: {  	v17 =	vmin.u32 v39, $0x7FF;
	v39 =	vld.idx.msk [tilespmem:v53+s13+$0x0], $0xffff;
	v51 =	vsel vm3, v57, v51;
	vm2 =	vle.f32 v49, v32  }
0x758: {  	v40 =	vsel vm3, v40, v55;
	vm3 =	vlt.f32 v58, v34;
	v63 =	vld.idx.msk [tilespmem:v48+s13+$0x0], $0xffff;
	v49 =	vsel vm2, $0x600, v4  }
0x759: {  	v58 =	vadd.s32 $0x1, v59;
	v17 =	vsub.s32 v43, v17;
	v38 =	vsel vm3, v62, v1  }
0x75a: {  	v28 =	vsel vm3, v28, v56;
	v61 =	vadd.s32 v51, v40;
	v62 =	vadd.s32 $0x1, v48  }
0x75b: {  	v17 =	vcvt.s32.f32 v17;
	v53 =	vshrl.u32 v61, $0x1;
	v28 =	vadd.s32 v38, v28;
	v1 =	vld.idx.msk [tilespmem:v54+s12+$0x0], $0xffff  }
0x75c: {  	v61 =	vor.u32 $0x1, v49;
	vm3 =	vlt.f32 v60, v29;
	v60 =	vld.idx.msk [tilespmem:v8+s13+$0x0], $0xffff;
	v39 =	vmul.f32 v39, v12  }
0x75d: {  	v41 =	vsel vm3, v58, v41;
	v45 =	vsel vm3, v45, v59;
	vm3 =	vlt.f32 v63, v25;
	v63 =	vld.idx.msk [tilespmem:v49+s12+$0x0], $0xffff  }
0x75e: {  	v8 =	vadd.s32 $0x1, v8;
	v59 =	vsel vm2, $0x401, v3;
	v57 =	vadd.s32 v41, v45  }
0x75f: {  	v39 =	vsel vm1, $0x0, v39;
	v46 =	vsel vm3, v62, v46;
	v47 =	vsel vm3, v47, v48  }
0x760: {  	v58 =	vadd.s32 v46, v47;
	vm3 =	vle.f32 v1, v13;
	v1 =	vadd.s32 $0x1, v54  }
0x761: {  	v1 =	vsel vm3, v1, v50;
	v42 =	vsel vm3, v42, v54;
	vm3 =	vlt.f32 v60, v35  }
0x762: {  	v35 =	vshrl.u32 v57, $0x1;
	v60 =	vsel vm2, $0x800, v2;
	vm2 =	vle.f32 v63, v32  }
0x763: {  	v48 =	vadd.s32 $0x1, v53;
	v43 =	vshrl.u32 v58, $0x1;
	v54 =	vld.idx.msk [tilespmem:v53+s13+$0x0], $0xffff;
	v49 =	vsel vm2, v60, v49  }
0x764: {  	v62 =	vadd.s32 v1, v42;
	v50 =	vsel vm2, v61, v59;
	v63 =	vadd.s32 $0xFFFFFFFF, v49  }
0x765: {  	v8 =	vsel vm3, v8, v44;
	v44 =	vshrl.u32 v62, $0x1;
	v60 =	vxor.u32 v63, v50  }
0x766: {  	v24 =	vmax.f32 v24, v39;
	v52 =	vor.u32 v63, v50;
	v55 =	vshrl.u32 v60, $0x1  }
0x767: {  	v24 =	vsub.f32 v16, v24;
	v62 =	vmax.u32 v8, $0x1;
	v61 =	vld.idx.msk [tilespmem:v35+s13+$0x0], $0xffff;
	v52 =	vsub.s32 v52, v55  }
0x768: {  	v63 =	vld.idx.msk [tilespmem:v43+s13+$0x0], $0xffff;
	vm1 =	vlt.f32 v54, v30;
	v55 =	vshrl.u32 v28, $0x1;
	v28 =	vsub.s32 v62, v5  }
0x769: {  	v16 =	vadd.f32 v37, v18;
	v37 =	vsel vm1, v48, v51;
	v40 =	vsel vm1, v40, v53  }
0x76a: {  	v58 =	vadd.s32 $0x1, v43;
	v24 =	vmul.f32 v17, v24;
	v18 =	vld.idx.msk [tilespmem:v44+s12+$0x0], $0xffff;
	v48 =	vadd.s32 v37, v40  }
0x76b: {  	v54 =	vadd.s32 $0x1, v35;
	v62 =	vperm.xlane v22, v6;
	v48 =	vshrl.u32 v48, $0x1  }
0x76c: {  	v57 =	vadd.s32 $0x1, v55;
	v60 =	vadd.s32 $0x1, v48;
	vm1 =	vlt.f32 v61, v29;
	v56 =	vld.idx.msk [tilespmem:v52+s12+$0x0], $0xffff  }
0x76d: {  	v41 =	vsel vm1, v54, v41;
	v35 =	vsel vm1, v45, v35;
	vm1 =	vlt.f32 v63, v25;
	v59 =	vld.idx.msk [tilespmem:v28+s13+$0x0], $0xffff  }
0x76e: {  	v51 =	vadd.s32 v41, v35;
	v46 =	vsel vm1, v58, v46;
	v43 =	vsel vm1, v47, v43  }
0x76f: {  	vm1 =	vle.f32 v18, v13;
	v18 =	vadd.s32 $0x1, v44;
	v39 =	vshrl.u32 v51, $0x1  }
0x770: {  	v47 =	vadd.s32 v46, v43;
	v1 =	vsel vm1, v18, v1;
	v42 =	vsel vm1, v42, v44  }
0x771: {  	v18 =	vor.u32 $0x1, v52;
	v44 =	vld.idx.msk [tilespmem:v48+s13+$0x0], $0xffff;
	v47 =	vshrl.u32 v47, $0x1;
	vm1 =	vle.f32 v56, v32  }
0x772: {  	v28 =	vadd.s32 v1, v42;
	v51 =	vmul.f32 v59, v12;
	v45 =	vsel vm1, v18, v50  }
0x773: {  	v49 =	vsel vm1, v49, v52;
	v52 =	vshrl.u32 v28, $0x1;
	v18 =	vmul.f32 v17, v24  }
0x774: {  	v17 =	vld.idx.msk [tilespmem:v39+s13+$0x0], $0xffff;
	vm1 =	veq.s32 v8, $0x0;
	v8 =	vmin.u32 v8, $0x7FF;
	v28 =	vxor.u32 v45, v49  }
0x775: {  	v24 =	vand.u32 v45, v49;
	v51 =	vsel vm1, $0x0, v51;
	v61 =	vshrl.u32 v28, $0x1  }
0x776: {  	v63 =	vld.idx.msk [tilespmem:v47+s13+$0x0], $0xffff;
	vm1 =	vlt.f32 v44, v30;
	v28 =	vor.u32 s24, v7;
	v53 =	vadd.s32 v61, v24  }
0x777: {  	s24 =	sadd.s32 $0x10, s21;
	v37 =	vsel vm1, v60, v37;
	v40 =	vsel vm1, v40, v48;
	v24 =	vperm.xlane v20, v0  }
0x778: {  	v60 =	vadd.s32 $0x1, v39;
	v58 =	vor.u32 s24, v7;
	v61 =	vadd.s32 $0x1, v47;
	v59 =	vld.idx.msk [tilespmem:v52+s12+$0x0], $0xffff  }
0x779: {  	v44 =	vsel vm0, v24, v62;
	v24 =	vadd.s32 v37, v40;
	vm1 =	vlt.f32 v17, v29  }
0x77a: {  	v54 =	vshrl.u32 v24, $0x1;
	v41 =	vsel vm1, v60, v41;
	v35 =	vsel vm1, v35, v39  }
0x77b: {  	s24 =	simm.s32 $0x19D0;
	v8 =	vsub.s32 v58, v8;
	vm1 =	vlt.f32 v63, v25;
	v24 =	vadd.s32 v41, v35;
	v17 =	vld.idx.msk [tilespmem:v53+s12+$0x0], $0xffff  }
0x77c: {  	v39 =	vsel vm1, v61, v46;
	v43 =	vsel vm1, v43, v47;
	v50 =	vshrl.u32 v24, $0x1;
	v24 =	vld [tilespmem:s24+$0x0]  }
0x77d: {  	v48 =	vld.idx.msk [tilespmem:v2+s12+$0x0], $0xffff;
	v62 =	vadd.s32 $0x1, v52;
	v47 =	vadd.s32 v39, v43;
	vm1 =	vle.f32 v59, v13  }
0x77e: {  	v46 =	vld.idx.msk [tilespmem:v55+s13+$0x0], $0xffff;
	v47 =	vshrl.u32 v47, $0x1;
	v1 =	vsel vm1, v62, v1;
	v42 =	vsel vm1, v42, v52  }
0x77f: {  	v8 =	vcvt.s32.f32 v8;
	v44 =	vmax.f32 v44, v51;
	v63 =	vld.idx.msk [tilespmem:v54+s13+$0x0], $0xffff;
	v59 =	vadd.s32 v1, v42  }
0x780: {  	vm1 =	vle.f32 v17, v32;
	v17 =	vadd.s32 $0x1, v53;
	v55 =	vshrl.u32 v59, $0x1  }
0x781: {  	v60 =	vld.idx.msk [tilespmem:v50+s13+$0x0], $0xffff;
	v45 =	vsel vm1, v17, v45;
	v49 =	vsel vm1, v49, v53;
	v17 =	vmul.f32 v24, v12  }
0x782: {  	v22 =	vsub.f32 v22, v44;
	v62 =	vadd.s32 $0x1, v54;
	v61 =	vadd.s32 v45, v49  }
0x783: {  	vm2 =	vlt.f32 v46, v34;
	v46 =	vld.idx.msk [tilespmem:v47+s13+$0x0], $0xffff;
	v51 =	vshrl.u32 v61, $0x1;
	vm1 =	vle.f32 v48, v17  }
0x784: {  	v38 =	vsel vm2, v57, v38;
	vm2 =	vlt.f32 v63, v30;
	v48 =	vsel vm1, $0x600, v4  }
0x785: {  	v52 =	vmax.u32 v38, $0x1;
	v34 =	vsel vm2, v62, v37;
	v37 =	vsel vm2, v40, v54  }
0x786: {  	v63 =	vadd.s32 $0x1, v50;
	v40 =	vld.idx.msk [tilespmem:v55+s12+$0x0], $0xffff;
	v54 =	vadd.s32 v34, v37;
	vm2 =	vlt.f32 v60, v29  }
0x787: {  	v57 =	vadd.s32 $0x1, v55;
	v53 =	vshrl.u32 v54, $0x1;
	v41 =	vsel vm2, v63, v41  }
0x788: {  	v35 =	vsel vm2, v35, v50;
	vm2 =	vlt.f32 v46, v25;
	v46 =	vsub.s32 v52, v5;
	v60 =	vld.idx.msk [tilespmem:v51+s12+$0x0], $0xffff  }
0x789: {  	v62 =	vadd.s32 $0x1, v47;
	v58 =	vadd.s32 $0x1, v51;
	v59 =	vsel vm1, $0x800, v2;
	v63 =	vld.idx.msk [tilespmem:v48+s12+$0x0], $0xffff  }
0x78a: {  	v61 =	vadd.s32 v41, v35;
	v39 =	vsel vm2, v62, v39;
	v43 =	vsel vm2, v43, v47  }
0x78b: {  	v52 =	vshrl.u32 v61, $0x1;
	v47 =	vadd.s32 v39, v43;
	vm2 =	vle.f32 v40, v13  }
0x78c: {  	v47 =	vshrl.u32 v47, $0x1;
	v1 =	vsel vm2, v57, v1;
	v40 =	vsel vm2, v42, v55;
	v50 =	vld.idx.msk [tilespmem:v53+s13+$0x0], $0xffff  }
0x78d: {  	v61 =	vor.u32 $0x1, v48;
	v46 =	vld.idx.msk [tilespmem:v46+s13+$0x0], $0xffff;
	v42 =	vadd.s32 v1, v40;
	vm2 =	vle.f32 v60, v32  }
0x78e: {  	v45 =	vsel vm2, v58, v45;
	v49 =	vsel vm2, v49, v51;
	vm2 =	vle.f32 v63, v17  }
0x78f: {  	v42 =	vshrl.u32 v42, $0x1;
	v60 =	vsel vm1, $0x401, v3;
	v48 =	vsel vm2, v59, v48  }
0x790: {  	v62 =	vadd.s32 v45, v49;
	v54 =	vsel vm2, v61, v60;
	v63 =	vadd.s32 $0xFFFFFFFF, v48  }
0x791: {  	v57 =	vld.idx.msk [tilespmem:v47+s13+$0x0], $0xffff;
	v51 =	vshrl.u32 v62, $0x1;
	v62 =	vadd.s32 $0x1, v53;
	vm1 =	vlt.f32 v50, v30  }
0x792: {  	v60 =	vld.idx.msk [tilespmem:v52+s13+$0x0], $0xffff;
	v46 =	vmul.f32 v46, v12;
	v61 =	vxor.u32 v63, v54;
	v55 =	vor.u32 v63, v54  }
0x793: {  	v34 =	vsel vm1, v62, v34;
	v37 =	vsel vm1, v37, v53;
	v56 =	vshrl.u32 v61, $0x1  }
0x794: {  	vm1 =	veq.s32 v38, $0x0;
	v63 =	vadd.s32 $0x1, v52;
	v50 =	vsub.s32 v55, v56  }
0x795: {  	v38 =	vmin.u32 v38, $0x7FF;
	v37 =	vadd.s32 v34, v37;
	v61 =	vadd.s32 $0x1, v47  }
0x796: {  	v53 =	vld.idx.msk [tilespmem:v42+s12+$0x0], $0xffff;
	v46 =	vsel vm1, $0x0, v46;
	v28 =	vsub.s32 v28, v38;
	v37 =	vshrl.u32 v37, $0x1  }
0x797: {  	vm3 =	vlt.f32 v57, v25;
	v26 =	vmax.f32 v26, v46;
	vm2 =	vlt.f32 v60, v29;
	v60 =	vld.idx.msk [tilespmem:v51+s12+$0x0], $0xffff  }
0x798: {  	v28 =	vcvt.s32.f32 v28;
	v39 =	vsel vm3, v61, v39;
	v43 =	vsel vm3, v43, v47  }
0x799: {  	v61 =	vadd.s32 $0x1, v42;
	v41 =	vsel vm2, v63, v41;
	v35 =	vsel vm2, v35, v52;
	v47 =	vld.idx.msk [tilespmem:v50+s12+$0x0], $0xffff  }
0x79a: {  	v15 =	vsub.f32 v15, v26;
	v62 =	vadd.s32 v39, v43;
	v35 =	vadd.s32 v41, v35  }
0x79b: {  	v63 =	vadd.s32 $0x1, v51;
	v52 =	vshrl.u32 v62, $0x1;
	v35 =	vshrl.u32 v35, $0x1  }
0x79c: {  	v62 =	vor.u32 $0x1, v50;
	vm2 =	vle.f32 v53, v13;
	vm3 =	vle.f32 v60, v32  }
0x79d: {  	v1 =	vsel vm2, v61, v1;
	v60 =	vld.idx.msk [tilespmem:v37+s13+$0x0], $0xffff;
	v44 =	vsel vm3, v63, v45;
	v45 =	vsel vm3, v49, v51  }
0x79e: {  	v40 =	vsel vm2, v40, v42;
	v49 =	vadd.s32 v44, v45;
	vm3 =	vle.f32 v47, v17  }
0x79f: {  	v49 =	vshrl.u32 v49, $0x1;
	v47 =	vsel vm3, v62, v54;
	v48 =	vsel vm3, v48, v50  }
0x7a0: {  	v15 =	vmul.f32 v28, v15;
	v58 =	vadd.s32 v1, v40;
	v63 =	vld.idx.msk [tilespmem:v35+s13+$0x0], $0xffff;
	v56 =	vxor.u32 v47, v48  }
0x7a1: {  	v59 =	vshrl.u32 v58, $0x1;
	v57 =	vand.u32 v47, v48;
	v51 =	vshrl.u32 v56, $0x1  }
0x7a2: {  	v37 =	vadd.s32 $0x1, v37;
	vm2 =	vlt.f32 v60, v30;
	v30 =	vld.idx.msk [tilespmem:v52+s13+$0x0], $0xffff;
	v42 =	vadd.s32 v51, v57  }
0x7a3: {  	v22 =	vmul.f32 v8, v22;
	v34 =	vsel vm2, v37, v34  }
0x7a4: {  	v55 =	vperm.xlane v20, v6;
	v28 =	vmul.f32 v28, v15;
	v60 =	vmax.u32 v34, $0x1;
	v61 =	vld.idx.msk [tilespmem:v49+s12+$0x0], $0xffff  }
0x7a5: {  	v35 =	vadd.s32 $0x1, v35;
	vm1 =	vlt.f32 v63, v29;
	v38 =	vsub.s32 v60, v5  }
0x7a6: {  	v15 =	vmul.f32 v8, v22;
	v63 =	vadd.f32 v18, v16;
	v18 =	vld.idx.msk [tilespmem:v59+s12+$0x0], $0xffff;
	v29 =	vsel vm1, v35, v41  }
0x7a7: {  	v62 =	vadd.s32 $0x1, v52;
	v26 =	vmax.u32 v29, $0x1;
	vm1 =	vlt.f32 v30, v25;
	v30 =	vld.idx.msk [tilespmem:v42+s12+$0x0], $0xffff  }
0x7a8: {  	v58 =	vor.u32 s23, v7;
	v16 =	vsub.s32 v26, v5;
	v35 =	vsel vm1, v62, v39  }
0x7a9: {  	v26 =	vsel vm1, v43, v52;
	v52 =	vadd.s32 $0x1, v49;
	vm1 =	vle.f32 v61, v32  }
0x7aa: {  	v9 =	vadd.f32 v15, v27;
	v38 =	vld.idx.msk [tilespmem:v38+s13+$0x0], $0xffff;
	v39 =	vsel vm1, v52, v44;
	v53 =	vsel vm1, v45, v49  }
0x7ab: {  	v26 =	vadd.s32 v35, v26;
	vm2 =	vle.f32 v18, v13;
	v45 =	vadd.s32 v39, v53  }
0x7ac: {  	v45 =	vshrl.u32 v45, $0x1;
	vm1 =	vle.f32 v30, v17;
	v30 =	vadd.s32 $0x1, v42  }
0x7ad: {  	v54 =	vshrl.u32 v26, $0x1;
	v46 =	vsel vm1, v30, v47;
	v42 =	vsel vm1, v48, v42  }
0x7ae: {  	v26 =	vadd.s32 $0x1, v59;
	v37 =	vsel vm2, v40, v59;
	v18 =	vadd.s32 v46, v42  }
0x7af: {  	v1 =	vsel vm2, v26, v1;
	v60 =	vld.idx.msk [tilespmem:v16+s13+$0x0], $0xffff;
	v26 =	vmul.f32 v38, v12;
	v57 =	vshrl.u32 v18, $0x1  }
0x7b0: {  	v62 =	vor.u32 s22, v7;
	v56 =	vadd.s32 v1, v37;
	v30 =	vld [tilespmem:s31+$0xFFFFFFF0];
	vm1 =	veq.s32 v34, $0x0  }
0x7b1: {  	v38 =	vshrl.u32 v56, $0x1;
	v34 =	vmin.u32 v34, $0x7FF;
	v26 =	vsel vm1, $0x0, v26;
	v59 =	vld.idx.msk [tilespmem:v45+s12+$0x0], $0xffff  }
0x7b2: {  	v44 =	vadd.s32 $0x1, v54;
	v34 =	vsub.s32 v58, v34;
	v18 =	vld.idx.msk [tilespmem:v2+s12+$0x0], $0xffff;
	v26 =	vmax.f32 v33, v26  }
0x7b3: {  	v16 =	vsel vm0, v14, v55;
	v8 =	vcvt.s32.f32 v34;
	v22 =	vsub.f32 v31, v26;
	v31 =	vld.idx.msk [tilespmem:v54+s13+$0x0], $0xffff  }
0x7b4: {  	s22 =	simm.s32 $0x19F0;
	v14 =	vadd.f32 v28, v63;
	v63 =	vmin.u32 v29, $0x7FF;
	v52 =	vadd.s32 $0x1, v45;
	v61 =	vld.idx.msk [tilespmem:v57+s12+$0x0], $0xffff  }
0x7b5: {  	v28 =	vld [tilespmem:s22+$0x0];
	v56 =	vadd.s32 $0x1, v38;
	v26 =	vmul.f32 v30, v12;
	v41 =	vmul.f32 v8, v22  }
0x7b6: {  	v33 =	vmul.f32 v60, v12;
	v55 =	vadd.s32 $0x1, v57;
	v22 =	vld.idx.msk [tilespmem:v38+s12+$0x0], $0xffff;
	vm2 =	vle.f32 v59, v32  }
0x7b7: {  	vm1 =	vle.f32 v18, v26;
	v8 =	vmul.f32 v8, v41;
	v39 =	vsel vm2, v52, v39  }
0x7b8: {  	v54 =	vld.idx.msk [tilespmem:v2+s12+$0x0], $0xffff;
	v43 =	vsel vm2, v53, v45;
	v53 =	vsel vm1, $0x600, v4;
	vm3 =	vlt.f32 v31, v25  }
0x7b9: {  	v48 =	vadd.s32 v39, v43;
	v35 =	vsel vm3, v44, v35;
	vm2 =	vle.f32 v61, v17  }
0x7ba: {  	vm3 =	veq.s32 v29, $0x0;
	v48 =	vshrl.u32 v48, $0x1;
	v25 =	vsel vm2, v55, v46  }
0x7bb: {  	v31 =	vsel vm2, v42, v57;
	vm2 =	vle.f32 v22, v13;
	v22 =	vmul.f32 v28, v12  }
0x7bc: {  	v29 =	vsub.s32 v62, v63;
	v1 =	vsel vm2, v56, v1;
	v40 =	vadd.s32 v25, v31  }
0x7bd: {  	v37 =	vsel vm2, v37, v38;
	vm2 =	vle.f32 v54, v22;
	v38 =	vshrl.u32 v40, $0x1  }
0x7be: {  	v62 =	vor.u32 $0x1, v53;
	v63 =	vsel vm1, $0x401, v3;
	v57 =	vld.idx.msk [tilespmem:v53+s12+$0x0], $0xffff;
	v42 =	vsel vm2, $0x600, v4  }
0x7bf: {  	v33 =	vsel vm3, $0x0, v33;
	v44 =	vmax.u32 v35, $0x1;
	v29 =	vcvt.s32.f32 v29;
	v58 =	vld.idx.msk [tilespmem:v48+s12+$0x0], $0xffff  }
0x7c0: {  	v33 =	vmax.f32 v36, v33;
	v36 =	vsub.s32 v44, v5;
	v60 =	vadd.s32 $0x1, v48  }
0x7c1: {  	v61 =	vsel vm1, $0x800, v2;
	v19 =	vsub.f32 v19, v33;
	v59 =	vadd.s32 v1, v37  }
0x7c2: {  	v44 =	vshrl.u32 v59, $0x1;
	v56 =	vsel vm2, $0x401, v3;
	v50 =	vsel vm2, $0x800, v2;
	v52 =	vld.idx.msk [tilespmem:v38+s12+$0x0], $0xffff  }
0x7c3: {  	v59 =	vor.u32 $0x1, v42;
	vm3 =	vle.f32 v57, v26;
	v57 =	vadd.s32 $0x1, v38;
	v54 =	vld.idx.msk [tilespmem:v42+s12+$0x0], $0xffff  }
0x7c4: {  	v45 =	vsel vm3, v61, v53;
	v34 =	vsel vm3, v62, v63;
	vm1 =	vle.f32 v58, v32  }
0x7c5: {  	v53 =	vadd.s32 $0xFFFFFFFF, v45;
	v39 =	vsel vm1, v60, v39;
	v43 =	vsel vm1, v43, v48  }
0x7c6: {  	v55 =	vxor.u32 v53, v34;
	v40 =	vor.u32 v53, v34;
	v48 =	vadd.s32 v39, v43  }
0x7c7: {  	v36 =	vld.idx.msk [tilespmem:v36+s13+$0x0], $0xffff;
	v46 =	vshrl.u32 v55, $0x1;
	v48 =	vshrl.u32 v48, $0x1;
	vm1 =	vle.f32 v52, v17  }
0x7c8: {  	vm2 =	vle.f32 v54, v22;
	v25 =	vsel vm1, v57, v25;
	v31 =	vsel vm1, v31, v38  }
0x7c9: {  	v58 =	vld.idx.msk [tilespmem:v44+s12+$0x0], $0xffff;
	v40 =	vsub.s32 v40, v46;
	v42 =	vsel vm2, v50, v42;
	v60 =	vadd.s32 v25, v31  }
0x7ca: {  	v46 =	vsel vm2, v59, v56;
	v61 =	vadd.s32 $0xFFFFFFFF, v42;
	v49 =	vshrl.u32 v60, $0x1  }
0x7cb: {  	v8 =	vadd.f32 v8, v14;
	v19 =	vmul.f32 v29, v19;
	v63 =	vxor.u32 v61, v46  }
0x7cc: {  	v36 =	vmul.f32 v36, v12;
	v62 =	vld.idx.msk [tilespmem:v48+s12+$0x0], $0xffff;
	v52 =	vor.u32 v61, v46;
	v53 =	vshrl.u32 v63, $0x1  }
0x7cd: {  	v55 =	vadd.s32 $0x1, v44;
	v54 =	vor.u32 s21, v7;
	v41 =	vsub.s32 v52, v53  }
0x7ce: {  	vm1 =	veq.s32 v35, $0x0;
	v35 =	vmin.u32 v35, $0x7FF;
	vm2 =	vle.f32 v58, v13;
	v56 =	vld.idx.msk [tilespmem:v40+s12+$0x0], $0xffff  }
0x7cf: {  	v58 =	vadd.s32 $0x1, v48;
	v1 =	vsel vm2, v55, v1;
	v37 =	vsel vm2, v37, v44;
	v57 =	vld.idx.msk [tilespmem:v49+s12+$0x0], $0xffff  }
0x7d0: {  	v35 =	vsub.s32 v54, v35;
	v36 =	vsel vm1, $0x0, v36;
	v37 =	vadd.s32 v1, v37  }
0x7d1: {  	v16 =	vmax.f32 v16, v36;
	v37 =	vshrl.u32 v37, $0x1;
	vm2 =	vle.f32 v62, v32  }
0x7d2: {  	v61 =	vor.u32 $0x1, v40;
	v33 =	vsel vm2, v58, v39;
	v59 =	vsel vm2, v43, v48;
	v60 =	vld.idx.msk [tilespmem:v41+s12+$0x0], $0xffff  }
0x7d3: {  	v62 =	vadd.s32 $0x1, v49;
	vm2 =	vle.f32 v56, v26;
	v43 =	vadd.s32 v33, v59  }
0x7d4: {  	v34 =	vsel vm2, v61, v34;
	v40 =	vsel vm2, v45, v40;
	vm3 =	vle.f32 v57, v17  }
0x7d5: {  	v43 =	vshrl.u32 v43, $0x1;
	v25 =	vsel vm3, v62, v25;
	v31 =	vsel vm3, v31, v49  }
0x7d6: {  	v54 =	vor.u32 $0x1, v41;
	v63 =	vld.idx.msk [tilespmem:v37+s12+$0x0], $0xffff;
	v45 =	vand.u32 v34, v40;
	v53 =	vadd.s32 v25, v31  }
0x7d7: {  	v52 =	vxor.u32 v34, v40;
	vm2 =	vle.f32 v60, v22;
	v48 =	vshrl.u32 v53, $0x1  }
0x7d8: {  	v47 =	vshrl.u32 v52, $0x1;
	v44 =	vsel vm2, v54, v46;
	v41 =	vsel vm2, v42, v41  }
0x7d9: {  	v35 =	vcvt.s32.f32 v35;
	v55 =	vadd.s32 v47, v45;
	v56 =	vxor.u32 v44, v41  }
0x7da: {  	v16 =	vsub.f32 v20, v16;
	v57 =	vld.idx.msk [tilespmem:v43+s12+$0x0], $0xffff;
	v46 =	vand.u32 v44, v41;
	v45 =	vshrl.u32 v56, $0x1  }
0x7db: {  	vm1 =	vle.f32 v63, v13;
	v13 =	vadd.s32 $0x1, v37;
	v58 =	vadd.s32 v45, v46  }
0x7dc: {  	v14 =	vmul.f32 v29, v19;
	v15 =	vmul.f32 v35, v16;
	v1 =	vsel vm1, v13, v1;
	v20 =	vld.idx.msk [tilespmem:v48+s12+$0x0], $0xffff  }
0x7dd: {  	v19 =	vmax.u32 v1, $0x1  }
0x7de: {  	v8 =	vadd.f32 v14, v8;
	v15 =	vmul.f32 v35, v15;
	v16 =	vsub.s32 v19, v5;
	v19 =	vld.idx.msk [tilespmem:v55+s12+$0x0], $0xffff  }
0x7df: {  	v50 =	vperm.xlane v21, v6;
	v14 =	vadd.s32 $0x1, v43;
	vm1 =	vle.f32 v57, v32  }
0x7e0: {  	v8 =	vadd.f32 v15, v8;
	v27 =	vsel vm1, v14, v33;
	v14 =	vsel vm1, v59, v43;
	v29 =	vld.idx.msk [tilespmem:v58+s12+$0x0], $0xffff  }
0x7e1: {  	v14 =	vadd.s32 v27, v14;
	vm1 =	vle.f32 v20, v17;
	v20 =	vadd.s32 $0x1, v48  }
0x7e2: {  	v59 =	vshrl.u32 v14, $0x1;
	v25 =	vsel vm1, v20, v25;
	v60 =	vsel vm1, v31, v48  }
0x7e3: {  	v14 =	vadd.s32 $0x1, v55;
	v20 =	vld.idx.msk [tilespmem:v16+s12+$0x0], $0xffff;
	vm1 =	vle.f32 v19, v26;
	v16 =	vadd.s32 v25, v60  }
0x7e4: {  	v34 =	vsel vm1, v14, v34;
	v61 =	vsel vm1, v40, v55;
	v62 =	vshrl.u32 v16, $0x1  }
0x7e5: {  	v19 =	vld [tilespmem:s1+$0xFFFFFFF0];
	v14 =	vadd.s32 v34, v61;
	v16 =	vadd.s32 $0x1, v58;
	vm1 =	vle.f32 v29, v22  }
0x7e6: {  	v29 =	vshrl.u32 v14, $0x1;
	v63 =	vsel vm1, v16, v44;
	v37 =	vsel vm1, v41, v58  }
0x7e7: {  	s26 =	simm.s32 $0x10;
	[tilespmem:$0x1FF20] =	vst v8;
	v48 =	vperm.xlane v30, v0;
	v8 =	vld.idx.msk [tilespmem:v59+s12+$0x0], $0xffff;
	v15 =	vadd.s32 v63, v37  }
0x7e8: {  	v52 =	vor.u32 s26, v7;
	v15 =	vshrl.u32 v15, $0x1  }
0x7e9: {  	v38 =	vsel vm0, v48, v50;
	v56 =	vadd.s32 $0x1, v62;
	v49 =	vmul.f32 v20, v10;
	v51 =	vld.idx.msk [tilespmem:v62+s12+$0x0], $0xffff  }
0x7ea: {  	v16 =	vimm.f32 $0.0e+00;
	vm1 =	veq.s32 v1, $0x0;
	v31 =	vmul.f32 v19, v12  }
0x7eb: {  	v1 =	vmin.u32 v1, $0x7FF;
	v55 =	vadd.s32 $0x1, v29;
	v41 =	vsel vm1, $0x0, v49;
	v53 =	vld.idx.msk [tilespmem:v29+s12+$0x0], $0xffff  }
0x7ec: {  	vm1 =	vle.f32 v18, v31;
	vm2 =	vle.f32 v8, v32;
	v8 =	vadd.s32 $0x1, v59  }
0x7ed: {  	s31 =	simm.s32 $0x1A10;
	v20 =	vperm.xlane v21, v0;
	v54 =	vsel vm1, $0x600, v4;
	v8 =	vsel vm2, v8, v27;
	v27 =	vld.idx.msk [tilespmem:v15+s12+$0x0], $0xffff  }
0x7ee: {  	v1 =	vsub.s32 v52, v1;
	v41 =	vmax.f32 v38, v41;
	v38 =	vld [tilespmem:s31+$0x0];
	vm2 =	vle.f32 v51, v17  }
0x7ef: {  	v46 =	vperm.xlane v19, v0;
	v57 =	vmax.u32 v8, $0x1;
	v44 =	vsel vm2, v56, v25  }
0x7f0: {  	v58 =	vld.idx.msk [tilespmem:v2+s12+$0x0], $0xffff;
	v35 =	vsel vm2, v60, v62;
	v25 =	vsub.s32 v57, v5;
	vm2 =	vle.f32 v53, v26  }
0x7f1: {  	v59 =	vadd.s32 v44, v35;
	v34 =	vsel vm2, v55, v34;
	v29 =	vsel vm2, v61, v29  }
0x7f2: {  	v60 =	vld.idx.msk [tilespmem:v54+s12+$0x0], $0xffff;
	v42 =	vshrl.u32 v59, $0x1;
	vm2 =	vle.f32 v27, v22;
	v27 =	vadd.s32 $0x1, v15  }
0x7f3: {  	v32 =	vmul.f32 v38, v12;
	v27 =	vsel vm2, v27, v63;
	v15 =	vsel vm2, v37, v15  }
0x7f4: {  	v1 =	vcvt.s32.f32 v1;
	v21 =	vsub.f32 v21, v41;
	v40 =	vadd.s32 v27, v15  }
0x7f5: {  	v52 =	vsel vm1, $0x401, v3;
	vm2 =	vle.f32 v58, v32;
	v39 =	vshrl.u32 v40, $0x1  }
0x7f6: {  	v21 =	vmul.f32 v1, v21;
	v61 =	vadd.s32 v34, v29;
	v62 =	vld.idx.msk [tilespmem:v25+s12+$0x0], $0xffff;
	v40 =	vsel vm2, $0x600, v4  }
0x7f7: {  	v37 =	vshrl.u32 v61, $0x1;
	v25 =	vsel vm1, $0x800, v2;
	vm3 =	vle.f32 v60, v31;
	v63 =	vld.idx.msk [tilespmem:v42+s12+$0x0], $0xffff  }
0x7f8: {  	v51 =	vor.u32 $0x1, v54;
	v1 =	vmul.f32 v1, v21;
	v33 =	vsel vm3, v25, v54  }
0x7f9: {  	v58 =	vadd.s32 $0x1, v42;
	v36 =	vsel vm3, v51, v52;
	v53 =	vadd.s32 $0xFFFFFFFF, v33  }
0x7fa: {  	v59 =	vadd.s32 $0x1, v37;
	v60 =	vsel vm2, $0x401, v3;
	v55 =	vxor.u32 v53, v36;
	v56 =	vld.idx.msk [tilespmem:v39+s12+$0x0], $0xffff  }
0x7fb: {  	v61 =	vsel vm2, $0x800, v2;
	v45 =	vor.u32 v53, v36;
	v48 =	vshrl.u32 v55, $0x1;
	v57 =	vld.idx.msk [tilespmem:v40+s12+$0x0], $0xffff  }
0x7fc: {  	v25 =	vperm.xlane v23, v0;
	v54 =	vld.idx.msk [tilespmem:v37+s12+$0x0], $0xffff;
	v45 =	vsub.s32 v45, v48;
	vm1 =	vle.f32 v63, v17  }
0x7fd: {  	v53 =	vor.u32 $0x1, v40;
	v43 =	vsel vm1, v58, v44;
	v35 =	vsel vm1, v35, v42  }
0x7fe: {  	v41 =	vmul.f32 v62, v10;
	v48 =	vperm.xlane v23, v6;
	v44 =	vadd.s32 v43, v35  }
0x7ff: {  	v62 =	vadd.s32 $0x1, v39;
	v44 =	vshrl.u32 v44, $0x1;
	vm2 =	vle.f32 v56, v22  }
0x800: {  	v27 =	vsel vm2, v62, v27;
	v15 =	vsel vm2, v15, v39;
	vm2 =	vle.f32 v57, v32  }
0x801: {  	vm3 =	vle.f32 v54, v26;
	v63 =	vld.idx.msk [tilespmem:v45+s12+$0x0], $0xffff;
	v40 =	vsel vm2, v61, v40;
	v49 =	vadd.s32 v27, v15  }
0x802: {  	v39 =	vsel vm2, v53, v60;
	v54 =	vadd.s32 $0xFFFFFFFF, v40;
	v49 =	vshrl.u32 v49, $0x1  }
0x803: {  	v55 =	vor.u32 $0x1, v45;
	v34 =	vsel vm3, v59, v34;
	v56 =	vxor.u32 v54, v39  }
0x804: {  	v29 =	vsel vm3, v29, v37;
	v57 =	vor.u32 v54, v39;
	v42 =	vshrl.u32 v56, $0x1  }
0x805: {  	v46 =	vsel vm0, v46, v48;
	v58 =	vadd.s32 v34, v29;
	v59 =	vld.idx.msk [tilespmem:v44+s12+$0x0], $0xffff;
	v37 =	vsub.s32 v57, v42  }
0x806: {  	vm1 =	veq.s32 v8, $0x0;
	vm2 =	vle.f32 v63, v31;
	v42 =	vshrl.u32 v58, $0x1  }
0x807: {  	v41 =	vsel vm1, $0x0, v41;
	v36 =	vsel vm2, v55, v36;
	v33 =	vsel vm2, v33, v45;
	v61 =	vld.idx.msk [tilespmem:v49+s12+$0x0], $0xffff  }
0x808: {  	v8 =	vmin.u32 v8, $0x7FF;
	v41 =	vmax.f32 v46, v41;
	v50 =	vxor.u32 v36, v33  }
0x809: {  	v23 =	vsub.f32 v23, v41;
	v62 =	vand.u32 v36, v33;
	v50 =	vshrl.u32 v50, $0x1  }
0x80a: {  	s1 =	simm.s32 $0x30;
	v63 =	vadd.s32 $0x1, v44;
	v46 =	vadd.s32 v50, v62;
	vm1 =	vle.f32 v59, v17;
	v52 =	vld.idx.msk [tilespmem:v37+s12+$0x0], $0xffff  }
0x80b: {  	v60 =	vor.u32 s1, v7;
	v43 =	vsel vm1, v63, v43;
	v35 =	vsel vm1, v35, v44;
	v53 =	vld.idx.msk [tilespmem:v42+s12+$0x0], $0xffff  }
0x80c: {  	v54 =	vadd.s32 $0x1, v49;
	v35 =	vadd.s32 v43, v35;
	vm1 =	vle.f32 v61, v22  }
0x80d: {  	v35 =	vshrl.u32 v35, $0x1;
	v27 =	vsel vm1, v54, v27;
	v15 =	vsel vm1, v15, v49  }
0x80e: {  	v8 =	vsub.s32 v60, v8;
	v55 =	vadd.s32 $0x1, v42;
	v57 =	vadd.s32 v27, v15  }
0x80f: {  	v58 =	vor.u32 $0x1, v37;
	v56 =	vld.idx.msk [tilespmem:v46+s12+$0x0], $0xffff;
	vm1 =	vle.f32 v52, v32;
	v47 =	vshrl.u32 v57, $0x1  }
0x810: {  	vm2 =	vle.f32 v53, v26;
	v39 =	vsel vm1, v58, v39;
	v40 =	vsel vm1, v40, v37  }
0x811: {  	v8 =	vcvt.s32.f32 v8;
	v41 =	vsel vm2, v55, v34;
	v60 =	vxor.u32 v39, v40  }
0x812: {  	v29 =	vsel vm2, v29, v42;
	v61 =	vld.idx.msk [tilespmem:v35+s12+$0x0], $0xffff;
	v62 =	vand.u32 v39, v40;
	v34 =	vshrl.u32 v60, $0x1  }
0x813: {  	v23 =	vmul.f32 v8, v23;
	v63 =	vadd.s32 v41, v29;
	v44 =	vadd.s32 v34, v62  }
0x814: {  	v59 =	vadd.s32 $0x1, v46;
	vm1 =	vle.f32 v56, v31;
	v52 =	vshrl.u32 v63, $0x1  }
0x815: {  	v1 =	vadd.f32 v1, v16;
	v54 =	vsel vm1, v59, v36;
	v33 =	vsel vm1, v33, v46;
	v53 =	vld.idx.msk [tilespmem:v47+s12+$0x0], $0xffff  }
0x816: {  	v8 =	vmul.f32 v8, v23;
	v55 =	vperm.xlane v30, v6;
	v21 =	vadd.s32 v54, v33  }
0x817: {  	v56 =	vshrl.u32 v21, $0x1;
	vm1 =	vle.f32 v61, v17;
	v17 =	vadd.s32 $0x1, v35  }
0x818: {  	v37 =	vperm.xlane v24, v0;
	v36 =	vsel vm0, v16, v55;
	v35 =	vsel vm1, v17, v43;
	v23 =	vld.idx.msk [tilespmem:v44+s12+$0x0], $0xffff  }
0x819: {  	v59 =	vperm.xlane v19, v6;
	v34 =	vperm.xlane v28, v0;
	v57 =	vld.idx.msk [tilespmem:v52+s12+$0x0], $0xffff;
	v17 =	vmax.u32 v35, $0x1  }
0x81a: {  	v21 =	vadd.s32 $0x1, v47;
	v58 =	vsub.s32 v17, v5;
	vm1 =	vle.f32 v53, v22  }
0x81b: {  	v62 =	vadd.s32 $0x1, v56;
	v27 =	vsel vm1, v21, v27;
	v47 =	vsel vm1, v15, v47  }
0x81c: {  	v60 =	vld.idx.msk [tilespmem:v56+s12+$0x0], $0xffff;
	v21 =	vadd.f32 v8, v1;
	v8 =	vadd.s32 $0x1, v52;
	v17 =	vadd.s32 v27, v47  }
0x81d: {  	v1 =	vshrl.u32 v17, $0x1;
	v17 =	vld [tilespmem:s24+$0xFFFFFFF0];
	vm1 =	vle.f32 v23, v32;
	v23 =	vadd.s32 $0x1, v44  }
0x81e: {  	vm2 =	vle.f32 v57, v26;
	v39 =	vsel vm1, v23, v39;
	v40 =	vsel vm1, v40, v44  }
0x81f: {  	v15 =	vperm.xlane v38, v0;
	v8 =	vsel vm2, v8, v41;
	v61 =	vld.idx.msk [tilespmem:v58+s12+$0x0], $0xffff;
	v23 =	vadd.s32 v39, v40  }
0x820: {  	v41 =	vsel vm2, v29, v52;
	v58 =	vperm.xlane v24, v6;
	v44 =	vshrl.u32 v23, $0x1  }
0x821: {  	vm2 =	veq.s32 v35, $0x0;
	v35 =	vmin.u32 v35, $0x7FF;
	v29 =	vadd.s32 v8, v41  }
0x822: {  	vm1 =	vle.f32 v60, v31;
	v45 =	vshrl.u32 v29, $0x1;
	v63 =	vld.idx.msk [tilespmem:v1+s12+$0x0], $0xffff;
	v23 =	vmul.f32 v17, v12  }
0x823: {  	s23 =	simm.s32 $0x50;
	v29 =	vsel vm0, v20, v59;
	v43 =	vsel vm1, v62, v54;
	v33 =	vsel vm1, v33, v56  }
0x824: {  	v59 =	vor.u32 s23, v7;
	v20 =	vmul.f32 v61, v10;
	vm1 =	vle.f32 v18, v23  }
0x825: {  	s28 =	simm.s32 $0x1A30;
	v62 =	vadd.s32 $0x1, v1;
	v48 =	vadd.s32 $0x1, v45;
	v42 =	vsel vm1, $0x600, v4;
	v60 =	vld.idx.msk [tilespmem:v44+s12+$0x0], $0xffff  }
0x826: {  	v49 =	vadd.s32 v43, v33;
	v57 =	vperm.xlane v17, v0;
	v61 =	vsel vm2, $0x0, v20;
	v20 =	vld [tilespmem:s28+$0x0]  }
0x827: {  	v52 =	vsub.s32 v59, v35;
	v49 =	vshrl.u32 v49, $0x1;
	vm2 =	vle.f32 v63, v22  }
0x828: {  	v46 =	vsel vm0, v57, v58;
	v57 =	vld.idx.msk [tilespmem:v2+s12+$0x0], $0xffff;
	v27 =	vsel vm2, v62, v27;
	v1 =	vsel vm2, v47, v1  }
0x829: {  	v46 =	vmax.f32 v46, v61;
	v61 =	vsel vm1, $0x800, v2;
	v63 =	vld.idx.msk [tilespmem:v45+s12+$0x0], $0xffff;
	v58 =	vadd.s32 v27, v1  }
0x82a: {  	v59 =	vld.idx.msk [tilespmem:v42+s12+$0x0], $0xffff;
	v51 =	vshrl.u32 v58, $0x1;
	vm2 =	vle.f32 v60, v32;
	v60 =	vadd.s32 $0x1, v44  }
0x82b: {  	v35 =	vmul.f32 v20, v12;
	v39 =	vsel vm2, v60, v39;
	v40 =	vsel vm2, v40, v44  }
0x82c: {  	v24 =	vsub.f32 v24, v46;
	v62 =	vsel vm1, $0x401, v3;
	v53 =	vadd.s32 v39, v40  }
0x82d: {  	v44 =	vcvt.s32.f32 v52;
	vm1 =	vle.f32 v57, v35;
	v47 =	vshrl.u32 v53, $0x1  }
0x82e: {  	vm2 =	vle.f32 v63, v26;
	v57 =	vor.u32 $0x1, v42;
	v50 =	vsel vm1, $0x600, v4  }
0x82f: {  	v52 =	vadd.s32 $0x1, v49;
	v8 =	vsel vm2, v48, v8;
	v63 =	vld.idx.msk [tilespmem:v51+s12+$0x0], $0xffff;
	vm3 =	vle.f32 v59, v23  }
0x830: {  	v48 =	vld.idx.msk [tilespmem:v49+s12+$0x0], $0xffff;
	v41 =	vsel vm2, v41, v45;
	v24 =	vmul.f32 v44, v24;
	v42 =	vsel vm3, v61, v42  }
0x831: {  	v59 =	vadd.s32 v8, v41;
	v46 =	vsel vm3, v57, v62;
	v58 =	vadd.s32 $0xFFFFFFFF, v42  }
0x832: {  	v54 =	vshrl.u32 v59, $0x1;
	v59 =	vsel vm1, $0x800, v2;
	v60 =	vxor.u32 v58, v46;
	v61 =	vld.idx.msk [tilespmem:v47+s12+$0x0], $0xffff  }
0x833: {  	v45 =	vor.u32 v58, v46;
	v62 =	vld.idx.msk [tilespmem:v50+s12+$0x0], $0xffff;
	v58 =	vsel vm1, $0x401, v3;
	v55 =	vshrl.u32 v60, $0x1  }
0x834: {  	v45 =	vsub.s32 v45, v55;
	vm2 =	vle.f32 v63, v22;
	v63 =	vadd.s32 $0x1, v51  }
0x835: {  	v27 =	vsel vm2, v63, v27;
	v1 =	vsel vm2, v1, v51;
	vm2 =	vle.f32 v48, v31  }
0x836: {  	v60 =	vadd.s32 $0x1, v47;
	v55 =	vadd.s32 v27, v1;
	v43 =	vsel vm2, v52, v43  }
0x837: {  	v33 =	vsel vm2, v33, v49;
	v48 =	vshrl.u32 v55, $0x1;
	vm1 =	vle.f32 v61, v32  }
0x838: {  	vm2 =	vle.f32 v62, v35;
	v39 =	vsel vm1, v60, v39;
	v40 =	vsel vm1, v40, v47  }
0x839: {  	v61 =	vor.u32 $0x1, v50;
	v50 =	vsel vm2, v59, v50;
	v55 =	vld.idx.msk [tilespmem:v45+s12+$0x0], $0xffff;
	v62 =	vadd.s32 v39, v40  }
0x83a: {  	v47 =	vld.idx.msk [tilespmem:v54+s12+$0x0], $0xffff;
	v49 =	vsel vm2, v61, v58;
	v63 =	vadd.s32 $0xFFFFFFFF, v50;
	v52 =	vshrl.u32 v62, $0x1  }
0x83b: {  	v24 =	vmul.f32 v44, v24;
	v51 =	vadd.s32 v43, v33;
	v60 =	vxor.u32 v63, v49  }
0x83c: {  	v51 =	vshrl.u32 v51, $0x1;
	v53 =	vor.u32 v63, v49;
	v56 =	vshrl.u32 v60, $0x1;
	v62 =	vld.idx.msk [tilespmem:v48+s12+$0x0], $0xffff  }
0x83d: {  	v61 =	vadd.s32 $0x1, v54;
	v58 =	vadd.s32 $0x1, v51;
	v53 =	vsub.s32 v53, v56  }
0x83e: {  	v63 =	vor.u32 $0x1, v45;
	v59 =	vadd.s32 $0x1, v52;
	vm1 =	vle.f32 v55, v23  }
0x83f: {  	vm2 =	vle.f32 v47, v26;
	v46 =	vsel vm1, v63, v46;
	v42 =	vsel vm1, v42, v45;
	v44 =	vld.idx.msk [tilespmem:v52+s12+$0x0], $0xffff  }
0x840: {  	v55 =	vadd.f32 v24, v21;
	v8 =	vsel vm2, v61, v8;
	v45 =	vxor.u32 v46, v42  }
0x841: {  	v61 =	vld.idx.msk [tilespmem:v51+s12+$0x0], $0xffff;
	v60 =	vand.u32 v46, v42;
	vm1 =	vle.f32 v62, v22;
	v62 =	vadd.s32 $0x1, v48  }
0x842: {  	v45 =	vshrl.u32 v45, $0x1;
	v56 =	vld.idx.msk [tilespmem:v53+s12+$0x0], $0xffff;
	v27 =	vsel vm1, v62, v27;
	v1 =	vsel vm1, v1, v48  }
0x843: {  	v41 =	vsel vm2, v41, v54;
	v45 =	vadd.s32 v45, v60;
	v1 =	vadd.s32 v27, v1  }
0x844: {  	v63 =	vadd.s32 v8, v41;
	v1 =	vshrl.u32 v1, $0x1;
	vm1 =	vle.f32 v44, v32  }
0x845: {  	v47 =	vshrl.u32 v63, $0x1;
	v39 =	vsel vm1, v59, v39;
	v40 =	vsel vm1, v40, v52  }
0x846: {  	v60 =	vor.u32 $0x1, v53;
	vm1 =	vle.f32 v61, v31;
	v52 =	vadd.s32 v39, v40  }
0x847: {  	v43 =	vsel vm1, v58, v43;
	v33 =	vsel vm1, v33, v51;
	vm1 =	vle.f32 v56, v35  }
0x848: {  	v63 =	vadd.s32 $0x1, v45;
	v44 =	vld.idx.msk [tilespmem:v45+s12+$0x0], $0xffff;
	v51 =	vshrl.u32 v52, $0x1;
	v48 =	vsel vm1, v60, v49  }
0x849: {  	v49 =	vsel vm1, v50, v53;
	v61 =	vadd.s32 v43, v33;
	v52 =	vperm.xlane v17, v6;
	v53 =	vld.idx.msk [tilespmem:v1+s12+$0x0], $0xffff  }
0x84a: {  	v56 =	vld.idx.msk [tilespmem:v47+s12+$0x0], $0xffff;
	v62 =	vxor.u32 v48, v49;
	v50 =	vshrl.u32 v61, $0x1;
	v21 =	vand.u32 v48, v49  }
0x84b: {  	v61 =	vadd.s32 $0x1, v47;
	v1 =	vadd.s32 $0x1, v1;
	v24 =	vshrl.u32 v62, $0x1  }
0x84c: {  	v58 =	vadd.s32 $0x1, v51;
	v62 =	vadd.s32 $0x1, v50;
	v57 =	vadd.s32 v24, v21  }
0x84d: {  	v21 =	vperm.xlane v20, v0;
	v24 =	vsel vm0, v25, v52;
	vm1 =	vle.f32 v44, v23;
	v60 =	vld.idx.msk [tilespmem:v51+s12+$0x0], $0xffff  }
0x84e: {  	v46 =	vsel vm1, v63, v46;
	v42 =	vsel vm1, v42, v45;
	vm1 =	vle.f32 v53, v22  }
0x84f: {  	vm2 =	vle.f32 v56, v26;
	v25 =	vadd.s32 v46, v42;
	v22 =	vld.idx.msk [tilespmem:v50+s12+$0x0], $0xffff;
	v1 =	vsel vm1, v1, v27  }
0x850: {  	v8 =	vsel vm2, v61, v8;
	v25 =	vshrl.u32 v25, $0x1;
	v56 =	vmax.u32 v1, $0x1  }
0x851: {  	v27 =	vsel vm2, v41, v47;
	v63 =	vld.idx.msk [tilespmem:v57+s12+$0x0], $0xffff;
	v59 =	vadd.s32 $0x1, v25;
	v45 =	vsub.s32 v56, v5  }
0x852: {  	v27 =	vadd.s32 v8, v27;
	vm2 =	veq.s32 v1, $0x0;
	vm1 =	vle.f32 v60, v32  }
0x853: {  	v1 =	vmin.u32 v1, $0x7FF;
	v44 =	vsel vm1, v58, v39;
	v40 =	vsel vm1, v40, v51  }
0x854: {  	s24 =	simm.s32 $0x0;
	v53 =	vshrl.u32 v27, $0x1;
	vm1 =	vle.f32 v22, v31;
	v22 =	vld [tilespmem:s22+$0xFFFFFFF0];
	v51 =	vadd.s32 v44, v40  }
0x855: {  	v27 =	vadd.s32 $0x1, v57;
	v39 =	vor.u32 s24, v7;
	v60 =	vld.idx.msk [tilespmem:v25+s12+$0x0], $0xffff;
	v51 =	vshrl.u32 v51, $0x1  }
0x856: {  	v43 =	vsel vm1, v62, v43;
	v50 =	vsel vm1, v33, v50;
	vm1 =	vle.f32 v63, v35;
	v61 =	vld.idx.msk [tilespmem:v45+s12+$0x0], $0xffff  }
0x857: {  	v62 =	vadd.s32 v43, v50;
	v45 =	vsel vm1, v27, v48;
	v48 =	vsel vm1, v49, v57  }
0x858: {  	v63 =	vperm.xlane v28, v6;
	v41 =	vshrl.u32 v62, $0x1;
	v27 =	vadd.s32 v45, v48  }
0x859: {  	v49 =	vadd.s32 $0x1, v53;
	v52 =	vadd.s32 $0x1, v41;
	v54 =	vshrl.u32 v27, $0x1  }
0x85a: {  	v27 =	vmul.f32 v22, v12;
	v56 =	vperm.xlane v22, v6;
	vm1 =	vle.f32 v60, v23;
	v47 =	vld.idx.msk [tilespmem:v51+s12+$0x0], $0xffff  }
0x85b: {  	s25 =	simm.s32 $0x70;
	v42 =	vsel vm1, v42, v25;
	v25 =	vperm.xlane v22, v0;
	v33 =	vmul.f32 v61, v10  }
0x85c: {  	v46 =	vsel vm1, v59, v46;
	vm1 =	vle.f32 v18, v27;
	v59 =	vor.u32 s25, v7  }
0x85d: {  	v58 =	vsel vm1, $0x600, v4;
	v25 =	vsel vm0, v25, v63;
	v33 =	vsel vm2, $0x0, v33  }
0x85e: {  	s29 =	simm.s32 $0x1A50;
	v60 =	vadd.s32 $0x1, v51;
	v1 =	vsub.s32 v59, v1;
	v57 =	vld.idx.msk [tilespmem:v54+s12+$0x0], $0xffff;
	v33 =	vmax.f32 v25, v33  }
0x85f: {  	v1 =	vcvt.s32.f32 v1;
	v25 =	vld [tilespmem:s29+$0x0];
	vm2 =	vle.f32 v47, v32;
	v28 =	vsub.f32 v28, v33  }
0x860: {  	v62 =	vor.u32 $0x1, v58;
	v47 =	vld.idx.msk [tilespmem:v41+s12+$0x0], $0xffff;
	v44 =	vsel vm2, v60, v44;
	v51 =	vsel vm2, v40, v51  }
0x861: {  	v59 =	vld.idx.msk [tilespmem:v2+s12+$0x0], $0xffff;
	v33 =	vadd.s32 v46, v42;
	v40 =	vadd.s32 v44, v51;
	v28 =	vmul.f32 v1, v28  }
0x862: {  	[tilespmem:$0x1FF10] =	vst v9;
	v60 =	vsel vm1, $0x800, v2;
	v61 =	vld.idx.msk [tilespmem:v58+s12+$0x0], $0xffff;
	v9 =	vshrl.u32 v33, $0x1;
	v63 =	vshrl.u32 v40, $0x1  }
0x863: {  	vm2 =	vle.f32 v57, v35;
	v57 =	vadd.s32 $0x1, v54;
	v1 =	vmul.f32 v1, v28  }
0x864: {  	v33 =	vmul.f32 v25, v12;
	v28 =	vsel vm2, v57, v45;
	v45 =	vsel vm2, v48, v54  }
0x865: {  	v48 =	vld.idx.msk [tilespmem:v53+s12+$0x0], $0xffff;
	v57 =	vsel vm1, $0x401, v3;
	v54 =	vadd.s32 v28, v45;
	vm2 =	vle.f32 v47, v31  }
0x866: {  	v40 =	vadd.f32 v1, v55;
	v1 =	vadd.s32 $0x1, v9;
	vm1 =	vle.f32 v59, v33  }
0x867: {  	v54 =	vshrl.u32 v54, $0x1;
	vm3 =	vle.f32 v61, v27;
	v43 =	vsel vm2, v52, v43  }
0x868: {  	v41 =	vsel vm2, v50, v41;
	v47 =	vsel vm1, $0x600, v4;
	v52 =	vsel vm3, v60, v58;
	v55 =	vld.idx.msk [tilespmem:v63+s12+$0x0], $0xffff  }
0x869: {  	v50 =	vsel vm3, v62, v57;
	v61 =	vadd.s32 v43, v41;
	v60 =	vadd.s32 $0xFFFFFFFF, v52  }
0x86a: {  	v53 =	vld.idx.msk [tilespmem:v9+s12+$0x0], $0xffff;
	v62 =	vadd.s32 $0x1, v63;
	vm2 =	vle.f32 v48, v26;
	v26 =	vxor.u32 v60, v50  }
0x86b: {  	v48 =	vshrl.u32 v61, $0x1;
	v57 =	vor.u32 v60, v50;
	v58 =	vshrl.u32 v26, $0x1  }
0x86c: {  	v59 =	vadd.s32 $0x1, v48;
	v8 =	vsel vm2, v49, v8;
	v26 =	vperm.xlane v25, v0;
	v60 =	vld.idx.msk [tilespmem:v54+s12+$0x0], $0xffff  }
0x86d: {  	v49 =	vsub.s32 v57, v58;
	v58 =	vmax.u32 v8, $0x1;
	v57 =	vld.idx.msk [tilespmem:v47+s12+$0x0], $0xffff;
	vm2 =	vle.f32 v55, v32  }
0x86e: {  	v58 =	vsub.s32 v58, v5;
	v44 =	vsel vm2, v62, v44;
	v51 =	vsel vm2, v51, v63  }
0x86f: {  	vm2 =	vle.f32 v53, v23;
	v53 =	vor.u32 $0x1, v49;
	v62 =	vsel vm1, $0x800, v2  }
0x870: {  	v55 =	vadd.s32 v44, v51;
	v1 =	vsel vm2, v1, v46;
	v9 =	vsel vm2, v42, v9  }
0x871: {  	v46 =	vshrl.u32 v55, $0x1;
	v55 =	vld.idx.msk [tilespmem:v48+s12+$0x0], $0xffff;
	vm2 =	vle.f32 v60, v35;
	v60 =	vadd.s32 $0x1, v54  }
0x872: {  	v42 =	vsel vm1, $0x401, v3;
	v63 =	vld.idx.msk [tilespmem:v49+s12+$0x0], $0xffff;
	vm1 =	vle.f32 v57, v33;
	v57 =	vsel vm2, v60, v28  }
0x873: {  	v45 =	vsel vm2, v45, v54;
	v28 =	vor.u32 $0x1, v47;
	v47 =	vsel vm1, v62, v47  }
0x874: {  	v54 =	vadd.s32 v57, v45;
	v42 =	vsel vm1, v28, v42;
	v28 =	vadd.s32 $0xFFFFFFFF, v47  }
0x875: {  	v61 =	vadd.s32 v1, v9;
	v54 =	vshrl.u32 v54, $0x1;
	v60 =	vxor.u32 v28, v42  }
0x876: {  	v61 =	vshrl.u32 v61, $0x1;
	v28 =	vor.u32 v28, v42;
	v62 =	vld.idx.msk [tilespmem:v46+s12+$0x0], $0xffff;
	v60 =	vshrl.u32 v60, $0x1  }
0x877: {  	vm1 =	vle.f32 v55, v31;
	vm2 =	vle.f32 v63, v27;
	v55 =	vsub.s32 v28, v60  }
0x878: {  	v43 =	vsel vm1, v59, v43;
	v50 =	vsel vm2, v53, v50;
	v49 =	vsel vm2, v52, v49  }
0x879: {  	v41 =	vsel vm1, v41, v48;
	v48 =	vadd.s32 $0x1, v61;
	v28 =	vxor.u32 v50, v49  }
0x87a: {  	v63 =	vadd.s32 v43, v41;
	v59 =	vand.u32 v50, v49;
	v53 =	vld.idx.msk [tilespmem:v54+s12+$0x0], $0xffff;
	v28 =	vshrl.u32 v28, $0x1  }
0x87b: {  	v60 =	vld.idx.msk [tilespmem:v61+s12+$0x0], $0xffff;
	v52 =	vshrl.u32 v63, $0x1;
	vm1 =	vle.f32 v62, v32;
	v62 =	vadd.s32 $0x1, v46  }
0x87c: {  	v59 =	vadd.s32 v28, v59;
	v44 =	vsel vm1, v62, v44;
	v28 =	vsel vm1, v51, v46  }
0x87d: {  	v46 =	vld.idx.msk [tilespmem:v55+s12+$0x0], $0xffff;
	vm1 =	veq.s32 v8, $0x0;
	v8 =	vmin.u32 v8, $0x7FF;
	v28 =	vadd.s32 v44, v28  }
0x87e: {  	v51 =	vadd.s32 $0x1, v59;
	v8 =	vsub.s32 v39, v8;
	v63 =	vshrl.u32 v28, $0x1  }
0x87f: {  	v28 =	vsel vm0, v37, v56;
	vm2 =	vle.f32 v53, v35;
	v56 =	vadd.s32 $0x1, v54  }
0x880: {  	v37 =	vsel vm2, v56, v57;
	v45 =	vsel vm2, v45, v54;
	vm2 =	vle.f32 v60, v23  }
0x881: {  	v62 =	vadd.s32 $0x1, v52;
	v8 =	vcvt.s32.f32 v8;
	v53 =	vld.idx.msk [tilespmem:v59+s12+$0x0], $0xffff;
	v1 =	vsel vm2, v48, v1  }
0x882: {  	v9 =	vsel vm2, v9, v61;
	v48 =	vld.idx.msk [tilespmem:v52+s12+$0x0], $0xffff;
	v61 =	vor.u32 $0x1, v55;
	vm2 =	vle.f32 v46, v33  }
0x883: {  	v54 =	vadd.s32 v37, v45;
	v57 =	vsel vm2, v61, v42;
	v47 =	vsel vm2, v47, v55  }
0x884: {  	v56 =	vld.idx.msk [tilespmem:v58+s12+$0x0], $0xffff;
	v54 =	vshrl.u32 v54, $0x1;
	v58 =	vadd.s32 v1, v9;
	v46 =	vxor.u32 v57, v47  }
0x885: {  	v55 =	vshrl.u32 v58, $0x1;
	v39 =	vld.idx.msk [tilespmem:v63+s12+$0x0], $0xffff;
	v60 =	vand.u32 v57, v47;
	v46 =	vshrl.u32 v46, $0x1  }
0x886: {  	v58 =	vadd.s32 $0x1, v55;
	vm2 =	vle.f32 v53, v27;
	v60 =	vadd.s32 v46, v60  }
0x887: {  	vm3 =	vle.f32 v48, v31;
	v48 =	vsel vm2, v51, v50;
	v49 =	vsel vm2, v49, v59  }
0x888: {  	v51 =	vadd.s32 $0x1, v63;
	v42 =	vsel vm3, v62, v43;
	v61 =	vadd.s32 v48, v49  }
0x889: {  	v46 =	vld.idx.msk [tilespmem:v54+s12+$0x0], $0xffff;
	v62 =	vmul.f32 v56, v10;
	v53 =	vsel vm3, v41, v52;
	v43 =	vshrl.u32 v61, $0x1  }
0x88a: {  	v56 =	vadd.s32 $0x1, v54;
	v41 =	vld.idx.msk [tilespmem:v55+s12+$0x0], $0xffff;
	vm2 =	vle.f32 v39, v32;
	v59 =	vadd.s32 $0x1, v43  }
0x88b: {  	v39 =	vadd.s32 v42, v53;
	v50 =	vsel vm1, $0x0, v62;
	v32 =	vsel vm2, v51, v44  }
0x88c: {  	v61 =	vshrl.u32 v39, $0x1;
	v36 =	vmax.f32 v36, v50;
	v44 =	vmax.u32 v32, $0x1  }
0x88d: {  	v51 =	vld.idx.msk [tilespmem:v60+s12+$0x0], $0xffff;
	v30 =	vsub.f32 v30, v36;
	vm2 =	veq.s32 v32, $0x0;
	v44 =	vsub.s32 v44, v5  }
0x88e: {  	v32 =	vmin.u32 v32, $0x7FF;
	vm1 =	vle.f32 v46, v35;
	v46 =	vadd.s32 $0x1, v61  }
0x88f: {  	v52 =	vsel vm1, v56, v37;
	v53 =	vsel vm1, v45, v54;
	v62 =	vld.idx.msk [tilespmem:v43+s12+$0x0], $0xffff;
	vm1 =	vle.f32 v41, v23  }
0x890: {  	v63 =	vmul.f32 v8, v30;
	v30 =	vld [tilespmem:s31+$0xFFFFFFF0];
	v37 =	vadd.s32 v52, v53;
	v41 =	vsel vm1, v58, v1  }
0x891: {  	v39 =	vsel vm1, v9, v55;
	v1 =	vadd.s32 $0x1, v60;
	v56 =	vshrl.u32 v37, $0x1  }
0x892: {  	v9 =	vadd.s32 v41, v39;
	v37 =	vmul.f32 v8, v63;
	vm1 =	vle.f32 v51, v33;
	v58 =	vld.idx.msk [tilespmem:v44+s12+$0x0], $0xffff  }
0x893: {  	s31 =	simm.s32 $0x90;
	v50 =	vshrl.u32 v9, $0x1;
	v54 =	vsel vm1, v1, v57;
	v55 =	vsel vm1, v47, v60  }
0x894: {  	v63 =	vor.u32 s31, v7;
	v51 =	vadd.s32 $0x1, v50;
	v1 =	vadd.s32 v54, v55  }
0x895: {  	vm1 =	vle.f32 v62, v27;
	v36 =	vmul.f32 v30, v12;
	v57 =	vshrl.u32 v1, $0x1  }
0x896: {  	v8 =	vperm.xlane v30, v0;
	v48 =	vsel vm1, v59, v48;
	v47 =	vsel vm1, v49, v43;
	v1 =	vld.idx.msk [tilespmem:v56+s12+$0x0], $0xffff  }
0x897: {  	s26 =	simm.s32 $0x20;
	v43 =	vperm.xlane v38, v6;
	vm1 =	vle.f32 v18, v36;
	v9 =	vmul.f32 v58, v10  }
0x898: {  	v44 =	vor.u32 s26, v7;
	v45 =	vperm.xlane v30, v6;
	v49 =	vld.idx.msk [tilespmem:v61+s12+$0x0], $0xffff;
	v58 =	vsel vm1, $0x600, v4  }
0x899: {  	s0 =	simm.s32 $0x100;
	s30 =	simm.s32 $0x1A70;
	v62 =	vadd.s32 $0x1, v56;
	v59 =	vld.idx.msk [tilespmem:v50+s12+$0x0], $0xffff;
	v8 =	vsel vm0, v8, v43;
	v9 =	vsel vm2, $0x0, v9  }
0x89a: {  	s21 =	simm.s32 $0xE0;
	s23 =	simm.s32 $0xA0;
	s24 =	simm.s32 $0x80;
	v60 =	vadd.s32 v48, v47;
	v61 =	vld.idx.msk [tilespmem:v57+s12+$0x0], $0xffff;
	v8 =	vmax.f32 v8, v9;
	v9 =	vsub.s32 v63, v32  }
0x89b: {  	s22 =	simm.s32 $0xC0;
	s25 =	simm.s32 $0x60;
	s26 =	simm.s32 $0x40;
	v32 =	vld [tilespmem:s30+$0x0];
	vm2 =	vle.f32 v1, v35;
	v63 =	vsub.f32 v38, v8;
	v38 =	vcvt.s32.f32 v9  }
.LBB2_17:
0x89c: {  	p0 =	sne.s32 s0, $0x7E0;
	v1 =	vld.idx.msk [tilespmem:v2+s12+$0x0], $0xffff;
	v8 =	vsel vm2, v62, v52;
	v9 =	vsel vm2, v53, v56;
	v43 =	vsel vm1, $0x800, v2  }
0x89d: {  	v56 =	vor.u32 $0x1, v58;
	v52 =	vadd.s32 v8, v9;
	v53 =	vld.idx.msk [tilespmem:v58+s12+$0x0], $0xffff;
	v62 =	vmul.f32 v38, v63  }
0x89e: {  	v60 =	vshrl.u32 v60, $0x1;
	v63 =	vsel vm1, $0x401, v3;
	v52 =	vshrl.u32 v52, $0x1  }
0x89f: {  	vm1 =	vle.f32 v61, v33;
	v61 =	vadd.s32 $0x1, v57;
	v62 =	vmul.f32 v38, v62  }
0x8a0: {  	v54 =	vsel vm1, v61, v54;
	v55 =	vsel vm1, v55, v57;
	v38 =	vmul.f32 v32, v12  }
0x8a1: {  	v61 =	vadd.s32 $0x1, v60;
	v57 =	vadd.s32 v54, v55;
	v40 =	vadd.f32 v62, v40  }
0x8a2: {  	vm2 =	vle.f32 v59, v23;
	vm1 =	vle.f32 v1, v38;
	v1 =	vshrl.u32 v57, $0x1  }
0x8a3: {  	v41 =	vsel vm2, v51, v41;
	vm3 =	vle.f32 v53, v36;
	v57 =	vsel vm1, $0x600, v4;
	v59 =	vld.idx.msk [tilespmem:v52+s12+$0x0], $0xffff  }
0x8a4: {  	v39 =	vsel vm2, v39, v50;
	v51 =	vsel vm3, v56, v63;
	v43 =	vsel vm3, v43, v58;
	v53 =	vld.idx.msk [tilespmem:v60+s12+$0x0], $0xffff  }
0x8a5: {  	vm2 =	vle.f32 v49, v31;
	v31 =	vmovc v23;
	v23 =	vmovc v27;
	v56 =	vadd.s32 v41, v39;
	v50 =	vadd.s32 $0xFFFFFFFF, v43  }
0x8a6: {  	v27 =	vmovc v36;
	v56 =	vshrl.u32 v56, $0x1;
	v49 =	vor.u32 v50, v51;
	v50 =	vxor.u32 v50, v51  }
0x8a7: {  	v42 =	vsel vm2, v46, v42;
	v58 =	vadd.s32 $0x1, v56;
	v50 =	vshrl.u32 v50, $0x1;
	v36 =	vld.idx.msk [tilespmem:v1+s12+$0x0], $0xffff  }
0x8a8: {  	v62 =	vperm.xlane v32, v0;
	v49 =	vsub.s32 v49, v50;
	v50 =	vmax.u32 v42, $0x1;
	v46 =	vld.idx.msk [tilespmem:v57+s12+$0x0], $0xffff  }
0x8a9: {  	vm2 =	vle.f32 v59, v35;
	v59 =	vadd.s32 $0x1, v52;
	v63 =	vor.u32 $0x1, v49  }
0x8aa: {  	v8 =	vsel vm2, v59, v8;
	v9 =	vsel vm2, v9, v52;
	vm2 =	vle.f32 v53, v23  }
0x8ab: {  	v52 =	vadd.s32 v8, v9;
	v48 =	vsel vm2, v61, v48;
	v47 =	vsel vm2, v47, v60;
	v53 =	vld.idx.msk [tilespmem:v56+s12+$0x0], $0xffff  }
0x8ac: {  	v59 =	vsel vm1, $0x401, v3;
	v52 =	vshrl.u32 v52, $0x1;
	v60 =	vadd.s32 v48, v47  }
0x8ad: {  	v61 =	vsel vm1, $0x800, v2;
	vm1 =	vle.f32 v36, v33;
	v36 =	vadd.s32 $0x1, v1;
	v11 =	vld.idx.msk [tilespmem:v49+s12+$0x0], $0xffff  }
0x8ae: {  	vm2 =	vle.f32 v46, v38;
	v36 =	vsel vm1, v36, v54;
	v1 =	vsel vm1, v55, v1  }
0x8af: {  	v46 =	vor.u32 $0x1, v57;
	v54 =	vsel vm2, v61, v57;
	v55 =	vadd.s32 v36, v1  }
0x8b0: {  	v46 =	vsel vm2, v46, v59;
	v57 =	vadd.s32 $0xFFFFFFFF, v54;
	v55 =	vshrl.u32 v55, $0x1  }
0x8b1: {  	v60 =	vshrl.u32 v60, $0x1;
	v59 =	vxor.u32 v57, v46;
	vm1 =	vle.f32 v53, v31;
	v61 =	vld.idx.msk [tilespmem:v52+s12+$0x0], $0xffff  }
0x8b2: {  	v53 =	vor.u32 v57, v46;
	v57 =	vshrl.u32 v59, $0x1;
	v59 =	vadd.s32 $0x1, v60  }
0x8b3: {  	v53 =	vsub.s32 v53, v57;
	vm2 =	vle.f32 v11, v27;
	v11 =	vsel vm1, v58, v41  }
0x8b4: {  	v39 =	vsel vm1, v39, v56;
	v41 =	vsel vm2, v63, v51;
	v43 =	vsel vm2, v43, v49  }
0x8b5: {  	v57 =	vadd.s32 v11, v39;
	v51 =	vand.u32 v41, v43;
	v56 =	vxor.u32 v41, v43;
	v49 =	vld.idx.msk [tilespmem:v55+s12+$0x0], $0xffff  }
0x8b6: {  	v50 =	vsub.s32 v50, v5;
	v57 =	vshrl.u32 v57, $0x1;
	v56 =	vshrl.u32 v56, $0x1;
	v58 =	vld.idx.msk [tilespmem:v60+s12+$0x0], $0xffff  }
0x8b7: {  	vm1 =	vle.f32 v61, v35;
	v61 =	vadd.s32 $0x1, v52;
	v51 =	vadd.s32 v56, v51  }
0x8b8: {  	v8 =	vsel vm1, v61, v8;
	v9 =	vsel vm1, v9, v52;
	v52 =	vadd.s32 $0x1, v51;
	v56 =	vld.idx.msk [tilespmem:v53+s12+$0x0], $0xffff  }
0x8b9: {  	v61 =	vadd.s32 $0x1, v57;
	vm1 =	veq.s32 v42, $0x0;
	v9 =	vadd.s32 v8, v9  }
0x8ba: {  	v45 =	vsel vm0, v34, v45;
	v34 =	vmovc v15;
	v15 =	vmovc v21;
	v42 =	vmin.u32 v42, $0x7FF;
	v9 =	vshrl.u32 v9, $0x1  }
0x8bb: {  	v21 =	vmovc v26;
	v42 =	vsub.s32 v44, v42;
	vm2 =	vle.f32 v49, v33;
	v49 =	vadd.s32 $0x1, v55;
	v63 =	vld.idx.msk [tilespmem:v57+s12+$0x0], $0xffff  }
0x8bc: {  	v36 =	vsel vm2, v49, v36;
	v1 =	vsel vm2, v1, v55;
	vm2 =	vle.f32 v58, v23;
	v44 =	vld.idx.msk [tilespmem:v51+s12+$0x0], $0xffff  }
0x8bd: {  	v13 =	vadd.s32 v36, v1;
	v48 =	vsel vm2, v59, v48;
	v47 =	vsel vm2, v47, v60;
	v49 =	vld.idx.msk [tilespmem:v50+s12+$0x0], $0xffff  }
0x8be: {  	v26 =	vmovc v62;
	vm2 =	vle.f32 v56, v38;
	v50 =	vor.u32 $0x1, v53;
	v55 =	vshrl.u32 v13, $0x1  }
0x8bf: {  	v50 =	vsel vm2, v50, v46;
	v58 =	vsel vm2, v54, v53;
	v53 =	vadd.s32 v48, v47;
	v46 =	vld.idx.msk [tilespmem:v9+s12+$0x0], $0xffff  }
0x8c0: {  	v60 =	vcvt.s32.f32 v42;
	v54 =	vxor.u32 v50, v58;
	v59 =	vshrl.u32 v53, $0x1  }
0x8c1: {  	v42 =	vand.u32 v50, v58;
	v53 =	vshrl.u32 v54, $0x1;
	v54 =	vadd.s32 $0x1, v59  }
0x8c2: {  	vm3 =	vle.f32 v63, v31;
	v62 =	vadd.s32 v53, v42;
	vm2 =	vle.f32 v44, v27  }
0x8c3: {  	v42 =	vsel vm3, v61, v11;
	v63 =	vsel vm2, v52, v41;
	v43 =	vsel vm2, v43, v51;
	v44 =	vld.idx.msk [tilespmem:v55+s12+$0x0], $0xffff  }
0x8c4: {  	v39 =	vsel vm3, v39, v57;
	v41 =	vmul.f32 v49, v10;
	v11 =	vadd.s32 v63, v43  }
0x8c5: {  	v9 =	vadd.s32 $0x1, v9;
	vm2 =	vle.f32 v46, v35;
	v11 =	vshrl.u32 v11, $0x1;
	v35 =	vmovc v33;
	v33 =	vmovc v38;
	v49 =	vld.idx.msk [tilespmem:v59+s12+$0x0], $0xffff  }
0x8c6: {  	v38 =	vadd.s32 v42, v39;
	v8 =	vsel vm2, v9, v8;
	v9 =	vadd.s32 $0x1, v11  }
0x8c7: {  	v41 =	vsel vm1, $0x0, v41;
	v38 =	vshrl.u32 v38, $0x1;
	v39 =	vmax.u32 v8, $0x1;
	v51 =	vld.idx.msk [tilespmem:v62+s12+$0x0], $0xffff  }
0x8c8: {  	v46 =	vadd.s32 $0x1, v38;
	v57 =	vsub.s32 v39, v5;
	v39 =	vmax.f32 v29, v41;
	v29 =	vmovc v24;
	v24 =	vmovc v28  }
0x8c9: {  	v41 =	vadd.s32 $0x1, v55;
	v28 =	vmovc v45;
	vm1 =	vle.f32 v44, v35;
	v39 =	vsub.f32 v19, v39;
	v19 =	vmovc v17  }
0x8ca: {  	v16 =	vadd.f32 v37, v16;
	v52 =	vsel vm1, v41, v36;
	v53 =	vsel vm1, v1, v55;
	v1 =	vld.idx.msk [tilespmem:v11+s12+$0x0], $0xffff  }
0x8cb: {  	v17 =	vmovc v22;
	v36 =	vadd.s32 v52, v53;
	vm1 =	vle.f32 v49, v23;
	v37 =	vmul.f32 v60, v39  }
0x8cc: {  	v22 =	vmovc v30;
	v56 =	vshrl.u32 v36, $0x1;
	v41 =	vsel vm1, v54, v48;
	v39 =	vsel vm1, v47, v59;
	v30 =	vld [tilespmem:s28+$0xFFFFFFF0];
	s28 =	smov.u32 s29;
	s29 =	smov.u32 s30  }
0x8cd: {  	v36 =	vadd.s32 $0x1, v62;
	vm1 =	vle.f32 v51, v33;
	v44 =	vadd.s32 v41, v39;
	v59 =	vld.idx.msk [tilespmem:v57+s12+$0x0], $0xffff  }
0x8ce: {  	v54 =	vsel vm1, v36, v50;
	v55 =	vsel vm1, v58, v62;
	v50 =	vshrl.u32 v44, $0x1;
	v49 =	vld.idx.msk [tilespmem:v38+s12+$0x0], $0xffff  }
0x8cf: {  	v37 =	vmul.f32 v60, v37;
	v36 =	vadd.s32 v54, v55;
	v51 =	vadd.s32 $0x1, v50  }
0x8d0: {  	v44 =	vor.u32 s26, v7;
	s26 =	smov.u32 s25;
	s25 =	smov.u32 s24;
	s24 =	smov.u32 s23;
	v57 =	vshrl.u32 v36, $0x1;
	vm1 =	vle.f32 v1, v27  }
0x8d1: {  	s23 =	smov.u32 s22;
	s22 =	smov.u32 s21;
	s21 =	smov.u32 s0;
	v48 =	vsel vm1, v9, v63;
	v47 =	vsel vm1, v43, v11;
	v1 =	vld.idx.msk [tilespmem:v56+s12+$0x0], $0xffff;
	v36 =	vmul.f32 v30, v12  }
0x8d2: {  	v45 =	vperm.xlane v30, v6;
	v9 =	vperm.xlane v30, v0;
	v60 =	vadd.s32 v48, v47  }
.Ltmp7:
0x8d3: {  	s1 =	sadd.s32 $0x10, s24;
	v38 =	vperm.xlane v20, v6;
	v11 =	vmul.f32 v59, v10;
	vm1 =	vle.f32 v18, v36;
	v59 =	vld.idx.msk [tilespmem:v50+s12+$0x0], $0xffff;
	(pc) =	sbr.rel @p0 .LBB2_17-.Ltmp7, $4  }
0x8d4: {  	vm2 =	veq.s32 v8, $0x0;
	v43 =	vor.u32 s1, v7;
	v58 =	vsel vm1, $0x600, v4  }
0x8d5: {  	v8 =	vmin.u32 v8, $0x7FF;
	v9 =	vsel vm0, v9, v38;
	v11 =	vsel vm2, $0x0, v11;
	v61 =	vld.idx.msk [tilespmem:v57+s12+$0x0], $0xffff  }
0x8d6: {  	s30 =	sadd.s32 $0x20, s30;
	v62 =	vadd.s32 $0x1, v56;
	v8 =	vsub.s32 v43, v8;
	v9 =	vmax.f32 v9, v11  }
0x8d7: {  	s0 =	sadd.s32 $0x20, s0;
	v38 =	vcvt.s32.f32 v8;
	vm2 =	vle.f32 v1, v35;
	v63 =	vsub.f32 v20, v9;
	v20 =	vmovc v25;
	v25 =	vmovc v32;
	v32 =	vld [tilespmem:s30+$0x0]  }
0x8d8: {  	_ =	sdelay $0x3  }
0x8d9: {  	v1 =	vld.idx.msk [tilespmem:v2+s12+$0x0], $0xffff;
	_ =	sdelay $0x2  }
0x8da: {  	v11 =	vmul.f32 v32, v12;
	_ =	sdelay $0x1  }
0x8db: {  	vm3 =	vle.f32 v1, v11  }
0x8dc: {  	v1 =	vsel vm3, $0x600, v4;
	_ =	sdelay $0x4  }
0x8dd: {  	v8 =	vld.idx.msk [tilespmem:v1+s12+$0x0], $0xffff;
	_ =	sdelay $0x4  }
0x8de: {  	v9 =	vsel vm3, $0x800, v2;
	vm4 =	vle.f32 v8, v11  }
0x8df: {  	v14 =	vor.u32 $0x1, v1;
	v8 =	vsel vm3, $0x401, v3;
	v43 =	vsel vm4, v9, v1  }
0x8e0: {  	v8 =	vsel vm4, v14, v8;
	v9 =	vadd.s32 $0xFFFFFFFF, v43  }
0x8e1: {  	[tilespmem:$0x1FEC0] =	vst v11;
	v11 =	vxor.u32 v9, v8  }
0x8e2: {  	v9 =	vor.u32 v9, v8;
	v11 =	vshrl.u32 v11, $0x1  }
0x8e3: {  	v14 =	vsel vm1, $0x401, v3;
	v9 =	vsub.s32 v9, v11  }
0x8e4: {  	v11 =	vsel vm2, v62, v52;
	v52 =	vsel vm2, v53, v56;
	v53 =	vsel vm1, $0x800, v2  }
0x8e5: {  	v62 =	vld.idx.msk [tilespmem:v58+s12+$0x0], $0xffff;
	vm1 =	vle.f32 v61, v33;
	v61 =	vadd.s32 $0x1, v57;
	v56 =	vadd.s32 v11, v52  }
0x8e6: {  	v54 =	vsel vm1, v61, v54;
	v55 =	vsel vm1, v55, v57;
	vm1 =	vle.f32 v59, v23  }
0x8e7: {  	v56 =	vshrl.u32 v56, $0x1;
	v50 =	vsel vm1, v39, v50;
	v39 =	vld [tilespmem:$0x1FEC0]  }
0x8e8: {  	v63 =	vmul.f32 v38, v63;
	v1 =	vld.idx.msk [tilespmem:v9+s12+$0x0], $0xffff  }
0x8e9: {  	v13 =	vor.u32 $0x1, v58;
	v60 =	vshrl.u32 v60, $0x1  }
0x8ea: {  	v38 =	vmul.f32 v38, v63;
	v51 =	vsel vm1, v51, v41;
	vm2 =	vle.f32 v62, v36  }
0x8eb: {  	v57 =	vadd.s32 v54, v55;
	v63 =	vadd.s32 v51, v50;
	v13 =	vsel vm2, v13, v14;
	v14 =	vld [tilespmem:s28+$0xFFFFFFF0]  }
0x8ec: {  	v57 =	vshrl.u32 v57, $0x1;
	v62 =	vsel vm2, v53, v58;
	v58 =	vshrl.u32 v63, $0x1;
	v53 =	vld.idx.msk [tilespmem:v56+s12+$0x0], $0xffff  }
0x8ed: {  	v41 =	vadd.s32 $0xFFFFFFFF, v62;
	vm1 =	vle.f32 v1, v39;
	v1 =	vor.u32 $0x1, v9  }
0x8ee: {  	v1 =	vsel vm1, v1, v8;
	v8 =	vsel vm1, v43, v9;
	v9 =	vor.u32 v41, v13  }
0x8ef: {  	v41 =	vxor.u32 v41, v13;
	v43 =	vxor.u32 v1, v8;
	v61 =	vand.u32 v1, v8  }
0x8f0: {  	[tilespmem:$0x1FED0] =	vst v62;
	v62 =	vshrl.u32 v41, $0x1;
	v41 =	vmul.f32 v14, v12;
	v43 =	vshrl.u32 v43, $0x1  }
0x8f1: {  	v59 =	vld.idx.msk [tilespmem:v60+s12+$0x0], $0xffff;
	v63 =	vadd.s32 $0x1, v56;
	vm2 =	vle.f32 v53, v35;
	v43 =	vadd.s32 v43, v61  }
0x8f2: {  	v9 =	vsub.s32 v9, v62;
	v61 =	vadd.f32 v38, v40;
	v40 =	vld.idx.msk [tilespmem:v57+s12+$0x0], $0xffff;
	vm1 =	vle.f32 v18, v41  }
0x8f3: {  	v11 =	vsel vm2, v63, v11;
	v52 =	vsel vm2, v52, v56;
	v53 =	vsel vm1, $0x600, v4  }
0x8f4: {  	vm3 =	vle.f32 v49, v31;
	[tilespmem:$0x1FEE0] =	vst v14;
	v38 =	vadd.s32 v11, v52  }
0x8f5: {  	v46 =	vsel vm3, v46, v42;
	v14 =	vadd.s32 $0x1, v60;
	v49 =	vshrl.u32 v38, $0x1;
	[tilespmem:$0x1FF00] =	vst v61;
	v61 =	vld.idx.msk [tilespmem:v58+s12+$0x0], $0xffff  }
0x8f6: {  	vm2 =	vle.f32 v59, v27;
	v63 =	vadd.s32 $0x1, v57;
	v56 =	vadd.s32 $0x1, v58;
	v31 =	vld.idx.msk [tilespmem:v43+s12+$0x0], $0xffff  }
0x8f7: {  	v48 =	vsel vm2, v14, v48;
	v47 =	vsel vm2, v47, v60;
	v59 =	vld.idx.msk [tilespmem:v9+s12+$0x0], $0xffff;
	vm2 =	vle.f32 v40, v33  }
0x8f8: {  	v60 =	vor.u32 $0x1, v9;
	v14 =	vadd.s32 v48, v47;
	v55 =	vsel vm2, v55, v57;
	v57 =	vld.idx.msk [tilespmem:v53+s12+$0x0], $0xffff  }
0x8f9: {  	v42 =	vsel vm1, $0x800, v2;
	v54 =	vsel vm2, v63, v54;
	v63 =	vshrl.u32 v14, $0x1  }
0x8fa: {  	v40 =	vld.idx.msk [tilespmem:v49+s12+$0x0], $0xffff;
	v14 =	vadd.s32 $0x1, v43;
	v38 =	vadd.s32 v54, v55;
	vm2 =	vle.f32 v61, v23  }
0x8fb: {  	v62 =	vshrl.u32 v38, $0x1;
	v38 =	vor.u32 $0x1, v53;
	vm3 =	vle.f32 v31, v39  }
0x8fc: {  	v31 =	vsel vm1, $0x401, v3;
	v14 =	vsel vm3, v14, v1;
	v8 =	vsel vm3, v8, v43  }
0x8fd: {  	vm3 =	vle.f32 v59, v36;
	v43 =	vsel vm2, v56, v51;
	vm1 =	vle.f32 v57, v41;
	v1 =	vld [tilespmem:s29+$0xFFFFFFF0]  }
0x8fe: {  	v13 =	vsel vm3, v60, v13;
	v51 =	vsel vm1, v38, v31;
	v53 =	vsel vm1, v42, v53  }
0x8ff: {  	vm1 =	vle.f32 v40, v35;
	v38 =	vadd.s32 v14, v8;
	v42 =	vadd.s32 $0xFFFFFFFF, v53  }
0x900: {  	v60 =	vadd.s32 $0x1, v49;
	v56 =	vld.idx.msk [tilespmem:v62+s12+$0x0], $0xffff;
	v59 =	vshrl.u32 v38, $0x1;
	v31 =	vxor.u32 v42, v51  }
0x901: {  	v40 =	vld [tilespmem:s30+$0xFFFFFFF0];
	v38 =	vsel vm1, v60, v11;
	v42 =	vor.u32 v42, v51;
	v60 =	vshrl.u32 v31, $0x1  }
0x902: {  	v49 =	vsel vm1, v52, v49;
	[tilespmem:$0x1FEF0] =	vst v1;
	v52 =	vsub.s32 v42, v60;
	v42 =	vmul.f32 v1, v12;
	v1 =	vld [tilespmem:$0x1FED0];
	_ =	sdelay $0x1  }
0x903: {  	v61 =	vadd.s32 $0x1, v63;
	v11 =	vadd.s32 $0x1, v62  }
0x904: {  	v49 =	vadd.s32 v38, v49;
	v31 =	vsel vm2, v50, v58;
	v50 =	vld.idx.msk [tilespmem:v63+s12+$0x0], $0xffff;
	vm1 =	vle.f32 v56, v33  }
0x905: {  	v49 =	vshrl.u32 v49, $0x1;
	v12 =	vmul.f32 v40, v12;
	v54 =	vsel vm1, v11, v54  }
0x906: {  	v58 =	vld.idx.msk [tilespmem:v59+s12+$0x0], $0xffff;
	v11 =	vadd.s32 v43, v31;
	v9 =	vsel vm3, v1, v9;
	vm3 =	vle.f32 v18, v42  }
0x907: {  	v55 =	vsel vm1, v55, v62;
	v62 =	vld.idx.msk [tilespmem:v52+s12+$0x0], $0xffff;
	v60 =	vsel vm3, $0x600, v4;
	v1 =	vxor.u32 v13, v9  }
0x908: {  	vm2 =	vle.f32 v18, v12;
	v57 =	vand.u32 v13, v9;
	v1 =	vshrl.u32 v1, $0x1  }
0x909: {  	vm1 =	vle.f32 v50, v27;
	v1 =	vadd.s32 v1, v57;
	v57 =	vsel vm2, $0x600, v4  }
0x90a: {  	v56 =	vshrl.u32 v11, $0x1;
	v50 =	vld.idx.msk [tilespmem:v49+s12+$0x0], $0xffff;
	v11 =	vadd.s32 $0x1, v59;
	v48 =	vsel vm1, v61, v48  }
0x90b: {  	v47 =	vsel vm1, v47, v63;
	v63 =	vor.u32 $0x1, v52;
	vm1 =	vle.f32 v58, v39  }
0x90c: {  	v14 =	vsel vm1, v11, v14;
	v11 =	vsel vm1, v8, v59;
	vm1 =	vle.f32 v62, v41;
	v61 =	vld.idx.msk [tilespmem:v60+s12+$0x0], $0xffff  }
0x90d: {  	v16 =	vadd.f32 v37, v16;
	v51 =	vsel vm1, v63, v51;
	v52 =	vsel vm1, v53, v52  }
0x90e: {  	v18 =	vsel vm0, v34, v45;
	v58 =	vadd.s32 v14, v11;
	v59 =	vxor.u32 v51, v52;
	v45 =	vld.idx.msk [tilespmem:v57+s12+$0x0], $0xffff  }
0x90f: {  	vm1 =	vle.f32 v50, v35;
	v35 =	vand.u32 v51, v52;
	v59 =	vshrl.u32 v59, $0x1  }
0x910: {  	v34 =	vadd.s32 v54, v55;
	v50 =	vshrl.u32 v58, $0x1;
	v59 =	vadd.s32 v59, v35  }
0x911: {  	v53 =	vsel vm3, $0x800, v2;
	v58 =	vsel vm3, $0x401, v3;
	vm3 =	vle.f32 v61, v42  }
0x912: {  	v62 =	vld.idx.msk [tilespmem:v56+s12+$0x0], $0xffff;
	v63 =	vshrl.u32 v34, $0x1;
	v61 =	vor.u32 $0x1, v60;
	v53 =	vsel vm3, v53, v60  }
0x913: {  	v60 =	vld.idx.msk [tilespmem:v1+s12+$0x0], $0xffff;
	v58 =	vsel vm3, v61, v58;
	v61 =	vadd.s32 $0xFFFFFFFF, v53;
	vm3 =	vle.f32 v45, v12  }
0x914: {  	v34 =	vor.u32 v61, v58;
	v35 =	vxor.u32 v61, v58;
	v61 =	vsel vm2, $0x800, v2  }
0x915: {  	v45 =	vor.u32 $0x1, v57;
	v8 =	vld.idx.msk [tilespmem:v59+s12+$0x0], $0xffff;
	v57 =	vsel vm3, v61, v57;
	v61 =	vsel vm2, $0x401, v3  }
0x916: {  	v35 =	vshrl.u32 v35, $0x1;
	v61 =	vsel vm3, v45, v61;
	v45 =	vadd.s32 $0xFFFFFFFF, v57  }
0x917: {  	v35 =	vsub.s32 v34, v35;
	vm3 =	vle.f32 v62, v23;
	v62 =	vadd.s32 $0x1, v1  }
0x918: {  	vm2 =	vle.f32 v60, v36;
	v34 =	vxor.u32 v45, v61;
	v45 =	vor.u32 v45, v61  }
0x919: {  	v60 =	vld.idx.msk [tilespmem:v50+s12+$0x0], $0xffff;
	v34 =	vshrl.u32 v34, $0x1;
	v13 =	vsel vm2, v62, v13;
	v62 =	vsel vm2, v9, v1  }
0x91a: {  	v34 =	vsub.s32 v45, v34;
	v45 =	vadd.s32 $0x1, v56;
	vm2 =	vle.f32 v8, v41  }
0x91b: {  	v1 =	vsel vm3, v45, v43;
	v45 =	vsel vm3, v31, v56;
	v56 =	vadd.s32 $0x1, v49  }
0x91c: {  	v43 =	vadd.s32 v13, v62;
	v52 =	vsel vm2, v52, v59;
	v9 =	vsel vm1, v56, v38  }
0x91d: {  	v31 =	vld.idx.msk [tilespmem:v63+s12+$0x0], $0xffff;
	v56 =	vmax.u32 v46, $0x1;
	v43 =	vshrl.u32 v43, $0x1;
	v45 =	vadd.s32 v1, v45  }
0x91e: {  	v38 =	vld.idx.msk [tilespmem:v35+s12+$0x0], $0xffff;
	vm1 =	vle.f32 v60, v39;
	v60 =	vadd.s32 $0x1, v50;
	v49 =	vsub.s32 v56, v5  }
0x91f: {  	v56 =	vadd.s32 v48, v47;
	v14 =	vsel vm1, v60, v14;
	v11 =	vsel vm1, v11, v50  }
0x920: {  	v60 =	vadd.s32 $0x1, v59;
	vm1 =	veq.s32 v46, $0x0;
	v59 =	vor.u32 $0x1, v35;
	v8 =	vld.idx.msk [tilespmem:v34+s12+$0x0], $0xffff  }
0x921: {  	v46 =	vmin.u32 v46, $0x7FF;
	v50 =	vsel vm2, v60, v51;
	v51 =	vshrl.u32 v56, $0x1  }
0x922: {  	v60 =	vadd.s32 v14, v11;
	v44 =	vsub.s32 v44, v46;
	vm3 =	vle.f32 v31, v33  }
0x923: {  	v31 =	vshrl.u32 v60, $0x1;
	v60 =	vor.u32 $0x1, v34;
	vm2 =	vle.f32 v38, v42  }
0x924: {  	v44 =	vcvt.s32.f32 v44;
	v56 =	vld.idx.msk [tilespmem:v43+s12+$0x0], $0xffff;
	v55 =	vsel vm3, v55, v63;
	v38 =	vsel vm2, v59, v58  }
0x925: {  	v35 =	vsel vm2, v53, v35;
	vm2 =	vle.f32 v8, v12;
	v8 =	vadd.s32 $0x1, v63  }
0x926: {  	v63 =	vadd.s32 $0x1, v31;
	v53 =	vsel vm2, v60, v61;
	v61 =	vadd.s32 v50, v52  }
0x927: {  	v46 =	vld.idx.msk [tilespmem:v49+s12+$0x0], $0xffff;
	v34 =	vsel vm2, v57, v34;
	v60 =	vxor.u32 v38, v35;
	v58 =	vshrl.u32 v61, $0x1  }
0x928: {  	v59 =	vld.idx.msk [tilespmem:v51+s12+$0x0], $0xffff;
	v8 =	vsel vm3, v8, v54;
	v61 =	vand.u32 v38, v35;
	v57 =	vshrl.u32 v60, $0x1  }
0x929: {  	vm2 =	vle.f32 v56, v36;
	v60 =	vxor.u32 v53, v34;
	v54 =	vadd.s32 v57, v61  }
0x92a: {  	v56 =	vld.idx.msk [tilespmem:v31+s12+$0x0], $0xffff;
	v57 =	vadd.s32 $0x1, v43;
	v60 =	vshrl.u32 v60, $0x1;
	v43 =	vsel vm2, v62, v43  }
0x92b: {  	v61 =	vadd.s32 v8, v55;
	v13 =	vsel vm2, v57, v13;
	v57 =	vand.u32 v53, v34  }
0x92c: {  	v46 =	vmul.f32 v46, v10;
	v61 =	vshrl.u32 v61, $0x1;
	v57 =	vadd.s32 v60, v57;
	v60 =	vld.idx.msk [tilespmem:v58+s12+$0x0], $0xffff  }
0x92d: {  	vm2 =	vle.f32 v59, v27;
	v59 =	vadd.s32 $0x1, v51;
	v62 =	vadd.s32 v13, v43  }
0x92e: {  	v46 =	vsel vm1, $0x0, v46;
	v48 =	vsel vm2, v59, v48;
	v47 =	vsel vm2, v47, v51;
	v59 =	vld.idx.msk [tilespmem:v54+s12+$0x0], $0xffff  }
0x92f: {  	v51 =	vshrl.u32 v62, $0x1;
	v29 =	vmax.f32 v29, v46;
	vm2 =	vle.f32 v56, v39  }
0x930: {  	v62 =	vadd.s32 v48, v47;
	v19 =	vsub.f32 v19, v29;
	v14 =	vsel vm2, v63, v14  }
0x931: {  	v11 =	vsel vm2, v11, v31;
	v63 =	vadd.s32 $0x1, v58;
	v56 =	vld.idx.msk [tilespmem:v57+s12+$0x0], $0xffff;
	vm2 =	vle.f32 v60, v41  }
0x932: {  	v49 =	vshrl.u32 v62, $0x1;
	v31 =	vsel vm2, v63, v50;
	v50 =	vsel vm2, v52, v58  }
0x933: {  	v60 =	vadd.s32 $0x1, v54;
	v52 =	vld.idx.msk [tilespmem:v61+s12+$0x0], $0xffff;
	vm2 =	vle.f32 v59, v42;
	v58 =	vadd.s32 v31, v50  }
0x934: {  	v59 =	vld.idx.msk [tilespmem:v51+s12+$0x0], $0xffff;
	v38 =	vsel vm2, v60, v38;
	v60 =	vadd.s32 v14, v11;
	v58 =	vshrl.u32 v58, $0x1  }
0x935: {  	v62 =	vadd.s32 $0x1, v57;
	v35 =	vsel vm2, v35, v54;
	v60 =	vshrl.u32 v60, $0x1  }
0x936: {  	v29 =	vadd.s32 $0x1, v49;
	v54 =	vadd.s32 v38, v35;
	vm2 =	vle.f32 v56, v12  }
0x937: {  	v54 =	vshrl.u32 v54, $0x1;
	v53 =	vsel vm2, v62, v53;
	v34 =	vsel vm2, v34, v57  }
0x938: {  	v19 =	vmul.f32 v44, v19;
	v56 =	vld.idx.msk [tilespmem:v49+s12+$0x0], $0xffff;
	v62 =	vadd.s32 $0x1, v51;
	v63 =	vadd.s32 v53, v34  }
0x939: {  	vm1 =	vle.f32 v52, v33;
	vm2 =	vle.f32 v59, v36;
	v52 =	vshrl.u32 v63, $0x1;
	v59 =	vld.idx.msk [tilespmem:v58+s12+$0x0], $0xffff  }
0x93a: {  	v63 =	vadd.s32 $0x1, v61;
	v13 =	vsel vm2, v62, v13;
	v43 =	vsel vm2, v43, v51;
	v57 =	vld.idx.msk [tilespmem:v60+s12+$0x0], $0xffff  }
0x93b: {  	v8 =	vsel vm1, v63, v8;
	v51 =	vsel vm1, v55, v61;
	v61 =	vadd.s32 v13, v43  }
0x93c: {  	v44 =	vmul.f32 v44, v19;
	v46 =	vadd.s32 v8, v51;
	v55 =	vshrl.u32 v61, $0x1;
	v61 =	vld.idx.msk [tilespmem:v54+s12+$0x0], $0xffff  }
0x93d: {  	v62 =	vadd.s32 $0x1, v58;
	vm1 =	vle.f32 v56, v27;
	v46 =	vshrl.u32 v46, $0x1  }
0x93e: {  	v48 =	vsel vm1, v29, v48;
	v47 =	vsel vm1, v47, v49;
	vm2 =	vle.f32 v59, v41  }
0x93f: {  	v63 =	vld.idx.msk [tilespmem:v52+s12+$0x0], $0xffff;
	vm1 =	vle.f32 v57, v39;
	v31 =	vsel vm2, v62, v31;
	v50 =	vsel vm2, v50, v58  }
0x940: {  	v57 =	vadd.s32 $0x1, v54;
	v59 =	vadd.s32 $0x1, v46;
	v56 =	vadd.s32 v31, v50  }
0x941: {  	v49 =	vld.idx.msk [tilespmem:v55+s12+$0x0], $0xffff;
	vm2 =	vle.f32 v61, v42;
	v58 =	vadd.s32 v48, v47;
	v56 =	vshrl.u32 v56, $0x1  }
0x942: {  	v38 =	vsel vm2, v57, v38;
	v35 =	vsel vm2, v35, v54;
	v54 =	vld.idx.msk [tilespmem:v46+s12+$0x0], $0xffff;
	v57 =	vshrl.u32 v58, $0x1  }
0x943: {  	v61 =	vadd.s32 $0x1, v52;
	v11 =	vsel vm1, v11, v60;
	v62 =	vadd.s32 v38, v35  }
0x944: {  	vm2 =	vle.f32 v63, v12;
	v63 =	vadd.s32 $0x1, v60;
	v58 =	vshrl.u32 v62, $0x1  }
0x945: {  	v53 =	vsel vm2, v61, v53;
	v34 =	vsel vm2, v34, v52;
	v14 =	vsel vm1, v63, v14  }
0x946: {  	v62 =	vadd.s32 $0x1, v55;
	v61 =	vadd.s32 v53, v34;
	v63 =	vadd.s32 v14, v11;
	v29 =	vld.idx.msk [tilespmem:v56+s12+$0x0], $0xffff  }
0x947: {  	vm2 =	vle.f32 v49, v36;
	v49 =	vshrl.u32 v61, $0x1;
	vm1 =	vle.f32 v54, v33;
	v54 =	vld.idx.msk [tilespmem:v57+s12+$0x0], $0xffff  }
0x948: {  	v52 =	vshrl.u32 v63, $0x1;
	v13 =	vsel vm2, v62, v13;
	v43 =	vsel vm2, v43, v55  }
0x949: {  	v61 =	vadd.s32 $0x1, v56;
	v62 =	vadd.s32 $0x1, v57;
	v60 =	vadd.s32 v13, v43;
	v55 =	vld.idx.msk [tilespmem:v58+s12+$0x0], $0xffff  }
0x94a: {  	v8 =	vsel vm1, v59, v8;
	v46 =	vsel vm1, v51, v46;
	v51 =	vshrl.u32 v60, $0x1  }
0x94b: {  	v60 =	vadd.s32 v8, v46;
	vm1 =	vle.f32 v29, v41;
	v29 =	vshrl.u32 v45, $0x1  }
0x94c: {  	v31 =	vsel vm1, v61, v31;
	v45 =	vsel vm1, v50, v56;
	v50 =	vld.idx.msk [tilespmem:v49+s12+$0x0], $0xffff;
	vm1 =	vle.f32 v54, v27  }
0x94d: {  	v61 =	vadd.s32 $0x1, v58;
	v63 =	vadd.s32 v31, v45;
	v48 =	vsel vm1, v62, v48  }
0x94e: {  	v56 =	vld.idx.msk [tilespmem:v52+s12+$0x0], $0xffff;
	v47 =	vsel vm1, v47, v57;
	vm1 =	vle.f32 v55, v42;
	v54 =	vshrl.u32 v63, $0x1  }
0x94f: {  	v57 =	vshrl.u32 v60, $0x1;
	v55 =	vld.idx.msk [tilespmem:v51+s12+$0x0], $0xffff;
	v38 =	vsel vm1, v61, v38;
	v35 =	vsel vm1, v35, v58  }
0x950: {  	v16 =	vadd.f32 v44, v16;
	v58 =	vadd.s32 v38, v35  }
0x951: {  	v62 =	vadd.s32 $0x1, v49;
	v58 =	vshrl.u32 v58, $0x1;
	vm1 =	vle.f32 v50, v12  }
0x952: {  	v63 =	vadd.s32 $0x1, v52;
	v50 =	vsel vm1, v62, v53;
	v34 =	vsel vm1, v34, v49  }
0x953: {  	v61 =	vadd.s32 $0x1, v51;
	vm1 =	vle.f32 v56, v39;
	v53 =	vld.idx.msk [tilespmem:v54+s12+$0x0], $0xffff;
	v60 =	vadd.s32 v50, v34  }
0x954: {  	v14 =	vsel vm1, v63, v14;
	v11 =	vsel vm1, v11, v52;
	v52 =	vld.idx.msk [tilespmem:v57+s12+$0x0], $0xffff;
	vm1 =	vle.f32 v55, v36  }
0x955: {  	v63 =	vadd.s32 v48, v47;
	v49 =	vshrl.u32 v60, $0x1;
	v62 =	vadd.s32 v14, v11  }
0x956: {  	v13 =	vsel vm1, v61, v13;
	v43 =	vsel vm1, v43, v51;
	v51 =	vshrl.u32 v62, $0x1;
	v56 =	vld.idx.msk [tilespmem:v58+s12+$0x0], $0xffff  }
0x957: {  	v61 =	vadd.s32 $0x1, v54;
	v37 =	vshrl.u32 v63, $0x1;
	v60 =	vadd.s32 v13, v43  }
0x958: {  	v62 =	vadd.s32 $0x1, v57;
	v55 =	vshrl.u32 v60, $0x1;
	vm1 =	vle.f32 v53, v41  }
0x959: {  	v31 =	vsel vm1, v61, v31;
	v45 =	vsel vm1, v45, v54;
	vm1 =	vle.f32 v52, v33  }
0x95a: {  	v60 =	vadd.s32 $0x1, v58;
	v53 =	vld.idx.msk [tilespmem:v49+s12+$0x0], $0xffff;
	v54 =	vadd.s32 v31, v45;
	v8 =	vsel vm1, v62, v8  }
0x95b: {  	v46 =	vsel vm1, v46, v57;
	v63 =	vld.idx.msk [tilespmem:v51+s12+$0x0], $0xffff;
	vm1 =	vle.f32 v56, v42;
	v62 =	vadd.s32 $0x1, v49  }
0x95c: {  	v54 =	vshrl.u32 v54, $0x1;
	v38 =	vsel vm1, v60, v38;
	v35 =	vsel vm1, v35, v58  }
0x95d: {  	v46 =	vadd.s32 v8, v46;
	v60 =	vadd.s32 $0x1, v55;
	v57 =	vadd.s32 v38, v35  }
0x95e: {  	v61 =	vld.idx.msk [tilespmem:v55+s12+$0x0], $0xffff;
	v46 =	vshrl.u32 v46, $0x1;
	v59 =	vadd.s32 $0x1, v54;
	v57 =	vshrl.u32 v57, $0x1  }
0x95f: {  	vm1 =	vle.f32 v53, v12;
	v53 =	vld.idx.msk [tilespmem:v29+s12+$0x0], $0xffff;
	v56 =	vadd.s32 $0x1, v57;
	v29 =	vadd.s32 $0x1, v29  }
0x960: {  	v50 =	vsel vm1, v62, v50;
	v34 =	vsel vm1, v34, v49;
	vm1 =	vle.f32 v63, v39  }
0x961: {  	v63 =	vadd.s32 $0x1, v51;
	v49 =	vld.idx.msk [tilespmem:v37+s12+$0x0], $0xffff;
	v62 =	vmax.u32 v9, $0x1;
	v58 =	vadd.s32 v50, v34  }
0x962: {  	v52 =	vld.idx.msk [tilespmem:v54+s12+$0x0], $0xffff;
	v14 =	vsel vm1, v63, v14;
	v11 =	vsel vm1, v11, v51;
	v51 =	vshrl.u32 v58, $0x1  }
0x963: {  	vm1 =	vle.f32 v61, v36;
	v62 =	vsub.s32 v62, v5;
	v61 =	vadd.s32 v14, v11  }
0x964: {  	v13 =	vsel vm1, v60, v13;
	v43 =	vsel vm1, v43, v55;
	v55 =	vshrl.u32 v61, $0x1  }
0x965: {  	v58 =	vld.idx.msk [tilespmem:v46+s12+$0x0], $0xffff;
	v60 =	vadd.s32 $0x1, v37;
	v46 =	vadd.s32 $0x1, v46;
	v63 =	vadd.s32 v13, v43  }
0x966: {  	vm2 =	vle.f32 v53, v23;
	v53 =	vld.idx.msk [tilespmem:v57+s12+$0x0], $0xffff;
	v23 =	vshrl.u32 v63, $0x1;
	vm3 =	vle.f32 v49, v27  }
0x967: {  	vm1 =	vle.f32 v52, v41;
	v48 =	vsel vm3, v60, v48;
	v37 =	vsel vm3, v47, v37;
	v61 =	vld.idx.msk [tilespmem:v51+s12+$0x0], $0xffff  }
0x968: {  	v49 =	vld.idx.msk [tilespmem:v62+s12+$0x0], $0xffff;
	v31 =	vsel vm1, v59, v31;
	v45 =	vsel vm1, v45, v54;
	v37 =	vadd.s32 v48, v37  }
0x969: {  	v1 =	vsel vm2, v29, v1;
	v63 =	vld.idx.msk [tilespmem:v55+s12+$0x0], $0xffff;
	v54 =	vadd.s32 v31, v45;
	v37 =	vshrl.u32 v37, $0x1  }
0x96a: {  	v60 =	vadd.s32 $0x1, v55;
	vm1 =	vle.f32 v58, v33;
	v47 =	vshrl.u32 v54, $0x1  }
0x96b: {  	v58 =	vadd.s32 $0x1, v51;
	v8 =	vsel vm1, v46, v8;
	vm3 =	vle.f32 v53, v42  }
0x96c: {  	v38 =	vsel vm3, v56, v38;
	v35 =	vsel vm3, v35, v57;
	v57 =	vld.idx.msk [tilespmem:v23+s12+$0x0], $0xffff;
	vm3 =	vle.f32 v61, v12  }
0x96d: {  	v59 =	vadd.s32 v38, v35;
	v49 =	vmul.f32 v49, v10;
	v50 =	vsel vm3, v58, v50  }
0x96e: {  	v34 =	vsel vm3, v34, v51;
	vm3 =	vle.f32 v63, v39;
	v51 =	vshrl.u32 v59, $0x1;
	v59 =	vld.idx.msk [tilespmem:v37+s12+$0x0], $0xffff  }
0x96f: {  	v63 =	vadd.s32 $0x1, v23;
	v58 =	vperm.xlane v20, v6;
	v37 =	vadd.s32 $0x1, v37;
	v61 =	vld.idx.msk [tilespmem:v47+s12+$0x0], $0xffff  }
0x970: {  	v14 =	vsel vm3, v60, v14;
	v11 =	vsel vm3, v11, v55;
	v62 =	vadd.s32 v50, v34;
	v55 =	vld [tilespmem:$0x1FEE0]  }
0x971: {  	vm3 =	vle.f32 v57, v36;
	v52 =	vshrl.u32 v62, $0x1;
	v11 =	vadd.s32 v14, v11  }
0x972: {  	v13 =	vsel vm3, v63, v13;
	v23 =	vsel vm3, v43, v23;
	vm3 =	veq.s32 v9, $0x0  }
0x973: {  	v11 =	vshrl.u32 v11, $0x1;
	v9 =	vmin.u32 v9, $0x7FF;
	v49 =	vsel vm3, $0x0, v49  }
0x974: {  	v62 =	vadd.s32 v13, v23;
	vm2 =	vle.f32 v59, v27;
	v59 =	vadd.s32 $0x1, v52  }
0x975: {  	v60 =	vld.idx.msk [tilespmem:v51+s12+$0x0], $0xffff;
	v57 =	vperm.xlane v55, v0;
	vm3 =	vle.f32 v61, v41;
	v61 =	vadd.s32 $0x1, v47  }
0x976: {  	v31 =	vsel vm3, v61, v31;
	v45 =	vsel vm3, v45, v47;
	v47 =	vshrl.u32 v62, $0x1  }
0x977: {  	v63 =	vld.idx.msk [tilespmem:v52+s12+$0x0], $0xffff;
	v62 =	vmax.u32 v1, $0x1;
	v53 =	vsel vm0, v57, v58;
	v56 =	vadd.s32 v31, v45  }
0x978: {  	v57 =	vld.idx.msk [tilespmem:v11+s12+$0x0], $0xffff;
	v58 =	vadd.s32 $0x1, v51;
	v11 =	vadd.s32 $0x1, v11;
	v49 =	vmax.f32 v53, v49  }
0x979: {  	s0 =	sadd.s32 $0x10, s23;
	v27 =	vshrl.u32 v56, $0x1;
	v56 =	vadd.s32 $0x1, v47;
	v53 =	vmax.u32 v8, $0x1  }
0x97a: {  	vm3 =	vle.f32 v60, v42;
	v60 =	vor.u32 s0, v7;
	v54 =	vsub.f32 v20, v49  }
0x97b: {  	v38 =	vsel vm3, v58, v38;
	v35 =	vsel vm3, v35, v51;
	v9 =	vsub.s32 v60, v9  }
0x97c: {  	v43 =	vadd.s32 v38, v35;
	vm3 =	vle.f32 v63, v12;
	v61 =	vld.idx.msk [tilespmem:v47+s12+$0x0], $0xffff;
	v9 =	vcvt.s32.f32 v9  }
0x97d: {  	v50 =	vsel vm3, v59, v50;
	v43 =	vshrl.u32 v43, $0x1;
	v34 =	vsel vm3, v34, v52  }
0x97e: {  	v52 =	vsub.s32 v62, v5;
	vm3 =	vle.f32 v57, v39;
	v39 =	vadd.s32 v50, v34  }
0x97f: {  	v51 =	vor.u32 s26, v7;
	v63 =	vld.idx.msk [tilespmem:v27+s12+$0x0], $0xffff;
	v58 =	vmul.f32 v9, v54;
	v33 =	vshrl.u32 v39, $0x1  }
0x980: {  	v11 =	vsel vm3, v11, v14;
	vm3 =	veq.s32 v8, $0x0;
	v8 =	vmin.u32 v8, $0x7FF  }
0x981: {  	v39 =	vld [tilespmem:$0x1FEF0];
	v19 =	vmul.f32 v9, v58;
	v58 =	vperm.xlane v55, v6;
	vm1 =	vle.f32 v61, v36  }
0x982: {  	v54 =	vadd.s32 $0x1, v33;
	v61 =	vadd.s32 $0x1, v27;
	v57 =	vld.idx.msk [tilespmem:v43+s12+$0x0], $0xffff;
	v13 =	vsel vm1, v56, v13  }
0x983: {  	v59 =	vsel vm1, v23, v47;
	v60 =	vld.idx.msk [tilespmem:v52+s12+$0x0], $0xffff;
	v52 =	vadd.s32 $0x1, v43;
	v15 =	vsel vm0, v15, v58  }
0x984: {  	vm1 =	vle.f32 v63, v41;
	v62 =	vadd.s32 v13, v59;
	v59 =	vsel vm2, v37, v48;
	v63 =	vld.idx.msk [tilespmem:v33+s12+$0x0], $0xffff  }
0x985: {  	v37 =	vperm.xlane v32, v6;
	v20 =	vsel vm1, v61, v31;
	v27 =	vsel vm1, v45, v27  }
0x986: {  	v9 =	vshrl.u32 v62, $0x1;
	v45 =	vsub.s32 v53, v5;
	v27 =	vadd.s32 v20, v27  }
0x987: {  	v62 =	vperm.xlane v39, v0;
	v27 =	vshrl.u32 v27, $0x1;
	vm1 =	vle.f32 v57, v42  }
0x988: {  	v23 =	vmul.f32 v60, v10;
	v38 =	vsel vm1, v52, v38;
	v35 =	vsel vm1, v35, v43  }
0x989: {  	v60 =	vmax.u32 v59, $0x1;
	v43 =	vadd.s32 v38, v35;
	vm1 =	vle.f32 v63, v12  }
0x98a: {  	v29 =	vsel vm1, v54, v50;
	v43 =	vshrl.u32 v43, $0x1;
	v33 =	vsel vm1, v34, v33  }
0x98b: {  	v58 =	vadd.s32 $0x1, v27;
	v52 =	vperm.xlane v39, v6;
	v34 =	vadd.s32 v29, v33  }
0x98c: {  	v56 =	vld.idx.msk [tilespmem:v9+s12+$0x0], $0xffff;
	v63 =	vperm.xlane v25, v6;
	v9 =	vadd.s32 $0x1, v9;
	v34 =	vshrl.u32 v34, $0x1  }
0x98d: {  	v45 =	vld.idx.msk [tilespmem:v45+s12+$0x0], $0xffff;
	vm1 =	veq.s32 v1, $0x0;
	v1 =	vmin.u32 v1, $0x7FF;
	v50 =	vmax.u32 v11, $0x1  }
0x98e: {  	v21 =	vsel vm0, v21, v52;
	v1 =	vsub.s32 v51, v1;
	v23 =	vsel vm1, $0x0, v23  }
0x98f: {  	v31 =	vsel vm0, v62, v63;
	v47 =	vadd.s32 $0x1, v43;
	v51 =	vor.u32 s25, v7;
	v61 =	vld.idx.msk [tilespmem:v43+s12+$0x0], $0xffff  }
0x990: {  	v23 =	vmax.f32 v24, v23;
	v1 =	vcvt.s32.f32 v1;
	v24 =	vsub.s32 v60, v5  }
0x991: {  	v17 =	vsub.f32 v17, v23;
	v49 =	vadd.s32 $0x1, v34;
	v23 =	vmin.u32 v59, $0x7FF;
	v44 =	vld.idx.msk [tilespmem:v34+s12+$0x0], $0xffff  }
0x992: {  	vm2 =	vle.f32 v56, v36;
	v45 =	vmul.f32 v45, v10;
	v36 =	vsub.s32 v50, v5  }
0x993: {  	v23 =	vsub.s32 v51, v23;
	v17 =	vmul.f32 v1, v17;
	v9 =	vsel vm2, v9, v13  }
0x994: {  	v46 =	vsel vm3, $0x0, v45;
	v54 =	vmax.u32 v9, $0x1;
	vm3 =	vle.f32 v61, v42  }
0x995: {  	v57 =	vld.idx.msk [tilespmem:v27+s12+$0x0], $0xffff;
	v1 =	vmul.f32 v1, v17;
	v17 =	vsel vm3, v47, v38;
	v48 =	vsel vm3, v35, v43  }
0x996: {  	v14 =	vmax.f32 v31, v46;
	v31 =	vadd.s32 v17, v48;
	vm3 =	vle.f32 v44, v12  }
0x997: {  	v31 =	vshrl.u32 v31, $0x1;
	v29 =	vsel vm3, v49, v29;
	v33 =	vsel vm3, v33, v34  }
0x998: {  	v51 =	vor.u32 s23, v7;
	v24 =	vld.idx.msk [tilespmem:v24+s12+$0x0], $0xffff;
	v53 =	vadd.s32 v29, v33;
	v33 =	vsub.s32 v54, v5  }
0x999: {  	s29 =	sadd.s32 $0x10, s22;
	v23 =	vcvt.s32.f32 v23;
	vm2 =	veq.s32 v11, $0x0;
	v13 =	vshrl.u32 v53, $0x1  }
0x99a: {  	v11 =	vmin.u32 v11, $0x7FF;
	vm1 =	vle.f32 v57, v41;
	v57 =	vor.u32 s29, v7  }
0x99b: {  	v8 =	vsub.s32 v57, v8;
	v20 =	vsel vm1, v58, v20;
	v46 =	vperm.xlane v40, v6;
	v36 =	vld.idx.msk [tilespmem:v36+s12+$0x0], $0xffff  }
0x99c: {  	v57 =	vor.u32 s21, v7;
	v14 =	vsub.f32 v25, v14;
	v63 =	vmax.u32 v20, $0x1;
	v56 =	vld.idx.msk [tilespmem:v31+s12+$0x0], $0xffff  }
0x99d: {  	v8 =	vcvt.s32.f32 v8;
	v1 =	vadd.f32 v1, v16;
	v24 =	vmul.f32 v24, v10;
	v62 =	vld.idx.msk [tilespmem:v33+s12+$0x0], $0xffff  }
0x99e: {  	v27 =	vsub.s32 v63, v5;
	v61 =	vperm.xlane v40, v0;
	vm3 =	veq.s32 v59, $0x0;
	v60 =	vld.idx.msk [tilespmem:v13+s12+$0x0], $0xffff  }
0x99f: {  	s30 =	sadd.s32 $0x10, s21;
	v14 =	vmul.f32 v8, v14;
	v44 =	vor.u32 s24, v7;
	v24 =	vsel vm3, $0x0, v24  }
0x9a0: {  	v48 =	vor.u32 s30, v7;
	v36 =	vmul.f32 v36, v10;
	v24 =	vmax.f32 v28, v24  }
0x9a1: {  	v38 =	vadd.s32 $0x1, v31;
	v22 =	vsub.f32 v22, v24;
	vm1 =	vle.f32 v56, v42  }
0x9a2: {  	v41 =	vsel vm2, $0x0, v36;
	v13 =	vadd.s32 $0x1, v13;
	v17 =	vsel vm1, v38, v17  }
0x9a3: {  	v43 =	vmul.f32 v62, v10;
	vm1 =	vle.f32 v60, v12;
	v42 =	vmax.u32 v17, $0x1  }
0x9a4: {  	v45 =	vld.idx.msk [tilespmem:v27+s12+$0x0], $0xffff;
	vm2 =	veq.s32 v9, $0x0;
	v12 =	vsub.s32 v42, v5;
	v13 =	vsel vm1, v13, v29  }
0x9a5: {  	v59 =	vmul.f32 v23, v22;
	v22 =	vsel vm2, $0x0, v43;
	v47 =	vmax.u32 v13, $0x1  }
0x9a6: {  	v9 =	vmin.u32 v9, $0x7FF;
	v18 =	vmax.f32 v18, v22;
	v22 =	vsub.s32 v47, v5  }
0x9a7: {  	v11 =	vsub.s32 v48, v11;
	v49 =	vsel vm0, v26, v46;
	v9 =	vsub.s32 v44, v9  }
0x9a8: {  	v54 =	vor.u32 s22, v7;
	v11 =	vcvt.s32.f32 v11;
	v9 =	vcvt.s32.f32 v9  }
0x9a9: {  	v24 =	vsel vm0, v61, v37;
	v25 =	vmul.f32 v45, v10;
	v16 =	vmul.f32 v23, v59;
	v12 =	vld.idx.msk [tilespmem:v12+s12+$0x0], $0xffff  }
0x9aa: {  	v23 =	vmax.f32 v24, v41;
	vm1 =	veq.s32 v20, $0x0;
	v18 =	vsub.f32 v30, v18  }
0x9ab: {  	v1 =	vadd.f32 v16, v1;
	v20 =	vmin.u32 v20, $0x7FF;
	v25 =	vsel vm1, $0x0, v25;
	v53 =	vld.idx.msk [tilespmem:v22+s12+$0x0], $0xffff  }
0x9ac: {  	v52 =	vsub.s32 v51, v20;
	v15 =	vmax.f32 v15, v25;
	v50 =	vmul.f32 v9, v18  }
0x9ad: {  	vm1 =	veq.s32 v17, $0x0;
	v16 =	vcvt.s32.f32 v52;
	v15 =	vsub.f32 v55, v15  }
0x9ae: {  	v17 =	vmin.u32 v17, $0x7FF;
	v9 =	vmul.f32 v9, v50;
	v12 =	vmul.f32 v12, v10  }
0x9af: {  	v23 =	vsub.f32 v32, v23;
	v55 =	vsub.s32 v54, v17;
	v15 =	vmul.f32 v16, v15  }
0x9b0: {  	v58 =	vld [tilespmem:$0x1FF00];
	v1 =	vadd.f32 v9, v1;
	v12 =	vsel vm1, $0x0, v12;
	v56 =	vmul.f32 v53, v10  }
0x9b1: {  	v9 =	vcvt.s32.f32 v55;
	vm1 =	veq.s32 v13, $0x0;
	v12 =	vmax.f32 v21, v12  }
0x9b2: {  	v13 =	vmin.u32 v13, $0x7FF;
	v12 =	vsub.f32 v39, v12;
	v10 =	vsel vm1, $0x0, v56  }
0x9b3: {  	v15 =	vmul.f32 v16, v15;
	v13 =	vsub.s32 v57, v13;
	v10 =	vmax.f32 v49, v10  }
0x9b4: {  	v13 =	vcvt.s32.f32 v13;
	v12 =	vmul.f32 v9, v12;
	v10 =	vsub.f32 v40, v10  }
0x9b5: {  	v8 =	vmul.f32 v8, v14;
	v59 =	vmul.f32 v11, v23;
	v16 =	vadd.f32 v19, v58  }
0x9b6: {  	v1 =	vadd.f32 v15, v1;
	v9 =	vmul.f32 v9, v12;
	v10 =	vmul.f32 v13, v10  }
0x9b7: {  	v11 =	vmul.f32 v11, v59  }
0x9b8: {  	v8 =	vadd.f32 v8, v16;
	v1 =	vadd.f32 v9, v1;
	v60 =	vmul.f32 v13, v10  }
0x9b9: {  	v61 =	vld [tilespmem:$0x1FF10]  }
0x9ba: {  	v62 =	vld [tilespmem:$0x1FF20];
	v8 =	vadd.f32 v11, v8;
	v1 =	vadd.f32 v60, v1  }
0x9bb: {  	v63 =	vld [tilespmem:$0x1FF40]  }
0x9bc: {  	v1 =	vadd.f32 v8, v1;
	v8 =	vld [tilespmem:$0x1FF30];
	_ =	sdelay $0x2  }
0x9bd: {  	v9 =	vadd.f32 v61, v62;
	_ =	sdelay $0x1  }
0x9be: {  	v1 =	vmul.f32 v1, v63;
	v8 =	vmul.f32 v9, v8;
	_ =	sdelay $0x1  }
0x9bf: {  	v1 =	vadd.f32 v1, v8;
	_ =	sdelay $0x1  }
0x9c0: {  	(xrf2) =	vadd.scan.msk.f32 $0xffff, v1;
	_ =	sdelay $0x9  }
0x9c1: {  	v1, _, _ =	vpop (xrf2)  }
0x9c2: {  	(v2sf) =	vpush v1, $0xF;
	_ =	sdelay $0xb  }
0x9c3: {  	s19 =	sadd.s32 $0x1, s19;
	v1 =	vmov s20  }
0x9c4: {  	p0 =	sne.s32 s19, $0x4;
	vm1 =	veq.s32 v1, v7;
	v1 =	vld [tilespmem:$0x1FFA0]  }
.Ltmp8:
0x9c5: {  	_ = 	snop;
	(pc) =	sbr.rel @p0 .LBB2_2-.Ltmp8, $3  }
0x9c6: {  	s31 =	spop (v2sf)  }
0x9c7: {  	s0 =	smul.f32 $9.999999970e-07, s31;
	_ =	sdelay $0x1  }
0x9c8: {  	v1 =	vsel vm1, s0, v1  }
0x9c9: {  	s18 =	sadd.s32 $0x1, s18  }
0x9ca: {  	p0 =	sne.s32 s18, s10  }
.Ltmp9:
0x9cb: {  	[tilespmem:$0x2200] =	vst v1;
	(pc) =	sbr.rel @p0 .LBB2_1-.Ltmp9, $4  }
0x9cc: {  	[hbm4b:s9+s2] =	stream.linear.scatter [tilespmem:s16], [sflag:$0x3], $0x80, $0x38;
	[tilespmem:$0x2280] =	vst v63  }
0x9cd: {  	_ =	swait.ge [sflag:s17], $0x80  }
0x9ce: {  	[sflag:s17] =	ssyncset.done $0x0  }
0x9cf: {  	[sflag:s17] =	ssyncadd.s32 $0xFFFFFF80  }
0x9d0: {  	_ =	sfence.sel $0x180000  }
0x9d1: {  	[bflag:$0x0] =	sbarrier.arrive $0xFFFF  }
0x9d2: {  	_ =	strace $0x90000047  }
0x9d3: {  	s0 =	stileid.u32;
	[bflag:$0x2] =	sbarrier.arrive $0xFFFF  }
0x9d4: {  	p0 =	sne.s32 s0, $0x0;
	s0 =	rddreg [dreg:$0x1]  }
0x9d5: {  	s0 =	sadd.s32 @!p0 $0x100000, s0  }
0x9d6: {  	[sflag:s0] =	ssyncadd.tile.s32 @!p0 $0x1;
	_ =	shalt  }
.Lfunc_end2:
_tile_overlayer_lowered:
.L_overlay_start_2:
0x9d7: {  	(tag) =	ssettag $0x2  }
0x9d8: {  	s0 =	rddreg [dreg:$0x0];
	s2 =	stileid.u32  }
0x9d9: {  	s1 =	rddreg [dreg:$0x1];
	p0 =	sne.s32 s2, $0x0  }
0x9da: {  	s3 =	rddreg [dreg:$0x2];
	[bflag:$0x3] =	sbarrier.arrive $0xFFFF;
	s2 =	simm.s32 @!p0 $0x1C03  }
0x9db: {  	[timem:s3], [sflag:s2] =	dma.local @!p0 [hbm:s0], s1  }
0x9dc: {  	s0 =	simm.s32 @!p0 $0x3  }
0x9dd: {  	_ =	swait.ge @!p0 [sflag:s0], s1  }
0x9de: {  	s1 =	ssub.s32 @!p0 $0x0, s1;
	[sflag:s0] =	ssyncset.done @!p0 $0x0  }
0x9df: {  	[sflag:s0] =	ssyncadd.s32 @!p0 s1  }
0x9e0: {  	[bflag:$0x3] =	sbarrier.arrive $0xFFFF  }
0x9e1: {  	_ =	shalt  }

</sc_bundles>
